<compile_context>
chip_gen: v7x
topology: tpu7x:2x2x1
jax: 0.10.2.dev20260603
libtpu: 0.0.44.dev20260713+nightly
codegen_flags: <defaults>
</compile_context>

<pallas_src>
import functools

import jax
import jax.numpy as jnp
from jax import lax
from jax.experimental import pallas as pl
from jax.experimental.pallas import tpu as pltpu
from jax.experimental.pallas import tpu_sc as plsc

B, C, S = 2, 8, 96
SPATIAL = S * S * S
ROWS = B * C
N_TOP = int(round(SPATIAL * 0.1))
ZSLAB = 8
NZ = S // ZSLAB

NTILES = 32
XPAD = 128
SPAT2 = S * S * XPAD
HALF = SPAT2 // 2
NRCH = 288
NROWS_TILE = (ROWS * S * S) // NTILES
NCHUNK = NROWS_TILE // NRCH
CHUNK = NRCH * S
NB1 = 2048
NB2 = 1024 + 2
HB1 = NB1 * 16
HB2 = NB2 * 16


def _padx(v):
    return lax.pad(v, jnp.float32(0.0), ((0, 0, 0), (0, 0, 0), (0, XPAD - S, 0)))


def _loss_body(lo_ref, hi_ref, net_ref, tgt_ref, out_ref):
    b = pl.program_id(0)
    s = pl.program_id(1)
    z0 = s * ZSLAB
    r2 = lax.broadcasted_iota(jnp.int32, (S, S), 0)
    c2 = lax.broadcasted_iota(jnp.int32, (S, S), 1)
    dmax = jnp.zeros((ZSLAB, S, S), jnp.float32)

    def bce(x, d):
        return jnp.maximum(x, 0.0) - x * d + jnp.log1p(jnp.exp(-jnp.abs(x)))

    for c in range(C - 1):
        lo0 = lo_ref[b, c, 0]
        lo1 = lo_ref[b, c, 1]
        lo2 = lo_ref[b, c, 2]
        hi0 = hi_ref[b, c, 0]
        hi1 = hi_ref[b, c, 1]
        hi2 = hi_ref[b, c, 2]
        rows = []
        for z in range(ZSLAB):
            zz = z0 + z - lo0
            row = tgt_ref[0, pl.ds(jnp.clip(zz, 0, S - 1), 1), :, :]
            zin = (zz >= 0) & (z0 + z < hi0)
            rows.append(jnp.where(zin, row, 0.0))
        a = jnp.concatenate(rows, axis=0)
        py = ((r2 == (c2 - lo1 + S) % S) & (c2 >= lo1) & (c2 < hi1)
              ).astype(jnp.float32)
        px = ((r2 == (c2 - lo2 + S) % S) & (c2 >= lo2) & (c2 < hi2)
              ).astype(jnp.float32)
        e = lax.dot_general(a, py, (((1,), (0,)), ((), ())),
                            preferred_element_type=jnp.float32)
        d = lax.dot_general(e, px, (((1,), (0,)), ((), ())),
                            preferred_element_type=jnp.float32)
        dmax = jnp.maximum(dmax, d)
        x = net_ref[0, c]
        out_ref[0, c] = _padx(bce(x, d))
    x = net_ref[0, C - 1]
    out_ref[0, C - 1] = _padx(bce(x, dmax))


def _tc_loss(net, tgt, lo, hi):
    return pl.pallas_call(
        _loss_body,
        grid=(B, NZ),
        in_specs=[
            pl.BlockSpec(memory_space=pltpu.SMEM),
            pl.BlockSpec(memory_space=pltpu.SMEM),
            pl.BlockSpec((1, C, ZSLAB, S, S), lambda b, s: (b, 0, s, 0, 0)),
            pl.BlockSpec((1, S, S, S), lambda b, s: (b, 0, 0, 0)),
        ],
        out_specs=pl.BlockSpec((1, C, ZSLAB, S, XPAD),
                               lambda b, s: (b, 0, s, 0, 0)),
        out_shape=jax.ShapeDtypeStruct((B, C, S, S, XPAD), jnp.float32),
    )(lo, hi, net, tgt)


@functools.lru_cache(maxsize=None)
def _make_sc_hist(shift, nbuck, with_sums, clamp):
    mesh = plsc.VectorSubcoreMesh(core_axis_name="c", subcore_axis_name="s")
    hb = nbuck * 16
    nouts = 2 if with_sums else 1
    out_type = [jax.ShapeDtypeStruct((NTILES, hb), jnp.float32)
                for _ in range(nouts)]
    scratch = [pltpu.VMEM((NRCH, S), jnp.float32),
               pltpu.VMEM((NRCH, S), jnp.float32)]
    scratch += [pltpu.VMEM((hb,), jnp.float32) for _ in range(nouts)]
    scratch += [pltpu.VMEM((16,), jnp.int32),
                pltpu.SemaphoreType.DMA,
                pltpu.SemaphoreType.DMA]

    @functools.partial(
        pl.kernel,
        mesh=mesh,
        out_type=out_type,
        scratch_types=scratch,
        compiler_params=pltpu.CompilerParams(needs_layout_passes=False,
                                             use_tc_tiling_on_sc=False),
    )
    def sc_hist(loss_hbm, base_hbm, *refs):
        if with_sums:
            cnt_hbm, sum_hbm, buf0, buf1, hcnt, hsum, bvec, sem0, sem1 = refs
        else:
            cnt_hbm, buf0, buf1, hcnt, bvec, sem0, sem1 = refs
            hsum = None
        wid = lax.axis_index("s") * 2 + lax.axis_index("c")
        start = wid * NROWS_TILE
        zeros = jnp.zeros((16,), jnp.float32)

        @plsc.parallel_loop(0, hb // 16, unroll=4)
        def _(i):
            hcnt[pl.ds(i * 16, 16)] = zeros
            if with_sums:
                hsum[pl.ds(i * 16, 16)] = zeros

        pltpu.sync_copy(base_hbm.at[wid], bvec)
        base = bvec[...]
        lane = lax.iota(jnp.int32, 16)

        def _chunk(ci, buf):
            return loss_hbm.at[pl.ds(start + ci * NRCH, NRCH), pl.ds(0, S)], buf

        def _process(buf):
            ones = jnp.full((16,), 1.0, jnp.float32)

            @plsc.parallel_loop(0, NRCH, unroll=2)
            def _(r):
                for j in range(S // 16):
                    v = buf[r, pl.ds(j * 16, 16)]
                    k = lax.bitcast_convert_type(v, jnp.int32)
                    d = (k - base) >> shift
                    if clamp:
                        d = jnp.clip(d, -1, nbuck - 2) + 1
                    idx = (d << 4) | lane
                    plsc.addupdate_scatter(hcnt, [idx], ones)
                    if with_sums:
                        plsc.addupdate_scatter(hsum, [idx], v)

        pltpu.async_copy(*_chunk(0, buf0), sem0)

        def outer(ci, _):
            pltpu.async_copy(*_chunk(ci + 1, buf1), sem1)
            pltpu.make_async_copy(*_chunk(ci, buf0), sem0).wait()
            _process(buf0)

            @pl.when(ci + 2 < NCHUNK)
            def _():
                pltpu.async_copy(*_chunk(ci + 2, buf0), sem0)

            pltpu.make_async_copy(*_chunk(ci + 1, buf1), sem1).wait()
            _process(buf1)
            return 0

        lax.fori_loop(0, NCHUNK // 2, lambda i, c: outer(i * 2, c), 0)
        pltpu.sync_copy(hcnt, cnt_hbm.at[wid])
        if with_sums:
            pltpu.sync_copy(hsum, sum_hbm.at[wid])

    return sc_hist


def _sc_pass(lf, basev, shift, nbuck, with_sums, clamp):
    out = _make_sc_hist(shift, nbuck, with_sums, clamp)(lf, basev)
    out = out if isinstance(out, (tuple, list)) else (out,)
    return [o.reshape(ROWS, 2, nbuck, 16).sum(axis=(1, 3)) for o in out]


def _pick(cnt, sm, need, nb):
    cnt_i = cnt.astype(jnp.int32)
    cumtop = jnp.cumsum(cnt_i[:, ::-1], axis=1)[:, ::-1]
    ok = cumtop >= need[:, None]
    jstar = jnp.max(jnp.where(ok, jnp.arange(nb), -1), axis=1)
    jn = jnp.clip(jstar + 1, 0, nb - 1)
    valid = (jstar + 1 < nb)
    c_above = jnp.where(valid,
                        jnp.take_along_axis(cumtop, jn[:, None], axis=1)[:, 0], 0)
    if sm is None:
        return jstar, c_above, None
    sumtop = jnp.cumsum(sm[:, ::-1], axis=1)[:, ::-1]
    s_above = jnp.where(valid,
                        jnp.take_along_axis(sumtop, jn[:, None], axis=1)[:, 0], 0.0)
    return jstar, c_above, s_above


def kernel(net_output, target_structure, bboxes):
    lo = bboxes[..., 0].astype(jnp.int32)
    hi = bboxes[..., 1].astype(jnp.int32)
    loss = _tc_loss(net_output, target_structure, lo, hi)
    lf = loss.reshape(ROWS * S * S, XPAD)

    need = jnp.full((ROWS,), N_TOP, jnp.int32)
    zero_base = jnp.zeros((NTILES, 16), jnp.int32)
    (c1,) = _sc_pass(lf, zero_base, 20, NB1, False, False)
    j1, _, _ = _pick(c1, None, need, NB1)
    base = (j1 << 20)

    basev = jnp.broadcast_to(base[jnp.arange(NTILES) // 2, None], (NTILES, 16))
    c2, s2 = _sc_pass(lf, basev, 10, NB2, True, True)
    j2, ca2, sa2 = _pick(c2, s2, need, NB2)

    tkey = base + ((j2 - 1) << 10)
    tval = lax.bitcast_convert_type(tkey, jnp.float32)
    row_sum = sa2 + (need - ca2).astype(jnp.float32) * tval
    return jnp.sum(row_sum) / jnp.float32(ROWS * N_TOP)

# --- scband reference (transcript-rebuilt; emitter-appended) ---
"""Pipeline reference for scband-bce-top-k-loss-sep-channel-1915555414719 (READ-ONLY COPY).

The authoritative reference and input builder live on the scoring server;
editing this copy changes nothing except your own understanding.
"""

import jax, jax.numpy as jnp
import numpy as np

K_PERCENT = 10


def setup_inputs(seed: int = 0) -> dict:
    key = jax.random.key(seed)
    k1, k2, k3 = jax.random.split(key, 3)
    net_output = jax.random.normal(k1, (2, 8, 96, 96, 96), dtype=jnp.float32)
    target_structure = jax.random.uniform(k2, (2, 96, 96, 96), dtype=jnp.float32)
    bboxes = jax.random.randint(k3, (2, 7, 3, 2), 0, 96)
    return {"net_output": net_output, "target_structure": target_structure, "bboxes": bboxes}


def _build_dummy(net_output, target_structure, bboxes):
    B, C = net_output.shape[:2]
    spatial = net_output.shape[2:]
    coords = [jnp.arange(s) for s in spatial]
    per_batch = []
    for b in range(B):
        chans = []
        for c in range(C - 1):
            box = bboxes[b, c]
            lo = box[:, 0]
            hi = box[:, 1]
            axis_masks = []
            src_idx = []
            for i in range(3):
                t0 = jnp.maximum(lo[i], 0)
                t1 = jnp.minimum(hi[i], spatial[i])
                axis_masks.append((coords[i] >= t0) & (coords[i] < t1))
                src_idx.append(jnp.clip(coords[i] - lo[i], 0, spatial[i] - 1))
            inside = (axis_masks[0][:, None, None]
                      & axis_masks[1][None, :, None]
                      & axis_masks[2][None, None, :])
            gathered = target_structure[b][src_idx[0][:, None, None],
                                           src_idx[1][None, :, None],
                                           src_idx[2][None, None, :]]
            chans.append(jnp.where(inside, gathered, jnp.float32(0.0)))
        chans.append(jnp.max(jnp.stack(chans, axis=0), axis=0))
        per_batch.append(jnp.stack(chans, axis=0))
    return jnp.stack(per_batch, axis=0).astype(jnp.float32)


def reference(net_output, target_structure, bboxes):
    # dummy target built under no_grad in the torch module -> stop_gradient here
    dummy = jax.lax.stop_gradient(_build_dummy(net_output, target_structure, bboxes))
    x = net_output
    # BCEWithLogitsLoss(reduction='none')
    loss = jnp.maximum(x, 0.0) - x * dummy + jnp.log1p(jnp.exp(-jnp.abs(x)))
    spatial_size = int(np.prod(net_output.shape[-3:]))
    n = max(1, int(round(spatial_size * K_PERCENT / 100.0)))
    loss = loss.reshape(loss.shape[0], loss.shape[1], -1)
    vals, _ = jax.lax.top_k(loss, n)
    return jnp.mean(vals)

if __name__ == "__main__":
    import jax
    _d = setup_inputs()
    print(jax.jit(kernel)(*tuple(_d.values())))

</pallas_src>

<mosaic_0001>
#map = affine_map<(d0, d1) -> (0, 0)>
module attributes {stable_mosaic.version = 14 : i64} {
  func.func @sc_hist(%arg0: i32, %arg1: i32, %arg2: memref<147456x128xf32, #tpu.memory_space<hbm>>, %arg3: memref<32x16xi32, #tpu.memory_space<hbm>>, %arg4: memref<32x16416xf32, #tpu.memory_space<hbm>>, %arg5: memref<32x16416xf32, #tpu.memory_space<hbm>>, %arg6: memref<288x96xf32, #tpu.memory_space<vmem>>, %arg7: memref<288x96xf32, #tpu.memory_space<vmem>>, %arg8: memref<16416xf32, #tpu.memory_space<vmem>>, %arg9: memref<16416xf32, #tpu.memory_space<vmem>>, %arg10: memref<16xi32, #tpu.memory_space<vmem>>, %arg11: memref<!tpu.dma_semaphore, #tpu.memory_space<semaphore_mem>>, %arg12: memref<!tpu.dma_semaphore, #tpu.memory_space<semaphore_mem>>) attributes {dimension_semantics = [#tpu.dimension_semantics<core_parallel>, #tpu.dimension_semantics<subcore_parallel>], iteration_bounds = array<i64: 2, 16>, scalar_prefetch = 0 : i64, scratch_operands = 7 : i64, tpu.core_type = #tpu.core_type<sc_vector_subcore>, window_params = [{transform_indices = #map}, {transform_indices = #map}, {transform_indices = #map}, {transform_indices = #map}]} {
    %mul3A = arith.constant 2 : i32
    %mul3A_0 = arith.muli %arg1, %mul3A : i32
    %add3A = arith.addi %mul3A_0, %arg0 : i32
    %mul3A_1 = arith.constant 4608 : i32
    %mul3A_2 = arith.muli %add3A, %mul3A_1 : i32
    %broadcast_in_dim3A = arith.constant 0.000000e+00 : f32
    %broadcast_in_dim3A_3 = vector.broadcast %broadcast_in_dim3A : f32 to vector<16xf32>
    %parallel_loop3A = arith.constant 0 : i32
    %parallel_loop3A_4 = arith.constant 1026 : i32
    %parallel_loop3A_5 = arith.constant 1 : i32
    scf.for %parallel_loop3A_18 = %parallel_loop3A to %parallel_loop3A_4 step %parallel_loop3A_5  : i32 {
      %parallel_loop3A_19 = arith.constant 16 : i32
      %parallel_loop3A_20 = arith.muli %parallel_loop3A_18, %parallel_loop3A_19 : i32
      %parallel_loop3A_21 = arith.index_cast %parallel_loop3A_20 : i32 to index
      %parallel_loop3A_22 = tpu.vector_load %arg8[%parallel_loop3A_21] {strides = array<i32>} : memref<16416xf32, #tpu.memory_space<vmem>>, vector<16xf32>,
      tpu.vector_store %arg8[%parallel_loop3A_21], %broadcast_in_dim3A_3 {strides = array<i32>} : memref<16416xf32, #tpu.memory_space<vmem>>, vector<16xf32>,
      %parallel_loop3A_23 = arith.constant 16 : i32
      %parallel_loop3A_24 = arith.muli %parallel_loop3A_18, %parallel_loop3A_23 : i32
      %parallel_loop3A_25 = arith.index_cast %parallel_loop3A_24 : i32 to index
      %parallel_loop3A_26 = tpu.vector_load %arg9[%parallel_loop3A_25] {strides = array<i32>} : memref<16416xf32, #tpu.memory_space<vmem>>, vector<16xf32>,
      tpu.vector_store %arg9[%parallel_loop3A_25], %broadcast_in_dim3A_3 {strides = array<i32>} : memref<16416xf32, #tpu.memory_space<vmem>>, vector<16xf32>,
    } {sc.loop_unroll_factor = 4 : i64, sc.parallel_access}
    "tpu.region"() ({
      %run_scoped3A = tpu.sem_alloc : memref<!tpu.dma_semaphore, #tpu.memory_space<semaphore_mem>>
      %dma_start3A_18 = arith.constant 0 : i32
      %dma_start3A_19 = tpu.memref_slice %arg3[%add3A, %dma_start3A_18] : memref<32x16xi32, #tpu.memory_space<hbm>> -> memref<1x16xi32, #tpu.memory_space<hbm>>
      %dma_start3A_20 = tpu.memref_squeeze %dma_start3A_19 : memref<1x16xi32, #tpu.memory_space<hbm>> -> memref<16xi32, #tpu.memory_space<hbm>>
      %dma_start3A_21 = arith.constant 0 : i32
      %dma_start3A_22 = tpu.memref_slice %arg3[%add3A, %dma_start3A_21] : memref<32x16xi32, #tpu.memory_space<hbm>> -> memref<1x16xi32, #tpu.memory_space<hbm>>
      %dma_start3A_23 = tpu.memref_squeeze %dma_start3A_22 : memref<1x16xi32, #tpu.memory_space<hbm>> -> memref<16xi32, #tpu.memory_space<hbm>>
      tpu.enqueue_dma source(%dma_start3A_23 : memref<16xi32, #tpu.memory_space<hbm>>) target(%arg10 : memref<16xi32, #tpu.memory_space<vmem>>) target_semaphore(%run_scoped3A : memref<!tpu.dma_semaphore, #tpu.memory_space<semaphore_mem>>)
      %dma_wait3A = arith.constant 0 : i32
      %dma_wait3A_24 = tpu.memref_slice %arg3[%add3A, %dma_wait3A] : memref<32x16xi32, #tpu.memory_space<hbm>> -> memref<1x16xi32, #tpu.memory_space<hbm>>
      %dma_wait3A_25 = tpu.memref_squeeze %dma_wait3A_24 : memref<1x16xi32, #tpu.memory_space<hbm>> -> memref<16xi32, #tpu.memory_space<hbm>>
      %dma_wait3A_26 = arith.constant 0 : i32
      %dma_wait3A_27 = tpu.memref_slice %arg3[%add3A, %dma_wait3A_26] : memref<32x16xi32, #tpu.memory_space<hbm>> -> memref<1x16xi32, #tpu.memory_space<hbm>>
      %dma_wait3A_28 = tpu.memref_squeeze %dma_wait3A_27 : memref<1x16xi32, #tpu.memory_space<hbm>> -> memref<16xi32, #tpu.memory_space<hbm>>
      tpu.wait_dma2 semaphore(%run_scoped3A : memref<!tpu.dma_semaphore, #tpu.memory_space<semaphore_mem>>) src(%dma_wait3A_28 : memref<16xi32, #tpu.memory_space<hbm>>) dst(%arg10 : memref<16xi32, #tpu.memory_space<vmem>>)
      tpu.yield
    }) : () -> ()
    %get3A = arith.constant 0 : index
    %get3A_6 = tpu.vector_load %arg10[%get3A] {strides = array<i32>} : memref<16xi32, #tpu.memory_space<vmem>>, vector<16xi32>,
    %iota3A = tpu.iota {dimensions = array<i32: 0>} : vector<16xi32>
    %add3A_7 = arith.constant 0 : i32
    %add3A_8 = arith.addi %mul3A_2, %add3A_7 : i32
    %dma_start3A = arith.constant 0 : i32
    %dma_start3A_9 = tpu.memref_slice %arg2[%add3A_8, %dma_start3A] : memref<147456x128xf32, #tpu.memory_space<hbm>> -> memref<288x96xf32, #tpu.memory_space<hbm>>
    %dma_start3A_10 = arith.constant 0 : i32
    %dma_start3A_11 = tpu.memref_slice %arg2[%add3A_8, %dma_start3A_10] : memref<147456x128xf32, #tpu.memory_space<hbm>> -> memref<288x96xf32, #tpu.memory_space<hbm>>
    tpu.enqueue_dma source(%dma_start3A_11 : memref<288x96xf32, #tpu.memory_space<hbm>>) target(%arg6 : memref<288x96xf32, #tpu.memory_space<vmem>>) target_semaphore(%arg11 : memref<!tpu.dma_semaphore, #tpu.memory_space<semaphore_mem>>)
    %scan3A = arith.constant 0 : i32
    %scan3A_12 = arith.constant 0 : i32
    %scan3A_13 = arith.constant 8 : i32
    %scan3A_14 = arith.addi %scan3A_12, %scan3A_13 : i32
    %scan3A_15 = arith.constant 1 : i32
    %scan3A_16 = scf.for %scan3A_18 = %scan3A_12 to %scan3A_14 step %scan3A_15 iter_args(%scan3A_19 = %scan3A) -> (i32)  : i32 {
      %mul3A_20 = arith.constant 2 : i32
      %mul3A_21 = arith.muli %scan3A_18, %mul3A_20 : i32
      %add3A_22 = arith.constant 1 : i32
      %add3A_23 = arith.addi %mul3A_21, %add3A_22 : i32
      %mul3A_24 = arith.constant 288 : i32
      %mul3A_25 = arith.muli %add3A_23, %mul3A_24 : i32
      %add3A_26 = arith.addi %mul3A_2, %mul3A_25 : i32
      %dma_start3A_27 = arith.constant 0 : i32
      %dma_start3A_28 = tpu.memref_slice %arg2[%add3A_26, %dma_start3A_27] : memref<147456x128xf32, #tpu.memory_space<hbm>> -> memref<288x96xf32, #tpu.memory_space<hbm>>
      %dma_start3A_29 = arith.constant 0 : i32
      %dma_start3A_30 = tpu.memref_slice %arg2[%add3A_26, %dma_start3A_29] : memref<147456x128xf32, #tpu.memory_space<hbm>> -> memref<288x96xf32, #tpu.memory_space<hbm>>
      tpu.enqueue_dma source(%dma_start3A_30 : memref<288x96xf32, #tpu.memory_space<hbm>>) target(%arg7 : memref<288x96xf32, #tpu.memory_space<vmem>>) target_semaphore(%arg12 : memref<!tpu.dma_semaphore, #tpu.memory_space<semaphore_mem>>)
      %mul3A_31 = arith.constant 288 : i32
      %mul3A_32 = arith.muli %mul3A_21, %mul3A_31 : i32
      %add3A_33 = arith.addi %mul3A_2, %mul3A_32 : i32
      %dma_wait3A = arith.constant 0 : i32
      %dma_wait3A_34 = tpu.memref_slice %arg2[%add3A_33, %dma_wait3A] : memref<147456x128xf32, #tpu.memory_space<hbm>> -> memref<288x96xf32, #tpu.memory_space<hbm>>
      %dma_wait3A_35 = arith.constant 0 : i32
      %dma_wait3A_36 = tpu.memref_slice %arg2[%add3A_33, %dma_wait3A_35] : memref<147456x128xf32, #tpu.memory_space<hbm>> -> memref<288x96xf32, #tpu.memory_space<hbm>>
      tpu.wait_dma2 semaphore(%arg11 : memref<!tpu.dma_semaphore, #tpu.memory_space<semaphore_mem>>) src(%dma_wait3A_36 : memref<288x96xf32, #tpu.memory_space<hbm>>) dst(%arg6 : memref<288x96xf32, #tpu.memory_space<vmem>>)
      %broadcast_in_dim3A_37 = arith.constant 1.000000e+00 : f32
      %broadcast_in_dim3A_38 = vector.broadcast %broadcast_in_dim3A_37 : f32 to vector<16xf32>
      %parallel_loop3A_39 = arith.constant 0 : i32
      %parallel_loop3A_40 = arith.constant 288 : i32
      %parallel_loop3A_41 = arith.constant 1 : i32
      scf.for %parallel_loop3A_61 = %parallel_loop3A_39 to %parallel_loop3A_40 step %parallel_loop3A_41  : i32 {
        %parallel_loop3A_62 = arith.index_cast %parallel_loop3A_61 : i32 to index
        %parallel_loop3A_63 = arith.constant 0 : index
        %parallel_loop3A_64 = tpu.vector_load %arg6[%parallel_loop3A_62, %parallel_loop3A_63] {strides = array<i32>} : memref<288x96xf32, #tpu.memory_space<vmem>>, vector<16xf32>,
        %parallel_loop3A_65 = tpu.bitcast %parallel_loop3A_64 : vector<16xf32> -> vector<16xi32>
        %parallel_loop3A_66 = arith.subi %parallel_loop3A_65, %get3A_6 : vector<16xi32>
        %parallel_loop3A_67 = arith.constant 10 : i32
        %parallel_loop3A_68 = vector.broadcast %parallel_loop3A_67 : i32 to vector<16xi32>
        %parallel_loop3A_69 = arith.shrsi %parallel_loop3A_66, %parallel_loop3A_68 : vector<16xi32>
        %parallel_loop3A_70 = arith.constant -1 : i32
        %parallel_loop3A_71 = arith.constant 1024 : i32
        %parallel_loop3A_72 = vector.broadcast %parallel_loop3A_70 : i32 to vector<16xi32>
        %parallel_loop3A_73 = arith.maxsi %parallel_loop3A_72, %parallel_loop3A_69 : vector<16xi32>
        %parallel_loop3A_74 = vector.broadcast %parallel_loop3A_71 : i32 to vector<16xi32>
        %parallel_loop3A_75 = arith.minsi %parallel_loop3A_74, %parallel_loop3A_73 : vector<16xi32>
        %parallel_loop3A_76 = arith.constant 1 : i32
        %parallel_loop3A_77 = vector.broadcast %parallel_loop3A_76 : i32 to vector<16xi32>
        %parallel_loop3A_78 = arith.addi %parallel_loop3A_75, %parallel_loop3A_77 : vector<16xi32>
        %parallel_loop3A_79 = arith.constant 4 : i32
        %parallel_loop3A_80 = vector.broadcast %parallel_loop3A_79 : i32 to vector<16xi32>
        %parallel_loop3A_81 = arith.shli %parallel_loop3A_78, %parallel_loop3A_80 : vector<16xi32>
        %parallel_loop3A_82 = arith.ori %parallel_loop3A_81, %iota3A : vector<16xi32>
        tpu.vector_store_idx %arg8[%parallel_loop3A_82], %broadcast_in_dim3A_38 {add = true} : memref<16416xf32, #tpu.memory_space<vmem>>[vector<16xi32>], vector<16xf32>,
        tpu.vector_store_idx %arg9[%parallel_loop3A_82], %parallel_loop3A_64 {add = true} : memref<16416xf32, #tpu.memory_space<vmem>>[vector<16xi32>], vector<16xf32>,
        %parallel_loop3A_83 = arith.index_cast %parallel_loop3A_61 : i32 to index
        %parallel_loop3A_84 = arith.constant 16 : index
        %parallel_loop3A_85 = tpu.vector_load %arg6[%parallel_loop3A_83, %parallel_loop3A_84] {strides = array<i32>} : memref<288x96xf32, #tpu.memory_space<vmem>>, vector<16xf32>,
        %parallel_loop3A_86 = tpu.bitcast %parallel_loop3A_85 : vector<16xf32> -> vector<16xi32>
        %parallel_loop3A_87 = arith.subi %parallel_loop3A_86, %get3A_6 : vector<16xi32>
        %parallel_loop3A_88 = arith.constant 10 : i32
        %parallel_loop3A_89 = vector.broadcast %parallel_loop3A_88 : i32 to vector<16xi32>
        %parallel_loop3A_90 = arith.shrsi %parallel_loop3A_87, %parallel_loop3A_89 : vector<16xi32>
        %parallel_loop3A_91 = arith.constant -1 : i32
        %parallel_loop3A_92 = arith.constant 1024 : i32
        %parallel_loop3A_93 = vector.broadcast %parallel_loop3A_91 : i32 to vector<16xi32>
        %parallel_loop3A_94 = arith.maxsi %parallel_loop3A_93, %parallel_loop3A_90 : vector<16xi32>
        %parallel_loop3A_95 = vector.broadcast %parallel_loop3A_92 : i32 to vector<16xi32>
        %parallel_loop3A_96 = arith.minsi %parallel_loop3A_95, %parallel_loop3A_94 : vector<16xi32>
        %parallel_loop3A_97 = arith.constant 1 : i32
        %parallel_loop3A_98 = vector.broadcast %parallel_loop3A_97 : i32 to vector<16xi32>
        %parallel_loop3A_99 = arith.addi %parallel_loop3A_96, %parallel_loop3A_98 : vector<16xi32>
        %parallel_loop3A_100 = arith.constant 4 : i32
        %parallel_loop3A_101 = vector.broadcast %parallel_loop3A_100 : i32 to vector<16xi32>
        %parallel_loop3A_102 = arith.shli %parallel_loop3A_99, %parallel_loop3A_101 : vector<16xi32>
        %parallel_loop3A_103 = arith.ori %parallel_loop3A_102, %iota3A : vector<16xi32>
        tpu.vector_store_idx %arg8[%parallel_loop3A_103], %broadcast_in_dim3A_38 {add = true} : memref<16416xf32, #tpu.memory_space<vmem>>[vector<16xi32>], vector<16xf32>,
        tpu.vector_store_idx %arg9[%parallel_loop3A_103], %parallel_loop3A_85 {add = true} : memref<16416xf32, #tpu.memory_space<vmem>>[vector<16xi32>], vector<16xf32>,
        %parallel_loop3A_104 = arith.index_cast %parallel_loop3A_61 : i32 to index
        %parallel_loop3A_105 = arith.constant 32 : index
        %parallel_loop3A_106 = tpu.vector_load %arg6[%parallel_loop3A_104, %parallel_loop3A_105] {strides = array<i32>} : memref<288x96xf32, #tpu.memory_space<vmem>>, vector<16xf32>,
        %parallel_loop3A_107 = tpu.bitcast %parallel_loop3A_106 : vector<16xf32> -> vector<16xi32>
        %parallel_loop3A_108 = arith.subi %parallel_loop3A_107, %get3A_6 : vector<16xi32>
        %parallel_loop3A_109 = arith.constant 10 : i32
        %parallel_loop3A_110 = vector.broadcast %parallel_loop3A_109 : i32 to vector<16xi32>
        %parallel_loop3A_111 = arith.shrsi %parallel_loop3A_108, %parallel_loop3A_110 : vector<16xi32>
        %parallel_loop3A_112 = arith.constant -1 : i32
        %parallel_loop3A_113 = arith.constant 1024 : i32
        %parallel_loop3A_114 = vector.broadcast %parallel_loop3A_112 : i32 to vector<16xi32>
        %parallel_loop3A_115 = arith.maxsi %parallel_loop3A_114, %parallel_loop3A_111 : vector<16xi32>
        %parallel_loop3A_116 = vector.broadcast %parallel_loop3A_113 : i32 to vector<16xi32>
        %parallel_loop3A_117 = arith.minsi %parallel_loop3A_116, %parallel_loop3A_115 : vector<16xi32>
        %parallel_loop3A_118 = arith.constant 1 : i32
        %parallel_loop3A_119 = vector.broadcast %parallel_loop3A_118 : i32 to vector<16xi32>
        %parallel_loop3A_120 = arith.addi %parallel_loop3A_117, %parallel_loop3A_119 : vector<16xi32>
        %parallel_loop3A_121 = arith.constant 4 : i32
        %parallel_loop3A_122 = vector.broadcast %parallel_loop3A_121 : i32 to vector<16xi32>
        %parallel_loop3A_123 = arith.shli %parallel_loop3A_120, %parallel_loop3A_122 : vector<16xi32>
        %parallel_loop3A_124 = arith.ori %parallel_loop3A_123, %iota3A : vector<16xi32>
        tpu.vector_store_idx %arg8[%parallel_loop3A_124], %broadcast_in_dim3A_38 {add = true} : memref<16416xf32, #tpu.memory_space<vmem>>[vector<16xi32>], vector<16xf32>,
        tpu.vector_store_idx %arg9[%parallel_loop3A_124], %parallel_loop3A_106 {add = true} : memref<16416xf32, #tpu.memory_space<vmem>>[vector<16xi32>], vector<16xf32>,
        %parallel_loop3A_125 = arith.index_cast %parallel_loop3A_61 : i32 to index
        %parallel_loop3A_126 = arith.constant 48 : index
        %parallel_loop3A_127 = tpu.vector_load %arg6[%parallel_loop3A_125, %parallel_loop3A_126] {strides = array<i32>} : memref<288x96xf32, #tpu.memory_space<vmem>>, vector<16xf32>,
        %parallel_loop3A_128 = tpu.bitcast %parallel_loop3A_127 : vector<16xf32> -> vector<16xi32>
        %parallel_loop3A_129 = arith.subi %parallel_loop3A_128, %get3A_6 : vector<16xi32>
        %parallel_loop3A_130 = arith.constant 10 : i32
        %parallel_loop3A_131 = vector.broadcast %parallel_loop3A_130 : i32 to vector<16xi32>
        %parallel_loop3A_132 = arith.shrsi %parallel_loop3A_129, %parallel_loop3A_131 : vector<16xi32>
        %parallel_loop3A_133 = arith.constant -1 : i32
        %parallel_loop3A_134 = arith.constant 1024 : i32
        %parallel_loop3A_135 = vector.broadcast %parallel_loop3A_133 : i32 to vector<16xi32>
        %parallel_loop3A_136 = arith.maxsi %parallel_loop3A_135, %parallel_loop3A_132 : vector<16xi32>
        %parallel_loop3A_137 = vector.broadcast %parallel_loop3A_134 : i32 to vector<16xi32>
        %parallel_loop3A_138 = arith.minsi %parallel_loop3A_137, %parallel_loop3A_136 : vector<16xi32>
        %parallel_loop3A_139 = arith.constant 1 : i32
        %parallel_loop3A_140 = vector.broadcast %parallel_loop3A_139 : i32 to vector<16xi32>
        %parallel_loop3A_141 = arith.addi %parallel_loop3A_138, %parallel_loop3A_140 : vector<16xi32>
        %parallel_loop3A_142 = arith.constant 4 : i32
        %parallel_loop3A_143 = vector.broadcast %parallel_loop3A_142 : i32 to vector<16xi32>
        %parallel_loop3A_144 = arith.shli %parallel_loop3A_141, %parallel_loop3A_143 : vector<16xi32>
        %parallel_loop3A_145 = arith.ori %parallel_loop3A_144, %iota3A : vector<16xi32>
        tpu.vector_store_idx %arg8[%parallel_loop3A_145], %broadcast_in_dim3A_38 {add = true} : memref<16416xf32, #tpu.memory_space<vmem>>[vector<16xi32>], vector<16xf32>,
        tpu.vector_store_idx %arg9[%parallel_loop3A_145], %parallel_loop3A_127 {add = true} : memref<16416xf32, #tpu.memory_space<vmem>>[vector<16xi32>], vector<16xf32>,
        %parallel_loop3A_146 = arith.index_cast %parallel_loop3A_61 : i32 to index
        %parallel_loop3A_147 = arith.constant 64 : index
        %parallel_loop3A_148 = tpu.vector_load %arg6[%parallel_loop3A_146, %parallel_loop3A_147] {strides = array<i32>} : memref<288x96xf32, #tpu.memory_space<vmem>>, vector<16xf32>,
        %parallel_loop3A_149 = tpu.bitcast %parallel_loop3A_148 : vector<16xf32> -> vector<16xi32>
        %parallel_loop3A_150 = arith.subi %parallel_loop3A_149, %get3A_6 : vector<16xi32>
        %parallel_loop3A_151 = arith.constant 10 : i32
        %parallel_loop3A_152 = vector.broadcast %parallel_loop3A_151 : i32 to vector<16xi32>
        %parallel_loop3A_153 = arith.shrsi %parallel_loop3A_150, %parallel_loop3A_152 : vector<16xi32>
        %parallel_loop3A_154 = arith.constant -1 : i32
        %parallel_loop3A_155 = arith.constant 1024 : i32
        %parallel_loop3A_156 = vector.broadcast %parallel_loop3A_154 : i32 to vector<16xi32>
        %parallel_loop3A_157 = arith.maxsi %parallel_loop3A_156, %parallel_loop3A_153 : vector<16xi32>
        %parallel_loop3A_158 = vector.broadcast %parallel_loop3A_155 : i32 to vector<16xi32>
        %parallel_loop3A_159 = arith.minsi %parallel_loop3A_158, %parallel_loop3A_157 : vector<16xi32>
        %parallel_loop3A_160 = arith.constant 1 : i32
        %parallel_loop3A_161 = vector.broadcast %parallel_loop3A_160 : i32 to vector<16xi32>
        %parallel_loop3A_162 = arith.addi %parallel_loop3A_159, %parallel_loop3A_161 : vector<16xi32>
        %parallel_loop3A_163 = arith.constant 4 : i32
        %parallel_loop3A_164 = vector.broadcast %parallel_loop3A_163 : i32 to vector<16xi32>
        %parallel_loop3A_165 = arith.shli %parallel_loop3A_162, %parallel_loop3A_164 : vector<16xi32>
        %parallel_loop3A_166 = arith.ori %parallel_loop3A_165, %iota3A : vector<16xi32>
        tpu.vector_store_idx %arg8[%parallel_loop3A_166], %broadcast_in_dim3A_38 {add = true} : memref<16416xf32, #tpu.memory_space<vmem>>[vector<16xi32>], vector<16xf32>,
        tpu.vector_store_idx %arg9[%parallel_loop3A_166], %parallel_loop3A_148 {add = true} : memref<16416xf32, #tpu.memory_space<vmem>>[vector<16xi32>], vector<16xf32>,
        %parallel_loop3A_167 = arith.index_cast %parallel_loop3A_61 : i32 to index
        %parallel_loop3A_168 = arith.constant 80 : index
        %parallel_loop3A_169 = tpu.vector_load %arg6[%parallel_loop3A_167, %parallel_loop3A_168] {strides = array<i32>} : memref<288x96xf32, #tpu.memory_space<vmem>>, vector<16xf32>,
        %parallel_loop3A_170 = tpu.bitcast %parallel_loop3A_169 : vector<16xf32> -> vector<16xi32>
        %parallel_loop3A_171 = arith.subi %parallel_loop3A_170, %get3A_6 : vector<16xi32>
        %parallel_loop3A_172 = arith.constant 10 : i32
        %parallel_loop3A_173 = vector.broadcast %parallel_loop3A_172 : i32 to vector<16xi32>
        %parallel_loop3A_174 = arith.shrsi %parallel_loop3A_171, %parallel_loop3A_173 : vector<16xi32>
        %parallel_loop3A_175 = arith.constant -1 : i32
        %parallel_loop3A_176 = arith.constant 1024 : i32
        %parallel_loop3A_177 = vector.broadcast %parallel_loop3A_175 : i32 to vector<16xi32>
        %parallel_loop3A_178 = arith.maxsi %parallel_loop3A_177, %parallel_loop3A_174 : vector<16xi32>
        %parallel_loop3A_179 = vector.broadcast %parallel_loop3A_176 : i32 to vector<16xi32>
        %parallel_loop3A_180 = arith.minsi %parallel_loop3A_179, %parallel_loop3A_178 : vector<16xi32>
        %parallel_loop3A_181 = arith.constant 1 : i32
        %parallel_loop3A_182 = vector.broadcast %parallel_loop3A_181 : i32 to vector<16xi32>
        %parallel_loop3A_183 = arith.addi %parallel_loop3A_180, %parallel_loop3A_182 : vector<16xi32>
        %parallel_loop3A_184 = arith.constant 4 : i32
        %parallel_loop3A_185 = vector.broadcast %parallel_loop3A_184 : i32 to vector<16xi32>
        %parallel_loop3A_186 = arith.shli %parallel_loop3A_183, %parallel_loop3A_185 : vector<16xi32>
        %parallel_loop3A_187 = arith.ori %parallel_loop3A_186, %iota3A : vector<16xi32>
        tpu.vector_store_idx %arg8[%parallel_loop3A_187], %broadcast_in_dim3A_38 {add = true} : memref<16416xf32, #tpu.memory_space<vmem>>[vector<16xi32>], vector<16xf32>,
        tpu.vector_store_idx %arg9[%parallel_loop3A_187], %parallel_loop3A_169 {add = true} : memref<16416xf32, #tpu.memory_space<vmem>>[vector<16xi32>], vector<16xf32>,
      } {sc.loop_unroll_factor = 2 : i64, sc.parallel_access}
      %add3A_42 = arith.constant 2 : i32
      %add3A_43 = arith.addi %mul3A_21, %add3A_42 : i32
      %lt3A = arith.constant 16 : i32
      %lt3A_44 = arith.cmpi slt, %add3A_43, %lt3A : i32
      %convert_element_type3A = arith.extui %lt3A_44 : i1 to i32
      %cond3A = arith.constant 0 : i32
      %cond3A_45 = arith.cmpi ne, %convert_element_type3A, %cond3A : i32
      scf.if %cond3A_45 {
        %add3A_61 = arith.constant 2 : i32
        %add3A_62 = arith.addi %mul3A_21, %add3A_61 : i32
        %mul3A_63 = arith.constant 288 : i32
        %mul3A_64 = arith.muli %add3A_62, %mul3A_63 : i32
        %add3A_65 = arith.addi %mul3A_2, %mul3A_64 : i32
        %dma_start3A_66 = arith.constant 0 : i32
        %dma_start3A_67 = tpu.memref_slice %arg2[%add3A_65, %dma_start3A_66] : memref<147456x128xf32, #tpu.memory_space<hbm>> -> memref<288x96xf32, #tpu.memory_space<hbm>>
        %dma_start3A_68 = arith.constant 0 : i32
        %dma_start3A_69 = tpu.memref_slice %arg2[%add3A_65, %dma_start3A_68] : memref<147456x128xf32, #tpu.memory_space<hbm>> -> memref<288x96xf32, #tpu.memory_space<hbm>>
        tpu.enqueue_dma source(%dma_start3A_69 : memref<288x96xf32, #tpu.memory_space<hbm>>) target(%arg6 : memref<288x96xf32, #tpu.memory_space<vmem>>) target_semaphore(%arg11 : memref<!tpu.dma_semaphore, #tpu.memory_space<semaphore_mem>>)
      } else {
      }
      %add3A_46 = arith.constant 1 : i32
      %add3A_47 = arith.addi %mul3A_21, %add3A_46 : i32
      %mul3A_48 = arith.constant 288 : i32
      %mul3A_49 = arith.muli %add3A_47, %mul3A_48 : i32
      %add3A_50 = arith.addi %mul3A_2, %mul3A_49 : i32
      %dma_wait3A_51 = arith.constant 0 : i32
      %dma_wait3A_52 = tpu.memref_slice %arg2[%add3A_50, %dma_wait3A_51] : memref<147456x128xf32, #tpu.memory_space<hbm>> -> memref<288x96xf32, #tpu.memory_space<hbm>>
      %dma_wait3A_53 = arith.constant 0 : i32
      %dma_wait3A_54 = tpu.memref_slice %arg2[%add3A_50, %dma_wait3A_53] : memref<147456x128xf32, #tpu.memory_space<hbm>> -> memref<288x96xf32, #tpu.memory_space<hbm>>
      tpu.wait_dma2 semaphore(%arg12 : memref<!tpu.dma_semaphore, #tpu.memory_space<semaphore_mem>>) src(%dma_wait3A_54 : memref<288x96xf32, #tpu.memory_space<hbm>>) dst(%arg7 : memref<288x96xf32, #tpu.memory_space<vmem>>)
      %broadcast_in_dim3A_55 = arith.constant 1.000000e+00 : f32
      %broadcast_in_dim3A_56 = vector.broadcast %broadcast_in_dim3A_55 : f32 to vector<16xf32>
      %parallel_loop3A_57 = arith.constant 0 : i32
      %parallel_loop3A_58 = arith.constant 288 : i32
      %parallel_loop3A_59 = arith.constant 1 : i32
      scf.for %parallel_loop3A_61 = %parallel_loop3A_57 to %parallel_loop3A_58 step %parallel_loop3A_59  : i32 {
        %parallel_loop3A_62 = arith.index_cast %parallel_loop3A_61 : i32 to index
        %parallel_loop3A_63 = arith.constant 0 : index
        %parallel_loop3A_64 = tpu.vector_load %arg7[%parallel_loop3A_62, %parallel_loop3A_63] {strides = array<i32>} : memref<288x96xf32, #tpu.memory_space<vmem>>, vector<16xf32>,
        %parallel_loop3A_65 = tpu.bitcast %parallel_loop3A_64 : vector<16xf32> -> vector<16xi32>
        %parallel_loop3A_66 = arith.subi %parallel_loop3A_65, %get3A_6 : vector<16xi32>
        %parallel_loop3A_67 = arith.constant 10 : i32
        %parallel_loop3A_68 = vector.broadcast %parallel_loop3A_67 : i32 to vector<16xi32>
        %parallel_loop3A_69 = arith.shrsi %parallel_loop3A_66, %parallel_loop3A_68 : vector<16xi32>
        %parallel_loop3A_70 = arith.constant -1 : i32
        %parallel_loop3A_71 = arith.constant 1024 : i32
        %parallel_loop3A_72 = vector.broadcast %parallel_loop3A_70 : i32 to vector<16xi32>
        %parallel_loop3A_73 = arith.maxsi %parallel_loop3A_72, %parallel_loop3A_69 : vector<16xi32>
        %parallel_loop3A_74 = vector.broadcast %parallel_loop3A_71 : i32 to vector<16xi32>
        %parallel_loop3A_75 = arith.minsi %parallel_loop3A_74, %parallel_loop3A_73 : vector<16xi32>
        %parallel_loop3A_76 = arith.constant 1 : i32
        %parallel_loop3A_77 = vector.broadcast %parallel_loop3A_76 : i32 to vector<16xi32>
        %parallel_loop3A_78 = arith.addi %parallel_loop3A_75, %parallel_loop3A_77 : vector<16xi32>
        %parallel_loop3A_79 = arith.constant 4 : i32
        %parallel_loop3A_80 = vector.broadcast %parallel_loop3A_79 : i32 to vector<16xi32>
        %parallel_loop3A_81 = arith.shli %parallel_loop3A_78, %parallel_loop3A_80 : vector<16xi32>
        %parallel_loop3A_82 = arith.ori %parallel_loop3A_81, %iota3A : vector<16xi32>
        tpu.vector_store_idx %arg8[%parallel_loop3A_82], %broadcast_in_dim3A_56 {add = true} : memref<16416xf32, #tpu.memory_space<vmem>>[vector<16xi32>], vector<16xf32>,
        tpu.vector_store_idx %arg9[%parallel_loop3A_82], %parallel_loop3A_64 {add = true} : memref<16416xf32, #tpu.memory_space<vmem>>[vector<16xi32>], vector<16xf32>,
        %parallel_loop3A_83 = arith.index_cast %parallel_loop3A_61 : i32 to index
        %parallel_loop3A_84 = arith.constant 16 : index
        %parallel_loop3A_85 = tpu.vector_load %arg7[%parallel_loop3A_83, %parallel_loop3A_84] {strides = array<i32>} : memref<288x96xf32, #tpu.memory_space<vmem>>, vector<16xf32>,
        %parallel_loop3A_86 = tpu.bitcast %parallel_loop3A_85 : vector<16xf32> -> vector<16xi32>
        %parallel_loop3A_87 = arith.subi %parallel_loop3A_86, %get3A_6 : vector<16xi32>
        %parallel_loop3A_88 = arith.constant 10 : i32
        %parallel_loop3A_89 = vector.broadcast %parallel_loop3A_88 : i32 to vector<16xi32>
        %parallel_loop3A_90 = arith.shrsi %parallel_loop3A_87, %parallel_loop3A_89 : vector<16xi32>
        %parallel_loop3A_91 = arith.constant -1 : i32
        %parallel_loop3A_92 = arith.constant 1024 : i32
        %parallel_loop3A_93 = vector.broadcast %parallel_loop3A_91 : i32 to vector<16xi32>
        %parallel_loop3A_94 = arith.maxsi %parallel_loop3A_93, %parallel_loop3A_90 : vector<16xi32>
        %parallel_loop3A_95 = vector.broadcast %parallel_loop3A_92 : i32 to vector<16xi32>
        %parallel_loop3A_96 = arith.minsi %parallel_loop3A_95, %parallel_loop3A_94 : vector<16xi32>
        %parallel_loop3A_97 = arith.constant 1 : i32
        %parallel_loop3A_98 = vector.broadcast %parallel_loop3A_97 : i32 to vector<16xi32>
        %parallel_loop3A_99 = arith.addi %parallel_loop3A_96, %parallel_loop3A_98 : vector<16xi32>
        %parallel_loop3A_100 = arith.constant 4 : i32
        %parallel_loop3A_101 = vector.broadcast %parallel_loop3A_100 : i32 to vector<16xi32>
        %parallel_loop3A_102 = arith.shli %parallel_loop3A_99, %parallel_loop3A_101 : vector<16xi32>
        %parallel_loop3A_103 = arith.ori %parallel_loop3A_102, %iota3A : vector<16xi32>
        tpu.vector_store_idx %arg8[%parallel_loop3A_103], %broadcast_in_dim3A_56 {add = true} : memref<16416xf32, #tpu.memory_space<vmem>>[vector<16xi32>], vector<16xf32>,
        tpu.vector_store_idx %arg9[%parallel_loop3A_103], %parallel_loop3A_85 {add = true} : memref<16416xf32, #tpu.memory_space<vmem>>[vector<16xi32>], vector<16xf32>,
        %parallel_loop3A_104 = arith.index_cast %parallel_loop3A_61 : i32 to index
        %parallel_loop3A_105 = arith.constant 32 : index
        %parallel_loop3A_106 = tpu.vector_load %arg7[%parallel_loop3A_104, %parallel_loop3A_105] {strides = array<i32>} : memref<288x96xf32, #tpu.memory_space<vmem>>, vector<16xf32>,
        %parallel_loop3A_107 = tpu.bitcast %parallel_loop3A_106 : vector<16xf32> -> vector<16xi32>
        %parallel_loop3A_108 = arith.subi %parallel_loop3A_107, %get3A_6 : vector<16xi32>
        %parallel_loop3A_109 = arith.constant 10 : i32
        %parallel_loop3A_110 = vector.broadcast %parallel_loop3A_109 : i32 to vector<16xi32>
        %parallel_loop3A_111 = arith.shrsi %parallel_loop3A_108, %parallel_loop3A_110 : vector<16xi32>
        %parallel_loop3A_112 = arith.constant -1 : i32
        %parallel_loop3A_113 = arith.constant 1024 : i32
        %parallel_loop3A_114 = vector.broadcast %parallel_loop3A_112 : i32 to vector<16xi32>
        %parallel_loop3A_115 = arith.maxsi %parallel_loop3A_114, %parallel_loop3A_111 : vector<16xi32>
        %parallel_loop3A_116 = vector.broadcast %parallel_loop3A_113 : i32 to vector<16xi32>
        %parallel_loop3A_117 = arith.minsi %parallel_loop3A_116, %parallel_loop3A_115 : vector<16xi32>
        %parallel_loop3A_118 = arith.constant 1 : i32
        %parallel_loop3A_119 = vector.broadcast %parallel_loop3A_118 : i32 to vector<16xi32>
        %parallel_loop3A_120 = arith.addi %parallel_loop3A_117, %parallel_loop3A_119 : vector<16xi32>
        %parallel_loop3A_121 = arith.constant 4 : i32
        %parallel_loop3A_122 = vector.broadcast %parallel_loop3A_121 : i32 to vector<16xi32>
        %parallel_loop3A_123 = arith.shli %parallel_loop3A_120, %parallel_loop3A_122 : vector<16xi32>
        %parallel_loop3A_124 = arith.ori %parallel_loop3A_123, %iota3A : vector<16xi32>
        tpu.vector_store_idx %arg8[%parallel_loop3A_124], %broadcast_in_dim3A_56 {add = true} : memref<16416xf32, #tpu.memory_space<vmem>>[vector<16xi32>], vector<16xf32>,
        tpu.vector_store_idx %arg9[%parallel_loop3A_124], %parallel_loop3A_106 {add = true} : memref<16416xf32, #tpu.memory_space<vmem>>[vector<16xi32>], vector<16xf32>,
        %parallel_loop3A_125 = arith.index_cast %parallel_loop3A_61 : i32 to index
        %parallel_loop3A_126 = arith.constant 48 : index
        %parallel_loop3A_127 = tpu.vector_load %arg7[%parallel_loop3A_125, %parallel_loop3A_126] {strides = array<i32>} : memref<288x96xf32, #tpu.memory_space<vmem>>, vector<16xf32>,
        %parallel_loop3A_128 = tpu.bitcast %parallel_loop3A_127 : vector<16xf32> -> vector<16xi32>
        %parallel_loop3A_129 = arith.subi %parallel_loop3A_128, %get3A_6 : vector<16xi32>
        %parallel_loop3A_130 = arith.constant 10 : i32
        %parallel_loop3A_131 = vector.broadcast %parallel_loop3A_130 : i32 to vector<16xi32>
        %parallel_loop3A_132 = arith.shrsi %parallel_loop3A_129, %parallel_loop3A_131 : vector<16xi32>
        %parallel_loop3A_133 = arith.constant -1 : i32
        %parallel_loop3A_134 = arith.constant 1024 : i32
        %parallel_loop3A_135 = vector.broadcast %parallel_loop3A_133 : i32 to vector<16xi32>
        %parallel_loop3A_136 = arith.maxsi %parallel_loop3A_135, %parallel_loop3A_132 : vector<16xi32>
        %parallel_loop3A_137 = vector.broadcast %parallel_loop3A_134 : i32 to vector<16xi32>
        %parallel_loop3A_138 = arith.minsi %parallel_loop3A_137, %parallel_loop3A_136 : vector<16xi32>
        %parallel_loop3A_139 = arith.constant 1 : i32
        %parallel_loop3A_140 = vector.broadcast %parallel_loop3A_139 : i32 to vector<16xi32>
        %parallel_loop3A_141 = arith.addi %parallel_loop3A_138, %parallel_loop3A_140 : vector<16xi32>
        %parallel_loop3A_142 = arith.constant 4 : i32
        %parallel_loop3A_143 = vector.broadcast %parallel_loop3A_142 : i32 to vector<16xi32>
        %parallel_loop3A_144 = arith.shli %parallel_loop3A_141, %parallel_loop3A_143 : vector<16xi32>
        %parallel_loop3A_145 = arith.ori %parallel_loop3A_144, %iota3A : vector<16xi32>
        tpu.vector_store_idx %arg8[%parallel_loop3A_145], %broadcast_in_dim3A_56 {add = true} : memref<16416xf32, #tpu.memory_space<vmem>>[vector<16xi32>], vector<16xf32>,
        tpu.vector_store_idx %arg9[%parallel_loop3A_145], %parallel_loop3A_127 {add = true} : memref<16416xf32, #tpu.memory_space<vmem>>[vector<16xi32>], vector<16xf32>,
        %parallel_loop3A_146 = arith.index_cast %parallel_loop3A_61 : i32 to index
        %parallel_loop3A_147 = arith.constant 64 : index
        %parallel_loop3A_148 = tpu.vector_load %arg7[%parallel_loop3A_146, %parallel_loop3A_147] {strides = array<i32>} : memref<288x96xf32, #tpu.memory_space<vmem>>, vector<16xf32>,
        %parallel_loop3A_149 = tpu.bitcast %parallel_loop3A_148 : vector<16xf32> -> vector<16xi32>
        %parallel_loop3A_150 = arith.subi %parallel_loop3A_149, %get3A_6 : vector<16xi32>
        %parallel_loop3A_151 = arith.constant 10 : i32
        %parallel_loop3A_152 = vector.broadcast %parallel_loop3A_151 : i32 to vector<16xi32>
        %parallel_loop3A_153 = arith.shrsi %parallel_loop3A_150, %parallel_loop3A_152 : vector<16xi32>
        %parallel_loop3A_154 = arith.constant -1 : i32
        %parallel_loop3A_155 = arith.constant 1024 : i32
        %parallel_loop3A_156 = vector.broadcast %parallel_loop3A_154 : i32 to vector<16xi32>
        %parallel_loop3A_157 = arith.maxsi %parallel_loop3A_156, %parallel_loop3A_153 : vector<16xi32>
        %parallel_loop3A_158 = vector.broadcast %parallel_loop3A_155 : i32 to vector<16xi32>
        %parallel_loop3A_159 = arith.minsi %parallel_loop3A_158, %parallel_loop3A_157 : vector<16xi32>
        %parallel_loop3A_160 = arith.constant 1 : i32
        %parallel_loop3A_161 = vector.broadcast %parallel_loop3A_160 : i32 to vector<16xi32>
        %parallel_loop3A_162 = arith.addi %parallel_loop3A_159, %parallel_loop3A_161 : vector<16xi32>
        %parallel_loop3A_163 = arith.constant 4 : i32
        %parallel_loop3A_164 = vector.broadcast %parallel_loop3A_163 : i32 to vector<16xi32>
        %parallel_loop3A_165 = arith.shli %parallel_loop3A_162, %parallel_loop3A_164 : vector<16xi32>
        %parallel_loop3A_166 = arith.ori %parallel_loop3A_165, %iota3A : vector<16xi32>
        tpu.vector_store_idx %arg8[%parallel_loop3A_166], %broadcast_in_dim3A_56 {add = true} : memref<16416xf32, #tpu.memory_space<vmem>>[vector<16xi32>], vector<16xf32>,
        tpu.vector_store_idx %arg9[%parallel_loop3A_166], %parallel_loop3A_148 {add = true} : memref<16416xf32, #tpu.memory_space<vmem>>[vector<16xi32>], vector<16xf32>,
        %parallel_loop3A_167 = arith.index_cast %parallel_loop3A_61 : i32 to index
        %parallel_loop3A_168 = arith.constant 80 : index
        %parallel_loop3A_169 = tpu.vector_load %arg7[%parallel_loop3A_167, %parallel_loop3A_168] {strides = array<i32>} : memref<288x96xf32, #tpu.memory_space<vmem>>, vector<16xf32>,
        %parallel_loop3A_170 = tpu.bitcast %parallel_loop3A_169 : vector<16xf32> -> vector<16xi32>
        %parallel_loop3A_171 = arith.subi %parallel_loop3A_170, %get3A_6 : vector<16xi32>
        %parallel_loop3A_172 = arith.constant 10 : i32
        %parallel_loop3A_173 = vector.broadcast %parallel_loop3A_172 : i32 to vector<16xi32>
        %parallel_loop3A_174 = arith.shrsi %parallel_loop3A_171, %parallel_loop3A_173 : vector<16xi32>
        %parallel_loop3A_175 = arith.constant -1 : i32
        %parallel_loop3A_176 = arith.constant 1024 : i32
        %parallel_loop3A_177 = vector.broadcast %parallel_loop3A_175 : i32 to vector<16xi32>
        %parallel_loop3A_178 = arith.maxsi %parallel_loop3A_177, %parallel_loop3A_174 : vector<16xi32>
        %parallel_loop3A_179 = vector.broadcast %parallel_loop3A_176 : i32 to vector<16xi32>
        %parallel_loop3A_180 = arith.minsi %parallel_loop3A_179, %parallel_loop3A_178 : vector<16xi32>
        %parallel_loop3A_181 = arith.constant 1 : i32
        %parallel_loop3A_182 = vector.broadcast %parallel_loop3A_181 : i32 to vector<16xi32>
        %parallel_loop3A_183 = arith.addi %parallel_loop3A_180, %parallel_loop3A_182 : vector<16xi32>
        %parallel_loop3A_184 = arith.constant 4 : i32
        %parallel_loop3A_185 = vector.broadcast %parallel_loop3A_184 : i32 to vector<16xi32>
        %parallel_loop3A_186 = arith.shli %parallel_loop3A_183, %parallel_loop3A_185 : vector<16xi32>
        %parallel_loop3A_187 = arith.ori %parallel_loop3A_186, %iota3A : vector<16xi32>
        tpu.vector_store_idx %arg8[%parallel_loop3A_187], %broadcast_in_dim3A_56 {add = true} : memref<16416xf32, #tpu.memory_space<vmem>>[vector<16xi32>], vector<16xf32>,
        tpu.vector_store_idx %arg9[%parallel_loop3A_187], %parallel_loop3A_169 {add = true} : memref<16416xf32, #tpu.memory_space<vmem>>[vector<16xi32>], vector<16xf32>,
      } {sc.loop_unroll_factor = 2 : i64, sc.parallel_access}
      %scan3A_60 = arith.constant 0 : i32
      scf.yield %scan3A_60 : i32
    }
    %scan3A_17 = arith.constant 8 : i32
    "tpu.region"() ({
      %run_scoped3A = tpu.sem_alloc : memref<!tpu.dma_semaphore, #tpu.memory_space<semaphore_mem>>
      %dma_start3A_18 = arith.constant 0 : i32
      %dma_start3A_19 = tpu.memref_slice %arg4[%add3A, %dma_start3A_18] : memref<32x16416xf32, #tpu.memory_space<hbm>> -> memref<1x16416xf32, #tpu.memory_space<hbm>>
      %dma_start3A_20 = tpu.memref_squeeze %dma_start3A_19 : memref<1x16416xf32, #tpu.memory_space<hbm>> -> memref<16416xf32, #tpu.memory_space<hbm>>
      %dma_start3A_21 = arith.constant 0 : i32
      %dma_start3A_22 = tpu.memref_slice %arg4[%add3A, %dma_start3A_21] : memref<32x16416xf32, #tpu.memory_space<hbm>> -> memref<1x16416xf32, #tpu.memory_space<hbm>>
      %dma_start3A_23 = tpu.memref_squeeze %dma_start3A_22 : memref<1x16416xf32, #tpu.memory_space<hbm>> -> memref<16416xf32, #tpu.memory_space<hbm>>
      tpu.enqueue_dma source(%arg8 : memref<16416xf32, #tpu.memory_space<vmem>>) target(%dma_start3A_23 : memref<16416xf32, #tpu.memory_space<hbm>>) target_semaphore(%run_scoped3A : memref<!tpu.dma_semaphore, #tpu.memory_space<semaphore_mem>>)
      %dma_wait3A = arith.constant 0 : i32
      %dma_wait3A_24 = tpu.memref_slice %arg4[%add3A, %dma_wait3A] : memref<32x16416xf32, #tpu.memory_space<hbm>> -> memref<1x16416xf32, #tpu.memory_space<hbm>>
      %dma_wait3A_25 = tpu.memref_squeeze %dma_wait3A_24 : memref<1x16416xf32, #tpu.memory_space<hbm>> -> memref<16416xf32, #tpu.memory_space<hbm>>
      %dma_wait3A_26 = arith.constant 0 : i32
      %dma_wait3A_27 = tpu.memref_slice %arg4[%add3A, %dma_wait3A_26] : memref<32x16416xf32, #tpu.memory_space<hbm>> -> memref<1x16416xf32, #tpu.memory_space<hbm>>
      %dma_wait3A_28 = tpu.memref_squeeze %dma_wait3A_27 : memref<1x16416xf32, #tpu.memory_space<hbm>> -> memref<16416xf32, #tpu.memory_space<hbm>>
      tpu.wait_dma2 semaphore(%run_scoped3A : memref<!tpu.dma_semaphore, #tpu.memory_space<semaphore_mem>>) src(%arg8 : memref<16416xf32, #tpu.memory_space<vmem>>) dst(%dma_wait3A_28 : memref<16416xf32, #tpu.memory_space<hbm>>)
      tpu.yield
    }) : () -> ()
    "tpu.region"() ({
      %run_scoped3A = tpu.sem_alloc : memref<!tpu.dma_semaphore, #tpu.memory_space<semaphore_mem>>
      %dma_start3A_18 = arith.constant 0 : i32
      %dma_start3A_19 = tpu.memref_slice %arg5[%add3A, %dma_start3A_18] : memref<32x16416xf32, #tpu.memory_space<hbm>> -> memref<1x16416xf32, #tpu.memory_space<hbm>>
      %dma_start3A_20 = tpu.memref_squeeze %dma_start3A_19 : memref<1x16416xf32, #tpu.memory_space<hbm>> -> memref<16416xf32, #tpu.memory_space<hbm>>
      %dma_start3A_21 = arith.constant 0 : i32
      %dma_start3A_22 = tpu.memref_slice %arg5[%add3A, %dma_start3A_21] : memref<32x16416xf32, #tpu.memory_space<hbm>> -> memref<1x16416xf32, #tpu.memory_space<hbm>>
      %dma_start3A_23 = tpu.memref_squeeze %dma_start3A_22 : memref<1x16416xf32, #tpu.memory_space<hbm>> -> memref<16416xf32, #tpu.memory_space<hbm>>
      tpu.enqueue_dma source(%arg9 : memref<16416xf32, #tpu.memory_space<vmem>>) target(%dma_start3A_23 : memref<16416xf32, #tpu.memory_space<hbm>>) target_semaphore(%run_scoped3A : memref<!tpu.dma_semaphore, #tpu.memory_space<semaphore_mem>>)
      %dma_wait3A = arith.constant 0 : i32
      %dma_wait3A_24 = tpu.memref_slice %arg5[%add3A, %dma_wait3A] : memref<32x16416xf32, #tpu.memory_space<hbm>> -> memref<1x16416xf32, #tpu.memory_space<hbm>>
      %dma_wait3A_25 = tpu.memref_squeeze %dma_wait3A_24 : memref<1x16416xf32, #tpu.memory_space<hbm>> -> memref<16416xf32, #tpu.memory_space<hbm>>
      %dma_wait3A_26 = arith.constant 0 : i32
      %dma_wait3A_27 = tpu.memref_slice %arg5[%add3A, %dma_wait3A_26] : memref<32x16416xf32, #tpu.memory_space<hbm>> -> memref<1x16416xf32, #tpu.memory_space<hbm>>
      %dma_wait3A_28 = tpu.memref_squeeze %dma_wait3A_27 : memref<1x16416xf32, #tpu.memory_space<hbm>> -> memref<16416xf32, #tpu.memory_space<hbm>>
      tpu.wait_dma2 semaphore(%run_scoped3A : memref<!tpu.dma_semaphore, #tpu.memory_space<semaphore_mem>>) src(%arg9 : memref<16416xf32, #tpu.memory_space<vmem>>) dst(%dma_wait3A_28 : memref<16416xf32, #tpu.memory_space<hbm>>)
      tpu.yield
    }) : () -> ()
    return
  }
}

#map = affine_map<(d0, d1) -> (0, 0)>
module attributes {stable_mosaic.version = 14 : i64} {
  func.func @sc_hist(%arg0: i32, %arg1: i32, %arg2: memref<147456x128xf32, #tpu.memory_space<hbm>>, %arg3: memref<32x16xi32, #tpu.memory_space<hbm>>, %arg4: memref<32x32768xf32, #tpu.memory_space<hbm>>, %arg5: memref<288x96xf32, #tpu.memory_space<vmem>>, %arg6: memref<288x96xf32, #tpu.memory_space<vmem>>, %arg7: memref<32768xf32, #tpu.memory_space<vmem>>, %arg8: memref<16xi32, #tpu.memory_space<vmem>>, %arg9: memref<!tpu.dma_semaphore, #tpu.memory_space<semaphore_mem>>, %arg10: memref<!tpu.dma_semaphore, #tpu.memory_space<semaphore_mem>>) attributes {dimension_semantics = [#tpu.dimension_semantics<core_parallel>, #tpu.dimension_semantics<subcore_parallel>], iteration_bounds = array<i64: 2, 16>, scalar_prefetch = 0 : i64, scratch_operands = 6 : i64, tpu.core_type = #tpu.core_type<sc_vector_subcore>, window_params = [{transform_indices = #map}, {transform_indices = #map}, {transform_indices = #map}]} {
    %mul3A = arith.constant 2 : i32
    %mul3A_0 = arith.muli %arg1, %mul3A : i32
    %add3A = arith.addi %mul3A_0, %arg0 : i32
    %mul3A_1 = arith.constant 4608 : i32
    %mul3A_2 = arith.muli %add3A, %mul3A_1 : i32
    %broadcast_in_dim3A = arith.constant 0.000000e+00 : f32
    %broadcast_in_dim3A_3 = vector.broadcast %broadcast_in_dim3A : f32 to vector<16xf32>
    %parallel_loop3A = arith.constant 0 : i32
    %parallel_loop3A_4 = arith.constant 2048 : i32
    %parallel_loop3A_5 = arith.constant 1 : i32
    scf.for %parallel_loop3A_18 = %parallel_loop3A to %parallel_loop3A_4 step %parallel_loop3A_5  : i32 {
      %parallel_loop3A_19 = arith.constant 16 : i32
      %parallel_loop3A_20 = arith.muli %parallel_loop3A_18, %parallel_loop3A_19 : i32
      %parallel_loop3A_21 = arith.index_cast %parallel_loop3A_20 : i32 to index
      %parallel_loop3A_22 = tpu.vector_load %arg7[%parallel_loop3A_21] {strides = array<i32>} : memref<32768xf32, #tpu.memory_space<vmem>>, vector<16xf32>,
      tpu.vector_store %arg7[%parallel_loop3A_21], %broadcast_in_dim3A_3 {strides = array<i32>} : memref<32768xf32, #tpu.memory_space<vmem>>, vector<16xf32>,
    } {sc.loop_unroll_factor = 4 : i64, sc.parallel_access}
    "tpu.region"() ({
      %run_scoped3A = tpu.sem_alloc : memref<!tpu.dma_semaphore, #tpu.memory_space<semaphore_mem>>
      %dma_start3A_18 = arith.constant 0 : i32
      %dma_start3A_19 = tpu.memref_slice %arg3[%add3A, %dma_start3A_18] : memref<32x16xi32, #tpu.memory_space<hbm>> -> memref<1x16xi32, #tpu.memory_space<hbm>>
      %dma_start3A_20 = tpu.memref_squeeze %dma_start3A_19 : memref<1x16xi32, #tpu.memory_space<hbm>> -> memref<16xi32, #tpu.memory_space<hbm>>
      %dma_start3A_21 = arith.constant 0 : i32
      %dma_start3A_22 = tpu.memref_slice %arg3[%add3A, %dma_start3A_21] : memref<32x16xi32, #tpu.memory_space<hbm>> -> memref<1x16xi32, #tpu.memory_space<hbm>>
      %dma_start3A_23 = tpu.memref_squeeze %dma_start3A_22 : memref<1x16xi32, #tpu.memory_space<hbm>> -> memref<16xi32, #tpu.memory_space<hbm>>
      tpu.enqueue_dma source(%dma_start3A_23 : memref<16xi32, #tpu.memory_space<hbm>>) target(%arg8 : memref<16xi32, #tpu.memory_space<vmem>>) target_semaphore(%run_scoped3A : memref<!tpu.dma_semaphore, #tpu.memory_space<semaphore_mem>>)
      %dma_wait3A = arith.constant 0 : i32
      %dma_wait3A_24 = tpu.memref_slice %arg3[%add3A, %dma_wait3A] : memref<32x16xi32, #tpu.memory_space<hbm>> -> memref<1x16xi32, #tpu.memory_space<hbm>>
      %dma_wait3A_25 = tpu.memref_squeeze %dma_wait3A_24 : memref<1x16xi32, #tpu.memory_space<hbm>> -> memref<16xi32, #tpu.memory_space<hbm>>
      %dma_wait3A_26 = arith.constant 0 : i32
      %dma_wait3A_27 = tpu.memref_slice %arg3[%add3A, %dma_wait3A_26] : memref<32x16xi32, #tpu.memory_space<hbm>> -> memref<1x16xi32, #tpu.memory_space<hbm>>
      %dma_wait3A_28 = tpu.memref_squeeze %dma_wait3A_27 : memref<1x16xi32, #tpu.memory_space<hbm>> -> memref<16xi32, #tpu.memory_space<hbm>>
      tpu.wait_dma2 semaphore(%run_scoped3A : memref<!tpu.dma_semaphore, #tpu.memory_space<semaphore_mem>>) src(%dma_wait3A_28 : memref<16xi32, #tpu.memory_space<hbm>>) dst(%arg8 : memref<16xi32, #tpu.memory_space<vmem>>)
      tpu.yield
    }) : () -> ()
    %get3A = arith.constant 0 : index
    %get3A_6 = tpu.vector_load %arg8[%get3A] {strides = array<i32>} : memref<16xi32, #tpu.memory_space<vmem>>, vector<16xi32>,
    %iota3A = tpu.iota {dimensions = array<i32: 0>} : vector<16xi32>
    %add3A_7 = arith.constant 0 : i32
    %add3A_8 = arith.addi %mul3A_2, %add3A_7 : i32
    %dma_start3A = arith.constant 0 : i32
    %dma_start3A_9 = tpu.memref_slice %arg2[%add3A_8, %dma_start3A] : memref<147456x128xf32, #tpu.memory_space<hbm>> -> memref<288x96xf32, #tpu.memory_space<hbm>>
    %dma_start3A_10 = arith.constant 0 : i32
    %dma_start3A_11 = tpu.memref_slice %arg2[%add3A_8, %dma_start3A_10] : memref<147456x128xf32, #tpu.memory_space<hbm>> -> memref<288x96xf32, #tpu.memory_space<hbm>>
    tpu.enqueue_dma source(%dma_start3A_11 : memref<288x96xf32, #tpu.memory_space<hbm>>) target(%arg5 : memref<288x96xf32, #tpu.memory_space<vmem>>) target_semaphore(%arg9 : memref<!tpu.dma_semaphore, #tpu.memory_space<semaphore_mem>>)
    %scan3A = arith.constant 0 : i32
    %scan3A_12 = arith.constant 0 : i32
    %scan3A_13 = arith.constant 8 : i32
    %scan3A_14 = arith.addi %scan3A_12, %scan3A_13 : i32
    %scan3A_15 = arith.constant 1 : i32
    %scan3A_16 = scf.for %scan3A_18 = %scan3A_12 to %scan3A_14 step %scan3A_15 iter_args(%scan3A_19 = %scan3A) -> (i32)  : i32 {
      %mul3A_20 = arith.constant 2 : i32
      %mul3A_21 = arith.muli %scan3A_18, %mul3A_20 : i32
      %add3A_22 = arith.constant 1 : i32
      %add3A_23 = arith.addi %mul3A_21, %add3A_22 : i32
      %mul3A_24 = arith.constant 288 : i32
      %mul3A_25 = arith.muli %add3A_23, %mul3A_24 : i32
      %add3A_26 = arith.addi %mul3A_2, %mul3A_25 : i32
      %dma_start3A_27 = arith.constant 0 : i32
      %dma_start3A_28 = tpu.memref_slice %arg2[%add3A_26, %dma_start3A_27] : memref<147456x128xf32, #tpu.memory_space<hbm>> -> memref<288x96xf32, #tpu.memory_space<hbm>>
      %dma_start3A_29 = arith.constant 0 : i32
      %dma_start3A_30 = tpu.memref_slice %arg2[%add3A_26, %dma_start3A_29] : memref<147456x128xf32, #tpu.memory_space<hbm>> -> memref<288x96xf32, #tpu.memory_space<hbm>>
      tpu.enqueue_dma source(%dma_start3A_30 : memref<288x96xf32, #tpu.memory_space<hbm>>) target(%arg6 : memref<288x96xf32, #tpu.memory_space<vmem>>) target_semaphore(%arg10 : memref<!tpu.dma_semaphore, #tpu.memory_space<semaphore_mem>>)
      %mul3A_31 = arith.constant 288 : i32
      %mul3A_32 = arith.muli %mul3A_21, %mul3A_31 : i32
      %add3A_33 = arith.addi %mul3A_2, %mul3A_32 : i32
      %dma_wait3A = arith.constant 0 : i32
      %dma_wait3A_34 = tpu.memref_slice %arg2[%add3A_33, %dma_wait3A] : memref<147456x128xf32, #tpu.memory_space<hbm>> -> memref<288x96xf32, #tpu.memory_space<hbm>>
      %dma_wait3A_35 = arith.constant 0 : i32
      %dma_wait3A_36 = tpu.memref_slice %arg2[%add3A_33, %dma_wait3A_35] : memref<147456x128xf32, #tpu.memory_space<hbm>> -> memref<288x96xf32, #tpu.memory_space<hbm>>
      tpu.wait_dma2 semaphore(%arg9 : memref<!tpu.dma_semaphore, #tpu.memory_space<semaphore_mem>>) src(%dma_wait3A_36 : memref<288x96xf32, #tpu.memory_space<hbm>>) dst(%arg5 : memref<288x96xf32, #tpu.memory_space<vmem>>)
      %broadcast_in_dim3A_37 = arith.constant 1.000000e+00 : f32
      %broadcast_in_dim3A_38 = vector.broadcast %broadcast_in_dim3A_37 : f32 to vector<16xf32>
      %parallel_loop3A_39 = arith.constant 0 : i32
      %parallel_loop3A_40 = arith.constant 288 : i32
      %parallel_loop3A_41 = arith.constant 1 : i32
      scf.for %parallel_loop3A_61 = %parallel_loop3A_39 to %parallel_loop3A_40 step %parallel_loop3A_41  : i32 {
        %parallel_loop3A_62 = arith.index_cast %parallel_loop3A_61 : i32 to index
        %parallel_loop3A_63 = arith.constant 0 : index
        %parallel_loop3A_64 = tpu.vector_load %arg5[%parallel_loop3A_62, %parallel_loop3A_63] {strides = array<i32>} : memref<288x96xf32, #tpu.memory_space<vmem>>, vector<16xf32>,
        %parallel_loop3A_65 = tpu.bitcast %parallel_loop3A_64 : vector<16xf32> -> vector<16xi32>
        %parallel_loop3A_66 = arith.subi %parallel_loop3A_65, %get3A_6 : vector<16xi32>
        %parallel_loop3A_67 = arith.constant 20 : i32
        %parallel_loop3A_68 = vector.broadcast %parallel_loop3A_67 : i32 to vector<16xi32>
        %parallel_loop3A_69 = arith.shrsi %parallel_loop3A_66, %parallel_loop3A_68 : vector<16xi32>
        %parallel_loop3A_70 = arith.constant 4 : i32
        %parallel_loop3A_71 = vector.broadcast %parallel_loop3A_70 : i32 to vector<16xi32>
        %parallel_loop3A_72 = arith.shli %parallel_loop3A_69, %parallel_loop3A_71 : vector<16xi32>
        %parallel_loop3A_73 = arith.ori %parallel_loop3A_72, %iota3A : vector<16xi32>
        tpu.vector_store_idx %arg7[%parallel_loop3A_73], %broadcast_in_dim3A_38 {add = true} : memref<32768xf32, #tpu.memory_space<vmem>>[vector<16xi32>], vector<16xf32>,
        %parallel_loop3A_74 = arith.index_cast %parallel_loop3A_61 : i32 to index
        %parallel_loop3A_75 = arith.constant 16 : index
        %parallel_loop3A_76 = tpu.vector_load %arg5[%parallel_loop3A_74, %parallel_loop3A_75] {strides = array<i32>} : memref<288x96xf32, #tpu.memory_space<vmem>>, vector<16xf32>,
        %parallel_loop3A_77 = tpu.bitcast %parallel_loop3A_76 : vector<16xf32> -> vector<16xi32>
        %parallel_loop3A_78 = arith.subi %parallel_loop3A_77, %get3A_6 : vector<16xi32>
        %parallel_loop3A_79 = arith.constant 20 : i32
        %parallel_loop3A_80 = vector.broadcast %parallel_loop3A_79 : i32 to vector<16xi32>
        %parallel_loop3A_81 = arith.shrsi %parallel_loop3A_78, %parallel_loop3A_80 : vector<16xi32>
        %parallel_loop3A_82 = arith.constant 4 : i32
        %parallel_loop3A_83 = vector.broadcast %parallel_loop3A_82 : i32 to vector<16xi32>
        %parallel_loop3A_84 = arith.shli %parallel_loop3A_81, %parallel_loop3A_83 : vector<16xi32>
        %parallel_loop3A_85 = arith.ori %parallel_loop3A_84, %iota3A : vector<16xi32>
        tpu.vector_store_idx %arg7[%parallel_loop3A_85], %broadcast_in_dim3A_38 {add = true} : memref<32768xf32, #tpu.memory_space<vmem>>[vector<16xi32>], vector<16xf32>,
        %parallel_loop3A_86 = arith.index_cast %parallel_loop3A_61 : i32 to index
        %parallel_loop3A_87 = arith.constant 32 : index
        %parallel_loop3A_88 = tpu.vector_load %arg5[%parallel_loop3A_86, %parallel_loop3A_87] {strides = array<i32>} : memref<288x96xf32, #tpu.memory_space<vmem>>, vector<16xf32>,
        %parallel_loop3A_89 = tpu.bitcast %parallel_loop3A_88 : vector<16xf32> -> vector<16xi32>
        %parallel_loop3A_90 = arith.subi %parallel_loop3A_89, %get3A_6 : vector<16xi32>
        %parallel_loop3A_91 = arith.constant 20 : i32
        %parallel_loop3A_92 = vector.broadcast %parallel_loop3A_91 : i32 to vector<16xi32>
        %parallel_loop3A_93 = arith.shrsi %parallel_loop3A_90, %parallel_loop3A_92 : vector<16xi32>
        %parallel_loop3A_94 = arith.constant 4 : i32
        %parallel_loop3A_95 = vector.broadcast %parallel_loop3A_94 : i32 to vector<16xi32>
        %parallel_loop3A_96 = arith.shli %parallel_loop3A_93, %parallel_loop3A_95 : vector<16xi32>
        %parallel_loop3A_97 = arith.ori %parallel_loop3A_96, %iota3A : vector<16xi32>
        tpu.vector_store_idx %arg7[%parallel_loop3A_97], %broadcast_in_dim3A_38 {add = true} : memref<32768xf32, #tpu.memory_space<vmem>>[vector<16xi32>], vector<16xf32>,
        %parallel_loop3A_98 = arith.index_cast %parallel_loop3A_61 : i32 to index
        %parallel_loop3A_99 = arith.constant 48 : index
        %parallel_loop3A_100 = tpu.vector_load %arg5[%parallel_loop3A_98, %parallel_loop3A_99] {strides = array<i32>} : memref<288x96xf32, #tpu.memory_space<vmem>>, vector<16xf32>,
        %parallel_loop3A_101 = tpu.bitcast %parallel_loop3A_100 : vector<16xf32> -> vector<16xi32>
        %parallel_loop3A_102 = arith.subi %parallel_loop3A_101, %get3A_6 : vector<16xi32>
        %parallel_loop3A_103 = arith.constant 20 : i32
        %parallel_loop3A_104 = vector.broadcast %parallel_loop3A_103 : i32 to vector<16xi32>
        %parallel_loop3A_105 = arith.shrsi %parallel_loop3A_102, %parallel_loop3A_104 : vector<16xi32>
        %parallel_loop3A_106 = arith.constant 4 : i32
        %parallel_loop3A_107 = vector.broadcast %parallel_loop3A_106 : i32 to vector<16xi32>
        %parallel_loop3A_108 = arith.shli %parallel_loop3A_105, %parallel_loop3A_107 : vector<16xi32>
        %parallel_loop3A_109 = arith.ori %parallel_loop3A_108, %iota3A : vector<16xi32>
        tpu.vector_store_idx %arg7[%parallel_loop3A_109], %broadcast_in_dim3A_38 {add = true} : memref<32768xf32, #tpu.memory_space<vmem>>[vector<16xi32>], vector<16xf32>,
        %parallel_loop3A_110 = arith.index_cast %parallel_loop3A_61 : i32 to index
        %parallel_loop3A_111 = arith.constant 64 : index
        %parallel_loop3A_112 = tpu.vector_load %arg5[%parallel_loop3A_110, %parallel_loop3A_111] {strides = array<i32>} : memref<288x96xf32, #tpu.memory_space<vmem>>, vector<16xf32>,
        %parallel_loop3A_113 = tpu.bitcast %parallel_loop3A_112 : vector<16xf32> -> vector<16xi32>
        %parallel_loop3A_114 = arith.subi %parallel_loop3A_113, %get3A_6 : vector<16xi32>
        %parallel_loop3A_115 = arith.constant 20 : i32
        %parallel_loop3A_116 = vector.broadcast %parallel_loop3A_115 : i32 to vector<16xi32>
        %parallel_loop3A_117 = arith.shrsi %parallel_loop3A_114, %parallel_loop3A_116 : vector<16xi32>
        %parallel_loop3A_118 = arith.constant 4 : i32
        %parallel_loop3A_119 = vector.broadcast %parallel_loop3A_118 : i32 to vector<16xi32>
        %parallel_loop3A_120 = arith.shli %parallel_loop3A_117, %parallel_loop3A_119 : vector<16xi32>
        %parallel_loop3A_121 = arith.ori %parallel_loop3A_120, %iota3A : vector<16xi32>
        tpu.vector_store_idx %arg7[%parallel_loop3A_121], %broadcast_in_dim3A_38 {add = true} : memref<32768xf32, #tpu.memory_space<vmem>>[vector<16xi32>], vector<16xf32>,
        %parallel_loop3A_122 = arith.index_cast %parallel_loop3A_61 : i32 to index
        %parallel_loop3A_123 = arith.constant 80 : index
        %parallel_loop3A_124 = tpu.vector_load %arg5[%parallel_loop3A_122, %parallel_loop3A_123] {strides = array<i32>} : memref<288x96xf32, #tpu.memory_space<vmem>>, vector<16xf32>,
        %parallel_loop3A_125 = tpu.bitcast %parallel_loop3A_124 : vector<16xf32> -> vector<16xi32>
        %parallel_loop3A_126 = arith.subi %parallel_loop3A_125, %get3A_6 : vector<16xi32>
        %parallel_loop3A_127 = arith.constant 20 : i32
        %parallel_loop3A_128 = vector.broadcast %parallel_loop3A_127 : i32 to vector<16xi32>
        %parallel_loop3A_129 = arith.shrsi %parallel_loop3A_126, %parallel_loop3A_128 : vector<16xi32>
        %parallel_loop3A_130 = arith.constant 4 : i32
        %parallel_loop3A_131 = vector.broadcast %parallel_loop3A_130 : i32 to vector<16xi32>
        %parallel_loop3A_132 = arith.shli %parallel_loop3A_129, %parallel_loop3A_131 : vector<16xi32>
        %parallel_loop3A_133 = arith.ori %parallel_loop3A_132, %iota3A : vector<16xi32>
        tpu.vector_store_idx %arg7[%parallel_loop3A_133], %broadcast_in_dim3A_38 {add = true} : memref<32768xf32, #tpu.memory_space<vmem>>[vector<16xi32>], vector<16xf32>,
      } {sc.loop_unroll_factor = 2 : i64, sc.parallel_access}
      %add3A_42 = arith.constant 2 : i32
      %add3A_43 = arith.addi %mul3A_21, %add3A_42 : i32
      %lt3A = arith.constant 16 : i32
      %lt3A_44 = arith.cmpi slt, %add3A_43, %lt3A : i32
      %convert_element_type3A = arith.extui %lt3A_44 : i1 to i32
      %cond3A = arith.constant 0 : i32
      %cond3A_45 = arith.cmpi ne, %convert_element_type3A, %cond3A : i32
      scf.if %cond3A_45 {
        %add3A_61 = arith.constant 2 : i32
        %add3A_62 = arith.addi %mul3A_21, %add3A_61 : i32
        %mul3A_63 = arith.constant 288 : i32
        %mul3A_64 = arith.muli %add3A_62, %mul3A_63 : i32
        %add3A_65 = arith.addi %mul3A_2, %mul3A_64 : i32
        %dma_start3A_66 = arith.constant 0 : i32
        %dma_start3A_67 = tpu.memref_slice %arg2[%add3A_65, %dma_start3A_66] : memref<147456x128xf32, #tpu.memory_space<hbm>> -> memref<288x96xf32, #tpu.memory_space<hbm>>
        %dma_start3A_68 = arith.constant 0 : i32
        %dma_start3A_69 = tpu.memref_slice %arg2[%add3A_65, %dma_start3A_68] : memref<147456x128xf32, #tpu.memory_space<hbm>> -> memref<288x96xf32, #tpu.memory_space<hbm>>
        tpu.enqueue_dma source(%dma_start3A_69 : memref<288x96xf32, #tpu.memory_space<hbm>>) target(%arg5 : memref<288x96xf32, #tpu.memory_space<vmem>>) target_semaphore(%arg9 : memref<!tpu.dma_semaphore, #tpu.memory_space<semaphore_mem>>)
      } else {
      }
      %add3A_46 = arith.constant 1 : i32
      %add3A_47 = arith.addi %mul3A_21, %add3A_46 : i32
      %mul3A_48 = arith.constant 288 : i32
      %mul3A_49 = arith.muli %add3A_47, %mul3A_48 : i32
      %add3A_50 = arith.addi %mul3A_2, %mul3A_49 : i32
      %dma_wait3A_51 = arith.constant 0 : i32
      %dma_wait3A_52 = tpu.memref_slice %arg2[%add3A_50, %dma_wait3A_51] : memref<147456x128xf32, #tpu.memory_space<hbm>> -> memref<288x96xf32, #tpu.memory_space<hbm>>
      %dma_wait3A_53 = arith.constant 0 : i32
      %dma_wait3A_54 = tpu.memref_slice %arg2[%add3A_50, %dma_wait3A_53] : memref<147456x128xf32, #tpu.memory_space<hbm>> -> memref<288x96xf32, #tpu.memory_space<hbm>>
      tpu.wait_dma2 semaphore(%arg10 : memref<!tpu.dma_semaphore, #tpu.memory_space<semaphore_mem>>) src(%dma_wait3A_54 : memref<288x96xf32, #tpu.memory_space<hbm>>) dst(%arg6 : memref<288x96xf32, #tpu.memory_space<vmem>>)
      %broadcast_in_dim3A_55 = arith.constant 1.000000e+00 : f32
      %broadcast_in_dim3A_56 = vector.broadcast %broadcast_in_dim3A_55 : f32 to vector<16xf32>
      %parallel_loop3A_57 = arith.constant 0 : i32
      %parallel_loop3A_58 = arith.constant 288 : i32
      %parallel_loop3A_59 = arith.constant 1 : i32
      scf.for %parallel_loop3A_61 = %parallel_loop3A_57 to %parallel_loop3A_58 step %parallel_loop3A_59  : i32 {
        %parallel_loop3A_62 = arith.index_cast %parallel_loop3A_61 : i32 to index
        %parallel_loop3A_63 = arith.constant 0 : index
        %parallel_loop3A_64 = tpu.vector_load %arg6[%parallel_loop3A_62, %parallel_loop3A_63] {strides = array<i32>} : memref<288x96xf32, #tpu.memory_space<vmem>>, vector<16xf32>,
        %parallel_loop3A_65 = tpu.bitcast %parallel_loop3A_64 : vector<16xf32> -> vector<16xi32>
        %parallel_loop3A_66 = arith.subi %parallel_loop3A_65, %get3A_6 : vector<16xi32>
        %parallel_loop3A_67 = arith.constant 20 : i32
        %parallel_loop3A_68 = vector.broadcast %parallel_loop3A_67 : i32 to vector<16xi32>
        %parallel_loop3A_69 = arith.shrsi %parallel_loop3A_66, %parallel_loop3A_68 : vector<16xi32>
        %parallel_loop3A_70 = arith.constant 4 : i32
        %parallel_loop3A_71 = vector.broadcast %parallel_loop3A_70 : i32 to vector<16xi32>
        %parallel_loop3A_72 = arith.shli %parallel_loop3A_69, %parallel_loop3A_71 : vector<16xi32>
        %parallel_loop3A_73 = arith.ori %parallel_loop3A_72, %iota3A : vector<16xi32>
        tpu.vector_store_idx %arg7[%parallel_loop3A_73], %broadcast_in_dim3A_56 {add = true} : memref<32768xf32, #tpu.memory_space<vmem>>[vector<16xi32>], vector<16xf32>,
        %parallel_loop3A_74 = arith.index_cast %parallel_loop3A_61 : i32 to index
        %parallel_loop3A_75 = arith.constant 16 : index
        %parallel_loop3A_76 = tpu.vector_load %arg6[%parallel_loop3A_74, %parallel_loop3A_75] {strides = array<i32>} : memref<288x96xf32, #tpu.memory_space<vmem>>, vector<16xf32>,
        %parallel_loop3A_77 = tpu.bitcast %parallel_loop3A_76 : vector<16xf32> -> vector<16xi32>
        %parallel_loop3A_78 = arith.subi %parallel_loop3A_77, %get3A_6 : vector<16xi32>
        %parallel_loop3A_79 = arith.constant 20 : i32
        %parallel_loop3A_80 = vector.broadcast %parallel_loop3A_79 : i32 to vector<16xi32>
        %parallel_loop3A_81 = arith.shrsi %parallel_loop3A_78, %parallel_loop3A_80 : vector<16xi32>
        %parallel_loop3A_82 = arith.constant 4 : i32
        %parallel_loop3A_83 = vector.broadcast %parallel_loop3A_82 : i32 to vector<16xi32>
        %parallel_loop3A_84 = arith.shli %parallel_loop3A_81, %parallel_loop3A_83 : vector<16xi32>
        %parallel_loop3A_85 = arith.ori %parallel_loop3A_84, %iota3A : vector<16xi32>
        tpu.vector_store_idx %arg7[%parallel_loop3A_85], %broadcast_in_dim3A_56 {add = true} : memref<32768xf32, #tpu.memory_space<vmem>>[vector<16xi32>], vector<16xf32>,
        %parallel_loop3A_86 = arith.index_cast %parallel_loop3A_61 : i32 to index
        %parallel_loop3A_87 = arith.constant 32 : index
        %parallel_loop3A_88 = tpu.vector_load %arg6[%parallel_loop3A_86, %parallel_loop3A_87] {strides = array<i32>} : memref<288x96xf32, #tpu.memory_space<vmem>>, vector<16xf32>,
        %parallel_loop3A_89 = tpu.bitcast %parallel_loop3A_88 : vector<16xf32> -> vector<16xi32>
        %parallel_loop3A_90 = arith.subi %parallel_loop3A_89, %get3A_6 : vector<16xi32>
        %parallel_loop3A_91 = arith.constant 20 : i32
        %parallel_loop3A_92 = vector.broadcast %parallel_loop3A_91 : i32 to vector<16xi32>
        %parallel_loop3A_93 = arith.shrsi %parallel_loop3A_90, %parallel_loop3A_92 : vector<16xi32>
        %parallel_loop3A_94 = arith.constant 4 : i32
        %parallel_loop3A_95 = vector.broadcast %parallel_loop3A_94 : i32 to vector<16xi32>
        %parallel_loop3A_96 = arith.shli %parallel_loop3A_93, %parallel_loop3A_95 : vector<16xi32>
        %parallel_loop3A_97 = arith.ori %parallel_loop3A_96, %iota3A : vector<16xi32>
        tpu.vector_store_idx %arg7[%parallel_loop3A_97], %broadcast_in_dim3A_56 {add = true} : memref<32768xf32, #tpu.memory_space<vmem>>[vector<16xi32>], vector<16xf32>,
        %parallel_loop3A_98 = arith.index_cast %parallel_loop3A_61 : i32 to index
        %parallel_loop3A_99 = arith.constant 48 : index
        %parallel_loop3A_100 = tpu.vector_load %arg6[%parallel_loop3A_98, %parallel_loop3A_99] {strides = array<i32>} : memref<288x96xf32, #tpu.memory_space<vmem>>, vector<16xf32>,
        %parallel_loop3A_101 = tpu.bitcast %parallel_loop3A_100 : vector<16xf32> -> vector<16xi32>
        %parallel_loop3A_102 = arith.subi %parallel_loop3A_101, %get3A_6 : vector<16xi32>
        %parallel_loop3A_103 = arith.constant 20 : i32
        %parallel_loop3A_104 = vector.broadcast %parallel_loop3A_103 : i32 to vector<16xi32>
        %parallel_loop3A_105 = arith.shrsi %parallel_loop3A_102, %parallel_loop3A_104 : vector<16xi32>
        %parallel_loop3A_106 = arith.constant 4 : i32
        %parallel_loop3A_107 = vector.broadcast %parallel_loop3A_106 : i32 to vector<16xi32>
        %parallel_loop3A_108 = arith.shli %parallel_loop3A_105, %parallel_loop3A_107 : vector<16xi32>
        %parallel_loop3A_109 = arith.ori %parallel_loop3A_108, %iota3A : vector<16xi32>
        tpu.vector_store_idx %arg7[%parallel_loop3A_109], %broadcast_in_dim3A_56 {add = true} : memref<32768xf32, #tpu.memory_space<vmem>>[vector<16xi32>], vector<16xf32>,
        %parallel_loop3A_110 = arith.index_cast %parallel_loop3A_61 : i32 to index
        %parallel_loop3A_111 = arith.constant 64 : index
        %parallel_loop3A_112 = tpu.vector_load %arg6[%parallel_loop3A_110, %parallel_loop3A_111] {strides = array<i32>} : memref<288x96xf32, #tpu.memory_space<vmem>>, vector<16xf32>,
        %parallel_loop3A_113 = tpu.bitcast %parallel_loop3A_112 : vector<16xf32> -> vector<16xi32>
        %parallel_loop3A_114 = arith.subi %parallel_loop3A_113, %get3A_6 : vector<16xi32>
        %parallel_loop3A_115 = arith.constant 20 : i32
        %parallel_loop3A_116 = vector.broadcast %parallel_loop3A_115 : i32 to vector<16xi32>
        %parallel_loop3A_117 = arith.shrsi %parallel_loop3A_114, %parallel_loop3A_116 : vector<16xi32>
        %parallel_loop3A_118 = arith.constant 4 : i32
        %parallel_loop3A_119 = vector.broadcast %parallel_loop3A_118 : i32 to vector<16xi32>
        %parallel_loop3A_120 = arith.shli %parallel_loop3A_117, %parallel_loop3A_119 : vector<16xi32>
        %parallel_loop3A_121 = arith.ori %parallel_loop3A_120, %iota3A : vector<16xi32>
        tpu.vector_store_idx %arg7[%parallel_loop3A_121], %broadcast_in_dim3A_56 {add = true} : memref<32768xf32, #tpu.memory_space<vmem>>[vector<16xi32>], vector<16xf32>,
        %parallel_loop3A_122 = arith.index_cast %parallel_loop3A_61 : i32 to index
        %parallel_loop3A_123 = arith.constant 80 : index
        %parallel_loop3A_124 = tpu.vector_load %arg6[%parallel_loop3A_122, %parallel_loop3A_123] {strides = array<i32>} : memref<288x96xf32, #tpu.memory_space<vmem>>, vector<16xf32>,
        %parallel_loop3A_125 = tpu.bitcast %parallel_loop3A_124 : vector<16xf32> -> vector<16xi32>
        %parallel_loop3A_126 = arith.subi %parallel_loop3A_125, %get3A_6 : vector<16xi32>
        %parallel_loop3A_127 = arith.constant 20 : i32
        %parallel_loop3A_128 = vector.broadcast %parallel_loop3A_127 : i32 to vector<16xi32>
        %parallel_loop3A_129 = arith.shrsi %parallel_loop3A_126, %parallel_loop3A_128 : vector<16xi32>
        %parallel_loop3A_130 = arith.constant 4 : i32
        %parallel_loop3A_131 = vector.broadcast %parallel_loop3A_130 : i32 to vector<16xi32>
        %parallel_loop3A_132 = arith.shli %parallel_loop3A_129, %parallel_loop3A_131 : vector<16xi32>
        %parallel_loop3A_133 = arith.ori %parallel_loop3A_132, %iota3A : vector<16xi32>
        tpu.vector_store_idx %arg7[%parallel_loop3A_133], %broadcast_in_dim3A_56 {add = true} : memref<32768xf32, #tpu.memory_space<vmem>>[vector<16xi32>], vector<16xf32>,
      } {sc.loop_unroll_factor = 2 : i64, sc.parallel_access}
      %scan3A_60 = arith.constant 0 : i32
      scf.yield %scan3A_60 : i32
    }
    %scan3A_17 = arith.constant 8 : i32
    "tpu.region"() ({
      %run_scoped3A = tpu.sem_alloc : memref<!tpu.dma_semaphore, #tpu.memory_space<semaphore_mem>>
      %dma_start3A_18 = arith.constant 0 : i32
      %dma_start3A_19 = tpu.memref_slice %arg4[%add3A, %dma_start3A_18] : memref<32x32768xf32, #tpu.memory_space<hbm>> -> memref<1x32768xf32, #tpu.memory_space<hbm>>
      %dma_start3A_20 = tpu.memref_squeeze %dma_start3A_19 : memref<1x32768xf32, #tpu.memory_space<hbm>> -> memref<32768xf32, #tpu.memory_space<hbm>>
      %dma_start3A_21 = arith.constant 0 : i32
      %dma_start3A_22 = tpu.memref_slice %arg4[%add3A, %dma_start3A_21] : memref<32x32768xf32, #tpu.memory_space<hbm>> -> memref<1x32768xf32, #tpu.memory_space<hbm>>
      %dma_start3A_23 = tpu.memref_squeeze %dma_start3A_22 : memref<1x32768xf32, #tpu.memory_space<hbm>> -> memref<32768xf32, #tpu.memory_space<hbm>>
      tpu.enqueue_dma source(%arg7 : memref<32768xf32, #tpu.memory_space<vmem>>) target(%dma_start3A_23 : memref<32768xf32, #tpu.memory_space<hbm>>) target_semaphore(%run_scoped3A : memref<!tpu.dma_semaphore, #tpu.memory_space<semaphore_mem>>)
      %dma_wait3A = arith.constant 0 : i32
      %dma_wait3A_24 = tpu.memref_slice %arg4[%add3A, %dma_wait3A] : memref<32x32768xf32, #tpu.memory_space<hbm>> -> memref<1x32768xf32, #tpu.memory_space<hbm>>
      %dma_wait3A_25 = tpu.memref_squeeze %dma_wait3A_24 : memref<1x32768xf32, #tpu.memory_space<hbm>> -> memref<32768xf32, #tpu.memory_space<hbm>>
      %dma_wait3A_26 = arith.constant 0 : i32
      %dma_wait3A_27 = tpu.memref_slice %arg4[%add3A, %dma_wait3A_26] : memref<32x32768xf32, #tpu.memory_space<hbm>> -> memref<1x32768xf32, #tpu.memory_space<hbm>>
      %dma_wait3A_28 = tpu.memref_squeeze %dma_wait3A_27 : memref<1x32768xf32, #tpu.memory_space<hbm>> -> memref<32768xf32, #tpu.memory_space<hbm>>
      tpu.wait_dma2 semaphore(%run_scoped3A : memref<!tpu.dma_semaphore, #tpu.memory_space<semaphore_mem>>) src(%arg7 : memref<32768xf32, #tpu.memory_space<vmem>>) dst(%dma_wait3A_28 : memref<32768xf32, #tpu.memory_space<hbm>>)
      tpu.yield
    }) : () -> ()
    return
  }
}

module attributes {stable_mosaic.version = 14 : i64} {
  func.func @_loss_body(%arg0: i32, %arg1: i32, %arg2: memref<2x7x3xi32, #tpu.memory_space<smem>>, %arg3: memref<2x7x3xi32, #tpu.memory_space<smem>>, %arg4: memref<1x8x8x96x96xf32, #tpu.memory_space<vmem>>, %arg5: memref<1x96x96x96xf32, #tpu.memory_space<vmem>>, %arg6: memref<1x8x8x96x128xf32, #tpu.memory_space<vmem>>) attributes {dimension_semantics = [#tpu.dimension_semantics<arbitrary>, #tpu.dimension_semantics<arbitrary>], iteration_bounds = array<i64: 2, 12>, scalar_prefetch = 0 : i64, scratch_operands = 0 : i64, tpu.core_type = #tpu.core_type<tc>, window_params = [{transform_indices = @transform_0, window_bounds = array<i64: 2, 7, 3>}, {transform_indices = @transform_1, window_bounds = array<i64: 2, 7, 3>}, {transform_indices = @transform_2, window_bounds = array<i64: 1, 8, 8, 96, 96>}, {transform_indices = @transform_3, window_bounds = array<i64: 1, 96, 96, 96>}, {transform_indices = @transform_4, window_bounds = array<i64: 1, 8, 8, 96, 128>}]} {
    %mul3A = arith.constant 8 : i32
    %mul3A_0 = arith.muli %arg1, %mul3A : i32
    %iota3A = tpu.iota {dimensions = array<i32: 0>} : vector<96x96xi32>
    %iota3A_1 = tpu.iota {dimensions = array<i32: 1>} : vector<96x96xi32>
    %broadcast_in_dim3A = arith.constant 0.000000e+00 : f32
    %broadcast_in_dim3A_2 = vector.broadcast %broadcast_in_dim3A : f32 to vector<8x96x96xf32>
    %get3A = arith.index_cast %arg0 : i32 to index
    %get3A_3 = arith.constant 0 : index
    %get3A_4 = arith.constant 0 : index
    %get3A_5 = memref.load %arg2[%get3A, %get3A_3, %get3A_4] : memref<2x7x3xi32, #tpu.memory_space<smem>>
    %get3A_6 = arith.index_cast %arg0 : i32 to index
    %get3A_7 = arith.constant 0 : index
    %get3A_8 = arith.constant 1 : index
    %get3A_9 = memref.load %arg2[%get3A_6, %get3A_7, %get3A_8] : memref<2x7x3xi32, #tpu.memory_space<smem>>
    %get3A_10 = arith.index_cast %arg0 : i32 to index
    %get3A_11 = arith.constant 0 : index
    %get3A_12 = arith.constant 2 : index
    %get3A_13 = memref.load %arg2[%get3A_10, %get3A_11, %get3A_12] : memref<2x7x3xi32, #tpu.memory_space<smem>>
    %get3A_14 = arith.index_cast %arg0 : i32 to index
    %get3A_15 = arith.constant 0 : index
    %get3A_16 = arith.constant 0 : index
    %get3A_17 = memref.load %arg3[%get3A_14, %get3A_15, %get3A_16] : memref<2x7x3xi32, #tpu.memory_space<smem>>
    %get3A_18 = arith.index_cast %arg0 : i32 to index
    %get3A_19 = arith.constant 0 : index
    %get3A_20 = arith.constant 1 : index
    %get3A_21 = memref.load %arg3[%get3A_18, %get3A_19, %get3A_20] : memref<2x7x3xi32, #tpu.memory_space<smem>>
    %get3A_22 = arith.index_cast %arg0 : i32 to index
    %get3A_23 = arith.constant 0 : index
    %get3A_24 = arith.constant 2 : index
    %get3A_25 = memref.load %arg3[%get3A_22, %get3A_23, %get3A_24] : memref<2x7x3xi32, #tpu.memory_space<smem>>
    %add3A = arith.constant 0 : i32
    %add3A_26 = arith.addi %mul3A_0, %add3A : i32
    %sub3A = arith.subi %add3A_26, %get3A_5 : i32
    %jit3A = arith.constant 0 : i32
    %jit3A_27 = arith.constant 95 : i32
    %max3A = arith.maxsi %jit3A, %sub3A : i32
    %min3A = arith.minsi %jit3A_27, %max3A : i32
    %get3A_28 = arith.constant 0 : index
    %get3A_29 = arith.index_cast %min3A : i32 to index
    %get3A_30 = arith.constant 0 : index
    %get3A_31 = arith.constant 0 : index
    %get3A_32 = vector.load %arg5[%get3A_28, %get3A_29, %get3A_30, %get3A_31] : memref<1x96x96x96xf32, #tpu.memory_space<vmem>>, vector<1x1x96x96xf32>
    %get3A_33 = vector.shape_cast %get3A_32 : vector<1x1x96x96xf32> to vector<1x96x96xf32>
    %ge3A = arith.constant 0 : i32
    %ge3A_34 = arith.cmpi sge, %sub3A, %ge3A : i32
    %add3A_35 = arith.constant 0 : i32
    %add3A_36 = arith.addi %mul3A_0, %add3A_35 : i32
    %lt3A = arith.cmpi slt, %add3A_36, %get3A_17 : i32
    %and3A = arith.andi %ge3A_34, %lt3A : i1
    %jit3A_37 = arith.constant 0.000000e+00 : f32
    %broadcast_in_dim3A_38 = vector.broadcast %jit3A_37 : f32 to vector<1x96x96xf32>
    %select_n3A = arith.select %and3A, %get3A_33, %broadcast_in_dim3A_38 : vector<1x96x96xf32>
    %add3A_39 = arith.constant 1 : i32
    %add3A_40 = arith.addi %mul3A_0, %add3A_39 : i32
    %sub3A_41 = arith.subi %add3A_40, %get3A_5 : i32
    %jit3A_42 = arith.constant 0 : i32
    %jit3A_43 = arith.constant 95 : i32
    %max3A_44 = arith.maxsi %jit3A_42, %sub3A_41 : i32
    %min3A_45 = arith.minsi %jit3A_43, %max3A_44 : i32
    %get3A_46 = arith.constant 0 : index
    %get3A_47 = arith.index_cast %min3A_45 : i32 to index
    %get3A_48 = arith.constant 0 : index
    %get3A_49 = arith.constant 0 : index
    %get3A_50 = vector.load %arg5[%get3A_46, %get3A_47, %get3A_48, %get3A_49] : memref<1x96x96x96xf32, #tpu.memory_space<vmem>>, vector<1x1x96x96xf32>
    %get3A_51 = vector.shape_cast %get3A_50 : vector<1x1x96x96xf32> to vector<1x96x96xf32>
    %ge3A_52 = arith.constant 0 : i32
    %ge3A_53 = arith.cmpi sge, %sub3A_41, %ge3A_52 : i32
    %add3A_54 = arith.constant 1 : i32
    %add3A_55 = arith.addi %mul3A_0, %add3A_54 : i32
    %lt3A_56 = arith.cmpi slt, %add3A_55, %get3A_17 : i32
    %and3A_57 = arith.andi %ge3A_53, %lt3A_56 : i1
    %jit3A_58 = arith.constant 0.000000e+00 : f32
    %broadcast_in_dim3A_59 = vector.broadcast %jit3A_58 : f32 to vector<1x96x96xf32>
    %select_n3A_60 = arith.select %and3A_57, %get3A_51, %broadcast_in_dim3A_59 : vector<1x96x96xf32>
    %add3A_61 = arith.constant 2 : i32
    %add3A_62 = arith.addi %mul3A_0, %add3A_61 : i32
    %sub3A_63 = arith.subi %add3A_62, %get3A_5 : i32
    %jit3A_64 = arith.constant 0 : i32
    %jit3A_65 = arith.constant 95 : i32
    %max3A_66 = arith.maxsi %jit3A_64, %sub3A_63 : i32
    %min3A_67 = arith.minsi %jit3A_65, %max3A_66 : i32
    %get3A_68 = arith.constant 0 : index
    %get3A_69 = arith.index_cast %min3A_67 : i32 to index
    %get3A_70 = arith.constant 0 : index
    %get3A_71 = arith.constant 0 : index
    %get3A_72 = vector.load %arg5[%get3A_68, %get3A_69, %get3A_70, %get3A_71] : memref<1x96x96x96xf32, #tpu.memory_space<vmem>>, vector<1x1x96x96xf32>
    %get3A_73 = vector.shape_cast %get3A_72 : vector<1x1x96x96xf32> to vector<1x96x96xf32>
    %ge3A_74 = arith.constant 0 : i32
    %ge3A_75 = arith.cmpi sge, %sub3A_63, %ge3A_74 : i32
    %add3A_76 = arith.constant 2 : i32
    %add3A_77 = arith.addi %mul3A_0, %add3A_76 : i32
    %lt3A_78 = arith.cmpi slt, %add3A_77, %get3A_17 : i32
    %and3A_79 = arith.andi %ge3A_75, %lt3A_78 : i1
    %jit3A_80 = arith.constant 0.000000e+00 : f32
    %broadcast_in_dim3A_81 = vector.broadcast %jit3A_80 : f32 to vector<1x96x96xf32>
    %select_n3A_82 = arith.select %and3A_79, %get3A_73, %broadcast_in_dim3A_81 : vector<1x96x96xf32>
    %add3A_83 = arith.constant 3 : i32
    %add3A_84 = arith.addi %mul3A_0, %add3A_83 : i32
    %sub3A_85 = arith.subi %add3A_84, %get3A_5 : i32
    %jit3A_86 = arith.constant 0 : i32
    %jit3A_87 = arith.constant 95 : i32
    %max3A_88 = arith.maxsi %jit3A_86, %sub3A_85 : i32
    %min3A_89 = arith.minsi %jit3A_87, %max3A_88 : i32
    %get3A_90 = arith.constant 0 : index
    %get3A_91 = arith.index_cast %min3A_89 : i32 to index
    %get3A_92 = arith.constant 0 : index
    %get3A_93 = arith.constant 0 : index
    %get3A_94 = vector.load %arg5[%get3A_90, %get3A_91, %get3A_92, %get3A_93] : memref<1x96x96x96xf32, #tpu.memory_space<vmem>>, vector<1x1x96x96xf32>
    %get3A_95 = vector.shape_cast %get3A_94 : vector<1x1x96x96xf32> to vector<1x96x96xf32>
    %ge3A_96 = arith.constant 0 : i32
    %ge3A_97 = arith.cmpi sge, %sub3A_85, %ge3A_96 : i32
    %add3A_98 = arith.constant 3 : i32
    %add3A_99 = arith.addi %mul3A_0, %add3A_98 : i32
    %lt3A_100 = arith.cmpi slt, %add3A_99, %get3A_17 : i32
    %and3A_101 = arith.andi %ge3A_97, %lt3A_100 : i1
    %jit3A_102 = arith.constant 0.000000e+00 : f32
    %broadcast_in_dim3A_103 = vector.broadcast %jit3A_102 : f32 to vector<1x96x96xf32>
    %select_n3A_104 = arith.select %and3A_101, %get3A_95, %broadcast_in_dim3A_103 : vector<1x96x96xf32>
    %add3A_105 = arith.constant 4 : i32
    %add3A_106 = arith.addi %mul3A_0, %add3A_105 : i32
    %sub3A_107 = arith.subi %add3A_106, %get3A_5 : i32
    %jit3A_108 = arith.constant 0 : i32
    %jit3A_109 = arith.constant 95 : i32
    %max3A_110 = arith.maxsi %jit3A_108, %sub3A_107 : i32
    %min3A_111 = arith.minsi %jit3A_109, %max3A_110 : i32
    %get3A_112 = arith.constant 0 : index
    %get3A_113 = arith.index_cast %min3A_111 : i32 to index
    %get3A_114 = arith.constant 0 : index
    %get3A_115 = arith.constant 0 : index
    %get3A_116 = vector.load %arg5[%get3A_112, %get3A_113, %get3A_114, %get3A_115] : memref<1x96x96x96xf32, #tpu.memory_space<vmem>>, vector<1x1x96x96xf32>
    %get3A_117 = vector.shape_cast %get3A_116 : vector<1x1x96x96xf32> to vector<1x96x96xf32>
    %ge3A_118 = arith.constant 0 : i32
    %ge3A_119 = arith.cmpi sge, %sub3A_107, %ge3A_118 : i32
    %add3A_120 = arith.constant 4 : i32
    %add3A_121 = arith.addi %mul3A_0, %add3A_120 : i32
    %lt3A_122 = arith.cmpi slt, %add3A_121, %get3A_17 : i32
    %and3A_123 = arith.andi %ge3A_119, %lt3A_122 : i1
    %jit3A_124 = arith.constant 0.000000e+00 : f32
    %broadcast_in_dim3A_125 = vector.broadcast %jit3A_124 : f32 to vector<1x96x96xf32>
    %select_n3A_126 = arith.select %and3A_123, %get3A_117, %broadcast_in_dim3A_125 : vector<1x96x96xf32>
    %add3A_127 = arith.constant 5 : i32
    %add3A_128 = arith.addi %mul3A_0, %add3A_127 : i32
    %sub3A_129 = arith.subi %add3A_128, %get3A_5 : i32
    %jit3A_130 = arith.constant 0 : i32
    %jit3A_131 = arith.constant 95 : i32
    %max3A_132 = arith.maxsi %jit3A_130, %sub3A_129 : i32
    %min3A_133 = arith.minsi %jit3A_131, %max3A_132 : i32
    %get3A_134 = arith.constant 0 : index
    %get3A_135 = arith.index_cast %min3A_133 : i32 to index
    %get3A_136 = arith.constant 0 : index
    %get3A_137 = arith.constant 0 : index
    %get3A_138 = vector.load %arg5[%get3A_134, %get3A_135, %get3A_136, %get3A_137] : memref<1x96x96x96xf32, #tpu.memory_space<vmem>>, vector<1x1x96x96xf32>
    %get3A_139 = vector.shape_cast %get3A_138 : vector<1x1x96x96xf32> to vector<1x96x96xf32>
    %ge3A_140 = arith.constant 0 : i32
    %ge3A_141 = arith.cmpi sge, %sub3A_129, %ge3A_140 : i32
    %add3A_142 = arith.constant 5 : i32
    %add3A_143 = arith.addi %mul3A_0, %add3A_142 : i32
    %lt3A_144 = arith.cmpi slt, %add3A_143, %get3A_17 : i32
    %and3A_145 = arith.andi %ge3A_141, %lt3A_144 : i1
    %jit3A_146 = arith.constant 0.000000e+00 : f32
    %broadcast_in_dim3A_147 = vector.broadcast %jit3A_146 : f32 to vector<1x96x96xf32>
    %select_n3A_148 = arith.select %and3A_145, %get3A_139, %broadcast_in_dim3A_147 : vector<1x96x96xf32>
    %add3A_149 = arith.constant 6 : i32
    %add3A_150 = arith.addi %mul3A_0, %add3A_149 : i32
    %sub3A_151 = arith.subi %add3A_150, %get3A_5 : i32
    %jit3A_152 = arith.constant 0 : i32
    %jit3A_153 = arith.constant 95 : i32
    %max3A_154 = arith.maxsi %jit3A_152, %sub3A_151 : i32
    %min3A_155 = arith.minsi %jit3A_153, %max3A_154 : i32
    %get3A_156 = arith.constant 0 : index
    %get3A_157 = arith.index_cast %min3A_155 : i32 to index
    %get3A_158 = arith.constant 0 : index
    %get3A_159 = arith.constant 0 : index
    %get3A_160 = vector.load %arg5[%get3A_156, %get3A_157, %get3A_158, %get3A_159] : memref<1x96x96x96xf32, #tpu.memory_space<vmem>>, vector<1x1x96x96xf32>
    %get3A_161 = vector.shape_cast %get3A_160 : vector<1x1x96x96xf32> to vector<1x96x96xf32>
    %ge3A_162 = arith.constant 0 : i32
    %ge3A_163 = arith.cmpi sge, %sub3A_151, %ge3A_162 : i32
    %add3A_164 = arith.constant 6 : i32
    %add3A_165 = arith.addi %mul3A_0, %add3A_164 : i32
    %lt3A_166 = arith.cmpi slt, %add3A_165, %get3A_17 : i32
    %and3A_167 = arith.andi %ge3A_163, %lt3A_166 : i1
    %jit3A_168 = arith.constant 0.000000e+00 : f32
    %broadcast_in_dim3A_169 = vector.broadcast %jit3A_168 : f32 to vector<1x96x96xf32>
    %select_n3A_170 = arith.select %and3A_167, %get3A_161, %broadcast_in_dim3A_169 : vector<1x96x96xf32>
    %add3A_171 = arith.constant 7 : i32
    %add3A_172 = arith.addi %mul3A_0, %add3A_171 : i32
    %sub3A_173 = arith.subi %add3A_172, %get3A_5 : i32
    %jit3A_174 = arith.constant 0 : i32
    %jit3A_175 = arith.constant 95 : i32
    %max3A_176 = arith.maxsi %jit3A_174, %sub3A_173 : i32
    %min3A_177 = arith.minsi %jit3A_175, %max3A_176 : i32
    %get3A_178 = arith.constant 0 : index
    %get3A_179 = arith.index_cast %min3A_177 : i32 to index
    %get3A_180 = arith.constant 0 : index
    %get3A_181 = arith.constant 0 : index
    %get3A_182 = vector.load %arg5[%get3A_178, %get3A_179, %get3A_180, %get3A_181] : memref<1x96x96x96xf32, #tpu.memory_space<vmem>>, vector<1x1x96x96xf32>
    %get3A_183 = vector.shape_cast %get3A_182 : vector<1x1x96x96xf32> to vector<1x96x96xf32>
    %ge3A_184 = arith.constant 0 : i32
    %ge3A_185 = arith.cmpi sge, %sub3A_173, %ge3A_184 : i32
    %add3A_186 = arith.constant 7 : i32
    %add3A_187 = arith.addi %mul3A_0, %add3A_186 : i32
    %lt3A_188 = arith.cmpi slt, %add3A_187, %get3A_17 : i32
    %and3A_189 = arith.andi %ge3A_185, %lt3A_188 : i1
    %jit3A_190 = arith.constant 0.000000e+00 : f32
    %broadcast_in_dim3A_191 = vector.broadcast %jit3A_190 : f32 to vector<1x96x96xf32>
    %select_n3A_192 = arith.select %and3A_189, %get3A_183, %broadcast_in_dim3A_191 : vector<1x96x96xf32>
    %concatenate3A = tpu.concatenate %select_n3A, %select_n3A_60, %select_n3A_82, %select_n3A_104, %select_n3A_126, %select_n3A_148, %select_n3A_170, %select_n3A_192 in 0 : vector<1x96x96xf32>, vector<1x96x96xf32>, vector<1x96x96xf32>, vector<1x96x96xf32>, vector<1x96x96xf32>, vector<1x96x96xf32>, vector<1x96x96xf32>, vector<1x96x96xf32> -> vector<8x96x96xf32>
    %sub3A_193 = vector.broadcast %get3A_9 : i32 to vector<96x96xi32>
    %sub3A_194 = arith.subi %iota3A_1, %sub3A_193 : vector<96x96xi32>
    %add3A_195 = arith.constant 96 : i32
    %add3A_196 = vector.broadcast %add3A_195 : i32 to vector<96x96xi32>
    %add3A_197 = arith.addi %sub3A_194, %add3A_196 : vector<96x96xi32>
    %jit3A_198 = arith.constant 96 : i32
    %eq3A = arith.constant 0 : i32
    %eq3A_199 = arith.cmpi eq, %jit3A_198, %eq3A : i32
    %jit3A_200 = arith.constant 1 : i32
    %select_n3A_201 = arith.select %eq3A_199, %jit3A_200, %jit3A_198 : i32
    %rem3A = vector.broadcast %select_n3A_201 : i32 to vector<96x96xi32>
    %rem3A_202 = arith.remsi %add3A_197, %rem3A : vector<96x96xi32>
    %ne3A = arith.constant 0 : i32
    %ne3A_203 = vector.broadcast %ne3A : i32 to vector<96x96xi32>
    %ne3A_204 = arith.cmpi ne, %rem3A_202, %ne3A_203 : vector<96x96xi32>
    %lt3A_205 = arith.constant 0 : i32
    %lt3A_206 = vector.broadcast %lt3A_205 : i32 to vector<96x96xi32>
    %lt3A_207 = arith.cmpi slt, %rem3A_202, %lt3A_206 : vector<96x96xi32>
    %lt3A_208 = arith.constant 0 : i32
    %lt3A_209 = arith.cmpi slt, %select_n3A_201, %lt3A_208 : i32
    %ne3A_210 = vector.broadcast %lt3A_209 : i1 to vector<96x96xi1>
    %ne3A_211 = vector.broadcast %ne3A_210 : vector<96x96xi1> to vector<96x96xi1>
    %ne3A_212 = arith.xori %lt3A_207, %ne3A_211 : vector<96x96xi1>
    %and3A_213 = arith.andi %ne3A_212, %ne3A_204 : vector<96x96xi1>
    %add3A_214 = vector.broadcast %select_n3A_201 : i32 to vector<96x96xi32>
    %add3A_215 = arith.addi %rem3A_202, %add3A_214 : vector<96x96xi32>
    %select_n3A_216 = arith.select %and3A_213, %add3A_215, %rem3A_202 : vector<96x96xi1>, vector<96x96xi32>
    %eq3A_217 = arith.cmpi eq, %iota3A, %select_n3A_216 : vector<96x96xi32>
    %ge3A_218 = vector.broadcast %get3A_9 : i32 to vector<96x96xi32>
    %ge3A_219 = arith.cmpi sge, %iota3A_1, %ge3A_218 : vector<96x96xi32>
    %and3A_220 = arith.andi %eq3A_217, %ge3A_219 : vector<96x96xi1>
    %lt3A_221 = vector.broadcast %get3A_21 : i32 to vector<96x96xi32>
    %lt3A_222 = arith.cmpi slt, %iota3A_1, %lt3A_221 : vector<96x96xi32>
    %and3A_223 = arith.andi %and3A_220, %lt3A_222 : vector<96x96xi1>
    %convert_element_type3A = arith.extui %and3A_223 : vector<96x96xi1> to vector<96x96xi32>
    %convert_element_type3A_224 = arith.sitofp %convert_element_type3A : vector<96x96xi32> to vector<96x96xf32>
    %sub3A_225 = vector.broadcast %get3A_13 : i32 to vector<96x96xi32>
    %sub3A_226 = arith.subi %iota3A_1, %sub3A_225 : vector<96x96xi32>
    %add3A_227 = arith.constant 96 : i32
    %add3A_228 = vector.broadcast %add3A_227 : i32 to vector<96x96xi32>
    %add3A_229 = arith.addi %sub3A_226, %add3A_228 : vector<96x96xi32>
    %jit3A_230 = arith.constant 96 : i32
    %eq3A_231 = arith.constant 0 : i32
    %eq3A_232 = arith.cmpi eq, %jit3A_230, %eq3A_231 : i32
    %jit3A_233 = arith.constant 1 : i32
    %select_n3A_234 = arith.select %eq3A_232, %jit3A_233, %jit3A_230 : i32
    %rem3A_235 = vector.broadcast %select_n3A_234 : i32 to vector<96x96xi32>
    %rem3A_236 = arith.remsi %add3A_229, %rem3A_235 : vector<96x96xi32>
    %ne3A_237 = arith.constant 0 : i32
    %ne3A_238 = vector.broadcast %ne3A_237 : i32 to vector<96x96xi32>
    %ne3A_239 = arith.cmpi ne, %rem3A_236, %ne3A_238 : vector<96x96xi32>
    %lt3A_240 = arith.constant 0 : i32
    %lt3A_241 = vector.broadcast %lt3A_240 : i32 to vector<96x96xi32>
    %lt3A_242 = arith.cmpi slt, %rem3A_236, %lt3A_241 : vector<96x96xi32>
    %lt3A_243 = arith.constant 0 : i32
    %lt3A_244 = arith.cmpi slt, %select_n3A_234, %lt3A_243 : i32
    %ne3A_245 = vector.broadcast %lt3A_244 : i1 to vector<96x96xi1>
    %ne3A_246 = vector.broadcast %ne3A_245 : vector<96x96xi1> to vector<96x96xi1>
    %ne3A_247 = arith.xori %lt3A_242, %ne3A_246 : vector<96x96xi1>
    %and3A_248 = arith.andi %ne3A_247, %ne3A_239 : vector<96x96xi1>
    %add3A_249 = vector.broadcast %select_n3A_234 : i32 to vector<96x96xi32>
    %add3A_250 = arith.addi %rem3A_236, %add3A_249 : vector<96x96xi32>
    %select_n3A_251 = arith.select %and3A_248, %add3A_250, %rem3A_236 : vector<96x96xi1>, vector<96x96xi32>
    %eq3A_252 = arith.cmpi eq, %iota3A, %select_n3A_251 : vector<96x96xi32>
    %ge3A_253 = vector.broadcast %get3A_13 : i32 to vector<96x96xi32>
    %ge3A_254 = arith.cmpi sge, %iota3A_1, %ge3A_253 : vector<96x96xi32>
    %and3A_255 = arith.andi %eq3A_252, %ge3A_254 : vector<96x96xi1>
    %lt3A_256 = vector.broadcast %get3A_25 : i32 to vector<96x96xi32>
    %lt3A_257 = arith.cmpi slt, %iota3A_1, %lt3A_256 : vector<96x96xi32>
    %and3A_258 = arith.andi %and3A_255, %lt3A_257 : vector<96x96xi1>
    %convert_element_type3A_259 = arith.extui %and3A_258 : vector<96x96xi1> to vector<96x96xi32>
    %convert_element_type3A_260 = arith.sitofp %convert_element_type3A_259 : vector<96x96xi32> to vector<96x96xf32>
    %dot_general3A = arith.constant dense<0.000000e+00> : vector<8x96x96xf32>
    %dot_general3A_261 = tpu.matmul %concatenate3A, %convert_element_type3A_224, %dot_general3A {dimension_numbers = #tpu.dot_dimension_numbers<[1], [0], [0, 2], [1], [0, 0, 0, 2, 1, 1], [], []>, transpose_lhs_hint = false} : vector<8x96x96xf32>, vector<96x96xf32>, vector<8x96x96xf32> -> vector<8x96x96xf32>
    %dot_general3A_262 = arith.constant dense<0.000000e+00> : vector<8x96x96xf32>
    %dot_general3A_263 = tpu.matmul %dot_general3A_261, %convert_element_type3A_260, %dot_general3A_262 {dimension_numbers = #tpu.dot_dimension_numbers<[1], [0], [0, 2], [1], [0, 0, 0, 2, 1, 1], [], []>, transpose_lhs_hint = false} : vector<8x96x96xf32>, vector<96x96xf32>, vector<8x96x96xf32> -> vector<8x96x96xf32>
    %max3A_264 = arith.maximumf %broadcast_in_dim3A_2, %dot_general3A_263 : vector<8x96x96xf32>
    %get3A_265 = arith.constant 0 : index
    %get3A_266 = arith.constant 0 : index
    %get3A_267 = arith.constant 0 : index
    %get3A_268 = arith.constant 0 : index
    %get3A_269 = arith.constant 0 : index
    %get3A_270 = vector.load %arg4[%get3A_265, %get3A_266, %get3A_267, %get3A_268, %get3A_269] : memref<1x8x8x96x96xf32, #tpu.memory_space<vmem>>, vector<1x1x8x96x96xf32>
    %get3A_271 = vector.shape_cast %get3A_270 : vector<1x1x8x96x96xf32> to vector<8x96x96xf32>
    %max3A_272 = arith.constant 0.000000e+00 : f32
    %max3A_273 = vector.broadcast %max3A_272 : f32 to vector<8x96x96xf32>
    %max3A_274 = arith.maximumf %get3A_271, %max3A_273 : vector<8x96x96xf32>
    %mul3A_275 = arith.mulf %get3A_271, %dot_general3A_263 : vector<8x96x96xf32>
    %sub3A_276 = arith.subf %max3A_274, %mul3A_275 : vector<8x96x96xf32>
    %abs3A = math.absf %get3A_271 : vector<8x96x96xf32>
    %neg3A = arith.constant 0.000000e+00 : f32
    %neg3A_277 = vector.broadcast %neg3A : f32 to vector<8x96x96xf32>
    %neg3A_278 = arith.subf %neg3A_277, %abs3A : vector<8x96x96xf32>
    %exp3A = math.exp %neg3A_278 : vector<8x96x96xf32>
    %log1p3A = math.log1p %exp3A : vector<8x96x96xf32>
    %add3A_279 = arith.addf %sub3A_276, %log1p3A : vector<8x96x96xf32>
    %pad3A = arith.constant 0.000000e+00 : f32
    %pad3A_280 = vector.broadcast %pad3A : f32 to vector<8x96x32xf32>
    %pad3A_281 = tpu.concatenate %add3A_279, %pad3A_280 in 2 : vector<8x96x96xf32>, vector<8x96x32xf32> -> vector<8x96x128xf32>
    %swap3A = arith.constant 0 : index
    %swap3A_282 = arith.constant 0 : index
    %swap3A_283 = arith.constant 0 : index
    %swap3A_284 = arith.constant 0 : index
    %swap3A_285 = arith.constant 0 : index
    %swap3A_286 = vector.load %arg6[%swap3A, %swap3A_282, %swap3A_283, %swap3A_284, %swap3A_285] : memref<1x8x8x96x128xf32, #tpu.memory_space<vmem>>, vector<1x1x8x96x128xf32>
    %swap3A_287 = vector.shape_cast %swap3A_286 : vector<1x1x8x96x128xf32> to vector<8x96x128xf32>
    %swap3A_288 = vector.shape_cast %pad3A_281 : vector<8x96x128xf32> to vector<1x1x8x96x128xf32>
    tpu.vector_store %arg6[%swap3A, %swap3A_282, %swap3A_283, %swap3A_284, %swap3A_285], %swap3A_288 {strides = array<i32>} : memref<1x8x8x96x128xf32, #tpu.memory_space<vmem>>, vector<1x1x8x96x128xf32>,
    %get3A_289 = arith.index_cast %arg0 : i32 to index
    %get3A_290 = arith.constant 1 : index
    %get3A_291 = arith.constant 0 : index
    %get3A_292 = memref.load %arg2[%get3A_289, %get3A_290, %get3A_291] : memref<2x7x3xi32, #tpu.memory_space<smem>>
    %get3A_293 = arith.index_cast %arg0 : i32 to index
    %get3A_294 = arith.constant 1 : index
    %get3A_295 = arith.constant 1 : index
    %get3A_296 = memref.load %arg2[%get3A_293, %get3A_294, %get3A_295] : memref<2x7x3xi32, #tpu.memory_space<smem>>
    %get3A_297 = arith.index_cast %arg0 : i32 to index
    %get3A_298 = arith.constant 1 : index
    %get3A_299 = arith.constant 2 : index
    %get3A_300 = memref.load %arg2[%get3A_297, %get3A_298, %get3A_299] : memref<2x7x3xi32, #tpu.memory_space<smem>>
    %get3A_301 = arith.index_cast %arg0 : i32 to index
    %get3A_302 = arith.constant 1 : index
    %get3A_303 = arith.constant 0 : index
    %get3A_304 = memref.load %arg3[%get3A_301, %get3A_302, %get3A_303] : memref<2x7x3xi32, #tpu.memory_space<smem>>
    %get3A_305 = arith.index_cast %arg0 : i32 to index
    %get3A_306 = arith.constant 1 : index
    %get3A_307 = arith.constant 1 : index
    %get3A_308 = memref.load %arg3[%get3A_305, %get3A_306, %get3A_307] : memref<2x7x3xi32, #tpu.memory_space<smem>>
    %get3A_309 = arith.index_cast %arg0 : i32 to index
    %get3A_310 = arith.constant 1 : index
    %get3A_311 = arith.constant 2 : index
    %get3A_312 = memref.load %arg3[%get3A_309, %get3A_310, %get3A_311] : memref<2x7x3xi32, #tpu.memory_space<smem>>
    %add3A_313 = arith.constant 0 : i32
    %add3A_314 = arith.addi %mul3A_0, %add3A_313 : i32
    %sub3A_315 = arith.subi %add3A_314, %get3A_292 : i32
    %jit3A_316 = arith.constant 0 : i32
    %jit3A_317 = arith.constant 95 : i32
    %max3A_318 = arith.maxsi %jit3A_316, %sub3A_315 : i32
    %min3A_319 = arith.minsi %jit3A_317, %max3A_318 : i32
    %get3A_320 = arith.constant 0 : index
    %get3A_321 = arith.index_cast %min3A_319 : i32 to index
    %get3A_322 = arith.constant 0 : index
    %get3A_323 = arith.constant 0 : index
    %get3A_324 = vector.load %arg5[%get3A_320, %get3A_321, %get3A_322, %get3A_323] : memref<1x96x96x96xf32, #tpu.memory_space<vmem>>, vector<1x1x96x96xf32>
    %get3A_325 = vector.shape_cast %get3A_324 : vector<1x1x96x96xf32> to vector<1x96x96xf32>
    %ge3A_326 = arith.constant 0 : i32
    %ge3A_327 = arith.cmpi sge, %sub3A_315, %ge3A_326 : i32
    %add3A_328 = arith.constant 0 : i32
    %add3A_329 = arith.addi %mul3A_0, %add3A_328 : i32
    %lt3A_330 = arith.cmpi slt, %add3A_329, %get3A_304 : i32
    %and3A_331 = arith.andi %ge3A_327, %lt3A_330 : i1
    %jit3A_332 = arith.constant 0.000000e+00 : f32
    %broadcast_in_dim3A_333 = vector.broadcast %jit3A_332 : f32 to vector<1x96x96xf32>
    %select_n3A_334 = arith.select %and3A_331, %get3A_325, %broadcast_in_dim3A_333 : vector<1x96x96xf32>
    %add3A_335 = arith.constant 1 : i32
    %add3A_336 = arith.addi %mul3A_0, %add3A_335 : i32
    %sub3A_337 = arith.subi %add3A_336, %get3A_292 : i32
    %jit3A_338 = arith.constant 0 : i32
    %jit3A_339 = arith.constant 95 : i32
    %max3A_340 = arith.maxsi %jit3A_338, %sub3A_337 : i32
    %min3A_341 = arith.minsi %jit3A_339, %max3A_340 : i32
    %get3A_342 = arith.constant 0 : index
    %get3A_343 = arith.index_cast %min3A_341 : i32 to index
    %get3A_344 = arith.constant 0 : index
    %get3A_345 = arith.constant 0 : index
    %get3A_346 = vector.load %arg5[%get3A_342, %get3A_343, %get3A_344, %get3A_345] : memref<1x96x96x96xf32, #tpu.memory_space<vmem>>, vector<1x1x96x96xf32>
    %get3A_347 = vector.shape_cast %get3A_346 : vector<1x1x96x96xf32> to vector<1x96x96xf32>
    %ge3A_348 = arith.constant 0 : i32
    %ge3A_349 = arith.cmpi sge, %sub3A_337, %ge3A_348 : i32
    %add3A_350 = arith.constant 1 : i32
    %add3A_351 = arith.addi %mul3A_0, %add3A_350 : i32
    %lt3A_352 = arith.cmpi slt, %add3A_351, %get3A_304 : i32
    %and3A_353 = arith.andi %ge3A_349, %lt3A_352 : i1
    %jit3A_354 = arith.constant 0.000000e+00 : f32
    %broadcast_in_dim3A_355 = vector.broadcast %jit3A_354 : f32 to vector<1x96x96xf32>
    %select_n3A_356 = arith.select %and3A_353, %get3A_347, %broadcast_in_dim3A_355 : vector<1x96x96xf32>
    %add3A_357 = arith.constant 2 : i32
    %add3A_358 = arith.addi %mul3A_0, %add3A_357 : i32
    %sub3A_359 = arith.subi %add3A_358, %get3A_292 : i32
    %jit3A_360 = arith.constant 0 : i32
    %jit3A_361 = arith.constant 95 : i32
    %max3A_362 = arith.maxsi %jit3A_360, %sub3A_359 : i32
    %min3A_363 = arith.minsi %jit3A_361, %max3A_362 : i32
    %get3A_364 = arith.constant 0 : index
    %get3A_365 = arith.index_cast %min3A_363 : i32 to index
    %get3A_366 = arith.constant 0 : index
    %get3A_367 = arith.constant 0 : index
    %get3A_368 = vector.load %arg5[%get3A_364, %get3A_365, %get3A_366, %get3A_367] : memref<1x96x96x96xf32, #tpu.memory_space<vmem>>, vector<1x1x96x96xf32>
    %get3A_369 = vector.shape_cast %get3A_368 : vector<1x1x96x96xf32> to vector<1x96x96xf32>
    %ge3A_370 = arith.constant 0 : i32
    %ge3A_371 = arith.cmpi sge, %sub3A_359, %ge3A_370 : i32
    %add3A_372 = arith.constant 2 : i32
    %add3A_373 = arith.addi %mul3A_0, %add3A_372 : i32
    %lt3A_374 = arith.cmpi slt, %add3A_373, %get3A_304 : i32
    %and3A_375 = arith.andi %ge3A_371, %lt3A_374 : i1
    %jit3A_376 = arith.constant 0.000000e+00 : f32
    %broadcast_in_dim3A_377 = vector.broadcast %jit3A_376 : f32 to vector<1x96x96xf32>
    %select_n3A_378 = arith.select %and3A_375, %get3A_369, %broadcast_in_dim3A_377 : vector<1x96x96xf32>
    %add3A_379 = arith.constant 3 : i32
    %add3A_380 = arith.addi %mul3A_0, %add3A_379 : i32
    %sub3A_381 = arith.subi %add3A_380, %get3A_292 : i32
    %jit3A_382 = arith.constant 0 : i32
    %jit3A_383 = arith.constant 95 : i32
    %max3A_384 = arith.maxsi %jit3A_382, %sub3A_381 : i32
    %min3A_385 = arith.minsi %jit3A_383, %max3A_384 : i32
    %get3A_386 = arith.constant 0 : index
    %get3A_387 = arith.index_cast %min3A_385 : i32 to index
    %get3A_388 = arith.constant 0 : index
    %get3A_389 = arith.constant 0 : index
    %get3A_390 = vector.load %arg5[%get3A_386, %get3A_387, %get3A_388, %get3A_389] : memref<1x96x96x96xf32, #tpu.memory_space<vmem>>, vector<1x1x96x96xf32>
    %get3A_391 = vector.shape_cast %get3A_390 : vector<1x1x96x96xf32> to vector<1x96x96xf32>
    %ge3A_392 = arith.constant 0 : i32
    %ge3A_393 = arith.cmpi sge, %sub3A_381, %ge3A_392 : i32
    %add3A_394 = arith.constant 3 : i32
    %add3A_395 = arith.addi %mul3A_0, %add3A_394 : i32
    %lt3A_396 = arith.cmpi slt, %add3A_395, %get3A_304 : i32
    %and3A_397 = arith.andi %ge3A_393, %lt3A_396 : i1
    %jit3A_398 = arith.constant 0.000000e+00 : f32
    %broadcast_in_dim3A_399 = vector.broadcast %jit3A_398 : f32 to vector<1x96x96xf32>
    %select_n3A_400 = arith.select %and3A_397, %get3A_391, %broadcast_in_dim3A_399 : vector<1x96x96xf32>
    %add3A_401 = arith.constant 4 : i32
    %add3A_402 = arith.addi %mul3A_0, %add3A_401 : i32
    %sub3A_403 = arith.subi %add3A_402, %get3A_292 : i32
    %jit3A_404 = arith.constant 0 : i32
    %jit3A_405 = arith.constant 95 : i32
    %max3A_406 = arith.maxsi %jit3A_404, %sub3A_403 : i32
    %min3A_407 = arith.minsi %jit3A_405, %max3A_406 : i32
    %get3A_408 = arith.constant 0 : index
    %get3A_409 = arith.index_cast %min3A_407 : i32 to index
    %get3A_410 = arith.constant 0 : index
    %get3A_411 = arith.constant 0 : index
    %get3A_412 = vector.load %arg5[%get3A_408, %get3A_409, %get3A_410, %get3A_411] : memref<1x96x96x96xf32, #tpu.memory_space<vmem>>, vector<1x1x96x96xf32>
    %get3A_413 = vector.shape_cast %get3A_412 : vector<1x1x96x96xf32> to vector<1x96x96xf32>
    %ge3A_414 = arith.constant 0 : i32
    %ge3A_415 = arith.cmpi sge, %sub3A_403, %ge3A_414 : i32
    %add3A_416 = arith.constant 4 : i32
    %add3A_417 = arith.addi %mul3A_0, %add3A_416 : i32
    %lt3A_418 = arith.cmpi slt, %add3A_417, %get3A_304 : i32
    %and3A_419 = arith.andi %ge3A_415, %lt3A_418 : i1
    %jit3A_420 = arith.constant 0.000000e+00 : f32
    %broadcast_in_dim3A_421 = vector.broadcast %jit3A_420 : f32 to vector<1x96x96xf32>
    %select_n3A_422 = arith.select %and3A_419, %get3A_413, %broadcast_in_dim3A_421 : vector<1x96x96xf32>
    %add3A_423 = arith.constant 5 : i32
    %add3A_424 = arith.addi %mul3A_0, %add3A_423 : i32
    %sub3A_425 = arith.subi %add3A_424, %get3A_292 : i32
    %jit3A_426 = arith.constant 0 : i32
    %jit3A_427 = arith.constant 95 : i32
    %max3A_428 = arith.maxsi %jit3A_426, %sub3A_425 : i32
    %min3A_429 = arith.minsi %jit3A_427, %max3A_428 : i32
    %get3A_430 = arith.constant 0 : index
    %get3A_431 = arith.index_cast %min3A_429 : i32 to index
    %get3A_432 = arith.constant 0 : index
    %get3A_433 = arith.constant 0 : index
    %get3A_434 = vector.load %arg5[%get3A_430, %get3A_431, %get3A_432, %get3A_433] : memref<1x96x96x96xf32, #tpu.memory_space<vmem>>, vector<1x1x96x96xf32>
    %get3A_435 = vector.shape_cast %get3A_434 : vector<1x1x96x96xf32> to vector<1x96x96xf32>
    %ge3A_436 = arith.constant 0 : i32
    %ge3A_437 = arith.cmpi sge, %sub3A_425, %ge3A_436 : i32
    %add3A_438 = arith.constant 5 : i32
    %add3A_439 = arith.addi %mul3A_0, %add3A_438 : i32
    %lt3A_440 = arith.cmpi slt, %add3A_439, %get3A_304 : i32
    %and3A_441 = arith.andi %ge3A_437, %lt3A_440 : i1
    %jit3A_442 = arith.constant 0.000000e+00 : f32
    %broadcast_in_dim3A_443 = vector.broadcast %jit3A_442 : f32 to vector<1x96x96xf32>
    %select_n3A_444 = arith.select %and3A_441, %get3A_435, %broadcast_in_dim3A_443 : vector<1x96x96xf32>
    %add3A_445 = arith.constant 6 : i32
    %add3A_446 = arith.addi %mul3A_0, %add3A_445 : i32
    %sub3A_447 = arith.subi %add3A_446, %get3A_292 : i32
    %jit3A_448 = arith.constant 0 : i32
    %jit3A_449 = arith.constant 95 : i32
    %max3A_450 = arith.maxsi %jit3A_448, %sub3A_447 : i32
    %min3A_451 = arith.minsi %jit3A_449, %max3A_450 : i32
    %get3A_452 = arith.constant 0 : index
    %get3A_453 = arith.index_cast %min3A_451 : i32 to index
    %get3A_454 = arith.constant 0 : index
    %get3A_455 = arith.constant 0 : index
    %get3A_456 = vector.load %arg5[%get3A_452, %get3A_453, %get3A_454, %get3A_455] : memref<1x96x96x96xf32, #tpu.memory_space<vmem>>, vector<1x1x96x96xf32>
    %get3A_457 = vector.shape_cast %get3A_456 : vector<1x1x96x96xf32> to vector<1x96x96xf32>
    %ge3A_458 = arith.constant 0 : i32
    %ge3A_459 = arith.cmpi sge, %sub3A_447, %ge3A_458 : i32
    %add3A_460 = arith.constant 6 : i32
    %add3A_461 = arith.addi %mul3A_0, %add3A_460 : i32
    %lt3A_462 = arith.cmpi slt, %add3A_461, %get3A_304 : i32
    %and3A_463 = arith.andi %ge3A_459, %lt3A_462 : i1
    %jit3A_464 = arith.constant 0.000000e+00 : f32
    %broadcast_in_dim3A_465 = vector.broadcast %jit3A_464 : f32 to vector<1x96x96xf32>
    %select_n3A_466 = arith.select %and3A_463, %get3A_457, %broadcast_in_dim3A_465 : vector<1x96x96xf32>
    %add3A_467 = arith.constant 7 : i32
    %add3A_468 = arith.addi %mul3A_0, %add3A_467 : i32
    %sub3A_469 = arith.subi %add3A_468, %get3A_292 : i32
    %jit3A_470 = arith.constant 0 : i32
    %jit3A_471 = arith.constant 95 : i32
    %max3A_472 = arith.maxsi %jit3A_470, %sub3A_469 : i32
    %min3A_473 = arith.minsi %jit3A_471, %max3A_472 : i32
    %get3A_474 = arith.constant 0 : index
    %get3A_475 = arith.index_cast %min3A_473 : i32 to index
    %get3A_476 = arith.constant 0 : index
    %get3A_477 = arith.constant 0 : index
    %get3A_478 = vector.load %arg5[%get3A_474, %get3A_475, %get3A_476, %get3A_477] : memref<1x96x96x96xf32, #tpu.memory_space<vmem>>, vector<1x1x96x96xf32>
    %get3A_479 = vector.shape_cast %get3A_478 : vector<1x1x96x96xf32> to vector<1x96x96xf32>
    %ge3A_480 = arith.constant 0 : i32
    %ge3A_481 = arith.cmpi sge, %sub3A_469, %ge3A_480 : i32
    %add3A_482 = arith.constant 7 : i32
    %add3A_483 = arith.addi %mul3A_0, %add3A_482 : i32
    %lt3A_484 = arith.cmpi slt, %add3A_483, %get3A_304 : i32
    %and3A_485 = arith.andi %ge3A_481, %lt3A_484 : i1
    %jit3A_486 = arith.constant 0.000000e+00 : f32
    %broadcast_in_dim3A_487 = vector.broadcast %jit3A_486 : f32 to vector<1x96x96xf32>
    %select_n3A_488 = arith.select %and3A_485, %get3A_479, %broadcast_in_dim3A_487 : vector<1x96x96xf32>
    %concatenate3A_489 = tpu.concatenate %select_n3A_334, %select_n3A_356, %select_n3A_378, %select_n3A_400, %select_n3A_422, %select_n3A_444, %select_n3A_466, %select_n3A_488 in 0 : vector<1x96x96xf32>, vector<1x96x96xf32>, vector<1x96x96xf32>, vector<1x96x96xf32>, vector<1x96x96xf32>, vector<1x96x96xf32>, vector<1x96x96xf32>, vector<1x96x96xf32> -> vector<8x96x96xf32>
    %sub3A_490 = vector.broadcast %get3A_296 : i32 to vector<96x96xi32>
    %sub3A_491 = arith.subi %iota3A_1, %sub3A_490 : vector<96x96xi32>
    %add3A_492 = arith.constant 96 : i32
    %add3A_493 = vector.broadcast %add3A_492 : i32 to vector<96x96xi32>
    %add3A_494 = arith.addi %sub3A_491, %add3A_493 : vector<96x96xi32>
    %jit3A_495 = arith.constant 96 : i32
    %eq3A_496 = arith.constant 0 : i32
    %eq3A_497 = arith.cmpi eq, %jit3A_495, %eq3A_496 : i32
    %jit3A_498 = arith.constant 1 : i32
    %select_n3A_499 = arith.select %eq3A_497, %jit3A_498, %jit3A_495 : i32
    %rem3A_500 = vector.broadcast %select_n3A_499 : i32 to vector<96x96xi32>
    %rem3A_501 = arith.remsi %add3A_494, %rem3A_500 : vector<96x96xi32>
    %ne3A_502 = arith.constant 0 : i32
    %ne3A_503 = vector.broadcast %ne3A_502 : i32 to vector<96x96xi32>
    %ne3A_504 = arith.cmpi ne, %rem3A_501, %ne3A_503 : vector<96x96xi32>
    %lt3A_505 = arith.constant 0 : i32
    %lt3A_506 = vector.broadcast %lt3A_505 : i32 to vector<96x96xi32>
    %lt3A_507 = arith.cmpi slt, %rem3A_501, %lt3A_506 : vector<96x96xi32>
    %lt3A_508 = arith.constant 0 : i32
    %lt3A_509 = arith.cmpi slt, %select_n3A_499, %lt3A_508 : i32
    %ne3A_510 = vector.broadcast %lt3A_509 : i1 to vector<96x96xi1>
    %ne3A_511 = vector.broadcast %ne3A_510 : vector<96x96xi1> to vector<96x96xi1>
    %ne3A_512 = arith.xori %lt3A_507, %ne3A_511 : vector<96x96xi1>
    %and3A_513 = arith.andi %ne3A_512, %ne3A_504 : vector<96x96xi1>
    %add3A_514 = vector.broadcast %select_n3A_499 : i32 to vector<96x96xi32>
    %add3A_515 = arith.addi %rem3A_501, %add3A_514 : vector<96x96xi32>
    %select_n3A_516 = arith.select %and3A_513, %add3A_515, %rem3A_501 : vector<96x96xi1>, vector<96x96xi32>
    %eq3A_517 = arith.cmpi eq, %iota3A, %select_n3A_516 : vector<96x96xi32>
    %ge3A_518 = vector.broadcast %get3A_296 : i32 to vector<96x96xi32>
    %ge3A_519 = arith.cmpi sge, %iota3A_1, %ge3A_518 : vector<96x96xi32>
    %and3A_520 = arith.andi %eq3A_517, %ge3A_519 : vector<96x96xi1>
    %lt3A_521 = vector.broadcast %get3A_308 : i32 to vector<96x96xi32>
    %lt3A_522 = arith.cmpi slt, %iota3A_1, %lt3A_521 : vector<96x96xi32>
    %and3A_523 = arith.andi %and3A_520, %lt3A_522 : vector<96x96xi1>
    %convert_element_type3A_524 = arith.extui %and3A_523 : vector<96x96xi1> to vector<96x96xi32>
    %convert_element_type3A_525 = arith.sitofp %convert_element_type3A_524 : vector<96x96xi32> to vector<96x96xf32>
    %sub3A_526 = vector.broadcast %get3A_300 : i32 to vector<96x96xi32>
    %sub3A_527 = arith.subi %iota3A_1, %sub3A_526 : vector<96x96xi32>
    %add3A_528 = arith.constant 96 : i32
    %add3A_529 = vector.broadcast %add3A_528 : i32 to vector<96x96xi32>
    %add3A_530 = arith.addi %sub3A_527, %add3A_529 : vector<96x96xi32>
    %jit3A_531 = arith.constant 96 : i32
    %eq3A_532 = arith.constant 0 : i32
    %eq3A_533 = arith.cmpi eq, %jit3A_531, %eq3A_532 : i32
    %jit3A_534 = arith.constant 1 : i32
    %select_n3A_535 = arith.select %eq3A_533, %jit3A_534, %jit3A_531 : i32
    %rem3A_536 = vector.broadcast %select_n3A_535 : i32 to vector<96x96xi32>
    %rem3A_537 = arith.remsi %add3A_530, %rem3A_536 : vector<96x96xi32>
    %ne3A_538 = arith.constant 0 : i32
    %ne3A_539 = vector.broadcast %ne3A_538 : i32 to vector<96x96xi32>
    %ne3A_540 = arith.cmpi ne, %rem3A_537, %ne3A_539 : vector<96x96xi32>
    %lt3A_541 = arith.constant 0 : i32
    %lt3A_542 = vector.broadcast %lt3A_541 : i32 to vector<96x96xi32>
    %lt3A_543 = arith.cmpi slt, %rem3A_537, %lt3A_542 : vector<96x96xi32>
    %lt3A_544 = arith.constant 0 : i32
    %lt3A_545 = arith.cmpi slt, %select_n3A_535, %lt3A_544 : i32
    %ne3A_546 = vector.broadcast %lt3A_545 : i1 to vector<96x96xi1>
    %ne3A_547 = vector.broadcast %ne3A_546 : vector<96x96xi1> to vector<96x96xi1>
    %ne3A_548 = arith.xori %lt3A_543, %ne3A_547 : vector<96x96xi1>
    %and3A_549 = arith.andi %ne3A_548, %ne3A_540 : vector<96x96xi1>
    %add3A_550 = vector.broadcast %select_n3A_535 : i32 to vector<96x96xi32>
    %add3A_551 = arith.addi %rem3A_537, %add3A_550 : vector<96x96xi32>
    %select_n3A_552 = arith.select %and3A_549, %add3A_551, %rem3A_537 : vector<96x96xi1>, vector<96x96xi32>
    %eq3A_553 = arith.cmpi eq, %iota3A, %select_n3A_552 : vector<96x96xi32>
    %ge3A_554 = vector.broadcast %get3A_300 : i32 to vector<96x96xi32>
    %ge3A_555 = arith.cmpi sge, %iota3A_1, %ge3A_554 : vector<96x96xi32>
    %and3A_556 = arith.andi %eq3A_553, %ge3A_555 : vector<96x96xi1>
    %lt3A_557 = vector.broadcast %get3A_312 : i32 to vector<96x96xi32>
    %lt3A_558 = arith.cmpi slt, %iota3A_1, %lt3A_557 : vector<96x96xi32>
    %and3A_559 = arith.andi %and3A_556, %lt3A_558 : vector<96x96xi1>
    %convert_element_type3A_560 = arith.extui %and3A_559 : vector<96x96xi1> to vector<96x96xi32>
    %convert_element_type3A_561 = arith.sitofp %convert_element_type3A_560 : vector<96x96xi32> to vector<96x96xf32>
    %dot_general3A_562 = arith.constant dense<0.000000e+00> : vector<8x96x96xf32>
    %dot_general3A_563 = tpu.matmul %concatenate3A_489, %convert_element_type3A_525, %dot_general3A_562 {dimension_numbers = #tpu.dot_dimension_numbers<[1], [0], [0, 2], [1], [0, 0, 0, 2, 1, 1], [], []>, transpose_lhs_hint = false} : vector<8x96x96xf32>, vector<96x96xf32>, vector<8x96x96xf32> -> vector<8x96x96xf32>
    %dot_general3A_564 = arith.constant dense<0.000000e+00> : vector<8x96x96xf32>
    %dot_general3A_565 = tpu.matmul %dot_general3A_563, %convert_element_type3A_561, %dot_general3A_564 {dimension_numbers = #tpu.dot_dimension_numbers<[1], [0], [0, 2], [1], [0, 0, 0, 2, 1, 1], [], []>, transpose_lhs_hint = false} : vector<8x96x96xf32>, vector<96x96xf32>, vector<8x96x96xf32> -> vector<8x96x96xf32>
    %max3A_566 = arith.maximumf %max3A_264, %dot_general3A_565 : vector<8x96x96xf32>
    %get3A_567 = arith.constant 0 : index
    %get3A_568 = arith.constant 1 : index
    %get3A_569 = arith.constant 0 : index
    %get3A_570 = arith.constant 0 : index
    %get3A_571 = arith.constant 0 : index
    %get3A_572 = vector.load %arg4[%get3A_567, %get3A_568, %get3A_569, %get3A_570, %get3A_571] : memref<1x8x8x96x96xf32, #tpu.memory_space<vmem>>, vector<1x1x8x96x96xf32>
    %get3A_573 = vector.shape_cast %get3A_572 : vector<1x1x8x96x96xf32> to vector<8x96x96xf32>
    %max3A_574 = arith.constant 0.000000e+00 : f32
    %max3A_575 = vector.broadcast %max3A_574 : f32 to vector<8x96x96xf32>
    %max3A_576 = arith.maximumf %get3A_573, %max3A_575 : vector<8x96x96xf32>
    %mul3A_577 = arith.mulf %get3A_573, %dot_general3A_565 : vector<8x96x96xf32>
    %sub3A_578 = arith.subf %max3A_576, %mul3A_577 : vector<8x96x96xf32>
    %abs3A_579 = math.absf %get3A_573 : vector<8x96x96xf32>
    %neg3A_580 = arith.constant 0.000000e+00 : f32
    %neg3A_581 = vector.broadcast %neg3A_580 : f32 to vector<8x96x96xf32>
    %neg3A_582 = arith.subf %neg3A_581, %abs3A_579 : vector<8x96x96xf32>
    %exp3A_583 = math.exp %neg3A_582 : vector<8x96x96xf32>
    %log1p3A_584 = math.log1p %exp3A_583 : vector<8x96x96xf32>
    %add3A_585 = arith.addf %sub3A_578, %log1p3A_584 : vector<8x96x96xf32>
    %pad3A_586 = arith.constant 0.000000e+00 : f32
    %pad3A_587 = vector.broadcast %pad3A_586 : f32 to vector<8x96x32xf32>
    %pad3A_588 = tpu.concatenate %add3A_585, %pad3A_587 in 2 : vector<8x96x96xf32>, vector<8x96x32xf32> -> vector<8x96x128xf32>
    %swap3A_589 = arith.constant 0 : index
    %swap3A_590 = arith.constant 1 : index
    %swap3A_591 = arith.constant 0 : index
    %swap3A_592 = arith.constant 0 : index
    %swap3A_593 = arith.constant 0 : index
    %swap3A_594 = vector.load %arg6[%swap3A_589, %swap3A_590, %swap3A_591, %swap3A_592, %swap3A_593] : memref<1x8x8x96x128xf32, #tpu.memory_space<vmem>>, vector<1x1x8x96x128xf32>
    %swap3A_595 = vector.shape_cast %swap3A_594 : vector<1x1x8x96x128xf32> to vector<8x96x128xf32>
    %swap3A_596 = vector.shape_cast %pad3A_588 : vector<8x96x128xf32> to vector<1x1x8x96x128xf32>
    tpu.vector_store %arg6[%swap3A_589, %swap3A_590, %swap3A_591, %swap3A_592, %swap3A_593], %swap3A_596 {strides = array<i32>} : memref<1x8x8x96x128xf32, #tpu.memory_space<vmem>>, vector<1x1x8x96x128xf32>,
    %get3A_597 = arith.index_cast %arg0 : i32 to index
    %get3A_598 = arith.constant 2 : index
    %get3A_599 = arith.constant 0 : index
    %get3A_600 = memref.load %arg2[%get3A_597, %get3A_598, %get3A_599] : memref<2x7x3xi32, #tpu.memory_space<smem>>
    %get3A_601 = arith.index_cast %arg0 : i32 to index
    %get3A_602 = arith.constant 2 : index
    %get3A_603 = arith.constant 1 : index
    %get3A_604 = memref.load %arg2[%get3A_601, %get3A_602, %get3A_603] : memref<2x7x3xi32, #tpu.memory_space<smem>>
    %get3A_605 = arith.index_cast %arg0 : i32 to index
    %get3A_606 = arith.constant 2 : index
    %get3A_607 = arith.constant 2 : index
    %get3A_608 = memref.load %arg2[%get3A_605, %get3A_606, %get3A_607] : memref<2x7x3xi32, #tpu.memory_space<smem>>
    %get3A_609 = arith.index_cast %arg0 : i32 to index
    %get3A_610 = arith.constant 2 : index
    %get3A_611 = arith.constant 0 : index
    %get3A_612 = memref.load %arg3[%get3A_609, %get3A_610, %get3A_611] : memref<2x7x3xi32, #tpu.memory_space<smem>>
    %get3A_613 = arith.index_cast %arg0 : i32 to index
    %get3A_614 = arith.constant 2 : index
    %get3A_615 = arith.constant 1 : index
    %get3A_616 = memref.load %arg3[%get3A_613, %get3A_614, %get3A_615] : memref<2x7x3xi32, #tpu.memory_space<smem>>
    %get3A_617 = arith.index_cast %arg0 : i32 to index
    %get3A_618 = arith.constant 2 : index
    %get3A_619 = arith.constant 2 : index
    %get3A_620 = memref.load %arg3[%get3A_617, %get3A_618, %get3A_619] : memref<2x7x3xi32, #tpu.memory_space<smem>>
    %add3A_621 = arith.constant 0 : i32
    %add3A_622 = arith.addi %mul3A_0, %add3A_621 : i32
    %sub3A_623 = arith.subi %add3A_622, %get3A_600 : i32
    %jit3A_624 = arith.constant 0 : i32
    %jit3A_625 = arith.constant 95 : i32
    %max3A_626 = arith.maxsi %jit3A_624, %sub3A_623 : i32
    %min3A_627 = arith.minsi %jit3A_625, %max3A_626 : i32
    %get3A_628 = arith.constant 0 : index
    %get3A_629 = arith.index_cast %min3A_627 : i32 to index
    %get3A_630 = arith.constant 0 : index
    %get3A_631 = arith.constant 0 : index
    %get3A_632 = vector.load %arg5[%get3A_628, %get3A_629, %get3A_630, %get3A_631] : memref<1x96x96x96xf32, #tpu.memory_space<vmem>>, vector<1x1x96x96xf32>
    %get3A_633 = vector.shape_cast %get3A_632 : vector<1x1x96x96xf32> to vector<1x96x96xf32>
    %ge3A_634 = arith.constant 0 : i32
    %ge3A_635 = arith.cmpi sge, %sub3A_623, %ge3A_634 : i32
    %add3A_636 = arith.constant 0 : i32
    %add3A_637 = arith.addi %mul3A_0, %add3A_636 : i32
    %lt3A_638 = arith.cmpi slt, %add3A_637, %get3A_612 : i32
    %and3A_639 = arith.andi %ge3A_635, %lt3A_638 : i1
    %jit3A_640 = arith.constant 0.000000e+00 : f32
    %broadcast_in_dim3A_641 = vector.broadcast %jit3A_640 : f32 to vector<1x96x96xf32>
    %select_n3A_642 = arith.select %and3A_639, %get3A_633, %broadcast_in_dim3A_641 : vector<1x96x96xf32>
    %add3A_643 = arith.constant 1 : i32
    %add3A_644 = arith.addi %mul3A_0, %add3A_643 : i32
    %sub3A_645 = arith.subi %add3A_644, %get3A_600 : i32
    %jit3A_646 = arith.constant 0 : i32
    %jit3A_647 = arith.constant 95 : i32
    %max3A_648 = arith.maxsi %jit3A_646, %sub3A_645 : i32
    %min3A_649 = arith.minsi %jit3A_647, %max3A_648 : i32
    %get3A_650 = arith.constant 0 : index
    %get3A_651 = arith.index_cast %min3A_649 : i32 to index
    %get3A_652 = arith.constant 0 : index
    %get3A_653 = arith.constant 0 : index
    %get3A_654 = vector.load %arg5[%get3A_650, %get3A_651, %get3A_652, %get3A_653] : memref<1x96x96x96xf32, #tpu.memory_space<vmem>>, vector<1x1x96x96xf32>
    %get3A_655 = vector.shape_cast %get3A_654 : vector<1x1x96x96xf32> to vector<1x96x96xf32>
    %ge3A_656 = arith.constant 0 : i32
    %ge3A_657 = arith.cmpi sge, %sub3A_645, %ge3A_656 : i32
    %add3A_658 = arith.constant 1 : i32
    %add3A_659 = arith.addi %mul3A_0, %add3A_658 : i32
    %lt3A_660 = arith.cmpi slt, %add3A_659, %get3A_612 : i32
    %and3A_661 = arith.andi %ge3A_657, %lt3A_660 : i1
    %jit3A_662 = arith.constant 0.000000e+00 : f32
    %broadcast_in_dim3A_663 = vector.broadcast %jit3A_662 : f32 to vector<1x96x96xf32>
    %select_n3A_664 = arith.select %and3A_661, %get3A_655, %broadcast_in_dim3A_663 : vector<1x96x96xf32>
    %add3A_665 = arith.constant 2 : i32
    %add3A_666 = arith.addi %mul3A_0, %add3A_665 : i32
    %sub3A_667 = arith.subi %add3A_666, %get3A_600 : i32
    %jit3A_668 = arith.constant 0 : i32
    %jit3A_669 = arith.constant 95 : i32
    %max3A_670 = arith.maxsi %jit3A_668, %sub3A_667 : i32
    %min3A_671 = arith.minsi %jit3A_669, %max3A_670 : i32
    %get3A_672 = arith.constant 0 : index
    %get3A_673 = arith.index_cast %min3A_671 : i32 to index
    %get3A_674 = arith.constant 0 : index
    %get3A_675 = arith.constant 0 : index
    %get3A_676 = vector.load %arg5[%get3A_672, %get3A_673, %get3A_674, %get3A_675] : memref<1x96x96x96xf32, #tpu.memory_space<vmem>>, vector<1x1x96x96xf32>
    %get3A_677 = vector.shape_cast %get3A_676 : vector<1x1x96x96xf32> to vector<1x96x96xf32>
    %ge3A_678 = arith.constant 0 : i32
    %ge3A_679 = arith.cmpi sge, %sub3A_667, %ge3A_678 : i32
    %add3A_680 = arith.constant 2 : i32
    %add3A_681 = arith.addi %mul3A_0, %add3A_680 : i32
    %lt3A_682 = arith.cmpi slt, %add3A_681, %get3A_612 : i32
    %and3A_683 = arith.andi %ge3A_679, %lt3A_682 : i1
    %jit3A_684 = arith.constant 0.000000e+00 : f32
    %broadcast_in_dim3A_685 = vector.broadcast %jit3A_684 : f32 to vector<1x96x96xf32>
    %select_n3A_686 = arith.select %and3A_683, %get3A_677, %broadcast_in_dim3A_685 : vector<1x96x96xf32>
    %add3A_687 = arith.constant 3 : i32
    %add3A_688 = arith.addi %mul3A_0, %add3A_687 : i32
    %sub3A_689 = arith.subi %add3A_688, %get3A_600 : i32
    %jit3A_690 = arith.constant 0 : i32
    %jit3A_691 = arith.constant 95 : i32
    %max3A_692 = arith.maxsi %jit3A_690, %sub3A_689 : i32
    %min3A_693 = arith.minsi %jit3A_691, %max3A_692 : i32
    %get3A_694 = arith.constant 0 : index
    %get3A_695 = arith.index_cast %min3A_693 : i32 to index
    %get3A_696 = arith.constant 0 : index
    %get3A_697 = arith.constant 0 : index
    %get3A_698 = vector.load %arg5[%get3A_694, %get3A_695, %get3A_696, %get3A_697] : memref<1x96x96x96xf32, #tpu.memory_space<vmem>>, vector<1x1x96x96xf32>
    %get3A_699 = vector.shape_cast %get3A_698 : vector<1x1x96x96xf32> to vector<1x96x96xf32>
    %ge3A_700 = arith.constant 0 : i32
    %ge3A_701 = arith.cmpi sge, %sub3A_689, %ge3A_700 : i32
    %add3A_702 = arith.constant 3 : i32
    %add3A_703 = arith.addi %mul3A_0, %add3A_702 : i32
    %lt3A_704 = arith.cmpi slt, %add3A_703, %get3A_612 : i32
    %and3A_705 = arith.andi %ge3A_701, %lt3A_704 : i1
    %jit3A_706 = arith.constant 0.000000e+00 : f32
    %broadcast_in_dim3A_707 = vector.broadcast %jit3A_706 : f32 to vector<1x96x96xf32>
    %select_n3A_708 = arith.select %and3A_705, %get3A_699, %broadcast_in_dim3A_707 : vector<1x96x96xf32>
    %add3A_709 = arith.constant 4 : i32
    %add3A_710 = arith.addi %mul3A_0, %add3A_709 : i32
    %sub3A_711 = arith.subi %add3A_710, %get3A_600 : i32
    %jit3A_712 = arith.constant 0 : i32
    %jit3A_713 = arith.constant 95 : i32
    %max3A_714 = arith.maxsi %jit3A_712, %sub3A_711 : i32
    %min3A_715 = arith.minsi %jit3A_713, %max3A_714 : i32
    %get3A_716 = arith.constant 0 : index
    %get3A_717 = arith.index_cast %min3A_715 : i32 to index
    %get3A_718 = arith.constant 0 : index
    %get3A_719 = arith.constant 0 : index
    %get3A_720 = vector.load %arg5[%get3A_716, %get3A_717, %get3A_718, %get3A_719] : memref<1x96x96x96xf32, #tpu.memory_space<vmem>>, vector<1x1x96x96xf32>
    %get3A_721 = vector.shape_cast %get3A_720 : vector<1x1x96x96xf32> to vector<1x96x96xf32>
    %ge3A_722 = arith.constant 0 : i32
    %ge3A_723 = arith.cmpi sge, %sub3A_711, %ge3A_722 : i32
    %add3A_724 = arith.constant 4 : i32
    %add3A_725 = arith.addi %mul3A_0, %add3A_724 : i32
    %lt3A_726 = arith.cmpi slt, %add3A_725, %get3A_612 : i32
    %and3A_727 = arith.andi %ge3A_723, %lt3A_726 : i1
    %jit3A_728 = arith.constant 0.000000e+00 : f32
    %broadcast_in_dim3A_729 = vector.broadcast %jit3A_728 : f32 to vector<1x96x96xf32>
    %select_n3A_730 = arith.select %and3A_727, %get3A_721, %broadcast_in_dim3A_729 : vector<1x96x96xf32>
    %add3A_731 = arith.constant 5 : i32
    %add3A_732 = arith.addi %mul3A_0, %add3A_731 : i32
    %sub3A_733 = arith.subi %add3A_732, %get3A_600 : i32
    %jit3A_734 = arith.constant 0 : i32
    %jit3A_735 = arith.constant 95 : i32
    %max3A_736 = arith.maxsi %jit3A_734, %sub3A_733 : i32
    %min3A_737 = arith.minsi %jit3A_735, %max3A_736 : i32
    %get3A_738 = arith.constant 0 : index
    %get3A_739 = arith.index_cast %min3A_737 : i32 to index
    %get3A_740 = arith.constant 0 : index
    %get3A_741 = arith.constant 0 : index
    %get3A_742 = vector.load %arg5[%get3A_738, %get3A_739, %get3A_740, %get3A_741] : memref<1x96x96x96xf32, #tpu.memory_space<vmem>>, vector<1x1x96x96xf32>
    %get3A_743 = vector.shape_cast %get3A_742 : vector<1x1x96x96xf32> to vector<1x96x96xf32>
    %ge3A_744 = arith.constant 0 : i32
    %ge3A_745 = arith.cmpi sge, %sub3A_733, %ge3A_744 : i32
    %add3A_746 = arith.constant 5 : i32
    %add3A_747 = arith.addi %mul3A_0, %add3A_746 : i32
    %lt3A_748 = arith.cmpi slt, %add3A_747, %get3A_612 : i32
    %and3A_749 = arith.andi %ge3A_745, %lt3A_748 : i1
    %jit3A_750 = arith.constant 0.000000e+00 : f32
    %broadcast_in_dim3A_751 = vector.broadcast %jit3A_750 : f32 to vector<1x96x96xf32>
    %select_n3A_752 = arith.select %and3A_749, %get3A_743, %broadcast_in_dim3A_751 : vector<1x96x96xf32>
    %add3A_753 = arith.constant 6 : i32
    %add3A_754 = arith.addi %mul3A_0, %add3A_753 : i32
    %sub3A_755 = arith.subi %add3A_754, %get3A_600 : i32
    %jit3A_756 = arith.constant 0 : i32
    %jit3A_757 = arith.constant 95 : i32
    %max3A_758 = arith.maxsi %jit3A_756, %sub3A_755 : i32
    %min3A_759 = arith.minsi %jit3A_757, %max3A_758 : i32
    %get3A_760 = arith.constant 0 : index
    %get3A_761 = arith.index_cast %min3A_759 : i32 to index
    %get3A_762 = arith.constant 0 : index
    %get3A_763 = arith.constant 0 : index
    %get3A_764 = vector.load %arg5[%get3A_760, %get3A_761, %get3A_762, %get3A_763] : memref<1x96x96x96xf32, #tpu.memory_space<vmem>>, vector<1x1x96x96xf32>
    %get3A_765 = vector.shape_cast %get3A_764 : vector<1x1x96x96xf32> to vector<1x96x96xf32>
    %ge3A_766 = arith.constant 0 : i32
    %ge3A_767 = arith.cmpi sge, %sub3A_755, %ge3A_766 : i32
    %add3A_768 = arith.constant 6 : i32
    %add3A_769 = arith.addi %mul3A_0, %add3A_768 : i32
    %lt3A_770 = arith.cmpi slt, %add3A_769, %get3A_612 : i32
    %and3A_771 = arith.andi %ge3A_767, %lt3A_770 : i1
    %jit3A_772 = arith.constant 0.000000e+00 : f32
    %broadcast_in_dim3A_773 = vector.broadcast %jit3A_772 : f32 to vector<1x96x96xf32>
    %select_n3A_774 = arith.select %and3A_771, %get3A_765, %broadcast_in_dim3A_773 : vector<1x96x96xf32>
    %add3A_775 = arith.constant 7 : i32
    %add3A_776 = arith.addi %mul3A_0, %add3A_775 : i32
    %sub3A_777 = arith.subi %add3A_776, %get3A_600 : i32
    %jit3A_778 = arith.constant 0 : i32
    %jit3A_779 = arith.constant 95 : i32
    %max3A_780 = arith.maxsi %jit3A_778, %sub3A_777 : i32
    %min3A_781 = arith.minsi %jit3A_779, %max3A_780 : i32
    %get3A_782 = arith.constant 0 : index
    %get3A_783 = arith.index_cast %min3A_781 : i32 to index
    %get3A_784 = arith.constant 0 : index
    %get3A_785 = arith.constant 0 : index
    %get3A_786 = vector.load %arg5[%get3A_782, %get3A_783, %get3A_784, %get3A_785] : memref<1x96x96x96xf32, #tpu.memory_space<vmem>>, vector<1x1x96x96xf32>
    %get3A_787 = vector.shape_cast %get3A_786 : vector<1x1x96x96xf32> to vector<1x96x96xf32>
    %ge3A_788 = arith.constant 0 : i32
    %ge3A_789 = arith.cmpi sge, %sub3A_777, %ge3A_788 : i32
    %add3A_790 = arith.constant 7 : i32
    %add3A_791 = arith.addi %mul3A_0, %add3A_790 : i32
    %lt3A_792 = arith.cmpi slt, %add3A_791, %get3A_612 : i32
    %and3A_793 = arith.andi %ge3A_789, %lt3A_792 : i1
    %jit3A_794 = arith.constant 0.000000e+00 : f32
    %broadcast_in_dim3A_795 = vector.broadcast %jit3A_794 : f32 to vector<1x96x96xf32>
    %select_n3A_796 = arith.select %and3A_793, %get3A_787, %broadcast_in_dim3A_795 : vector<1x96x96xf32>
    %concatenate3A_797 = tpu.concatenate %select_n3A_642, %select_n3A_664, %select_n3A_686, %select_n3A_708, %select_n3A_730, %select_n3A_752, %select_n3A_774, %select_n3A_796 in 0 : vector<1x96x96xf32>, vector<1x96x96xf32>, vector<1x96x96xf32>, vector<1x96x96xf32>, vector<1x96x96xf32>, vector<1x96x96xf32>, vector<1x96x96xf32>, vector<1x96x96xf32> -> vector<8x96x96xf32>
    %sub3A_798 = vector.broadcast %get3A_604 : i32 to vector<96x96xi32>
    %sub3A_799 = arith.subi %iota3A_1, %sub3A_798 : vector<96x96xi32>
    %add3A_800 = arith.constant 96 : i32
    %add3A_801 = vector.broadcast %add3A_800 : i32 to vector<96x96xi32>
    %add3A_802 = arith.addi %sub3A_799, %add3A_801 : vector<96x96xi32>
    %jit3A_803 = arith.constant 96 : i32
    %eq3A_804 = arith.constant 0 : i32
    %eq3A_805 = arith.cmpi eq, %jit3A_803, %eq3A_804 : i32
    %jit3A_806 = arith.constant 1 : i32
    %select_n3A_807 = arith.select %eq3A_805, %jit3A_806, %jit3A_803 : i32
    %rem3A_808 = vector.broadcast %select_n3A_807 : i32 to vector<96x96xi32>
    %rem3A_809 = arith.remsi %add3A_802, %rem3A_808 : vector<96x96xi32>
    %ne3A_810 = arith.constant 0 : i32
    %ne3A_811 = vector.broadcast %ne3A_810 : i32 to vector<96x96xi32>
    %ne3A_812 = arith.cmpi ne, %rem3A_809, %ne3A_811 : vector<96x96xi32>
    %lt3A_813 = arith.constant 0 : i32
    %lt3A_814 = vector.broadcast %lt3A_813 : i32 to vector<96x96xi32>
    %lt3A_815 = arith.cmpi slt, %rem3A_809, %lt3A_814 : vector<96x96xi32>
    %lt3A_816 = arith.constant 0 : i32
    %lt3A_817 = arith.cmpi slt, %select_n3A_807, %lt3A_816 : i32
    %ne3A_818 = vector.broadcast %lt3A_817 : i1 to vector<96x96xi1>
    %ne3A_819 = vector.broadcast %ne3A_818 : vector<96x96xi1> to vector<96x96xi1>
    %ne3A_820 = arith.xori %lt3A_815, %ne3A_819 : vector<96x96xi1>
    %and3A_821 = arith.andi %ne3A_820, %ne3A_812 : vector<96x96xi1>
    %add3A_822 = vector.broadcast %select_n3A_807 : i32 to vector<96x96xi32>
    %add3A_823 = arith.addi %rem3A_809, %add3A_822 : vector<96x96xi32>
    %select_n3A_824 = arith.select %and3A_821, %add3A_823, %rem3A_809 : vector<96x96xi1>, vector<96x96xi32>
    %eq3A_825 = arith.cmpi eq, %iota3A, %select_n3A_824 : vector<96x96xi32>
    %ge3A_826 = vector.broadcast %get3A_604 : i32 to vector<96x96xi32>
    %ge3A_827 = arith.cmpi sge, %iota3A_1, %ge3A_826 : vector<96x96xi32>
    %and3A_828 = arith.andi %eq3A_825, %ge3A_827 : vector<96x96xi1>
    %lt3A_829 = vector.broadcast %get3A_616 : i32 to vector<96x96xi32>
    %lt3A_830 = arith.cmpi slt, %iota3A_1, %lt3A_829 : vector<96x96xi32>
    %and3A_831 = arith.andi %and3A_828, %lt3A_830 : vector<96x96xi1>
    %convert_element_type3A_832 = arith.extui %and3A_831 : vector<96x96xi1> to vector<96x96xi32>
    %convert_element_type3A_833 = arith.sitofp %convert_element_type3A_832 : vector<96x96xi32> to vector<96x96xf32>
    %sub3A_834 = vector.broadcast %get3A_608 : i32 to vector<96x96xi32>
    %sub3A_835 = arith.subi %iota3A_1, %sub3A_834 : vector<96x96xi32>
    %add3A_836 = arith.constant 96 : i32
    %add3A_837 = vector.broadcast %add3A_836 : i32 to vector<96x96xi32>
    %add3A_838 = arith.addi %sub3A_835, %add3A_837 : vector<96x96xi32>
    %jit3A_839 = arith.constant 96 : i32
    %eq3A_840 = arith.constant 0 : i32
    %eq3A_841 = arith.cmpi eq, %jit3A_839, %eq3A_840 : i32
    %jit3A_842 = arith.constant 1 : i32
    %select_n3A_843 = arith.select %eq3A_841, %jit3A_842, %jit3A_839 : i32
    %rem3A_844 = vector.broadcast %select_n3A_843 : i32 to vector<96x96xi32>
    %rem3A_845 = arith.remsi %add3A_838, %rem3A_844 : vector<96x96xi32>
    %ne3A_846 = arith.constant 0 : i32
    %ne3A_847 = vector.broadcast %ne3A_846 : i32 to vector<96x96xi32>
    %ne3A_848 = arith.cmpi ne, %rem3A_845, %ne3A_847 : vector<96x96xi32>
    %lt3A_849 = arith.constant 0 : i32
    %lt3A_850 = vector.broadcast %lt3A_849 : i32 to vector<96x96xi32>
    %lt3A_851 = arith.cmpi slt, %rem3A_845, %lt3A_850 : vector<96x96xi32>
    %lt3A_852 = arith.constant 0 : i32
    %lt3A_853 = arith.cmpi slt, %select_n3A_843, %lt3A_852 : i32
    %ne3A_854 = vector.broadcast %lt3A_853 : i1 to vector<96x96xi1>
    %ne3A_855 = vector.broadcast %ne3A_854 : vector<96x96xi1> to vector<96x96xi1>
    %ne3A_856 = arith.xori %lt3A_851, %ne3A_855 : vector<96x96xi1>
    %and3A_857 = arith.andi %ne3A_856, %ne3A_848 : vector<96x96xi1>
    %add3A_858 = vector.broadcast %select_n3A_843 : i32 to vector<96x96xi32>
    %add3A_859 = arith.addi %rem3A_845, %add3A_858 : vector<96x96xi32>
    %select_n3A_860 = arith.select %and3A_857, %add3A_859, %rem3A_845 : vector<96x96xi1>, vector<96x96xi32>
    %eq3A_861 = arith.cmpi eq, %iota3A, %select_n3A_860 : vector<96x96xi32>
    %ge3A_862 = vector.broadcast %get3A_608 : i32 to vector<96x96xi32>
    %ge3A_863 = arith.cmpi sge, %iota3A_1, %ge3A_862 : vector<96x96xi32>
    %and3A_864 = arith.andi %eq3A_861, %ge3A_863 : vector<96x96xi1>
    %lt3A_865 = vector.broadcast %get3A_620 : i32 to vector<96x96xi32>
    %lt3A_866 = arith.cmpi slt, %iota3A_1, %lt3A_865 : vector<96x96xi32>
    %and3A_867 = arith.andi %and3A_864, %lt3A_866 : vector<96x96xi1>
    %convert_element_type3A_868 = arith.extui %and3A_867 : vector<96x96xi1> to vector<96x96xi32>
    %convert_element_type3A_869 = arith.sitofp %convert_element_type3A_868 : vector<96x96xi32> to vector<96x96xf32>
    %dot_general3A_870 = arith.constant dense<0.000000e+00> : vector<8x96x96xf32>
    %dot_general3A_871 = tpu.matmul %concatenate3A_797, %convert_element_type3A_833, %dot_general3A_870 {dimension_numbers = #tpu.dot_dimension_numbers<[1], [0], [0, 2], [1], [0, 0, 0, 2, 1, 1], [], []>, transpose_lhs_hint = false} : vector<8x96x96xf32>, vector<96x96xf32>, vector<8x96x96xf32> -> vector<8x96x96xf32>
    %dot_general3A_872 = arith.constant dense<0.000000e+00> : vector<8x96x96xf32>
    %dot_general3A_873 = tpu.matmul %dot_general3A_871, %convert_element_type3A_869, %dot_general3A_872 {dimension_numbers = #tpu.dot_dimension_numbers<[1], [0], [0, 2], [1], [0, 0, 0, 2, 1, 1], [], []>, transpose_lhs_hint = false} : vector<8x96x96xf32>, vector<96x96xf32>, vector<8x96x96xf32> -> vector<8x96x96xf32>
    %max3A_874 = arith.maximumf %max3A_566, %dot_general3A_873 : vector<8x96x96xf32>
    %get3A_875 = arith.constant 0 : index
    %get3A_876 = arith.constant 2 : index
    %get3A_877 = arith.constant 0 : index
    %get3A_878 = arith.constant 0 : index
    %get3A_879 = arith.constant 0 : index
    %get3A_880 = vector.load %arg4[%get3A_875, %get3A_876, %get3A_877, %get3A_878, %get3A_879] : memref<1x8x8x96x96xf32, #tpu.memory_space<vmem>>, vector<1x1x8x96x96xf32>
    %get3A_881 = vector.shape_cast %get3A_880 : vector<1x1x8x96x96xf32> to vector<8x96x96xf32>
    %max3A_882 = arith.constant 0.000000e+00 : f32
    %max3A_883 = vector.broadcast %max3A_882 : f32 to vector<8x96x96xf32>
    %max3A_884 = arith.maximumf %get3A_881, %max3A_883 : vector<8x96x96xf32>
    %mul3A_885 = arith.mulf %get3A_881, %dot_general3A_873 : vector<8x96x96xf32>
    %sub3A_886 = arith.subf %max3A_884, %mul3A_885 : vector<8x96x96xf32>
    %abs3A_887 = math.absf %get3A_881 : vector<8x96x96xf32>
    %neg3A_888 = arith.constant 0.000000e+00 : f32
    %neg3A_889 = vector.broadcast %neg3A_888 : f32 to vector<8x96x96xf32>
    %neg3A_890 = arith.subf %neg3A_889, %abs3A_887 : vector<8x96x96xf32>
    %exp3A_891 = math.exp %neg3A_890 : vector<8x96x96xf32>
    %log1p3A_892 = math.log1p %exp3A_891 : vector<8x96x96xf32>
    %add3A_893 = arith.addf %sub3A_886, %log1p3A_892 : vector<8x96x96xf32>
    %pad3A_894 = arith.constant 0.000000e+00 : f32
    %pad3A_895 = vector.broadcast %pad3A_894 : f32 to vector<8x96x32xf32>
    %pad3A_896 = tpu.concatenate %add3A_893, %pad3A_895 in 2 : vector<8x96x96xf32>, vector<8x96x32xf32> -> vector<8x96x128xf32>
    %swap3A_897 = arith.constant 0 : index
    %swap3A_898 = arith.constant 2 : index
    %swap3A_899 = arith.constant 0 : index
    %swap3A_900 = arith.constant 0 : index
    %swap3A_901 = arith.constant 0 : index
    %swap3A_902 = vector.load %arg6[%swap3A_897, %swap3A_898, %swap3A_899, %swap3A_900, %swap3A_901] : memref<1x8x8x96x128xf32, #tpu.memory_space<vmem>>, vector<1x1x8x96x128xf32>
    %swap3A_903 = vector.shape_cast %swap3A_902 : vector<1x1x8x96x128xf32> to vector<8x96x128xf32>
    %swap3A_904 = vector.shape_cast %pad3A_896 : vector<8x96x128xf32> to vector<1x1x8x96x128xf32>
    tpu.vector_store %arg6[%swap3A_897, %swap3A_898, %swap3A_899, %swap3A_900, %swap3A_901], %swap3A_904 {strides = array<i32>} : memref<1x8x8x96x128xf32, #tpu.memory_space<vmem>>, vector<1x1x8x96x128xf32>,
    %get3A_905 = arith.index_cast %arg0 : i32 to index
    %get3A_906 = arith.constant 3 : index
    %get3A_907 = arith.constant 0 : index
    %get3A_908 = memref.load %arg2[%get3A_905, %get3A_906, %get3A_907] : memref<2x7x3xi32, #tpu.memory_space<smem>>
    %get3A_909 = arith.index_cast %arg0 : i32 to index
    %get3A_910 = arith.constant 3 : index
    %get3A_911 = arith.constant 1 : index
    %get3A_912 = memref.load %arg2[%get3A_909, %get3A_910, %get3A_911] : memref<2x7x3xi32, #tpu.memory_space<smem>>
    %get3A_913 = arith.index_cast %arg0 : i32 to index
    %get3A_914 = arith.constant 3 : index
    %get3A_915 = arith.constant 2 : index
    %get3A_916 = memref.load %arg2[%get3A_913, %get3A_914, %get3A_915] : memref<2x7x3xi32, #tpu.memory_space<smem>>
    %get3A_917 = arith.index_cast %arg0 : i32 to index
    %get3A_918 = arith.constant 3 : index
    %get3A_919 = arith.constant 0 : index
    %get3A_920 = memref.load %arg3[%get3A_917, %get3A_918, %get3A_919] : memref<2x7x3xi32, #tpu.memory_space<smem>>
    %get3A_921 = arith.index_cast %arg0 : i32 to index
    %get3A_922 = arith.constant 3 : index
    %get3A_923 = arith.constant 1 : index
    %get3A_924 = memref.load %arg3[%get3A_921, %get3A_922, %get3A_923] : memref<2x7x3xi32, #tpu.memory_space<smem>>
    %get3A_925 = arith.index_cast %arg0 : i32 to index
    %get3A_926 = arith.constant 3 : index
    %get3A_927 = arith.constant 2 : index
    %get3A_928 = memref.load %arg3[%get3A_925, %get3A_926, %get3A_927] : memref<2x7x3xi32, #tpu.memory_space<smem>>
    %add3A_929 = arith.constant 0 : i32
    %add3A_930 = arith.addi %mul3A_0, %add3A_929 : i32
    %sub3A_931 = arith.subi %add3A_930, %get3A_908 : i32
    %jit3A_932 = arith.constant 0 : i32
    %jit3A_933 = arith.constant 95 : i32
    %max3A_934 = arith.maxsi %jit3A_932, %sub3A_931 : i32
    %min3A_935 = arith.minsi %jit3A_933, %max3A_934 : i32
    %get3A_936 = arith.constant 0 : index
    %get3A_937 = arith.index_cast %min3A_935 : i32 to index
    %get3A_938 = arith.constant 0 : index
    %get3A_939 = arith.constant 0 : index
    %get3A_940 = vector.load %arg5[%get3A_936, %get3A_937, %get3A_938, %get3A_939] : memref<1x96x96x96xf32, #tpu.memory_space<vmem>>, vector<1x1x96x96xf32>
    %get3A_941 = vector.shape_cast %get3A_940 : vector<1x1x96x96xf32> to vector<1x96x96xf32>
    %ge3A_942 = arith.constant 0 : i32
    %ge3A_943 = arith.cmpi sge, %sub3A_931, %ge3A_942 : i32
    %add3A_944 = arith.constant 0 : i32
    %add3A_945 = arith.addi %mul3A_0, %add3A_944 : i32
    %lt3A_946 = arith.cmpi slt, %add3A_945, %get3A_920 : i32
    %and3A_947 = arith.andi %ge3A_943, %lt3A_946 : i1
    %jit3A_948 = arith.constant 0.000000e+00 : f32
    %broadcast_in_dim3A_949 = vector.broadcast %jit3A_948 : f32 to vector<1x96x96xf32>
    %select_n3A_950 = arith.select %and3A_947, %get3A_941, %broadcast_in_dim3A_949 : vector<1x96x96xf32>
    %add3A_951 = arith.constant 1 : i32
    %add3A_952 = arith.addi %mul3A_0, %add3A_951 : i32
    %sub3A_953 = arith.subi %add3A_952, %get3A_908 : i32
    %jit3A_954 = arith.constant 0 : i32
    %jit3A_955 = arith.constant 95 : i32
    %max3A_956 = arith.maxsi %jit3A_954, %sub3A_953 : i32
    %min3A_957 = arith.minsi %jit3A_955, %max3A_956 : i32
    %get3A_958 = arith.constant 0 : index
    %get3A_959 = arith.index_cast %min3A_957 : i32 to index
    %get3A_960 = arith.constant 0 : index
    %get3A_961 = arith.constant 0 : index
    %get3A_962 = vector.load %arg5[%get3A_958, %get3A_959, %get3A_960, %get3A_961] : memref<1x96x96x96xf32, #tpu.memory_space<vmem>>, vector<1x1x96x96xf32>
    %get3A_963 = vector.shape_cast %get3A_962 : vector<1x1x96x96xf32> to vector<1x96x96xf32>
    %ge3A_964 = arith.constant 0 : i32
    %ge3A_965 = arith.cmpi sge, %sub3A_953, %ge3A_964 : i32
    %add3A_966 = arith.constant 1 : i32
    %add3A_967 = arith.addi %mul3A_0, %add3A_966 : i32
    %lt3A_968 = arith.cmpi slt, %add3A_967, %get3A_920 : i32
    %and3A_969 = arith.andi %ge3A_965, %lt3A_968 : i1
    %jit3A_970 = arith.constant 0.000000e+00 : f32
    %broadcast_in_dim3A_971 = vector.broadcast %jit3A_970 : f32 to vector<1x96x96xf32>
    %select_n3A_972 = arith.select %and3A_969, %get3A_963, %broadcast_in_dim3A_971 : vector<1x96x96xf32>
    %add3A_973 = arith.constant 2 : i32
    %add3A_974 = arith.addi %mul3A_0, %add3A_973 : i32
    %sub3A_975 = arith.subi %add3A_974, %get3A_908 : i32
    %jit3A_976 = arith.constant 0 : i32
    %jit3A_977 = arith.constant 95 : i32
    %max3A_978 = arith.maxsi %jit3A_976, %sub3A_975 : i32
    %min3A_979 = arith.minsi %jit3A_977, %max3A_978 : i32
    %get3A_980 = arith.constant 0 : index
    %get3A_981 = arith.index_cast %min3A_979 : i32 to index
    %get3A_982 = arith.constant 0 : index
    %get3A_983 = arith.constant 0 : index
    %get3A_984 = vector.load %arg5[%get3A_980, %get3A_981, %get3A_982, %get3A_983] : memref<1x96x96x96xf32, #tpu.memory_space<vmem>>, vector<1x1x96x96xf32>
    %get3A_985 = vector.shape_cast %get3A_984 : vector<1x1x96x96xf32> to vector<1x96x96xf32>
    %ge3A_986 = arith.constant 0 : i32
    %ge3A_987 = arith.cmpi sge, %sub3A_975, %ge3A_986 : i32
    %add3A_988 = arith.constant 2 : i32
    %add3A_989 = arith.addi %mul3A_0, %add3A_988 : i32
    %lt3A_990 = arith.cmpi slt, %add3A_989, %get3A_920 : i32
    %and3A_991 = arith.andi %ge3A_987, %lt3A_990 : i1
    %jit3A_992 = arith.constant 0.000000e+00 : f32
    %broadcast_in_dim3A_993 = vector.broadcast %jit3A_992 : f32 to vector<1x96x96xf32>
    %select_n3A_994 = arith.select %and3A_991, %get3A_985, %broadcast_in_dim3A_993 : vector<1x96x96xf32>
    %add3A_995 = arith.constant 3 : i32
    %add3A_996 = arith.addi %mul3A_0, %add3A_995 : i32
    %sub3A_997 = arith.subi %add3A_996, %get3A_908 : i32
    %jit3A_998 = arith.constant 0 : i32
    %jit3A_999 = arith.constant 95 : i32
    %max3A_1000 = arith.maxsi %jit3A_998, %sub3A_997 : i32
    %min3A_1001 = arith.minsi %jit3A_999, %max3A_1000 : i32
    %get3A_1002 = arith.constant 0 : index
    %get3A_1003 = arith.index_cast %min3A_1001 : i32 to index
    %get3A_1004 = arith.constant 0 : index
    %get3A_1005 = arith.constant 0 : index
    %get3A_1006 = vector.load %arg5[%get3A_1002, %get3A_1003, %get3A_1004, %get3A_1005] : memref<1x96x96x96xf32, #tpu.memory_space<vmem>>, vector<1x1x96x96xf32>
    %get3A_1007 = vector.shape_cast %get3A_1006 : vector<1x1x96x96xf32> to vector<1x96x96xf32>
    %ge3A_1008 = arith.constant 0 : i32
    %ge3A_1009 = arith.cmpi sge, %sub3A_997, %ge3A_1008 : i32
    %add3A_1010 = arith.constant 3 : i32
    %add3A_1011 = arith.addi %mul3A_0, %add3A_1010 : i32
    %lt3A_1012 = arith.cmpi slt, %add3A_1011, %get3A_920 : i32
    %and3A_1013 = arith.andi %ge3A_1009, %lt3A_1012 : i1
    %jit3A_1014 = arith.constant 0.000000e+00 : f32
    %broadcast_in_dim3A_1015 = vector.broadcast %jit3A_1014 : f32 to vector<1x96x96xf32>
    %select_n3A_1016 = arith.select %and3A_1013, %get3A_1007, %broadcast_in_dim3A_1015 : vector<1x96x96xf32>
    %add3A_1017 = arith.constant 4 : i32
    %add3A_1018 = arith.addi %mul3A_0, %add3A_1017 : i32
    %sub3A_1019 = arith.subi %add3A_1018, %get3A_908 : i32
    %jit3A_1020 = arith.constant 0 : i32
    %jit3A_1021 = arith.constant 95 : i32
    %max3A_1022 = arith.maxsi %jit3A_1020, %sub3A_1019 : i32
    %min3A_1023 = arith.minsi %jit3A_1021, %max3A_1022 : i32
    %get3A_1024 = arith.constant 0 : index
    %get3A_1025 = arith.index_cast %min3A_1023 : i32 to index
    %get3A_1026 = arith.constant 0 : index
    %get3A_1027 = arith.constant 0 : index
    %get3A_1028 = vector.load %arg5[%get3A_1024, %get3A_1025, %get3A_1026, %get3A_1027] : memref<1x96x96x96xf32, #tpu.memory_space<vmem>>, vector<1x1x96x96xf32>
    %get3A_1029 = vector.shape_cast %get3A_1028 : vector<1x1x96x96xf32> to vector<1x96x96xf32>
    %ge3A_1030 = arith.constant 0 : i32
    %ge3A_1031 = arith.cmpi sge, %sub3A_1019, %ge3A_1030 : i32
    %add3A_1032 = arith.constant 4 : i32
    %add3A_1033 = arith.addi %mul3A_0, %add3A_1032 : i32
    %lt3A_1034 = arith.cmpi slt, %add3A_1033, %get3A_920 : i32
    %and3A_1035 = arith.andi %ge3A_1031, %lt3A_1034 : i1
    %jit3A_1036 = arith.constant 0.000000e+00 : f32
    %broadcast_in_dim3A_1037 = vector.broadcast %jit3A_1036 : f32 to vector<1x96x96xf32>
    %select_n3A_1038 = arith.select %and3A_1035, %get3A_1029, %broadcast_in_dim3A_1037 : vector<1x96x96xf32>
    %add3A_1039 = arith.constant 5 : i32
    %add3A_1040 = arith.addi %mul3A_0, %add3A_1039 : i32
    %sub3A_1041 = arith.subi %add3A_1040, %get3A_908 : i32
    %jit3A_1042 = arith.constant 0 : i32
    %jit3A_1043 = arith.constant 95 : i32
    %max3A_1044 = arith.maxsi %jit3A_1042, %sub3A_1041 : i32
    %min3A_1045 = arith.minsi %jit3A_1043, %max3A_1044 : i32
    %get3A_1046 = arith.constant 0 : index
    %get3A_1047 = arith.index_cast %min3A_1045 : i32 to index
    %get3A_1048 = arith.constant 0 : index
    %get3A_1049 = arith.constant 0 : index
    %get3A_1050 = vector.load %arg5[%get3A_1046, %get3A_1047, %get3A_1048, %get3A_1049] : memref<1x96x96x96xf32, #tpu.memory_space<vmem>>, vector<1x1x96x96xf32>
    %get3A_1051 = vector.shape_cast %get3A_1050 : vector<1x1x96x96xf32> to vector<1x96x96xf32>
    %ge3A_1052 = arith.constant 0 : i32
    %ge3A_1053 = arith.cmpi sge, %sub3A_1041, %ge3A_1052 : i32
    %add3A_1054 = arith.constant 5 : i32
    %add3A_1055 = arith.addi %mul3A_0, %add3A_1054 : i32
    %lt3A_1056 = arith.cmpi slt, %add3A_1055, %get3A_920 : i32
    %and3A_1057 = arith.andi %ge3A_1053, %lt3A_1056 : i1
    %jit3A_1058 = arith.constant 0.000000e+00 : f32
    %broadcast_in_dim3A_1059 = vector.broadcast %jit3A_1058 : f32 to vector<1x96x96xf32>
    %select_n3A_1060 = arith.select %and3A_1057, %get3A_1051, %broadcast_in_dim3A_1059 : vector<1x96x96xf32>
    %add3A_1061 = arith.constant 6 : i32
    %add3A_1062 = arith.addi %mul3A_0, %add3A_1061 : i32
    %sub3A_1063 = arith.subi %add3A_1062, %get3A_908 : i32
    %jit3A_1064 = arith.constant 0 : i32
    %jit3A_1065 = arith.constant 95 : i32
    %max3A_1066 = arith.maxsi %jit3A_1064, %sub3A_1063 : i32
    %min3A_1067 = arith.minsi %jit3A_1065, %max3A_1066 : i32
    %get3A_1068 = arith.constant 0 : index
    %get3A_1069 = arith.index_cast %min3A_1067 : i32 to index
    %get3A_1070 = arith.constant 0 : index
    %get3A_1071 = arith.constant 0 : index
    %get3A_1072 = vector.load %arg5[%get3A_1068, %get3A_1069, %get3A_1070, %get3A_1071] : memref<1x96x96x96xf32, #tpu.memory_space<vmem>>, vector<1x1x96x96xf32>
    %get3A_1073 = vector.shape_cast %get3A_1072 : vector<1x1x96x96xf32> to vector<1x96x96xf32>
    %ge3A_1074 = arith.constant 0 : i32
    %ge3A_1075 = arith.cmpi sge, %sub3A_1063, %ge3A_1074 : i32
    %add3A_1076 = arith.constant 6 : i32
    %add3A_1077 = arith.addi %mul3A_0, %add3A_1076 : i32
    %lt3A_1078 = arith.cmpi slt, %add3A_1077, %get3A_920 : i32
    %and3A_1079 = arith.andi %ge3A_1075, %lt3A_1078 : i1
    %jit3A_1080 = arith.constant 0.000000e+00 : f32
    %broadcast_in_dim3A_1081 = vector.broadcast %jit3A_1080 : f32 to vector<1x96x96xf32>
    %select_n3A_1082 = arith.select %and3A_1079, %get3A_1073, %broadcast_in_dim3A_1081 : vector<1x96x96xf32>
    %add3A_1083 = arith.constant 7 : i32
    %add3A_1084 = arith.addi %mul3A_0, %add3A_1083 : i32
    %sub3A_1085 = arith.subi %add3A_1084, %get3A_908 : i32
    %jit3A_1086 = arith.constant 0 : i32
    %jit3A_1087 = arith.constant 95 : i32
    %max3A_1088 = arith.maxsi %jit3A_1086, %sub3A_1085 : i32
    %min3A_1089 = arith.minsi %jit3A_1087, %max3A_1088 : i32
    %get3A_1090 = arith.constant 0 : index
    %get3A_1091 = arith.index_cast %min3A_1089 : i32 to index
    %get3A_1092 = arith.constant 0 : index
    %get3A_1093 = arith.constant 0 : index
    %get3A_1094 = vector.load %arg5[%get3A_1090, %get3A_1091, %get3A_1092, %get3A_1093] : memref<1x96x96x96xf32, #tpu.memory_space<vmem>>, vector<1x1x96x96xf32>
    %get3A_1095 = vector.shape_cast %get3A_1094 : vector<1x1x96x96xf32> to vector<1x96x96xf32>
    %ge3A_1096 = arith.constant 0 : i32
    %ge3A_1097 = arith.cmpi sge, %sub3A_1085, %ge3A_1096 : i32
    %add3A_1098 = arith.constant 7 : i32
    %add3A_1099 = arith.addi %mul3A_0, %add3A_1098 : i32
    %lt3A_1100 = arith.cmpi slt, %add3A_1099, %get3A_920 : i32
    %and3A_1101 = arith.andi %ge3A_1097, %lt3A_1100 : i1
    %jit3A_1102 = arith.constant 0.000000e+00 : f32
    %broadcast_in_dim3A_1103 = vector.broadcast %jit3A_1102 : f32 to vector<1x96x96xf32>
    %select_n3A_1104 = arith.select %and3A_1101, %get3A_1095, %broadcast_in_dim3A_1103 : vector<1x96x96xf32>
    %concatenate3A_1105 = tpu.concatenate %select_n3A_950, %select_n3A_972, %select_n3A_994, %select_n3A_1016, %select_n3A_1038, %select_n3A_1060, %select_n3A_1082, %select_n3A_1104 in 0 : vector<1x96x96xf32>, vector<1x96x96xf32>, vector<1x96x96xf32>, vector<1x96x96xf32>, vector<1x96x96xf32>, vector<1x96x96xf32>, vector<1x96x96xf32>, vector<1x96x96xf32> -> vector<8x96x96xf32>
    %sub3A_1106 = vector.broadcast %get3A_912 : i32 to vector<96x96xi32>
    %sub3A_1107 = arith.subi %iota3A_1, %sub3A_1106 : vector<96x96xi32>
    %add3A_1108 = arith.constant 96 : i32
    %add3A_1109 = vector.broadcast %add3A_1108 : i32 to vector<96x96xi32>
    %add3A_1110 = arith.addi %sub3A_1107, %add3A_1109 : vector<96x96xi32>
    %jit3A_1111 = arith.constant 96 : i32
    %eq3A_1112 = arith.constant 0 : i32
    %eq3A_1113 = arith.cmpi eq, %jit3A_1111, %eq3A_1112 : i32
    %jit3A_1114 = arith.constant 1 : i32
    %select_n3A_1115 = arith.select %eq3A_1113, %jit3A_1114, %jit3A_1111 : i32
    %rem3A_1116 = vector.broadcast %select_n3A_1115 : i32 to vector<96x96xi32>
    %rem3A_1117 = arith.remsi %add3A_1110, %rem3A_1116 : vector<96x96xi32>
    %ne3A_1118 = arith.constant 0 : i32
    %ne3A_1119 = vector.broadcast %ne3A_1118 : i32 to vector<96x96xi32>
    %ne3A_1120 = arith.cmpi ne, %rem3A_1117, %ne3A_1119 : vector<96x96xi32>
    %lt3A_1121 = arith.constant 0 : i32
    %lt3A_1122 = vector.broadcast %lt3A_1121 : i32 to vector<96x96xi32>
    %lt3A_1123 = arith.cmpi slt, %rem3A_1117, %lt3A_1122 : vector<96x96xi32>
    %lt3A_1124 = arith.constant 0 : i32
    %lt3A_1125 = arith.cmpi slt, %select_n3A_1115, %lt3A_1124 : i32
    %ne3A_1126 = vector.broadcast %lt3A_1125 : i1 to vector<96x96xi1>
    %ne3A_1127 = vector.broadcast %ne3A_1126 : vector<96x96xi1> to vector<96x96xi1>
    %ne3A_1128 = arith.xori %lt3A_1123, %ne3A_1127 : vector<96x96xi1>
    %and3A_1129 = arith.andi %ne3A_1128, %ne3A_1120 : vector<96x96xi1>
    %add3A_1130 = vector.broadcast %select_n3A_1115 : i32 to vector<96x96xi32>
    %add3A_1131 = arith.addi %rem3A_1117, %add3A_1130 : vector<96x96xi32>
    %select_n3A_1132 = arith.select %and3A_1129, %add3A_1131, %rem3A_1117 : vector<96x96xi1>, vector<96x96xi32>
    %eq3A_1133 = arith.cmpi eq, %iota3A, %select_n3A_1132 : vector<96x96xi32>
    %ge3A_1134 = vector.broadcast %get3A_912 : i32 to vector<96x96xi32>
    %ge3A_1135 = arith.cmpi sge, %iota3A_1, %ge3A_1134 : vector<96x96xi32>
    %and3A_1136 = arith.andi %eq3A_1133, %ge3A_1135 : vector<96x96xi1>
    %lt3A_1137 = vector.broadcast %get3A_924 : i32 to vector<96x96xi32>
    %lt3A_1138 = arith.cmpi slt, %iota3A_1, %lt3A_1137 : vector<96x96xi32>
    %and3A_1139 = arith.andi %and3A_1136, %lt3A_1138 : vector<96x96xi1>
    %convert_element_type3A_1140 = arith.extui %and3A_1139 : vector<96x96xi1> to vector<96x96xi32>
    %convert_element_type3A_1141 = arith.sitofp %convert_element_type3A_1140 : vector<96x96xi32> to vector<96x96xf32>
    %sub3A_1142 = vector.broadcast %get3A_916 : i32 to vector<96x96xi32>
    %sub3A_1143 = arith.subi %iota3A_1, %sub3A_1142 : vector<96x96xi32>
    %add3A_1144 = arith.constant 96 : i32
    %add3A_1145 = vector.broadcast %add3A_1144 : i32 to vector<96x96xi32>
    %add3A_1146 = arith.addi %sub3A_1143, %add3A_1145 : vector<96x96xi32>
    %jit3A_1147 = arith.constant 96 : i32
    %eq3A_1148 = arith.constant 0 : i32
    %eq3A_1149 = arith.cmpi eq, %jit3A_1147, %eq3A_1148 : i32
    %jit3A_1150 = arith.constant 1 : i32
    %select_n3A_1151 = arith.select %eq3A_1149, %jit3A_1150, %jit3A_1147 : i32
    %rem3A_1152 = vector.broadcast %select_n3A_1151 : i32 to vector<96x96xi32>
    %rem3A_1153 = arith.remsi %add3A_1146, %rem3A_1152 : vector<96x96xi32>
    %ne3A_1154 = arith.constant 0 : i32
    %ne3A_1155 = vector.broadcast %ne3A_1154 : i32 to vector<96x96xi32>
    %ne3A_1156 = arith.cmpi ne, %rem3A_1153, %ne3A_1155 : vector<96x96xi32>
    %lt3A_1157 = arith.constant 0 : i32
    %lt3A_1158 = vector.broadcast %lt3A_1157 : i32 to vector<96x96xi32>
    %lt3A_1159 = arith.cmpi slt, %rem3A_1153, %lt3A_1158 : vector<96x96xi32>
    %lt3A_1160 = arith.constant 0 : i32
    %lt3A_1161 = arith.cmpi slt, %select_n3A_1151, %lt3A_1160 : i32
    %ne3A_1162 = vector.broadcast %lt3A_1161 : i1 to vector<96x96xi1>
    %ne3A_1163 = vector.broadcast %ne3A_1162 : vector<96x96xi1> to vector<96x96xi1>
    %ne3A_1164 = arith.xori %lt3A_1159, %ne3A_1163 : vector<96x96xi1>
    %and3A_1165 = arith.andi %ne3A_1164, %ne3A_1156 : vector<96x96xi1>
    %add3A_1166 = vector.broadcast %select_n3A_1151 : i32 to vector<96x96xi32>
    %add3A_1167 = arith.addi %rem3A_1153, %add3A_1166 : vector<96x96xi32>
    %select_n3A_1168 = arith.select %and3A_1165, %add3A_1167, %rem3A_1153 : vector<96x96xi1>, vector<96x96xi32>
    %eq3A_1169 = arith.cmpi eq, %iota3A, %select_n3A_1168 : vector<96x96xi32>
    %ge3A_1170 = vector.broadcast %get3A_916 : i32 to vector<96x96xi32>
    %ge3A_1171 = arith.cmpi sge, %iota3A_1, %ge3A_1170 : vector<96x96xi32>
    %and3A_1172 = arith.andi %eq3A_1169, %ge3A_1171 : vector<96x96xi1>
    %lt3A_1173 = vector.broadcast %get3A_928 : i32 to vector<96x96xi32>
    %lt3A_1174 = arith.cmpi slt, %iota3A_1, %lt3A_1173 : vector<96x96xi32>
    %and3A_1175 = arith.andi %and3A_1172, %lt3A_1174 : vector<96x96xi1>
    %convert_element_type3A_1176 = arith.extui %and3A_1175 : vector<96x96xi1> to vector<96x96xi32>
    %convert_element_type3A_1177 = arith.sitofp %convert_element_type3A_1176 : vector<96x96xi32> to vector<96x96xf32>
    %dot_general3A_1178 = arith.constant dense<0.000000e+00> : vector<8x96x96xf32>
    %dot_general3A_1179 = tpu.matmul %concatenate3A_1105, %convert_element_type3A_1141, %dot_general3A_1178 {dimension_numbers = #tpu.dot_dimension_numbers<[1], [0], [0, 2], [1], [0, 0, 0, 2, 1, 1], [], []>, transpose_lhs_hint = false} : vector<8x96x96xf32>, vector<96x96xf32>, vector<8x96x96xf32> -> vector<8x96x96xf32>
    %dot_general3A_1180 = arith.constant dense<0.000000e+00> : vector<8x96x96xf32>
    %dot_general3A_1181 = tpu.matmul %dot_general3A_1179, %convert_element_type3A_1177, %dot_general3A_1180 {dimension_numbers = #tpu.dot_dimension_numbers<[1], [0], [0, 2], [1], [0, 0, 0, 2, 1, 1], [], []>, transpose_lhs_hint = false} : vector<8x96x96xf32>, vector<96x96xf32>, vector<8x96x96xf32> -> vector<8x96x96xf32>
    %max3A_1182 = arith.maximumf %max3A_874, %dot_general3A_1181 : vector<8x96x96xf32>
    %get3A_1183 = arith.constant 0 : index
    %get3A_1184 = arith.constant 3 : index
    %get3A_1185 = arith.constant 0 : index
    %get3A_1186 = arith.constant 0 : index
    %get3A_1187 = arith.constant 0 : index
    %get3A_1188 = vector.load %arg4[%get3A_1183, %get3A_1184, %get3A_1185, %get3A_1186, %get3A_1187] : memref<1x8x8x96x96xf32, #tpu.memory_space<vmem>>, vector<1x1x8x96x96xf32>
    %get3A_1189 = vector.shape_cast %get3A_1188 : vector<1x1x8x96x96xf32> to vector<8x96x96xf32>
    %max3A_1190 = arith.constant 0.000000e+00 : f32
    %max3A_1191 = vector.broadcast %max3A_1190 : f32 to vector<8x96x96xf32>
    %max3A_1192 = arith.maximumf %get3A_1189, %max3A_1191 : vector<8x96x96xf32>
    %mul3A_1193 = arith.mulf %get3A_1189, %dot_general3A_1181 : vector<8x96x96xf32>
    %sub3A_1194 = arith.subf %max3A_1192, %mul3A_1193 : vector<8x96x96xf32>
    %abs3A_1195 = math.absf %get3A_1189 : vector<8x96x96xf32>
    %neg3A_1196 = arith.constant 0.000000e+00 : f32
    %neg3A_1197 = vector.broadcast %neg3A_1196 : f32 to vector<8x96x96xf32>
    %neg3A_1198 = arith.subf %neg3A_1197, %abs3A_1195 : vector<8x96x96xf32>
    %exp3A_1199 = math.exp %neg3A_1198 : vector<8x96x96xf32>
    %log1p3A_1200 = math.log1p %exp3A_1199 : vector<8x96x96xf32>
    %add3A_1201 = arith.addf %sub3A_1194, %log1p3A_1200 : vector<8x96x96xf32>
    %pad3A_1202 = arith.constant 0.000000e+00 : f32
    %pad3A_1203 = vector.broadcast %pad3A_1202 : f32 to vector<8x96x32xf32>
    %pad3A_1204 = tpu.concatenate %add3A_1201, %pad3A_1203 in 2 : vector<8x96x96xf32>, vector<8x96x32xf32> -> vector<8x96x128xf32>
    %swap3A_1205 = arith.constant 0 : index
    %swap3A_1206 = arith.constant 3 : index
    %swap3A_1207 = arith.constant 0 : index
    %swap3A_1208 = arith.constant 0 : index
    %swap3A_1209 = arith.constant 0 : index
    %swap3A_1210 = vector.load %arg6[%swap3A_1205, %swap3A_1206, %swap3A_1207, %swap3A_1208, %swap3A_1209] : memref<1x8x8x96x128xf32, #tpu.memory_space<vmem>>, vector<1x1x8x96x128xf32>
    %swap3A_1211 = vector.shape_cast %swap3A_1210 : vector<1x1x8x96x128xf32> to vector<8x96x128xf32>
    %swap3A_1212 = vector.shape_cast %pad3A_1204 : vector<8x96x128xf32> to vector<1x1x8x96x128xf32>
    tpu.vector_store %arg6[%swap3A_1205, %swap3A_1206, %swap3A_1207, %swap3A_1208, %swap3A_1209], %swap3A_1212 {strides = array<i32>} : memref<1x8x8x96x128xf32, #tpu.memory_space<vmem>>, vector<1x1x8x96x128xf32>,
    %get3A_1213 = arith.index_cast %arg0 : i32 to index
    %get3A_1214 = arith.constant 4 : index
    %get3A_1215 = arith.constant 0 : index
    %get3A_1216 = memref.load %arg2[%get3A_1213, %get3A_1214, %get3A_1215] : memref<2x7x3xi32, #tpu.memory_space<smem>>
    %get3A_1217 = arith.index_cast %arg0 : i32 to index
    %get3A_1218 = arith.constant 4 : index
    %get3A_1219 = arith.constant 1 : index
    %get3A_1220 = memref.load %arg2[%get3A_1217, %get3A_1218, %get3A_1219] : memref<2x7x3xi32, #tpu.memory_space<smem>>
    %get3A_1221 = arith.index_cast %arg0 : i32 to index
    %get3A_1222 = arith.constant 4 : index
    %get3A_1223 = arith.constant 2 : index
    %get3A_1224 = memref.load %arg2[%get3A_1221, %get3A_1222, %get3A_1223] : memref<2x7x3xi32, #tpu.memory_space<smem>>
    %get3A_1225 = arith.index_cast %arg0 : i32 to index
    %get3A_1226 = arith.constant 4 : index
    %get3A_1227 = arith.constant 0 : index
    %get3A_1228 = memref.load %arg3[%get3A_1225, %get3A_1226, %get3A_1227] : memref<2x7x3xi32, #tpu.memory_space<smem>>
    %get3A_1229 = arith.index_cast %arg0 : i32 to index
    %get3A_1230 = arith.constant 4 : index
    %get3A_1231 = arith.constant 1 : index
    %get3A_1232 = memref.load %arg3[%get3A_1229, %get3A_1230, %get3A_1231] : memref<2x7x3xi32, #tpu.memory_space<smem>>
    %get3A_1233 = arith.index_cast %arg0 : i32 to index
    %get3A_1234 = arith.constant 4 : index
    %get3A_1235 = arith.constant 2 : index
    %get3A_1236 = memref.load %arg3[%get3A_1233, %get3A_1234, %get3A_1235] : memref<2x7x3xi32, #tpu.memory_space<smem>>
    %add3A_1237 = arith.constant 0 : i32
    %add3A_1238 = arith.addi %mul3A_0, %add3A_1237 : i32
    %sub3A_1239 = arith.subi %add3A_1238, %get3A_1216 : i32
    %jit3A_1240 = arith.constant 0 : i32
    %jit3A_1241 = arith.constant 95 : i32
    %max3A_1242 = arith.maxsi %jit3A_1240, %sub3A_1239 : i32
    %min3A_1243 = arith.minsi %jit3A_1241, %max3A_1242 : i32
    %get3A_1244 = arith.constant 0 : index
    %get3A_1245 = arith.index_cast %min3A_1243 : i32 to index
    %get3A_1246 = arith.constant 0 : index
    %get3A_1247 = arith.constant 0 : index
    %get3A_1248 = vector.load %arg5[%get3A_1244, %get3A_1245, %get3A_1246, %get3A_1247] : memref<1x96x96x96xf32, #tpu.memory_space<vmem>>, vector<1x1x96x96xf32>
    %get3A_1249 = vector.shape_cast %get3A_1248 : vector<1x1x96x96xf32> to vector<1x96x96xf32>
    %ge3A_1250 = arith.constant 0 : i32
    %ge3A_1251 = arith.cmpi sge, %sub3A_1239, %ge3A_1250 : i32
    %add3A_1252 = arith.constant 0 : i32
    %add3A_1253 = arith.addi %mul3A_0, %add3A_1252 : i32
    %lt3A_1254 = arith.cmpi slt, %add3A_1253, %get3A_1228 : i32
    %and3A_1255 = arith.andi %ge3A_1251, %lt3A_1254 : i1
    %jit3A_1256 = arith.constant 0.000000e+00 : f32
    %broadcast_in_dim3A_1257 = vector.broadcast %jit3A_1256 : f32 to vector<1x96x96xf32>
    %select_n3A_1258 = arith.select %and3A_1255, %get3A_1249, %broadcast_in_dim3A_1257 : vector<1x96x96xf32>
    %add3A_1259 = arith.constant 1 : i32
    %add3A_1260 = arith.addi %mul3A_0, %add3A_1259 : i32
    %sub3A_1261 = arith.subi %add3A_1260, %get3A_1216 : i32
    %jit3A_1262 = arith.constant 0 : i32
    %jit3A_1263 = arith.constant 95 : i32
    %max3A_1264 = arith.maxsi %jit3A_1262, %sub3A_1261 : i32
    %min3A_1265 = arith.minsi %jit3A_1263, %max3A_1264 : i32
    %get3A_1266 = arith.constant 0 : index
    %get3A_1267 = arith.index_cast %min3A_1265 : i32 to index
    %get3A_1268 = arith.constant 0 : index
    %get3A_1269 = arith.constant 0 : index
    %get3A_1270 = vector.load %arg5[%get3A_1266, %get3A_1267, %get3A_1268, %get3A_1269] : memref<1x96x96x96xf32, #tpu.memory_space<vmem>>, vector<1x1x96x96xf32>
    %get3A_1271 = vector.shape_cast %get3A_1270 : vector<1x1x96x96xf32> to vector<1x96x96xf32>
    %ge3A_1272 = arith.constant 0 : i32
    %ge3A_1273 = arith.cmpi sge, %sub3A_1261, %ge3A_1272 : i32
    %add3A_1274 = arith.constant 1 : i32
    %add3A_1275 = arith.addi %mul3A_0, %add3A_1274 : i32
    %lt3A_1276 = arith.cmpi slt, %add3A_1275, %get3A_1228 : i32
    %and3A_1277 = arith.andi %ge3A_1273, %lt3A_1276 : i1
    %jit3A_1278 = arith.constant 0.000000e+00 : f32
    %broadcast_in_dim3A_1279 = vector.broadcast %jit3A_1278 : f32 to vector<1x96x96xf32>
    %select_n3A_1280 = arith.select %and3A_1277, %get3A_1271, %broadcast_in_dim3A_1279 : vector<1x96x96xf32>
    %add3A_1281 = arith.constant 2 : i32
    %add3A_1282 = arith.addi %mul3A_0, %add3A_1281 : i32
    %sub3A_1283 = arith.subi %add3A_1282, %get3A_1216 : i32
    %jit3A_1284 = arith.constant 0 : i32
    %jit3A_1285 = arith.constant 95 : i32
    %max3A_1286 = arith.maxsi %jit3A_1284, %sub3A_1283 : i32
    %min3A_1287 = arith.minsi %jit3A_1285, %max3A_1286 : i32
    %get3A_1288 = arith.constant 0 : index
    %get3A_1289 = arith.index_cast %min3A_1287 : i32 to index
    %get3A_1290 = arith.constant 0 : index
    %get3A_1291 = arith.constant 0 : index
    %get3A_1292 = vector.load %arg5[%get3A_1288, %get3A_1289, %get3A_1290, %get3A_1291] : memref<1x96x96x96xf32, #tpu.memory_space<vmem>>, vector<1x1x96x96xf32>
    %get3A_1293 = vector.shape_cast %get3A_1292 : vector<1x1x96x96xf32> to vector<1x96x96xf32>
    %ge3A_1294 = arith.constant 0 : i32
    %ge3A_1295 = arith.cmpi sge, %sub3A_1283, %ge3A_1294 : i32
    %add3A_1296 = arith.constant 2 : i32
    %add3A_1297 = arith.addi %mul3A_0, %add3A_1296 : i32
    %lt3A_1298 = arith.cmpi slt, %add3A_1297, %get3A_1228 : i32
    %and3A_1299 = arith.andi %ge3A_1295, %lt3A_1298 : i1
    %jit3A_1300 = arith.constant 0.000000e+00 : f32
    %broadcast_in_dim3A_1301 = vector.broadcast %jit3A_1300 : f32 to vector<1x96x96xf32>
    %select_n3A_1302 = arith.select %and3A_1299, %get3A_1293, %broadcast_in_dim3A_1301 : vector<1x96x96xf32>
    %add3A_1303 = arith.constant 3 : i32
    %add3A_1304 = arith.addi %mul3A_0, %add3A_1303 : i32
    %sub3A_1305 = arith.subi %add3A_1304, %get3A_1216 : i32
    %jit3A_1306 = arith.constant 0 : i32
    %jit3A_1307 = arith.constant 95 : i32
    %max3A_1308 = arith.maxsi %jit3A_1306, %sub3A_1305 : i32
    %min3A_1309 = arith.minsi %jit3A_1307, %max3A_1308 : i32
    %get3A_1310 = arith.constant 0 : index
    %get3A_1311 = arith.index_cast %min3A_1309 : i32 to index
    %get3A_1312 = arith.constant 0 : index
    %get3A_1313 = arith.constant 0 : index
    %get3A_1314 = vector.load %arg5[%get3A_1310, %get3A_1311, %get3A_1312, %get3A_1313] : memref<1x96x96x96xf32, #tpu.memory_space<vmem>>, vector<1x1x96x96xf32>
    %get3A_1315 = vector.shape_cast %get3A_1314 : vector<1x1x96x96xf32> to vector<1x96x96xf32>
    %ge3A_1316 = arith.constant 0 : i32
    %ge3A_1317 = arith.cmpi sge, %sub3A_1305, %ge3A_1316 : i32
    %add3A_1318 = arith.constant 3 : i32
    %add3A_1319 = arith.addi %mul3A_0, %add3A_1318 : i32
    %lt3A_1320 = arith.cmpi slt, %add3A_1319, %get3A_1228 : i32
    %and3A_1321 = arith.andi %ge3A_1317, %lt3A_1320 : i1
    %jit3A_1322 = arith.constant 0.000000e+00 : f32
    %broadcast_in_dim3A_1323 = vector.broadcast %jit3A_1322 : f32 to vector<1x96x96xf32>
    %select_n3A_1324 = arith.select %and3A_1321, %get3A_1315, %broadcast_in_dim3A_1323 : vector<1x96x96xf32>
    %add3A_1325 = arith.constant 4 : i32
    %add3A_1326 = arith.addi %mul3A_0, %add3A_1325 : i32
    %sub3A_1327 = arith.subi %add3A_1326, %get3A_1216 : i32
    %jit3A_1328 = arith.constant 0 : i32
    %jit3A_1329 = arith.constant 95 : i32
    %max3A_1330 = arith.maxsi %jit3A_1328, %sub3A_1327 : i32
    %min3A_1331 = arith.minsi %jit3A_1329, %max3A_1330 : i32
    %get3A_1332 = arith.constant 0 : index
    %get3A_1333 = arith.index_cast %min3A_1331 : i32 to index
    %get3A_1334 = arith.constant 0 : index
    %get3A_1335 = arith.constant 0 : index
    %get3A_1336 = vector.load %arg5[%get3A_1332, %get3A_1333, %get3A_1334, %get3A_1335] : memref<1x96x96x96xf32, #tpu.memory_space<vmem>>, vector<1x1x96x96xf32>
    %get3A_1337 = vector.shape_cast %get3A_1336 : vector<1x1x96x96xf32> to vector<1x96x96xf32>
    %ge3A_1338 = arith.constant 0 : i32
    %ge3A_1339 = arith.cmpi sge, %sub3A_1327, %ge3A_1338 : i32
    %add3A_1340 = arith.constant 4 : i32
    %add3A_1341 = arith.addi %mul3A_0, %add3A_1340 : i32
    %lt3A_1342 = arith.cmpi slt, %add3A_1341, %get3A_1228 : i32
    %and3A_1343 = arith.andi %ge3A_1339, %lt3A_1342 : i1
    %jit3A_1344 = arith.constant 0.000000e+00 : f32
    %broadcast_in_dim3A_1345 = vector.broadcast %jit3A_1344 : f32 to vector<1x96x96xf32>
    %select_n3A_1346 = arith.select %and3A_1343, %get3A_1337, %broadcast_in_dim3A_1345 : vector<1x96x96xf32>
    %add3A_1347 = arith.constant 5 : i32
    %add3A_1348 = arith.addi %mul3A_0, %add3A_1347 : i32
    %sub3A_1349 = arith.subi %add3A_1348, %get3A_1216 : i32
    %jit3A_1350 = arith.constant 0 : i32
    %jit3A_1351 = arith.constant 95 : i32
    %max3A_1352 = arith.maxsi %jit3A_1350, %sub3A_1349 : i32
    %min3A_1353 = arith.minsi %jit3A_1351, %max3A_1352 : i32
    %get3A_1354 = arith.constant 0 : index
    %get3A_1355 = arith.index_cast %min3A_1353 : i32 to index
    %get3A_1356 = arith.constant 0 : index
    %get3A_1357 = arith.constant 0 : index
    %get3A_1358 = vector.load %arg5[%get3A_1354, %get3A_1355, %get3A_1356, %get3A_1357] : memref<1x96x96x96xf32, #tpu.memory_space<vmem>>, vector<1x1x96x96xf32>
    %get3A_1359 = vector.shape_cast %get3A_1358 : vector<1x1x96x96xf32> to vector<1x96x96xf32>
    %ge3A_1360 = arith.constant 0 : i32
    %ge3A_1361 = arith.cmpi sge, %sub3A_1349, %ge3A_1360 : i32
    %add3A_1362 = arith.constant 5 : i32
    %add3A_1363 = arith.addi %mul3A_0, %add3A_1362 : i32
    %lt3A_1364 = arith.cmpi slt, %add3A_1363, %get3A_1228 : i32
    %and3A_1365 = arith.andi %ge3A_1361, %lt3A_1364 : i1
    %jit3A_1366 = arith.constant 0.000000e+00 : f32
    %broadcast_in_dim3A_1367 = vector.broadcast %jit3A_1366 : f32 to vector<1x96x96xf32>
    %select_n3A_1368 = arith.select %and3A_1365, %get3A_1359, %broadcast_in_dim3A_1367 : vector<1x96x96xf32>
    %add3A_1369 = arith.constant 6 : i32
    %add3A_1370 = arith.addi %mul3A_0, %add3A_1369 : i32
    %sub3A_1371 = arith.subi %add3A_1370, %get3A_1216 : i32
    %jit3A_1372 = arith.constant 0 : i32
    %jit3A_1373 = arith.constant 95 : i32
    %max3A_1374 = arith.maxsi %jit3A_1372, %sub3A_1371 : i32
    %min3A_1375 = arith.minsi %jit3A_1373, %max3A_1374 : i32
    %get3A_1376 = arith.constant 0 : index
    %get3A_1377 = arith.index_cast %min3A_1375 : i32 to index
    %get3A_1378 = arith.constant 0 : index
    %get3A_1379 = arith.constant 0 : index
    %get3A_1380 = vector.load %arg5[%get3A_1376, %get3A_1377, %get3A_1378, %get3A_1379] : memref<1x96x96x96xf32, #tpu.memory_space<vmem>>, vector<1x1x96x96xf32>
    %get3A_1381 = vector.shape_cast %get3A_1380 : vector<1x1x96x96xf32> to vector<1x96x96xf32>
    %ge3A_1382 = arith.constant 0 : i32
    %ge3A_1383 = arith.cmpi sge, %sub3A_1371, %ge3A_1382 : i32
    %add3A_1384 = arith.constant 6 : i32
    %add3A_1385 = arith.addi %mul3A_0, %add3A_1384 : i32
    %lt3A_1386 = arith.cmpi slt, %add3A_1385, %get3A_1228 : i32
    %and3A_1387 = arith.andi %ge3A_1383, %lt3A_1386 : i1
    %jit3A_1388 = arith.constant 0.000000e+00 : f32
    %broadcast_in_dim3A_1389 = vector.broadcast %jit3A_1388 : f32 to vector<1x96x96xf32>
    %select_n3A_1390 = arith.select %and3A_1387, %get3A_1381, %broadcast_in_dim3A_1389 : vector<1x96x96xf32>
    %add3A_1391 = arith.constant 7 : i32
    %add3A_1392 = arith.addi %mul3A_0, %add3A_1391 : i32
    %sub3A_1393 = arith.subi %add3A_1392, %get3A_1216 : i32
    %jit3A_1394 = arith.constant 0 : i32
    %jit3A_1395 = arith.constant 95 : i32
    %max3A_1396 = arith.maxsi %jit3A_1394, %sub3A_1393 : i32
    %min3A_1397 = arith.minsi %jit3A_1395, %max3A_1396 : i32
    %get3A_1398 = arith.constant 0 : index
    %get3A_1399 = arith.index_cast %min3A_1397 : i32 to index
    %get3A_1400 = arith.constant 0 : index
    %get3A_1401 = arith.constant 0 : index
    %get3A_1402 = vector.load %arg5[%get3A_1398, %get3A_1399, %get3A_1400, %get3A_1401] : memref<1x96x96x96xf32, #tpu.memory_space<vmem>>, vector<1x1x96x96xf32>
    %get3A_1403 = vector.shape_cast %get3A_1402 : vector<1x1x96x96xf32> to vector<1x96x96xf32>
    %ge3A_1404 = arith.constant 0 : i32
    %ge3A_1405 = arith.cmpi sge, %sub3A_1393, %ge3A_1404 : i32
    %add3A_1406 = arith.constant 7 : i32
    %add3A_1407 = arith.addi %mul3A_0, %add3A_1406 : i32
    %lt3A_1408 = arith.cmpi slt, %add3A_1407, %get3A_1228 : i32
    %and3A_1409 = arith.andi %ge3A_1405, %lt3A_1408 : i1
    %jit3A_1410 = arith.constant 0.000000e+00 : f32
    %broadcast_in_dim3A_1411 = vector.broadcast %jit3A_1410 : f32 to vector<1x96x96xf32>
    %select_n3A_1412 = arith.select %and3A_1409, %get3A_1403, %broadcast_in_dim3A_1411 : vector<1x96x96xf32>
    %concatenate3A_1413 = tpu.concatenate %select_n3A_1258, %select_n3A_1280, %select_n3A_1302, %select_n3A_1324, %select_n3A_1346, %select_n3A_1368, %select_n3A_1390, %select_n3A_1412 in 0 : vector<1x96x96xf32>, vector<1x96x96xf32>, vector<1x96x96xf32>, vector<1x96x96xf32>, vector<1x96x96xf32>, vector<1x96x96xf32>, vector<1x96x96xf32>, vector<1x96x96xf32> -> vector<8x96x96xf32>
    %sub3A_1414 = vector.broadcast %get3A_1220 : i32 to vector<96x96xi32>
    %sub3A_1415 = arith.subi %iota3A_1, %sub3A_1414 : vector<96x96xi32>
    %add3A_1416 = arith.constant 96 : i32
    %add3A_1417 = vector.broadcast %add3A_1416 : i32 to vector<96x96xi32>
    %add3A_1418 = arith.addi %sub3A_1415, %add3A_1417 : vector<96x96xi32>
    %jit3A_1419 = arith.constant 96 : i32
    %eq3A_1420 = arith.constant 0 : i32
    %eq3A_1421 = arith.cmpi eq, %jit3A_1419, %eq3A_1420 : i32
    %jit3A_1422 = arith.constant 1 : i32
    %select_n3A_1423 = arith.select %eq3A_1421, %jit3A_1422, %jit3A_1419 : i32
    %rem3A_1424 = vector.broadcast %select_n3A_1423 : i32 to vector<96x96xi32>
    %rem3A_1425 = arith.remsi %add3A_1418, %rem3A_1424 : vector<96x96xi32>
    %ne3A_1426 = arith.constant 0 : i32
    %ne3A_1427 = vector.broadcast %ne3A_1426 : i32 to vector<96x96xi32>
    %ne3A_1428 = arith.cmpi ne, %rem3A_1425, %ne3A_1427 : vector<96x96xi32>
    %lt3A_1429 = arith.constant 0 : i32
    %lt3A_1430 = vector.broadcast %lt3A_1429 : i32 to vector<96x96xi32>
    %lt3A_1431 = arith.cmpi slt, %rem3A_1425, %lt3A_1430 : vector<96x96xi32>
    %lt3A_1432 = arith.constant 0 : i32
    %lt3A_1433 = arith.cmpi slt, %select_n3A_1423, %lt3A_1432 : i32
    %ne3A_1434 = vector.broadcast %lt3A_1433 : i1 to vector<96x96xi1>
    %ne3A_1435 = vector.broadcast %ne3A_1434 : vector<96x96xi1> to vector<96x96xi1>
    %ne3A_1436 = arith.xori %lt3A_1431, %ne3A_1435 : vector<96x96xi1>
    %and3A_1437 = arith.andi %ne3A_1436, %ne3A_1428 : vector<96x96xi1>
    %add3A_1438 = vector.broadcast %select_n3A_1423 : i32 to vector<96x96xi32>
    %add3A_1439 = arith.addi %rem3A_1425, %add3A_1438 : vector<96x96xi32>
    %select_n3A_1440 = arith.select %and3A_1437, %add3A_1439, %rem3A_1425 : vector<96x96xi1>, vector<96x96xi32>
    %eq3A_1441 = arith.cmpi eq, %iota3A, %select_n3A_1440 : vector<96x96xi32>
    %ge3A_1442 = vector.broadcast %get3A_1220 : i32 to vector<96x96xi32>
    %ge3A_1443 = arith.cmpi sge, %iota3A_1, %ge3A_1442 : vector<96x96xi32>
    %and3A_1444 = arith.andi %eq3A_1441, %ge3A_1443 : vector<96x96xi1>
    %lt3A_1445 = vector.broadcast %get3A_1232 : i32 to vector<96x96xi32>
    %lt3A_1446 = arith.cmpi slt, %iota3A_1, %lt3A_1445 : vector<96x96xi32>
    %and3A_1447 = arith.andi %and3A_1444, %lt3A_1446 : vector<96x96xi1>
    %convert_element_type3A_1448 = arith.extui %and3A_1447 : vector<96x96xi1> to vector<96x96xi32>
    %convert_element_type3A_1449 = arith.sitofp %convert_element_type3A_1448 : vector<96x96xi32> to vector<96x96xf32>
    %sub3A_1450 = vector.broadcast %get3A_1224 : i32 to vector<96x96xi32>
    %sub3A_1451 = arith.subi %iota3A_1, %sub3A_1450 : vector<96x96xi32>
    %add3A_1452 = arith.constant 96 : i32
    %add3A_1453 = vector.broadcast %add3A_1452 : i32 to vector<96x96xi32>
    %add3A_1454 = arith.addi %sub3A_1451, %add3A_1453 : vector<96x96xi32>
    %jit3A_1455 = arith.constant 96 : i32
    %eq3A_1456 = arith.constant 0 : i32
    %eq3A_1457 = arith.cmpi eq, %jit3A_1455, %eq3A_1456 : i32
    %jit3A_1458 = arith.constant 1 : i32
    %select_n3A_1459 = arith.select %eq3A_1457, %jit3A_1458, %jit3A_1455 : i32
    %rem3A_1460 = vector.broadcast %select_n3A_1459 : i32 to vector<96x96xi32>
    %rem3A_1461 = arith.remsi %add3A_1454, %rem3A_1460 : vector<96x96xi32>
    %ne3A_1462 = arith.constant 0 : i32
    %ne3A_1463 = vector.broadcast %ne3A_1462 : i32 to vector<96x96xi32>
    %ne3A_1464 = arith.cmpi ne, %rem3A_1461, %ne3A_1463 : vector<96x96xi32>
    %lt3A_1465 = arith.constant 0 : i32
    %lt3A_1466 = vector.broadcast %lt3A_1465 : i32 to vector<96x96xi32>
    %lt3A_1467 = arith.cmpi slt, %rem3A_1461, %lt3A_1466 : vector<96x96xi32>
    %lt3A_1468 = arith.constant 0 : i32
    %lt3A_1469 = arith.cmpi slt, %select_n3A_1459, %lt3A_1468 : i32
    %ne3A_1470 = vector.broadcast %lt3A_1469 : i1 to vector<96x96xi1>
    %ne3A_1471 = vector.broadcast %ne3A_1470 : vector<96x96xi1> to vector<96x96xi1>
    %ne3A_1472 = arith.xori %lt3A_1467, %ne3A_1471 : vector<96x96xi1>
    %and3A_1473 = arith.andi %ne3A_1472, %ne3A_1464 : vector<96x96xi1>
    %add3A_1474 = vector.broadcast %select_n3A_1459 : i32 to vector<96x96xi32>
    %add3A_1475 = arith.addi %rem3A_1461, %add3A_1474 : vector<96x96xi32>
    %select_n3A_1476 = arith.select %and3A_1473, %add3A_1475, %rem3A_1461 : vector<96x96xi1>, vector<96x96xi32>
    %eq3A_1477 = arith.cmpi eq, %iota3A, %select_n3A_1476 : vector<96x96xi32>
    %ge3A_1478 = vector.broadcast %get3A_1224 : i32 to vector<96x96xi32>
    %ge3A_1479 = arith.cmpi sge, %iota3A_1, %ge3A_1478 : vector<96x96xi32>
    %and3A_1480 = arith.andi %eq3A_1477, %ge3A_1479 : vector<96x96xi1>
    %lt3A_1481 = vector.broadcast %get3A_1236 : i32 to vector<96x96xi32>
    %lt3A_1482 = arith.cmpi slt, %iota3A_1, %lt3A_1481 : vector<96x96xi32>
    %and3A_1483 = arith.andi %and3A_1480, %lt3A_1482 : vector<96x96xi1>
    %convert_element_type3A_1484 = arith.extui %and3A_1483 : vector<96x96xi1> to vector<96x96xi32>
    %convert_element_type3A_1485 = arith.sitofp %convert_element_type3A_1484 : vector<96x96xi32> to vector<96x96xf32>
    %dot_general3A_1486 = arith.constant dense<0.000000e+00> : vector<8x96x96xf32>
    %dot_general3A_1487 = tpu.matmul %concatenate3A_1413, %convert_element_type3A_1449, %dot_general3A_1486 {dimension_numbers = #tpu.dot_dimension_numbers<[1], [0], [0, 2], [1], [0, 0, 0, 2, 1, 1], [], []>, transpose_lhs_hint = false} : vector<8x96x96xf32>, vector<96x96xf32>, vector<8x96x96xf32> -> vector<8x96x96xf32>
    %dot_general3A_1488 = arith.constant dense<0.000000e+00> : vector<8x96x96xf32>
    %dot_general3A_1489 = tpu.matmul %dot_general3A_1487, %convert_element_type3A_1485, %dot_general3A_1488 {dimension_numbers = #tpu.dot_dimension_numbers<[1], [0], [0, 2], [1], [0, 0, 0, 2, 1, 1], [], []>, transpose_lhs_hint = false} : vector<8x96x96xf32>, vector<96x96xf32>, vector<8x96x96xf32> -> vector<8x96x96xf32>
    %max3A_1490 = arith.maximumf %max3A_1182, %dot_general3A_1489 : vector<8x96x96xf32>
    %get3A_1491 = arith.constant 0 : index
    %get3A_1492 = arith.constant 4 : index
    %get3A_1493 = arith.constant 0 : index
    %get3A_1494 = arith.constant 0 : index
    %get3A_1495 = arith.constant 0 : index
    %get3A_1496 = vector.load %arg4[%get3A_1491, %get3A_1492, %get3A_1493, %get3A_1494, %get3A_1495] : memref<1x8x8x96x96xf32, #tpu.memory_space<vmem>>, vector<1x1x8x96x96xf32>
    %get3A_1497 = vector.shape_cast %get3A_1496 : vector<1x1x8x96x96xf32> to vector<8x96x96xf32>
    %max3A_1498 = arith.constant 0.000000e+00 : f32
    %max3A_1499 = vector.broadcast %max3A_1498 : f32 to vector<8x96x96xf32>
    %max3A_1500 = arith.maximumf %get3A_1497, %max3A_1499 : vector<8x96x96xf32>
    %mul3A_1501 = arith.mulf %get3A_1497, %dot_general3A_1489 : vector<8x96x96xf32>
    %sub3A_1502 = arith.subf %max3A_1500, %mul3A_1501 : vector<8x96x96xf32>
    %abs3A_1503 = math.absf %get3A_1497 : vector<8x96x96xf32>
    %neg3A_1504 = arith.constant 0.000000e+00 : f32
    %neg3A_1505 = vector.broadcast %neg3A_1504 : f32 to vector<8x96x96xf32>
    %neg3A_1506 = arith.subf %neg3A_1505, %abs3A_1503 : vector<8x96x96xf32>
    %exp3A_1507 = math.exp %neg3A_1506 : vector<8x96x96xf32>
    %log1p3A_1508 = math.log1p %exp3A_1507 : vector<8x96x96xf32>
    %add3A_1509 = arith.addf %sub3A_1502, %log1p3A_1508 : vector<8x96x96xf32>
    %pad3A_1510 = arith.constant 0.000000e+00 : f32
    %pad3A_1511 = vector.broadcast %pad3A_1510 : f32 to vector<8x96x32xf32>
    %pad3A_1512 = tpu.concatenate %add3A_1509, %pad3A_1511 in 2 : vector<8x96x96xf32>, vector<8x96x32xf32> -> vector<8x96x128xf32>
    %swap3A_1513 = arith.constant 0 : index
    %swap3A_1514 = arith.constant 4 : index
    %swap3A_1515 = arith.constant 0 : index
    %swap3A_1516 = arith.constant 0 : index
    %swap3A_1517 = arith.constant 0 : index
    %swap3A_1518 = vector.load %arg6[%swap3A_1513, %swap3A_1514, %swap3A_1515, %swap3A_1516, %swap3A_1517] : memref<1x8x8x96x128xf32, #tpu.memory_space<vmem>>, vector<1x1x8x96x128xf32>
    %swap3A_1519 = vector.shape_cast %swap3A_1518 : vector<1x1x8x96x128xf32> to vector<8x96x128xf32>
    %swap3A_1520 = vector.shape_cast %pad3A_1512 : vector<8x96x128xf32> to vector<1x1x8x96x128xf32>
    tpu.vector_store %arg6[%swap3A_1513, %swap3A_1514, %swap3A_1515, %swap3A_1516, %swap3A_1517], %swap3A_1520 {strides = array<i32>} : memref<1x8x8x96x128xf32, #tpu.memory_space<vmem>>, vector<1x1x8x96x128xf32>,
    %get3A_1521 = arith.index_cast %arg0 : i32 to index
    %get3A_1522 = arith.constant 5 : index
    %get3A_1523 = arith.constant 0 : index
    %get3A_1524 = memref.load %arg2[%get3A_1521, %get3A_1522, %get3A_1523] : memref<2x7x3xi32, #tpu.memory_space<smem>>
    %get3A_1525 = arith.index_cast %arg0 : i32 to index
    %get3A_1526 = arith.constant 5 : index
    %get3A_1527 = arith.constant 1 : index
    %get3A_1528 = memref.load %arg2[%get3A_1525, %get3A_1526, %get3A_1527] : memref<2x7x3xi32, #tpu.memory_space<smem>>
    %get3A_1529 = arith.index_cast %arg0 : i32 to index
    %get3A_1530 = arith.constant 5 : index
    %get3A_1531 = arith.constant 2 : index
    %get3A_1532 = memref.load %arg2[%get3A_1529, %get3A_1530, %get3A_1531] : memref<2x7x3xi32, #tpu.memory_space<smem>>
    %get3A_1533 = arith.index_cast %arg0 : i32 to index
    %get3A_1534 = arith.constant 5 : index
    %get3A_1535 = arith.constant 0 : index
    %get3A_1536 = memref.load %arg3[%get3A_1533, %get3A_1534, %get3A_1535] : memref<2x7x3xi32, #tpu.memory_space<smem>>
    %get3A_1537 = arith.index_cast %arg0 : i32 to index
    %get3A_1538 = arith.constant 5 : index
    %get3A_1539 = arith.constant 1 : index
    %get3A_1540 = memref.load %arg3[%get3A_1537, %get3A_1538, %get3A_1539] : memref<2x7x3xi32, #tpu.memory_space<smem>>
    %get3A_1541 = arith.index_cast %arg0 : i32 to index
    %get3A_1542 = arith.constant 5 : index
    %get3A_1543 = arith.constant 2 : index
    %get3A_1544 = memref.load %arg3[%get3A_1541, %get3A_1542, %get3A_1543] : memref<2x7x3xi32, #tpu.memory_space<smem>>
    %add3A_1545 = arith.constant 0 : i32
    %add3A_1546 = arith.addi %mul3A_0, %add3A_1545 : i32
    %sub3A_1547 = arith.subi %add3A_1546, %get3A_1524 : i32
    %jit3A_1548 = arith.constant 0 : i32
    %jit3A_1549 = arith.constant 95 : i32
    %max3A_1550 = arith.maxsi %jit3A_1548, %sub3A_1547 : i32
    %min3A_1551 = arith.minsi %jit3A_1549, %max3A_1550 : i32
    %get3A_1552 = arith.constant 0 : index
    %get3A_1553 = arith.index_cast %min3A_1551 : i32 to index
    %get3A_1554 = arith.constant 0 : index
    %get3A_1555 = arith.constant 0 : index
    %get3A_1556 = vector.load %arg5[%get3A_1552, %get3A_1553, %get3A_1554, %get3A_1555] : memref<1x96x96x96xf32, #tpu.memory_space<vmem>>, vector<1x1x96x96xf32>
    %get3A_1557 = vector.shape_cast %get3A_1556 : vector<1x1x96x96xf32> to vector<1x96x96xf32>
    %ge3A_1558 = arith.constant 0 : i32
    %ge3A_1559 = arith.cmpi sge, %sub3A_1547, %ge3A_1558 : i32
    %add3A_1560 = arith.constant 0 : i32
    %add3A_1561 = arith.addi %mul3A_0, %add3A_1560 : i32
    %lt3A_1562 = arith.cmpi slt, %add3A_1561, %get3A_1536 : i32
    %and3A_1563 = arith.andi %ge3A_1559, %lt3A_1562 : i1
    %jit3A_1564 = arith.constant 0.000000e+00 : f32
    %broadcast_in_dim3A_1565 = vector.broadcast %jit3A_1564 : f32 to vector<1x96x96xf32>
    %select_n3A_1566 = arith.select %and3A_1563, %get3A_1557, %broadcast_in_dim3A_1565 : vector<1x96x96xf32>
    %add3A_1567 = arith.constant 1 : i32
    %add3A_1568 = arith.addi %mul3A_0, %add3A_1567 : i32
    %sub3A_1569 = arith.subi %add3A_1568, %get3A_1524 : i32
    %jit3A_1570 = arith.constant 0 : i32
    %jit3A_1571 = arith.constant 95 : i32
    %max3A_1572 = arith.maxsi %jit3A_1570, %sub3A_1569 : i32
    %min3A_1573 = arith.minsi %jit3A_1571, %max3A_1572 : i32
    %get3A_1574 = arith.constant 0 : index
    %get3A_1575 = arith.index_cast %min3A_1573 : i32 to index
    %get3A_1576 = arith.constant 0 : index
    %get3A_1577 = arith.constant 0 : index
    %get3A_1578 = vector.load %arg5[%get3A_1574, %get3A_1575, %get3A_1576, %get3A_1577] : memref<1x96x96x96xf32, #tpu.memory_space<vmem>>, vector<1x1x96x96xf32>
    %get3A_1579 = vector.shape_cast %get3A_1578 : vector<1x1x96x96xf32> to vector<1x96x96xf32>
    %ge3A_1580 = arith.constant 0 : i32
    %ge3A_1581 = arith.cmpi sge, %sub3A_1569, %ge3A_1580 : i32
    %add3A_1582 = arith.constant 1 : i32
    %add3A_1583 = arith.addi %mul3A_0, %add3A_1582 : i32
    %lt3A_1584 = arith.cmpi slt, %add3A_1583, %get3A_1536 : i32
    %and3A_1585 = arith.andi %ge3A_1581, %lt3A_1584 : i1
    %jit3A_1586 = arith.constant 0.000000e+00 : f32
    %broadcast_in_dim3A_1587 = vector.broadcast %jit3A_1586 : f32 to vector<1x96x96xf32>
    %select_n3A_1588 = arith.select %and3A_1585, %get3A_1579, %broadcast_in_dim3A_1587 : vector<1x96x96xf32>
    %add3A_1589 = arith.constant 2 : i32
    %add3A_1590 = arith.addi %mul3A_0, %add3A_1589 : i32
    %sub3A_1591 = arith.subi %add3A_1590, %get3A_1524 : i32
    %jit3A_1592 = arith.constant 0 : i32
    %jit3A_1593 = arith.constant 95 : i32
    %max3A_1594 = arith.maxsi %jit3A_1592, %sub3A_1591 : i32
    %min3A_1595 = arith.minsi %jit3A_1593, %max3A_1594 : i32
    %get3A_1596 = arith.constant 0 : index
    %get3A_1597 = arith.index_cast %min3A_1595 : i32 to index
    %get3A_1598 = arith.constant 0 : index
    %get3A_1599 = arith.constant 0 : index
    %get3A_1600 = vector.load %arg5[%get3A_1596, %get3A_1597, %get3A_1598, %get3A_1599] : memref<1x96x96x96xf32, #tpu.memory_space<vmem>>, vector<1x1x96x96xf32>
    %get3A_1601 = vector.shape_cast %get3A_1600 : vector<1x1x96x96xf32> to vector<1x96x96xf32>
    %ge3A_1602 = arith.constant 0 : i32
    %ge3A_1603 = arith.cmpi sge, %sub3A_1591, %ge3A_1602 : i32
    %add3A_1604 = arith.constant 2 : i32
    %add3A_1605 = arith.addi %mul3A_0, %add3A_1604 : i32
    %lt3A_1606 = arith.cmpi slt, %add3A_1605, %get3A_1536 : i32
    %and3A_1607 = arith.andi %ge3A_1603, %lt3A_1606 : i1
    %jit3A_1608 = arith.constant 0.000000e+00 : f32
    %broadcast_in_dim3A_1609 = vector.broadcast %jit3A_1608 : f32 to vector<1x96x96xf32>
    %select_n3A_1610 = arith.select %and3A_1607, %get3A_1601, %broadcast_in_dim3A_1609 : vector<1x96x96xf32>
    %add3A_1611 = arith.constant 3 : i32
    %add3A_1612 = arith.addi %mul3A_0, %add3A_1611 : i32
    %sub3A_1613 = arith.subi %add3A_1612, %get3A_1524 : i32
    %jit3A_1614 = arith.constant 0 : i32
    %jit3A_1615 = arith.constant 95 : i32
    %max3A_1616 = arith.maxsi %jit3A_1614, %sub3A_1613 : i32
    %min3A_1617 = arith.minsi %jit3A_1615, %max3A_1616 : i32
    %get3A_1618 = arith.constant 0 : index
    %get3A_1619 = arith.index_cast %min3A_1617 : i32 to index
    %get3A_1620 = arith.constant 0 : index
    %get3A_1621 = arith.constant 0 : index
    %get3A_1622 = vector.load %arg5[%get3A_1618, %get3A_1619, %get3A_1620, %get3A_1621] : memref<1x96x96x96xf32, #tpu.memory_space<vmem>>, vector<1x1x96x96xf32>
    %get3A_1623 = vector.shape_cast %get3A_1622 : vector<1x1x96x96xf32> to vector<1x96x96xf32>
    %ge3A_1624 = arith.constant 0 : i32
    %ge3A_1625 = arith.cmpi sge, %sub3A_1613, %ge3A_1624 : i32
    %add3A_1626 = arith.constant 3 : i32
    %add3A_1627 = arith.addi %mul3A_0, %add3A_1626 : i32
    %lt3A_1628 = arith.cmpi slt, %add3A_1627, %get3A_1536 : i32
    %and3A_1629 = arith.andi %ge3A_1625, %lt3A_1628 : i1
    %jit3A_1630 = arith.constant 0.000000e+00 : f32
    %broadcast_in_dim3A_1631 = vector.broadcast %jit3A_1630 : f32 to vector<1x96x96xf32>
    %select_n3A_1632 = arith.select %and3A_1629, %get3A_1623, %broadcast_in_dim3A_1631 : vector<1x96x96xf32>
    %add3A_1633 = arith.constant 4 : i32
    %add3A_1634 = arith.addi %mul3A_0, %add3A_1633 : i32
    %sub3A_1635 = arith.subi %add3A_1634, %get3A_1524 : i32
    %jit3A_1636 = arith.constant 0 : i32
    %jit3A_1637 = arith.constant 95 : i32
    %max3A_1638 = arith.maxsi %jit3A_1636, %sub3A_1635 : i32
    %min3A_1639 = arith.minsi %jit3A_1637, %max3A_1638 : i32
    %get3A_1640 = arith.constant 0 : index
    %get3A_1641 = arith.index_cast %min3A_1639 : i32 to index
    %get3A_1642 = arith.constant 0 : index
    %get3A_1643 = arith.constant 0 : index
    %get3A_1644 = vector.load %arg5[%get3A_1640, %get3A_1641, %get3A_1642, %get3A_1643] : memref<1x96x96x96xf32, #tpu.memory_space<vmem>>, vector<1x1x96x96xf32>
    %get3A_1645 = vector.shape_cast %get3A_1644 : vector<1x1x96x96xf32> to vector<1x96x96xf32>
    %ge3A_1646 = arith.constant 0 : i32
    %ge3A_1647 = arith.cmpi sge, %sub3A_1635, %ge3A_1646 : i32
    %add3A_1648 = arith.constant 4 : i32
    %add3A_1649 = arith.addi %mul3A_0, %add3A_1648 : i32
    %lt3A_1650 = arith.cmpi slt, %add3A_1649, %get3A_1536 : i32
    %and3A_1651 = arith.andi %ge3A_1647, %lt3A_1650 : i1
    %jit3A_1652 = arith.constant 0.000000e+00 : f32
    %broadcast_in_dim3A_1653 = vector.broadcast %jit3A_1652 : f32 to vector<1x96x96xf32>
    %select_n3A_1654 = arith.select %and3A_1651, %get3A_1645, %broadcast_in_dim3A_1653 : vector<1x96x96xf32>
    %add3A_1655 = arith.constant 5 : i32
    %add3A_1656 = arith.addi %mul3A_0, %add3A_1655 : i32
    %sub3A_1657 = arith.subi %add3A_1656, %get3A_1524 : i32
    %jit3A_1658 = arith.constant 0 : i32
    %jit3A_1659 = arith.constant 95 : i32
    %max3A_1660 = arith.maxsi %jit3A_1658, %sub3A_1657 : i32
    %min3A_1661 = arith.minsi %jit3A_1659, %max3A_1660 : i32
    %get3A_1662 = arith.constant 0 : index
    %get3A_1663 = arith.index_cast %min3A_1661 : i32 to index
    %get3A_1664 = arith.constant 0 : index
    %get3A_1665 = arith.constant 0 : index
    %get3A_1666 = vector.load %arg5[%get3A_1662, %get3A_1663, %get3A_1664, %get3A_1665] : memref<1x96x96x96xf32, #tpu.memory_space<vmem>>, vector<1x1x96x96xf32>
    %get3A_1667 = vector.shape_cast %get3A_1666 : vector<1x1x96x96xf32> to vector<1x96x96xf32>
    %ge3A_1668 = arith.constant 0 : i32
    %ge3A_1669 = arith.cmpi sge, %sub3A_1657, %ge3A_1668 : i32
    %add3A_1670 = arith.constant 5 : i32
    %add3A_1671 = arith.addi %mul3A_0, %add3A_1670 : i32
    %lt3A_1672 = arith.cmpi slt, %add3A_1671, %get3A_1536 : i32
    %and3A_1673 = arith.andi %ge3A_1669, %lt3A_1672 : i1
    %jit3A_1674 = arith.constant 0.000000e+00 : f32
    %broadcast_in_dim3A_1675 = vector.broadcast %jit3A_1674 : f32 to vector<1x96x96xf32>
    %select_n3A_1676 = arith.select %and3A_1673, %get3A_1667, %broadcast_in_dim3A_1675 : vector<1x96x96xf32>
    %add3A_1677 = arith.constant 6 : i32
    %add3A_1678 = arith.addi %mul3A_0, %add3A_1677 : i32
    %sub3A_1679 = arith.subi %add3A_1678, %get3A_1524 : i32
    %jit3A_1680 = arith.constant 0 : i32
    %jit3A_1681 = arith.constant 95 : i32
    %max3A_1682 = arith.maxsi %jit3A_1680, %sub3A_1679 : i32
    %min3A_1683 = arith.minsi %jit3A_1681, %max3A_1682 : i32
    %get3A_1684 = arith.constant 0 : index
    %get3A_1685 = arith.index_cast %min3A_1683 : i32 to index
    %get3A_1686 = arith.constant 0 : index
    %get3A_1687 = arith.constant 0 : index
    %get3A_1688 = vector.load %arg5[%get3A_1684, %get3A_1685, %get3A_1686, %get3A_1687] : memref<1x96x96x96xf32, #tpu.memory_space<vmem>>, vector<1x1x96x96xf32>
    %get3A_1689 = vector.shape_cast %get3A_1688 : vector<1x1x96x96xf32> to vector<1x96x96xf32>
    %ge3A_1690 = arith.constant 0 : i32
    %ge3A_1691 = arith.cmpi sge, %sub3A_1679, %ge3A_1690 : i32
    %add3A_1692 = arith.constant 6 : i32
    %add3A_1693 = arith.addi %mul3A_0, %add3A_1692 : i32
    %lt3A_1694 = arith.cmpi slt, %add3A_1693, %get3A_1536 : i32
    %and3A_1695 = arith.andi %ge3A_1691, %lt3A_1694 : i1
    %jit3A_1696 = arith.constant 0.000000e+00 : f32
    %broadcast_in_dim3A_1697 = vector.broadcast %jit3A_1696 : f32 to vector<1x96x96xf32>
    %select_n3A_1698 = arith.select %and3A_1695, %get3A_1689, %broadcast_in_dim3A_1697 : vector<1x96x96xf32>
    %add3A_1699 = arith.constant 7 : i32
    %add3A_1700 = arith.addi %mul3A_0, %add3A_1699 : i32
    %sub3A_1701 = arith.subi %add3A_1700, %get3A_1524 : i32
    %jit3A_1702 = arith.constant 0 : i32
    %jit3A_1703 = arith.constant 95 : i32
    %max3A_1704 = arith.maxsi %jit3A_1702, %sub3A_1701 : i32
    %min3A_1705 = arith.minsi %jit3A_1703, %max3A_1704 : i32
    %get3A_1706 = arith.constant 0 : index
    %get3A_1707 = arith.index_cast %min3A_1705 : i32 to index
    %get3A_1708 = arith.constant 0 : index
    %get3A_1709 = arith.constant 0 : index
    %get3A_1710 = vector.load %arg5[%get3A_1706, %get3A_1707, %get3A_1708, %get3A_1709] : memref<1x96x96x96xf32, #tpu.memory_space<vmem>>, vector<1x1x96x96xf32>
    %get3A_1711 = vector.shape_cast %get3A_1710 : vector<1x1x96x96xf32> to vector<1x96x96xf32>
    %ge3A_1712 = arith.constant 0 : i32
    %ge3A_1713 = arith.cmpi sge, %sub3A_1701, %ge3A_1712 : i32
    %add3A_1714 = arith.constant 7 : i32
    %add3A_1715 = arith.addi %mul3A_0, %add3A_1714 : i32
    %lt3A_1716 = arith.cmpi slt, %add3A_1715, %get3A_1536 : i32
    %and3A_1717 = arith.andi %ge3A_1713, %lt3A_1716 : i1
    %jit3A_1718 = arith.constant 0.000000e+00 : f32
    %broadcast_in_dim3A_1719 = vector.broadcast %jit3A_1718 : f32 to vector<1x96x96xf32>
    %select_n3A_1720 = arith.select %and3A_1717, %get3A_1711, %broadcast_in_dim3A_1719 : vector<1x96x96xf32>
    %concatenate3A_1721 = tpu.concatenate %select_n3A_1566, %select_n3A_1588, %select_n3A_1610, %select_n3A_1632, %select_n3A_1654, %select_n3A_1676, %select_n3A_1698, %select_n3A_1720 in 0 : vector<1x96x96xf32>, vector<1x96x96xf32>, vector<1x96x96xf32>, vector<1x96x96xf32>, vector<1x96x96xf32>, vector<1x96x96xf32>, vector<1x96x96xf32>, vector<1x96x96xf32> -> vector<8x96x96xf32>
    %sub3A_1722 = vector.broadcast %get3A_1528 : i32 to vector<96x96xi32>
    %sub3A_1723 = arith.subi %iota3A_1, %sub3A_1722 : vector<96x96xi32>
    %add3A_1724 = arith.constant 96 : i32
    %add3A_1725 = vector.broadcast %add3A_1724 : i32 to vector<96x96xi32>
    %add3A_1726 = arith.addi %sub3A_1723, %add3A_1725 : vector<96x96xi32>
    %jit3A_1727 = arith.constant 96 : i32
    %eq3A_1728 = arith.constant 0 : i32
    %eq3A_1729 = arith.cmpi eq, %jit3A_1727, %eq3A_1728 : i32
    %jit3A_1730 = arith.constant 1 : i32
    %select_n3A_1731 = arith.select %eq3A_1729, %jit3A_1730, %jit3A_1727 : i32
    %rem3A_1732 = vector.broadcast %select_n3A_1731 : i32 to vector<96x96xi32>
    %rem3A_1733 = arith.remsi %add3A_1726, %rem3A_1732 : vector<96x96xi32>
    %ne3A_1734 = arith.constant 0 : i32
    %ne3A_1735 = vector.broadcast %ne3A_1734 : i32 to vector<96x96xi32>
    %ne3A_1736 = arith.cmpi ne, %rem3A_1733, %ne3A_1735 : vector<96x96xi32>
    %lt3A_1737 = arith.constant 0 : i32
    %lt3A_1738 = vector.broadcast %lt3A_1737 : i32 to vector<96x96xi32>
    %lt3A_1739 = arith.cmpi slt, %rem3A_1733, %lt3A_1738 : vector<96x96xi32>
    %lt3A_1740 = arith.constant 0 : i32
    %lt3A_1741 = arith.cmpi slt, %select_n3A_1731, %lt3A_1740 : i32
    %ne3A_1742 = vector.broadcast %lt3A_1741 : i1 to vector<96x96xi1>
    %ne3A_1743 = vector.broadcast %ne3A_1742 : vector<96x96xi1> to vector<96x96xi1>
    %ne3A_1744 = arith.xori %lt3A_1739, %ne3A_1743 : vector<96x96xi1>
    %and3A_1745 = arith.andi %ne3A_1744, %ne3A_1736 : vector<96x96xi1>
    %add3A_1746 = vector.broadcast %select_n3A_1731 : i32 to vector<96x96xi32>
    %add3A_1747 = arith.addi %rem3A_1733, %add3A_1746 : vector<96x96xi32>
    %select_n3A_1748 = arith.select %and3A_1745, %add3A_1747, %rem3A_1733 : vector<96x96xi1>, vector<96x96xi32>
    %eq3A_1749 = arith.cmpi eq, %iota3A, %select_n3A_1748 : vector<96x96xi32>
    %ge3A_1750 = vector.broadcast %get3A_1528 : i32 to vector<96x96xi32>
    %ge3A_1751 = arith.cmpi sge, %iota3A_1, %ge3A_1750 : vector<96x96xi32>
    %and3A_1752 = arith.andi %eq3A_1749, %ge3A_1751 : vector<96x96xi1>
    %lt3A_1753 = vector.broadcast %get3A_1540 : i32 to vector<96x96xi32>
    %lt3A_1754 = arith.cmpi slt, %iota3A_1, %lt3A_1753 : vector<96x96xi32>
    %and3A_1755 = arith.andi %and3A_1752, %lt3A_1754 : vector<96x96xi1>
    %convert_element_type3A_1756 = arith.extui %and3A_1755 : vector<96x96xi1> to vector<96x96xi32>
    %convert_element_type3A_1757 = arith.sitofp %convert_element_type3A_1756 : vector<96x96xi32> to vector<96x96xf32>
    %sub3A_1758 = vector.broadcast %get3A_1532 : i32 to vector<96x96xi32>
    %sub3A_1759 = arith.subi %iota3A_1, %sub3A_1758 : vector<96x96xi32>
    %add3A_1760 = arith.constant 96 : i32
    %add3A_1761 = vector.broadcast %add3A_1760 : i32 to vector<96x96xi32>
    %add3A_1762 = arith.addi %sub3A_1759, %add3A_1761 : vector<96x96xi32>
    %jit3A_1763 = arith.constant 96 : i32
    %eq3A_1764 = arith.constant 0 : i32
    %eq3A_1765 = arith.cmpi eq, %jit3A_1763, %eq3A_1764 : i32
    %jit3A_1766 = arith.constant 1 : i32
    %select_n3A_1767 = arith.select %eq3A_1765, %jit3A_1766, %jit3A_1763 : i32
    %rem3A_1768 = vector.broadcast %select_n3A_1767 : i32 to vector<96x96xi32>
    %rem3A_1769 = arith.remsi %add3A_1762, %rem3A_1768 : vector<96x96xi32>
    %ne3A_1770 = arith.constant 0 : i32
    %ne3A_1771 = vector.broadcast %ne3A_1770 : i32 to vector<96x96xi32>
    %ne3A_1772 = arith.cmpi ne, %rem3A_1769, %ne3A_1771 : vector<96x96xi32>
    %lt3A_1773 = arith.constant 0 : i32
    %lt3A_1774 = vector.broadcast %lt3A_1773 : i32 to vector<96x96xi32>
    %lt3A_1775 = arith.cmpi slt, %rem3A_1769, %lt3A_1774 : vector<96x96xi32>
    %lt3A_1776 = arith.constant 0 : i32
    %lt3A_1777 = arith.cmpi slt, %select_n3A_1767, %lt3A_1776 : i32
    %ne3A_1778 = vector.broadcast %lt3A_1777 : i1 to vector<96x96xi1>
    %ne3A_1779 = vector.broadcast %ne3A_1778 : vector<96x96xi1> to vector<96x96xi1>
    %ne3A_1780 = arith.xori %lt3A_1775, %ne3A_1779 : vector<96x96xi1>
    %and3A_1781 = arith.andi %ne3A_1780, %ne3A_1772 : vector<96x96xi1>
    %add3A_1782 = vector.broadcast %select_n3A_1767 : i32 to vector<96x96xi32>
    %add3A_1783 = arith.addi %rem3A_1769, %add3A_1782 : vector<96x96xi32>
    %select_n3A_1784 = arith.select %and3A_1781, %add3A_1783, %rem3A_1769 : vector<96x96xi1>, vector<96x96xi32>
    %eq3A_1785 = arith.cmpi eq, %iota3A, %select_n3A_1784 : vector<96x96xi32>
    %ge3A_1786 = vector.broadcast %get3A_1532 : i32 to vector<96x96xi32>
    %ge3A_1787 = arith.cmpi sge, %iota3A_1, %ge3A_1786 : vector<96x96xi32>
    %and3A_1788 = arith.andi %eq3A_1785, %ge3A_1787 : vector<96x96xi1>
    %lt3A_1789 = vector.broadcast %get3A_1544 : i32 to vector<96x96xi32>
    %lt3A_1790 = arith.cmpi slt, %iota3A_1, %lt3A_1789 : vector<96x96xi32>
    %and3A_1791 = arith.andi %and3A_1788, %lt3A_1790 : vector<96x96xi1>
    %convert_element_type3A_1792 = arith.extui %and3A_1791 : vector<96x96xi1> to vector<96x96xi32>
    %convert_element_type3A_1793 = arith.sitofp %convert_element_type3A_1792 : vector<96x96xi32> to vector<96x96xf32>
    %dot_general3A_1794 = arith.constant dense<0.000000e+00> : vector<8x96x96xf32>
    %dot_general3A_1795 = tpu.matmul %concatenate3A_1721, %convert_element_type3A_1757, %dot_general3A_1794 {dimension_numbers = #tpu.dot_dimension_numbers<[1], [0], [0, 2], [1], [0, 0, 0, 2, 1, 1], [], []>, transpose_lhs_hint = false} : vector<8x96x96xf32>, vector<96x96xf32>, vector<8x96x96xf32> -> vector<8x96x96xf32>
    %dot_general3A_1796 = arith.constant dense<0.000000e+00> : vector<8x96x96xf32>
    %dot_general3A_1797 = tpu.matmul %dot_general3A_1795, %convert_element_type3A_1793, %dot_general3A_1796 {dimension_numbers = #tpu.dot_dimension_numbers<[1], [0], [0, 2], [1], [0, 0, 0, 2, 1, 1], [], []>, transpose_lhs_hint = false} : vector<8x96x96xf32>, vector<96x96xf32>, vector<8x96x96xf32> -> vector<8x96x96xf32>
    %max3A_1798 = arith.maximumf %max3A_1490, %dot_general3A_1797 : vector<8x96x96xf32>
    %get3A_1799 = arith.constant 0 : index
    %get3A_1800 = arith.constant 5 : index
    %get3A_1801 = arith.constant 0 : index
    %get3A_1802 = arith.constant 0 : index
    %get3A_1803 = arith.constant 0 : index
    %get3A_1804 = vector.load %arg4[%get3A_1799, %get3A_1800, %get3A_1801, %get3A_1802, %get3A_1803] : memref<1x8x8x96x96xf32, #tpu.memory_space<vmem>>, vector<1x1x8x96x96xf32>
    %get3A_1805 = vector.shape_cast %get3A_1804 : vector<1x1x8x96x96xf32> to vector<8x96x96xf32>
    %max3A_1806 = arith.constant 0.000000e+00 : f32
    %max3A_1807 = vector.broadcast %max3A_1806 : f32 to vector<8x96x96xf32>
    %max3A_1808 = arith.maximumf %get3A_1805, %max3A_1807 : vector<8x96x96xf32>
    %mul3A_1809 = arith.mulf %get3A_1805, %dot_general3A_1797 : vector<8x96x96xf32>
    %sub3A_1810 = arith.subf %max3A_1808, %mul3A_1809 : vector<8x96x96xf32>
    %abs3A_1811 = math.absf %get3A_1805 : vector<8x96x96xf32>
    %neg3A_1812 = arith.constant 0.000000e+00 : f32
    %neg3A_1813 = vector.broadcast %neg3A_1812 : f32 to vector<8x96x96xf32>
    %neg3A_1814 = arith.subf %neg3A_1813, %abs3A_1811 : vector<8x96x96xf32>
    %exp3A_1815 = math.exp %neg3A_1814 : vector<8x96x96xf32>
    %log1p3A_1816 = math.log1p %exp3A_1815 : vector<8x96x96xf32>
    %add3A_1817 = arith.addf %sub3A_1810, %log1p3A_1816 : vector<8x96x96xf32>
    %pad3A_1818 = arith.constant 0.000000e+00 : f32
    %pad3A_1819 = vector.broadcast %pad3A_1818 : f32 to vector<8x96x32xf32>
    %pad3A_1820 = tpu.concatenate %add3A_1817, %pad3A_1819 in 2 : vector<8x96x96xf32>, vector<8x96x32xf32> -> vector<8x96x128xf32>
    %swap3A_1821 = arith.constant 0 : index
    %swap3A_1822 = arith.constant 5 : index
    %swap3A_1823 = arith.constant 0 : index
    %swap3A_1824 = arith.constant 0 : index
    %swap3A_1825 = arith.constant 0 : index
    %swap3A_1826 = vector.load %arg6[%swap3A_1821, %swap3A_1822, %swap3A_1823, %swap3A_1824, %swap3A_1825] : memref<1x8x8x96x128xf32, #tpu.memory_space<vmem>>, vector<1x1x8x96x128xf32>
    %swap3A_1827 = vector.shape_cast %swap3A_1826 : vector<1x1x8x96x128xf32> to vector<8x96x128xf32>
    %swap3A_1828 = vector.shape_cast %pad3A_1820 : vector<8x96x128xf32> to vector<1x1x8x96x128xf32>
    tpu.vector_store %arg6[%swap3A_1821, %swap3A_1822, %swap3A_1823, %swap3A_1824, %swap3A_1825], %swap3A_1828 {strides = array<i32>} : memref<1x8x8x96x128xf32, #tpu.memory_space<vmem>>, vector<1x1x8x96x128xf32>,
    %get3A_1829 = arith.index_cast %arg0 : i32 to index
    %get3A_1830 = arith.constant 6 : index
    %get3A_1831 = arith.constant 0 : index
    %get3A_1832 = memref.load %arg2[%get3A_1829, %get3A_1830, %get3A_1831] : memref<2x7x3xi32, #tpu.memory_space<smem>>
    %get3A_1833 = arith.index_cast %arg0 : i32 to index
    %get3A_1834 = arith.constant 6 : index
    %get3A_1835 = arith.constant 1 : index
    %get3A_1836 = memref.load %arg2[%get3A_1833, %get3A_1834, %get3A_1835] : memref<2x7x3xi32, #tpu.memory_space<smem>>
    %get3A_1837 = arith.index_cast %arg0 : i32 to index
    %get3A_1838 = arith.constant 6 : index
    %get3A_1839 = arith.constant 2 : index
    %get3A_1840 = memref.load %arg2[%get3A_1837, %get3A_1838, %get3A_1839] : memref<2x7x3xi32, #tpu.memory_space<smem>>
    %get3A_1841 = arith.index_cast %arg0 : i32 to index
    %get3A_1842 = arith.constant 6 : index
    %get3A_1843 = arith.constant 0 : index
    %get3A_1844 = memref.load %arg3[%get3A_1841, %get3A_1842, %get3A_1843] : memref<2x7x3xi32, #tpu.memory_space<smem>>
    %get3A_1845 = arith.index_cast %arg0 : i32 to index
    %get3A_1846 = arith.constant 6 : index
    %get3A_1847 = arith.constant 1 : index
    %get3A_1848 = memref.load %arg3[%get3A_1845, %get3A_1846, %get3A_1847] : memref<2x7x3xi32, #tpu.memory_space<smem>>
    %get3A_1849 = arith.index_cast %arg0 : i32 to index
    %get3A_1850 = arith.constant 6 : index
    %get3A_1851 = arith.constant 2 : index
    %get3A_1852 = memref.load %arg3[%get3A_1849, %get3A_1850, %get3A_1851] : memref<2x7x3xi32, #tpu.memory_space<smem>>
    %add3A_1853 = arith.constant 0 : i32
    %add3A_1854 = arith.addi %mul3A_0, %add3A_1853 : i32
    %sub3A_1855 = arith.subi %add3A_1854, %get3A_1832 : i32
    %jit3A_1856 = arith.constant 0 : i32
    %jit3A_1857 = arith.constant 95 : i32
    %max3A_1858 = arith.maxsi %jit3A_1856, %sub3A_1855 : i32
    %min3A_1859 = arith.minsi %jit3A_1857, %max3A_1858 : i32
    %get3A_1860 = arith.constant 0 : index
    %get3A_1861 = arith.index_cast %min3A_1859 : i32 to index
    %get3A_1862 = arith.constant 0 : index
    %get3A_1863 = arith.constant 0 : index
    %get3A_1864 = vector.load %arg5[%get3A_1860, %get3A_1861, %get3A_1862, %get3A_1863] : memref<1x96x96x96xf32, #tpu.memory_space<vmem>>, vector<1x1x96x96xf32>
    %get3A_1865 = vector.shape_cast %get3A_1864 : vector<1x1x96x96xf32> to vector<1x96x96xf32>
    %ge3A_1866 = arith.constant 0 : i32
    %ge3A_1867 = arith.cmpi sge, %sub3A_1855, %ge3A_1866 : i32
    %add3A_1868 = arith.constant 0 : i32
    %add3A_1869 = arith.addi %mul3A_0, %add3A_1868 : i32
    %lt3A_1870 = arith.cmpi slt, %add3A_1869, %get3A_1844 : i32
    %and3A_1871 = arith.andi %ge3A_1867, %lt3A_1870 : i1
    %jit3A_1872 = arith.constant 0.000000e+00 : f32
    %broadcast_in_dim3A_1873 = vector.broadcast %jit3A_1872 : f32 to vector<1x96x96xf32>
    %select_n3A_1874 = arith.select %and3A_1871, %get3A_1865, %broadcast_in_dim3A_1873 : vector<1x96x96xf32>
    %add3A_1875 = arith.constant 1 : i32
    %add3A_1876 = arith.addi %mul3A_0, %add3A_1875 : i32
    %sub3A_1877 = arith.subi %add3A_1876, %get3A_1832 : i32
    %jit3A_1878 = arith.constant 0 : i32
    %jit3A_1879 = arith.constant 95 : i32
    %max3A_1880 = arith.maxsi %jit3A_1878, %sub3A_1877 : i32
    %min3A_1881 = arith.minsi %jit3A_1879, %max3A_1880 : i32
    %get3A_1882 = arith.constant 0 : index
    %get3A_1883 = arith.index_cast %min3A_1881 : i32 to index
    %get3A_1884 = arith.constant 0 : index
    %get3A_1885 = arith.constant 0 : index
    %get3A_1886 = vector.load %arg5[%get3A_1882, %get3A_1883, %get3A_1884, %get3A_1885] : memref<1x96x96x96xf32, #tpu.memory_space<vmem>>, vector<1x1x96x96xf32>
    %get3A_1887 = vector.shape_cast %get3A_1886 : vector<1x1x96x96xf32> to vector<1x96x96xf32>
    %ge3A_1888 = arith.constant 0 : i32
    %ge3A_1889 = arith.cmpi sge, %sub3A_1877, %ge3A_1888 : i32
    %add3A_1890 = arith.constant 1 : i32
    %add3A_1891 = arith.addi %mul3A_0, %add3A_1890 : i32
    %lt3A_1892 = arith.cmpi slt, %add3A_1891, %get3A_1844 : i32
    %and3A_1893 = arith.andi %ge3A_1889, %lt3A_1892 : i1
    %jit3A_1894 = arith.constant 0.000000e+00 : f32
    %broadcast_in_dim3A_1895 = vector.broadcast %jit3A_1894 : f32 to vector<1x96x96xf32>
    %select_n3A_1896 = arith.select %and3A_1893, %get3A_1887, %broadcast_in_dim3A_1895 : vector<1x96x96xf32>
    %add3A_1897 = arith.constant 2 : i32
    %add3A_1898 = arith.addi %mul3A_0, %add3A_1897 : i32
    %sub3A_1899 = arith.subi %add3A_1898, %get3A_1832 : i32
    %jit3A_1900 = arith.constant 0 : i32
    %jit3A_1901 = arith.constant 95 : i32
    %max3A_1902 = arith.maxsi %jit3A_1900, %sub3A_1899 : i32
    %min3A_1903 = arith.minsi %jit3A_1901, %max3A_1902 : i32
    %get3A_1904 = arith.constant 0 : index
    %get3A_1905 = arith.index_cast %min3A_1903 : i32 to index
    %get3A_1906 = arith.constant 0 : index
    %get3A_1907 = arith.constant 0 : index
    %get3A_1908 = vector.load %arg5[%get3A_1904, %get3A_1905, %get3A_1906, %get3A_1907] : memref<1x96x96x96xf32, #tpu.memory_space<vmem>>, vector<1x1x96x96xf32>
    %get3A_1909 = vector.shape_cast %get3A_1908 : vector<1x1x96x96xf32> to vector<1x96x96xf32>
    %ge3A_1910 = arith.constant 0 : i32
    %ge3A_1911 = arith.cmpi sge, %sub3A_1899, %ge3A_1910 : i32
    %add3A_1912 = arith.constant 2 : i32
    %add3A_1913 = arith.addi %mul3A_0, %add3A_1912 : i32
    %lt3A_1914 = arith.cmpi slt, %add3A_1913, %get3A_1844 : i32
    %and3A_1915 = arith.andi %ge3A_1911, %lt3A_1914 : i1
    %jit3A_1916 = arith.constant 0.000000e+00 : f32
    %broadcast_in_dim3A_1917 = vector.broadcast %jit3A_1916 : f32 to vector<1x96x96xf32>
    %select_n3A_1918 = arith.select %and3A_1915, %get3A_1909, %broadcast_in_dim3A_1917 : vector<1x96x96xf32>
    %add3A_1919 = arith.constant 3 : i32
    %add3A_1920 = arith.addi %mul3A_0, %add3A_1919 : i32
    %sub3A_1921 = arith.subi %add3A_1920, %get3A_1832 : i32
    %jit3A_1922 = arith.constant 0 : i32
    %jit3A_1923 = arith.constant 95 : i32
    %max3A_1924 = arith.maxsi %jit3A_1922, %sub3A_1921 : i32
    %min3A_1925 = arith.minsi %jit3A_1923, %max3A_1924 : i32
    %get3A_1926 = arith.constant 0 : index
    %get3A_1927 = arith.index_cast %min3A_1925 : i32 to index
    %get3A_1928 = arith.constant 0 : index
    %get3A_1929 = arith.constant 0 : index
    %get3A_1930 = vector.load %arg5[%get3A_1926, %get3A_1927, %get3A_1928, %get3A_1929] : memref<1x96x96x96xf32, #tpu.memory_space<vmem>>, vector<1x1x96x96xf32>
    %get3A_1931 = vector.shape_cast %get3A_1930 : vector<1x1x96x96xf32> to vector<1x96x96xf32>
    %ge3A_1932 = arith.constant 0 : i32
    %ge3A_1933 = arith.cmpi sge, %sub3A_1921, %ge3A_1932 : i32
    %add3A_1934 = arith.constant 3 : i32
    %add3A_1935 = arith.addi %mul3A_0, %add3A_1934 : i32
    %lt3A_1936 = arith.cmpi slt, %add3A_1935, %get3A_1844 : i32
    %and3A_1937 = arith.andi %ge3A_1933, %lt3A_1936 : i1
    %jit3A_1938 = arith.constant 0.000000e+00 : f32
    %broadcast_in_dim3A_1939 = vector.broadcast %jit3A_1938 : f32 to vector<1x96x96xf32>
    %select_n3A_1940 = arith.select %and3A_1937, %get3A_1931, %broadcast_in_dim3A_1939 : vector<1x96x96xf32>
    %add3A_1941 = arith.constant 4 : i32
    %add3A_1942 = arith.addi %mul3A_0, %add3A_1941 : i32
    %sub3A_1943 = arith.subi %add3A_1942, %get3A_1832 : i32
    %jit3A_1944 = arith.constant 0 : i32
    %jit3A_1945 = arith.constant 95 : i32
    %max3A_1946 = arith.maxsi %jit3A_1944, %sub3A_1943 : i32
    %min3A_1947 = arith.minsi %jit3A_1945, %max3A_1946 : i32
    %get3A_1948 = arith.constant 0 : index
    %get3A_1949 = arith.index_cast %min3A_1947 : i32 to index
    %get3A_1950 = arith.constant 0 : index
    %get3A_1951 = arith.constant 0 : index
    %get3A_1952 = vector.load %arg5[%get3A_1948, %get3A_1949, %get3A_1950, %get3A_1951] : memref<1x96x96x96xf32, #tpu.memory_space<vmem>>, vector<1x1x96x96xf32>
    %get3A_1953 = vector.shape_cast %get3A_1952 : vector<1x1x96x96xf32> to vector<1x96x96xf32>
    %ge3A_1954 = arith.constant 0 : i32
    %ge3A_1955 = arith.cmpi sge, %sub3A_1943, %ge3A_1954 : i32
    %add3A_1956 = arith.constant 4 : i32
    %add3A_1957 = arith.addi %mul3A_0, %add3A_1956 : i32
    %lt3A_1958 = arith.cmpi slt, %add3A_1957, %get3A_1844 : i32
    %and3A_1959 = arith.andi %ge3A_1955, %lt3A_1958 : i1
    %jit3A_1960 = arith.constant 0.000000e+00 : f32
    %broadcast_in_dim3A_1961 = vector.broadcast %jit3A_1960 : f32 to vector<1x96x96xf32>
    %select_n3A_1962 = arith.select %and3A_1959, %get3A_1953, %broadcast_in_dim3A_1961 : vector<1x96x96xf32>
    %add3A_1963 = arith.constant 5 : i32
    %add3A_1964 = arith.addi %mul3A_0, %add3A_1963 : i32
    %sub3A_1965 = arith.subi %add3A_1964, %get3A_1832 : i32
    %jit3A_1966 = arith.constant 0 : i32
    %jit3A_1967 = arith.constant 95 : i32
    %max3A_1968 = arith.maxsi %jit3A_1966, %sub3A_1965 : i32
    %min3A_1969 = arith.minsi %jit3A_1967, %max3A_1968 : i32
    %get3A_1970 = arith.constant 0 : index
    %get3A_1971 = arith.index_cast %min3A_1969 : i32 to index
    %get3A_1972 = arith.constant 0 : index
    %get3A_1973 = arith.constant 0 : index
    %get3A_1974 = vector.load %arg5[%get3A_1970, %get3A_1971, %get3A_1972, %get3A_1973] : memref<1x96x96x96xf32, #tpu.memory_space<vmem>>, vector<1x1x96x96xf32>
    %get3A_1975 = vector.shape_cast %get3A_1974 : vector<1x1x96x96xf32> to vector<1x96x96xf32>
    %ge3A_1976 = arith.constant 0 : i32
    %ge3A_1977 = arith.cmpi sge, %sub3A_1965, %ge3A_1976 : i32
    %add3A_1978 = arith.constant 5 : i32
    %add3A_1979 = arith.addi %mul3A_0, %add3A_1978 : i32
    %lt3A_1980 = arith.cmpi slt, %add3A_1979, %get3A_1844 : i32
    %and3A_1981 = arith.andi %ge3A_1977, %lt3A_1980 : i1
    %jit3A_1982 = arith.constant 0.000000e+00 : f32
    %broadcast_in_dim3A_1983 = vector.broadcast %jit3A_1982 : f32 to vector<1x96x96xf32>
    %select_n3A_1984 = arith.select %and3A_1981, %get3A_1975, %broadcast_in_dim3A_1983 : vector<1x96x96xf32>
    %add3A_1985 = arith.constant 6 : i32
    %add3A_1986 = arith.addi %mul3A_0, %add3A_1985 : i32
    %sub3A_1987 = arith.subi %add3A_1986, %get3A_1832 : i32
    %jit3A_1988 = arith.constant 0 : i32
    %jit3A_1989 = arith.constant 95 : i32
    %max3A_1990 = arith.maxsi %jit3A_1988, %sub3A_1987 : i32
    %min3A_1991 = arith.minsi %jit3A_1989, %max3A_1990 : i32
    %get3A_1992 = arith.constant 0 : index
    %get3A_1993 = arith.index_cast %min3A_1991 : i32 to index
    %get3A_1994 = arith.constant 0 : index
    %get3A_1995 = arith.constant 0 : index
    %get3A_1996 = vector.load %arg5[%get3A_1992, %get3A_1993, %get3A_1994, %get3A_1995] : memref<1x96x96x96xf32, #tpu.memory_space<vmem>>, vector<1x1x96x96xf32>
    %get3A_1997 = vector.shape_cast %get3A_1996 : vector<1x1x96x96xf32> to vector<1x96x96xf32>
    %ge3A_1998 = arith.constant 0 : i32
    %ge3A_1999 = arith.cmpi sge, %sub3A_1987, %ge3A_1998 : i32
    %add3A_2000 = arith.constant 6 : i32
    %add3A_2001 = arith.addi %mul3A_0, %add3A_2000 : i32
    %lt3A_2002 = arith.cmpi slt, %add3A_2001, %get3A_1844 : i32
    %and3A_2003 = arith.andi %ge3A_1999, %lt3A_2002 : i1
    %jit3A_2004 = arith.constant 0.000000e+00 : f32
    %broadcast_in_dim3A_2005 = vector.broadcast %jit3A_2004 : f32 to vector<1x96x96xf32>
    %select_n3A_2006 = arith.select %and3A_2003, %get3A_1997, %broadcast_in_dim3A_2005 : vector<1x96x96xf32>
    %add3A_2007 = arith.constant 7 : i32
    %add3A_2008 = arith.addi %mul3A_0, %add3A_2007 : i32
    %sub3A_2009 = arith.subi %add3A_2008, %get3A_1832 : i32
    %jit3A_2010 = arith.constant 0 : i32
    %jit3A_2011 = arith.constant 95 : i32
    %max3A_2012 = arith.maxsi %jit3A_2010, %sub3A_2009 : i32
    %min3A_2013 = arith.minsi %jit3A_2011, %max3A_2012 : i32
    %get3A_2014 = arith.constant 0 : index
    %get3A_2015 = arith.index_cast %min3A_2013 : i32 to index
    %get3A_2016 = arith.constant 0 : index
    %get3A_2017 = arith.constant 0 : index
    %get3A_2018 = vector.load %arg5[%get3A_2014, %get3A_2015, %get3A_2016, %get3A_2017] : memref<1x96x96x96xf32, #tpu.memory_space<vmem>>, vector<1x1x96x96xf32>
    %get3A_2019 = vector.shape_cast %get3A_2018 : vector<1x1x96x96xf32> to vector<1x96x96xf32>
    %ge3A_2020 = arith.constant 0 : i32
    %ge3A_2021 = arith.cmpi sge, %sub3A_2009, %ge3A_2020 : i32
    %add3A_2022 = arith.constant 7 : i32
    %add3A_2023 = arith.addi %mul3A_0, %add3A_2022 : i32
    %lt3A_2024 = arith.cmpi slt, %add3A_2023, %get3A_1844 : i32
    %and3A_2025 = arith.andi %ge3A_2021, %lt3A_2024 : i1
    %jit3A_2026 = arith.constant 0.000000e+00 : f32
    %broadcast_in_dim3A_2027 = vector.broadcast %jit3A_2026 : f32 to vector<1x96x96xf32>
    %select_n3A_2028 = arith.select %and3A_2025, %get3A_2019, %broadcast_in_dim3A_2027 : vector<1x96x96xf32>
    %concatenate3A_2029 = tpu.concatenate %select_n3A_1874, %select_n3A_1896, %select_n3A_1918, %select_n3A_1940, %select_n3A_1962, %select_n3A_1984, %select_n3A_2006, %select_n3A_2028 in 0 : vector<1x96x96xf32>, vector<1x96x96xf32>, vector<1x96x96xf32>, vector<1x96x96xf32>, vector<1x96x96xf32>, vector<1x96x96xf32>, vector<1x96x96xf32>, vector<1x96x96xf32> -> vector<8x96x96xf32>
    %sub3A_2030 = vector.broadcast %get3A_1836 : i32 to vector<96x96xi32>
    %sub3A_2031 = arith.subi %iota3A_1, %sub3A_2030 : vector<96x96xi32>
    %add3A_2032 = arith.constant 96 : i32
    %add3A_2033 = vector.broadcast %add3A_2032 : i32 to vector<96x96xi32>
    %add3A_2034 = arith.addi %sub3A_2031, %add3A_2033 : vector<96x96xi32>
    %jit3A_2035 = arith.constant 96 : i32
    %eq3A_2036 = arith.constant 0 : i32
    %eq3A_2037 = arith.cmpi eq, %jit3A_2035, %eq3A_2036 : i32
    %jit3A_2038 = arith.constant 1 : i32
    %select_n3A_2039 = arith.select %eq3A_2037, %jit3A_2038, %jit3A_2035 : i32
    %rem3A_2040 = vector.broadcast %select_n3A_2039 : i32 to vector<96x96xi32>
    %rem3A_2041 = arith.remsi %add3A_2034, %rem3A_2040 : vector<96x96xi32>
    %ne3A_2042 = arith.constant 0 : i32
    %ne3A_2043 = vector.broadcast %ne3A_2042 : i32 to vector<96x96xi32>
    %ne3A_2044 = arith.cmpi ne, %rem3A_2041, %ne3A_2043 : vector<96x96xi32>
    %lt3A_2045 = arith.constant 0 : i32
    %lt3A_2046 = vector.broadcast %lt3A_2045 : i32 to vector<96x96xi32>
    %lt3A_2047 = arith.cmpi slt, %rem3A_2041, %lt3A_2046 : vector<96x96xi32>
    %lt3A_2048 = arith.constant 0 : i32
    %lt3A_2049 = arith.cmpi slt, %select_n3A_2039, %lt3A_2048 : i32
    %ne3A_2050 = vector.broadcast %lt3A_2049 : i1 to vector<96x96xi1>
    %ne3A_2051 = vector.broadcast %ne3A_2050 : vector<96x96xi1> to vector<96x96xi1>
    %ne3A_2052 = arith.xori %lt3A_2047, %ne3A_2051 : vector<96x96xi1>
    %and3A_2053 = arith.andi %ne3A_2052, %ne3A_2044 : vector<96x96xi1>
    %add3A_2054 = vector.broadcast %select_n3A_2039 : i32 to vector<96x96xi32>
    %add3A_2055 = arith.addi %rem3A_2041, %add3A_2054 : vector<96x96xi32>
    %select_n3A_2056 = arith.select %and3A_2053, %add3A_2055, %rem3A_2041 : vector<96x96xi1>, vector<96x96xi32>
    %eq3A_2057 = arith.cmpi eq, %iota3A, %select_n3A_2056 : vector<96x96xi32>
    %ge3A_2058 = vector.broadcast %get3A_1836 : i32 to vector<96x96xi32>
    %ge3A_2059 = arith.cmpi sge, %iota3A_1, %ge3A_2058 : vector<96x96xi32>
    %and3A_2060 = arith.andi %eq3A_2057, %ge3A_2059 : vector<96x96xi1>
    %lt3A_2061 = vector.broadcast %get3A_1848 : i32 to vector<96x96xi32>
    %lt3A_2062 = arith.cmpi slt, %iota3A_1, %lt3A_2061 : vector<96x96xi32>
    %and3A_2063 = arith.andi %and3A_2060, %lt3A_2062 : vector<96x96xi1>
    %convert_element_type3A_2064 = arith.extui %and3A_2063 : vector<96x96xi1> to vector<96x96xi32>
    %convert_element_type3A_2065 = arith.sitofp %convert_element_type3A_2064 : vector<96x96xi32> to vector<96x96xf32>
    %sub3A_2066 = vector.broadcast %get3A_1840 : i32 to vector<96x96xi32>
    %sub3A_2067 = arith.subi %iota3A_1, %sub3A_2066 : vector<96x96xi32>
    %add3A_2068 = arith.constant 96 : i32
    %add3A_2069 = vector.broadcast %add3A_2068 : i32 to vector<96x96xi32>
    %add3A_2070 = arith.addi %sub3A_2067, %add3A_2069 : vector<96x96xi32>
    %jit3A_2071 = arith.constant 96 : i32
    %eq3A_2072 = arith.constant 0 : i32
    %eq3A_2073 = arith.cmpi eq, %jit3A_2071, %eq3A_2072 : i32
    %jit3A_2074 = arith.constant 1 : i32
    %select_n3A_2075 = arith.select %eq3A_2073, %jit3A_2074, %jit3A_2071 : i32
    %rem3A_2076 = vector.broadcast %select_n3A_2075 : i32 to vector<96x96xi32>
    %rem3A_2077 = arith.remsi %add3A_2070, %rem3A_2076 : vector<96x96xi32>
    %ne3A_2078 = arith.constant 0 : i32
    %ne3A_2079 = vector.broadcast %ne3A_2078 : i32 to vector<96x96xi32>
    %ne3A_2080 = arith.cmpi ne, %rem3A_2077, %ne3A_2079 : vector<96x96xi32>
    %lt3A_2081 = arith.constant 0 : i32
    %lt3A_2082 = vector.broadcast %lt3A_2081 : i32 to vector<96x96xi32>
    %lt3A_2083 = arith.cmpi slt, %rem3A_2077, %lt3A_2082 : vector<96x96xi32>
    %lt3A_2084 = arith.constant 0 : i32
    %lt3A_2085 = arith.cmpi slt, %select_n3A_2075, %lt3A_2084 : i32
    %ne3A_2086 = vector.broadcast %lt3A_2085 : i1 to vector<96x96xi1>
    %ne3A_2087 = vector.broadcast %ne3A_2086 : vector<96x96xi1> to vector<96x96xi1>
    %ne3A_2088 = arith.xori %lt3A_2083, %ne3A_2087 : vector<96x96xi1>
    %and3A_2089 = arith.andi %ne3A_2088, %ne3A_2080 : vector<96x96xi1>
    %add3A_2090 = vector.broadcast %select_n3A_2075 : i32 to vector<96x96xi32>
    %add3A_2091 = arith.addi %rem3A_2077, %add3A_2090 : vector<96x96xi32>
    %select_n3A_2092 = arith.select %and3A_2089, %add3A_2091, %rem3A_2077 : vector<96x96xi1>, vector<96x96xi32>
    %eq3A_2093 = arith.cmpi eq, %iota3A, %select_n3A_2092 : vector<96x96xi32>
    %ge3A_2094 = vector.broadcast %get3A_1840 : i32 to vector<96x96xi32>
    %ge3A_2095 = arith.cmpi sge, %iota3A_1, %ge3A_2094 : vector<96x96xi32>
    %and3A_2096 = arith.andi %eq3A_2093, %ge3A_2095 : vector<96x96xi1>
    %lt3A_2097 = vector.broadcast %get3A_1852 : i32 to vector<96x96xi32>
    %lt3A_2098 = arith.cmpi slt, %iota3A_1, %lt3A_2097 : vector<96x96xi32>
    %and3A_2099 = arith.andi %and3A_2096, %lt3A_2098 : vector<96x96xi1>
    %convert_element_type3A_2100 = arith.extui %and3A_2099 : vector<96x96xi1> to vector<96x96xi32>
    %convert_element_type3A_2101 = arith.sitofp %convert_element_type3A_2100 : vector<96x96xi32> to vector<96x96xf32>
    %dot_general3A_2102 = arith.constant dense<0.000000e+00> : vector<8x96x96xf32>
    %dot_general3A_2103 = tpu.matmul %concatenate3A_2029, %convert_element_type3A_2065, %dot_general3A_2102 {dimension_numbers = #tpu.dot_dimension_numbers<[1], [0], [0, 2], [1], [0, 0, 0, 2, 1, 1], [], []>, transpose_lhs_hint = false} : vector<8x96x96xf32>, vector<96x96xf32>, vector<8x96x96xf32> -> vector<8x96x96xf32>
    %dot_general3A_2104 = arith.constant dense<0.000000e+00> : vector<8x96x96xf32>
    %dot_general3A_2105 = tpu.matmul %dot_general3A_2103, %convert_element_type3A_2101, %dot_general3A_2104 {dimension_numbers = #tpu.dot_dimension_numbers<[1], [0], [0, 2], [1], [0, 0, 0, 2, 1, 1], [], []>, transpose_lhs_hint = false} : vector<8x96x96xf32>, vector<96x96xf32>, vector<8x96x96xf32> -> vector<8x96x96xf32>
    %max3A_2106 = arith.maximumf %max3A_1798, %dot_general3A_2105 : vector<8x96x96xf32>
    %get3A_2107 = arith.constant 0 : index
    %get3A_2108 = arith.constant 6 : index
    %get3A_2109 = arith.constant 0 : index
    %get3A_2110 = arith.constant 0 : index
    %get3A_2111 = arith.constant 0 : index
    %get3A_2112 = vector.load %arg4[%get3A_2107, %get3A_2108, %get3A_2109, %get3A_2110, %get3A_2111] : memref<1x8x8x96x96xf32, #tpu.memory_space<vmem>>, vector<1x1x8x96x96xf32>
    %get3A_2113 = vector.shape_cast %get3A_2112 : vector<1x1x8x96x96xf32> to vector<8x96x96xf32>
    %max3A_2114 = arith.constant 0.000000e+00 : f32
    %max3A_2115 = vector.broadcast %max3A_2114 : f32 to vector<8x96x96xf32>
    %max3A_2116 = arith.maximumf %get3A_2113, %max3A_2115 : vector<8x96x96xf32>
    %mul3A_2117 = arith.mulf %get3A_2113, %dot_general3A_2105 : vector<8x96x96xf32>
    %sub3A_2118 = arith.subf %max3A_2116, %mul3A_2117 : vector<8x96x96xf32>
    %abs3A_2119 = math.absf %get3A_2113 : vector<8x96x96xf32>
    %neg3A_2120 = arith.constant 0.000000e+00 : f32
    %neg3A_2121 = vector.broadcast %neg3A_2120 : f32 to vector<8x96x96xf32>
    %neg3A_2122 = arith.subf %neg3A_2121, %abs3A_2119 : vector<8x96x96xf32>
    %exp3A_2123 = math.exp %neg3A_2122 : vector<8x96x96xf32>
    %log1p3A_2124 = math.log1p %exp3A_2123 : vector<8x96x96xf32>
    %add3A_2125 = arith.addf %sub3A_2118, %log1p3A_2124 : vector<8x96x96xf32>
    %pad3A_2126 = arith.constant 0.000000e+00 : f32
    %pad3A_2127 = vector.broadcast %pad3A_2126 : f32 to vector<8x96x32xf32>
    %pad3A_2128 = tpu.concatenate %add3A_2125, %pad3A_2127 in 2 : vector<8x96x96xf32>, vector<8x96x32xf32> -> vector<8x96x128xf32>
    %swap3A_2129 = arith.constant 0 : index
    %swap3A_2130 = arith.constant 6 : index
    %swap3A_2131 = arith.constant 0 : index
    %swap3A_2132 = arith.constant 0 : index
    %swap3A_2133 = arith.constant 0 : index
    %swap3A_2134 = vector.load %arg6[%swap3A_2129, %swap3A_2130, %swap3A_2131, %swap3A_2132, %swap3A_2133] : memref<1x8x8x96x128xf32, #tpu.memory_space<vmem>>, vector<1x1x8x96x128xf32>
    %swap3A_2135 = vector.shape_cast %swap3A_2134 : vector<1x1x8x96x128xf32> to vector<8x96x128xf32>
    %swap3A_2136 = vector.shape_cast %pad3A_2128 : vector<8x96x128xf32> to vector<1x1x8x96x128xf32>
    tpu.vector_store %arg6[%swap3A_2129, %swap3A_2130, %swap3A_2131, %swap3A_2132, %swap3A_2133], %swap3A_2136 {strides = array<i32>} : memref<1x8x8x96x128xf32, #tpu.memory_space<vmem>>, vector<1x1x8x96x128xf32>,
    %get3A_2137 = arith.constant 0 : index
    %get3A_2138 = arith.constant 7 : index
    %get3A_2139 = arith.constant 0 : index
    %get3A_2140 = arith.constant 0 : index
    %get3A_2141 = arith.constant 0 : index
    %get3A_2142 = vector.load %arg4[%get3A_2137, %get3A_2138, %get3A_2139, %get3A_2140, %get3A_2141] : memref<1x8x8x96x96xf32, #tpu.memory_space<vmem>>, vector<1x1x8x96x96xf32>
    %get3A_2143 = vector.shape_cast %get3A_2142 : vector<1x1x8x96x96xf32> to vector<8x96x96xf32>
    %max3A_2144 = arith.constant 0.000000e+00 : f32
    %max3A_2145 = vector.broadcast %max3A_2144 : f32 to vector<8x96x96xf32>
    %max3A_2146 = arith.maximumf %get3A_2143, %max3A_2145 : vector<8x96x96xf32>
    %mul3A_2147 = arith.mulf %get3A_2143, %max3A_2106 : vector<8x96x96xf32>
    %sub3A_2148 = arith.subf %max3A_2146, %mul3A_2147 : vector<8x96x96xf32>
    %abs3A_2149 = math.absf %get3A_2143 : vector<8x96x96xf32>
    %neg3A_2150 = arith.constant 0.000000e+00 : f32
    %neg3A_2151 = vector.broadcast %neg3A_2150 : f32 to vector<8x96x96xf32>
    %neg3A_2152 = arith.subf %neg3A_2151, %abs3A_2149 : vector<8x96x96xf32>
    %exp3A_2153 = math.exp %neg3A_2152 : vector<8x96x96xf32>
    %log1p3A_2154 = math.log1p %exp3A_2153 : vector<8x96x96xf32>
    %add3A_2155 = arith.addf %sub3A_2148, %log1p3A_2154 : vector<8x96x96xf32>
    %pad3A_2156 = arith.constant 0.000000e+00 : f32
    %pad3A_2157 = vector.broadcast %pad3A_2156 : f32 to vector<8x96x32xf32>
    %pad3A_2158 = tpu.concatenate %add3A_2155, %pad3A_2157 in 2 : vector<8x96x96xf32>, vector<8x96x32xf32> -> vector<8x96x128xf32>
    %swap3A_2159 = arith.constant 0 : index
    %swap3A_2160 = arith.constant 7 : index
    %swap3A_2161 = arith.constant 0 : index
    %swap3A_2162 = arith.constant 0 : index
    %swap3A_2163 = arith.constant 0 : index
    %swap3A_2164 = vector.load %arg6[%swap3A_2159, %swap3A_2160, %swap3A_2161, %swap3A_2162, %swap3A_2163] : memref<1x8x8x96x128xf32, #tpu.memory_space<vmem>>, vector<1x1x8x96x128xf32>
    %swap3A_2165 = vector.shape_cast %swap3A_2164 : vector<1x1x8x96x128xf32> to vector<8x96x128xf32>
    %swap3A_2166 = vector.shape_cast %pad3A_2158 : vector<8x96x128xf32> to vector<1x1x8x96x128xf32>
    tpu.vector_store %arg6[%swap3A_2159, %swap3A_2160, %swap3A_2161, %swap3A_2162, %swap3A_2163], %swap3A_2166 {strides = array<i32>} : memref<1x8x8x96x128xf32, #tpu.memory_space<vmem>>, vector<1x1x8x96x128xf32>,
    return
  }
  func.func @transform_0(%arg0: i32, %arg1: i32) -> (i32, i32, i32) {
    %c0_i32 = arith.constant 0 : i32
    %c0_i32_0 = arith.constant 0 : i32
    %c0_i32_1 = arith.constant 0 : i32
    %c0_i32_2 = arith.constant 0 : i32
    return %c0_i32, %c0_i32_0, %c0_i32_1 : i32, i32, i32
  }
  func.func @transform_1(%arg0: i32, %arg1: i32) -> (i32, i32, i32) {
    %c0_i32 = arith.constant 0 : i32
    %c0_i32_0 = arith.constant 0 : i32
    %c0_i32_1 = arith.constant 0 : i32
    %c0_i32_2 = arith.constant 0 : i32
    return %c0_i32, %c0_i32_0, %c0_i32_1 : i32, i32, i32
  }
  func.func @transform_2(%arg0: i32, %arg1: i32) -> (i32, i32, i32, i32, i32) {
    %c0_i32 = arith.constant 0 : i32
    %c0_i32_0 = arith.constant 0 : i32
    %c0_i32_1 = arith.constant 0 : i32
    %c0_i32_2 = arith.constant 0 : i32
    return %arg0, %c0_i32, %arg1, %c0_i32_0, %c0_i32_1 : i32, i32, i32, i32, i32
  }
  func.func @transform_3(%arg0: i32, %arg1: i32) -> (i32, i32, i32, i32) {
    %c0_i32 = arith.constant 0 : i32
    %c0_i32_0 = arith.constant 0 : i32
    %c0_i32_1 = arith.constant 0 : i32
    %c0_i32_2 = arith.constant 0 : i32
    return %arg0, %c0_i32, %c0_i32_0, %c0_i32_1 : i32, i32, i32, i32
  }
  func.func @transform_4(%arg0: i32, %arg1: i32) -> (i32, i32, i32, i32, i32) {
    %c0_i32 = arith.constant 0 : i32
    %c0_i32_0 = arith.constant 0 : i32
    %c0_i32_1 = arith.constant 0 : i32
    %c0_i32_2 = arith.constant 0 : i32
    return %arg0, %c0_i32, %arg1, %c0_i32_0, %c0_i32_1 : i32, i32, i32, i32, i32
  }
}

</mosaic_0001>

<sc_bundles>
// kernel: kernel.5.cloned.1.call-start
scs
__scs_entry_jumppad:
0x0: {  	(pc) =	sbr.rel $0x88, $3  }
0x1: {  	(tag) =	ssettag $0x0;
	lr =	simm.s32 $0x1  }
0x2: {  	[smem:$0x3F9E] =	sst lr;
	_ =	strace $0xD0000000  }
0x3: {  	_ = 	snop  }
0x4: {  	_ = 	snop  }
0x5: {  	_ = 	snop  }
0x6: {  	_ = 	snop  }
0x7: {  	_ = 	snop  }
__scs_overlays_trampoline_lowered:
0x8: {  	[smem:$0x3FAD] =	sst s0  }
0x9: {  	[smem:$0x3FAE] =	sst s1  }
0xa: {  	[smem:$0x3FAF] =	sst s2  }
0xb: {  	[smem:$0x3FB0] =	sst s3  }
0xc: {  	[smem:$0x3FB1] =	sst s4  }
0xd: {  	[smem:$0x3FB2] =	sst s5  }
0xe: {  	[smem:$0x3FB3] =	sst s6  }
0xf: {  	[smem:$0x3FB4] =	sst s7  }
0x10: {  	[smem:$0x3FB5] =	sst s8  }
0x11: {  	[smem:$0x3FB6] =	sst s9;
	s0 =	simm.s32 @!p0 $0x0  }
0x12: {  	s1 =	sld [smem:$0x3F9C];
	s0 =	simm.s32 @p0 $0x1  }
0x13: {  	[smem:$0x3FB7] =	sst s0;
	s0 =	simm.s32 @!p1 $0x0  }
0x14: {  	s2 =	sld [smem:$0x3F9B];
	s0 =	simm.s32 @p1 $0x1  }
0x15: {  	[smem:$0x3FB8] =	sst s0;
	s0 =	simm.s32 @!p2 $0x0  }
0x16: {  	s3 =	sld [smem:$0x3FDB];
	s0 =	simm.s32 @p2 $0x1  }
0x17: {  	s4 =	simm.s32 $0x1BF5;
	[smem:$0x3FBA] =	sst s0  }
0x18: {  	s0 =	sld [smem:$0x3F9D];
	_ =	swait.ge [sflag:s4], $0x0  }
0x19: {  	s7 =	sld [smem:$0x3F9E]  }
0x1a: {  	s8 =	sadd.s32 $0xFFFFE003, lr  }
0x1b: {  	s9 =	sadd.s32 $0xFFFFFEF7, lr;
	s5 =	simm.s32 $0xFFFFFFFF;
	p2 =	slt.u32 s8, $0xFFFFF086  }
0x1c: {  	p1 =	slt.u32 s9, $0xF7A;
	s5 =	simm.s32 @!p2 $0x0  }
0x1d: {  	s5 =	simm.s32 @p1 $0x1;
	p0 =	seq.s32 s7, s2  }
0x1e: {  	s7 =	smul.u32 @!p0 $0xF7A, s2;
	p2 =	seq.s32 @!p0 s5, $0x0  }
0x1f: {  	s9 =	smul.u32 $0xF7A, s1;
	s8 =	simm.s32 @!p0 $0x1BF5;
	p2 =	por !p2, p0  }
0x20: {  	[sflag:s8] =	ssyncset.s32 @!p0 $0xFFFFF086;
	s6 =	sadd.s32 @!p0 s3, s7;
	s7 =	simm.s32 @!p0 $0x108  }
0x21: {  	s3 =	sadd.s32 s3, s9;
	s6 =	sadd.s32 @!p0 $0x88, s6;
	s7 =	simm.s32 @p2 $0x1082  }
0x22: {  	[simem:s7], [sflag:s8] =	dma.local @!p0 [hbm:s6], $0xF7A  }
0x23: {  	s9 =	sor.u32 $0xD0000000, s2;
	s6 =	simm.s32 $0x108;
	_ =	swait.ge @!p0 [sflag:s8], $0x0  }
0x24: {  	s3 =	sadd.s32 $0x88, s3;
	s6 =	simm.s32 @!p1 $0x1082;
	[sflag:s4] =	ssyncset.s32 $0xFFFFF086  }
0x25: {  	[simem:s6], [sflag:s4] =	dma.local [hbm:s3], $0xF7A  }
0x26: {  	[smem:$0x3F9E] =	sst s1;
	(tag) =	ssettag s2;
	_ =	strace s9  }
0x27: {  	s1 =	sld [smem:$0x3FAE]  }
0x28: {  	s2 =	sld [smem:$0x3FAF]  }
0x29: {  	s4 =	sld [smem:$0x3FB1]  }
0x2a: {  	p0 =	seq.s32 s5, $0x0;
	s5 =	sld [smem:$0x3FB2]  }
0x2b: {  	s6 =	sld [smem:$0x3FB3]  }
0x2c: {  	s7 =	sld [smem:$0x3FB4]  }
0x2d: {  	s3 =	simm.s32 $0x108;
	s8 =	sld [smem:$0x3FB5]  }
0x2e: {  	s3 =	simm.s32 @!p0 $0x1082;
	s9 =	sld [smem:$0x3FB6]  }
0x2f: {  	lr =	sadd.s32 s0, s3;
	s0 =	sld [smem:$0x3FAD]  }
0x30: {  	s3 =	sld [smem:$0x3FB0]  }
0x31: {  	[smem:$0x3FB9] =	sst s10  }
0x32: {  	s10 =	sld [smem:$0x3FB7];
	_ =	sdelay $0x3  }
0x33: {  	p0 =	seq.s32 s10, $0x1;
	s10 =	sld [smem:$0x3FB9];
	_ =	sdelay $0x3  }
0x34: {  	[smem:$0x3FB9] =	sst s10  }
0x35: {  	s10 =	sld [smem:$0x3FB8];
	_ =	sdelay $0x3  }
0x36: {  	p1 =	seq.s32 s10, $0x1;
	s10 =	sld [smem:$0x3FB9];
	_ =	sdelay $0x3  }
0x37: {  	[smem:$0x3FB9] =	sst s10  }
0x38: {  	s10 =	sld [smem:$0x3FBA]  }
0x39: {  	_ = 	snop;
	(pc) =	sbr.ind lr, $3  }
0x3a: {  	_ = 	snop  }
0x3b: {  	_ = 	snop  }
0x3c: {  	p2 =	seq.s32 s10, $0x1;
	s10 =	sld [smem:$0x3FB9]  }
0x3d: {  	_ =	shalt  }
0x3e: {  	_ =	shalt  }
0x3f: {  	_ =	shalt  }
0x40: {  	_ =	shalt  }
0x41: {  	_ =	shalt  }
0x42: {  	_ =	shalt  }
0x43: {  	_ =	shalt  }
0x44: {  	_ =	shalt  }
0x45: {  	_ =	shalt  }
0x46: {  	_ =	shalt  }
0x47: {  	_ =	shalt  }
0x48: {  	_ =	shalt  }
0x49: {  	_ =	shalt  }
0x4a: {  	_ =	shalt  }
0x4b: {  	_ =	shalt  }
0x4c: {  	_ =	shalt  }
0x4d: {  	_ =	shalt  }
0x4e: {  	_ =	shalt  }
0x4f: {  	_ =	shalt  }
0x50: {  	_ =	shalt  }
0x51: {  	_ =	shalt  }
0x52: {  	_ =	shalt  }
0x53: {  	_ =	shalt  }
0x54: {  	_ =	shalt  }
0x55: {  	_ =	shalt  }
0x56: {  	_ =	shalt  }
0x57: {  	_ =	shalt  }
0x58: {  	_ =	shalt  }
0x59: {  	_ =	shalt  }
0x5a: {  	_ =	shalt  }
0x5b: {  	_ =	shalt  }
0x5c: {  	_ =	shalt  }
0x5d: {  	_ =	shalt  }
0x5e: {  	_ =	shalt  }
0x5f: {  	_ =	shalt  }
0x60: {  	_ =	shalt  }
0x61: {  	_ =	shalt  }
0x62: {  	_ =	shalt  }
0x63: {  	_ =	shalt  }
0x64: {  	_ =	shalt  }
0x65: {  	_ =	shalt  }
0x66: {  	_ =	shalt  }
0x67: {  	_ =	shalt  }
0x68: {  	_ =	shalt  }
0x69: {  	_ =	shalt  }
0x6a: {  	_ =	shalt  }
0x6b: {  	_ =	shalt  }
0x6c: {  	_ =	shalt  }
0x6d: {  	_ =	shalt  }
0x6e: {  	_ =	shalt  }
0x6f: {  	_ =	shalt  }
0x70: {  	_ =	shalt  }
0x71: {  	_ =	shalt  }
0x72: {  	_ =	shalt  }
0x73: {  	_ =	shalt  }
0x74: {  	_ =	shalt  }
0x75: {  	_ =	shalt  }
0x76: {  	_ =	shalt  }
0x77: {  	_ =	shalt  }
0x78: {  	_ =	shalt  }
0x79: {  	_ =	shalt  }
0x7a: {  	_ =	shalt  }
0x7b: {  	_ =	shalt  }
0x7c: {  	_ =	shalt  }
0x7d: {  	_ =	shalt  }
0x7e: {  	_ =	shalt  }
0x7f: {  	_ =	shalt  }
0x80: {  	_ =	shalt  }
0x81: {  	_ =	shalt  }
0x82: {  	_ =	shalt  }
0x83: {  	_ =	shalt  }
0x84: {  	_ =	shalt  }
0x85: {  	_ =	shalt  }
0x86: {  	_ =	shalt  }
0x87: {  	_ =	shalt  }
.Lfunc_end0:
.L_simem_size_0:
called_computation_lowered:
.L_overlay_start_0:
0x88: {  	s2 =	sld [smem:$0x3FD9]  }
0x89: {  	s3 =	sld [smem:$0x3FFE];
	_ =	sdelay $0x1  }
0x8a: {  	s1 =	srdreg.scid  }
0x8b: {  	s0 =	sand.u32 $0x1, s1  }
0x8c: {  	s16 =	sshll.u32 s0, $0xA;
	s2 =	sadd.s32 s3, s2  }
0x8d: {  	s2 =	sadd.s32 s2, s16  }
0x8e: {  	[smem:$0x3FC5] =	sst s2  }
0x8f: {  	_ = 	snop  }
0x90: {  	(tm) =	ssettm $0x1  }
0x91: {  	s17 =	sld [smem:$0x3FFB];
	_ =	sdelay $0x3  }
0x92: {  	_ =	strace s17  }
0x93: {  	s2 =	sld [smem:$0x3FFC];
	_ =	sdelay $0x3  }
0x94: {  	_ =	strace s2  }
0x95: {  	s2 =	sld [smem:$0x3FFD];
	_ =	sdelay $0x3  }
0x96: {  	_ =	strace s2  }
0x97: {  	_ =	strace $0x8FFFFFFF  }
0x98: {  	s18 =	sld [smem:$0x3FDB];
	_ =	sdelay $0x1  }
0x99: {  	s19 =	simm.s32 $_scs_section_size  }
0x9a: {  	s4 =	simm.s32 $_size__tile_overlayer_lowered;
	s5 =	simm.s32 $_tile_overlayer_lowered  }
0x9b: {  	s22 =	simm.s32 $0x1BFF;
	s21 =	sshll.u32 s5, $0x1;
	s2 =	sadd.s32 s19, s18  }
0x9c: {  	s6 =	simm.s32 $0x0;
	s20 =	sshll.u32 s4, $0x1;
	s4 =	sadd.s32 s21, s2  }
0x9d: {  	[timem:s6], [sflag:s22] =	dma.local [hbm:s4], s20  }
0x9e: {  	_ =	swait.ge [sflag:s22], s20  }
0x9f: {  	s3 =	ssub.s32 $0x0, s20;
	[sflag:s22] =	ssyncset.done $0x0  }
0xa0: {  	[sflag:s22] =	ssyncadd.s32 s3;
	_ =	sdelay $0x1  }
0xa1: {  	s23 =	simm.s32 $0x1B8B  }
0xa2: {  	_ =	swait.ge [sflag:s23], $0x1  }
0xa3: {  	[sflag:s23] =	ssyncset.done $0x0  }
0xa4: {  	s25 =	simm.s32 $0x1B8E;
	s24 =	sld [smem:$0x3FFE];
	[sflag:s23] =	ssyncadd.s32 $0xFFFFFFFF  }
0xa5: {  	s26 =	simm.s32 $execute0_lowered;
	[smem:$0x3FD2] =	sst s25  }
0xa6: {  	s4 =	sshll.u32 s26, $0x1;
	_ =	strace $0x80000046;
	[dreg:$0x1] =	wrdreg $0xFFFFFFFF  }
0xa7: {  	s28 =	simm.s32 $_size_execute0_lowered;
	s2 =	sadd.s32 s2, s4;
	[dreg:$0x0] =	wrdreg $0x0  }
0xa8: {  	s4 =	sshll.u32 s28, $0x1;
	[dreg:$0x2] =	wrdreg s2  }
0xa9: {  	[dreg:$0x3] =	wrdreg s4  }
0xaa: {  	[dreg:$0x4] =	wrdreg $0xC0  }
0xab: {  	_ =	task [dreg:s6], $0x5FFFF  }
0xac: {  	[dreg:$0x1] =	wrdreg $0xFFFFFFFF  }
0xad: {  	[dreg:$0x0] =	wrdreg $0x60  }
0xae: {  	[dreg:$0x2] =	wrdreg s24  }
0xaf: {  	[dreg:$0x3] =	wrdreg $0x9  }
0xb0: {  	_ =	task.clear_ibuf [dreg:s6], $0x4FFFF;
	_ =	strace $0x90000046  }
0xb1: {  	s29 =	simm.s32 $0x9;
	_ =	strace $0x80000048  }
0xb2: {  	_ =	swait.ge [sflag:s29], $0x1  }
0xb3: {  	[sflag:s29] =	ssyncadd.s32 $0xFFFFFFFF  }
0xb4: {  	_ =	strace $0x90000048  }
0xb5: {  	_ =	sfence  }
0xb6: {  	s30 =	sld [smem:$0x0];
	_ =	sdelay $0x2  }
0xb7: {  	s31 =	sshll.u32 s1, $0xD;
	s1 =	sshrl.u32 s1, $0x2  }
0xb8: {  	s3 =	sand.u32 $0x4000, s31;
	s1 =	sadd.s32 s1, s30  }
0xb9: {  	s0 =	sor.u32 s3, s0;
	s1 =	sshll.u32 s1, $0x11  }
0xba: {  	s0 =	sor.u32 s1, s0  }
0xbb: {  	s0 =	sadd.s32 $0x8F2B, s0  }
0xbc: {  	[sflag:s0] =	ssyncadd.remote.s32 $0x1  }
0xbd: {  	_ =	sfence.sel $0xFFFF  }
0xbe: {  	[dreg:$0x0] =	wrdreg $0xFFFFFFFF;
	(pc) =	sbr.abs _section_cstart, $3  }
0xbf: {  	[dreg:$0x1] =	wrdreg $0xFFFFFFFF  }
0xc0: {  	_ =	task.clear_ibuf [dreg:s6], $0x2FFFF;
	_ =	strace $0x9FFFFFFF  }
0xc1: {  	(tm) =	ssettm $0x7FFFFFFF  }
tec
execute0_lowered:
.L_overlay_start_1:
0x0: {  	(tag) =	ssettag $0x1  }
0x1: {  	s2 =	rddreg [dreg:$0x0]  }
0x2: {  	s0 =	rddreg [dreg:$0x1];
	s3 =	simm.s32 $0x0;
	s4 =	srdreg.scid  }
0x3: {  	s1 =	stileid.u32;
	s10 =	simm.s32 $0x15800;
	s11 =	simm.s32 $0x3  }
0x4: {  	s12 =	simm.s32 $0x60;
	s13 =	simm.s32 $0x80;
	s14 =	simm.s32 $0x6C00  }
0x5: {  	s15 =	simm.s32 $0x1;
	s16 =	simm.s32 $0xD800;
	s17 =	simm.s32 $0x2  }
0x6: {  	[smem:$0x7FF] =	sst s3;
	s4 =	sand.u32 $0x1, s4;
	s5 =	sshll.u32 s1, $0x1  }
0x7: {  	s18 =	simm.s32 $0x0;
	_ =	strace $0x80000047;
	s5 =	sor.u32 s4, s5  }
0x8: {  	s4 =	ssub.s32 $0x2, s4;
	s6 =	sshll.u32 s5, $0x1;
	s7 =	smul.u32 $0x1200, s5  }
0x9: {  	s8 =	sshll.u32 s5, $0xC;
	s9 =	sshrl.u32 s4, $0x1;
	s5 =	smul.u32 $0x12000, s5  }
0xa: {  	s6 =	sadd.s32 s6, s2;
	s8 =	sadd.s32 s8, s2;
	s9 =	ssub.s32 s4, s9  }
0xb: {  	s4 =	sadd.s32 $0x240000, s6;
	s5 =	sadd.s32 s2, s5;
	s6 =	sor.u32 $0x120, s7  }
0xc: {  	v0 =	vimm.f32 $0.0e+00;
	v1 =	vlaneseq.u32;
	v2 =	vimm.f32 $1.000000000e+00;
	s7 =	sadd.s32 $0x240, s7;
	s8 =	sadd.s32 $0x240200, s8;
	s9 =	smax.u32 s9, $0x1  }
.LBB2_1:
0xd: {  	s19 =	simm.s32 $0xD820  }
0xe: {  	[tilespmem:s19+$0xFFFFFFE0] =	vst v0  }
0xf: {  	[tilespmem:s19+$0x10] =	vst v0  }
0x10: {  	s20 =	simm.s32 $0x0;
	[tilespmem:s19+$0x0] =	vst v0  }
.LBB2_2:
0x11: {  	s20 =	sadd.s32 $0x4, s20  }
0x12: {  	[tilespmem:s19+$0xFFFFFFF0] =	vst v0;
	s19 =	sadd.s32 $0x40, s19;
	p0 =	slt.u32 s20, $0x7FC  }
.Ltmp0:
0x13: {  	[tilespmem:s19+$0xFFFFFFE0] =	vst v0;
	(pc) =	sbr.rel @p0 .LBB2_2-.Ltmp0, $3  }
0x14: {  	_ =	sdelay $0x1  }
0x15: {  	[tilespmem:s19+$0x10] =	vst v0  }
0x16: {  	[tilespmem:s19+$0x0] =	vst v0  }
0x17: {  	[tilespmem:s19+$0xFFFFFFF0] =	vst v0;
	s19 =	simm.s32 $0x0  }
0x18: {  	[tilespmem:s10], [sflag:$0x3] =	stream.linear.gather [hbm4b:s4+s19], $0x10, $0x38;
	[tilespmem:$0x15810] =	vst v63  }
0x19: {  	_ =	swait.ge [sflag:s11], $0x10  }
0x1a: {  	[sflag:s11] =	ssyncset.done $0x0  }
0x1b: {  	[sflag:s11] =	ssyncadd.s32 $0xFFFFFFF0  }
0x1c: {  	v3 =	vld [tilespmem:$0x15800];
	_ =	sdelay $0x2  }
0x1d: {  	[tilespmem:s19], [sflag:$0x1] =	stream.strided.gather [hbm4b:s5+s12], $0x6C00, s13, s12, $0x38;
	[tilespmem:$0x15810] =	vst v63  }
.LBB2_4:
0x1e: {  	s20 =	smul.u32 $0x240, s19;
	_ =	sdelay $0x1  }
0x1f: {  	s21 =	sadd.s32 s20, s6  }
0x20: {  	s21 =	sshll.u32 s21, $0x4  }
0x21: {  	s21 =	sand.u32 $0x1FFFFE00, s21  }
0x22: {  	s24 =	simm.s32 $0x60;
	s21 =	sadd.s32 s2, s21  }
0x23: {  	[tilespmem:s14], [sflag:$0x2] =	stream.strided.gather [hbm4b:s21+s24], $0x6C00, s13, s24, $0x38;
	[tilespmem:$0x15810] =	vst v63  }
0x24: {  	_ =	swait.ge [sflag:s15], $0x6C00  }
0x25: {  	[sflag:s15] =	ssyncset.done $0x0  }
0x26: {  	[sflag:s15] =	ssyncadd.s32 $0xFFFF9400  }
0x27: {  	v4 =	vld [tilespmem:s24+$0x0];
	_ =	sdelay $0x2  }
0x28: {  	v5 =	vld [tilespmem:s24+$0xFFFFFFA0];
	_ =	sdelay $0x1  }
0x29: {  	v4 =	vsub.s32 v4, v3  }
0x2a: {  	v4 =	vshra.s32 v4, $0x10  }
0x2b: {  	v4 =	vand.u32 $0xFFFFFFF0, v4  }
0x2c: {  	v5 =	vsub.s32 v5, v3;
	v4 =	vor.u32 v1, v4  }
0x2d: {  	v5 =	vshra.s32 v5, $0x10  }
0x2e: {  	v5 =	vand.u32 $0xFFFFFFF0, v5  }
0x2f: {  	v5 =	vor.u32 v1, v5;
	_ =	sdelay $0x1  }
0x30: {  	[tilespmem:v4+s16+$0x0] =	vst.idx.add.f32.msk $0xffff, v2  }
0x31: {  	v4 =	vld [tilespmem:s24+$0x10];
	_ =	sdelay $0x1  }
0x32: {  	[tilespmem:v5+s16+$0x0] =	vst.idx.add.f32.msk $0xffff, v2  }
0x33: {  	v5 =	vld [tilespmem:s24+$0xFFFFFFB0];
	_ =	sdelay $0x1  }
0x34: {  	v4 =	vsub.s32 v4, v3  }
0x35: {  	v4 =	vshra.s32 v4, $0x10  }
0x36: {  	v4 =	vand.u32 $0xFFFFFFF0, v4  }
0x37: {  	s21 =	simm.s32 $0x120;
	v5 =	vsub.s32 v5, v3;
	v4 =	vor.u32 v1, v4  }
0x38: {  	v6 =	vld [tilespmem:s21+$0x0];
	v5 =	vshra.s32 v5, $0x10  }
0x39: {  	v5 =	vand.u32 $0xFFFFFFF0, v5  }
0x3a: {  	v7 =	vld [tilespmem:s21+$0xFFFFFFA0];
	v5 =	vor.u32 v1, v5;
	_ =	sdelay $0x1  }
0x3b: {  	[tilespmem:v4+s16+$0x0] =	vst.idx.add.f32.msk $0xffff, v2  }
0x3c: {  	v6 =	vsub.s32 v6, v3;
	v4 =	vld [tilespmem:s24+$0x20]  }
0x3d: {  	v6 =	vshra.s32 v6, $0x10  }
0x3e: {  	v6 =	vand.u32 $0xFFFFFFF0, v6;
	[tilespmem:v5+s16+$0x0] =	vst.idx.add.f32.msk $0xffff, v2;
	v5 =	vsub.s32 v7, v3  }
0x3f: {  	v6 =	vor.u32 v1, v6;
	v7 =	vld [tilespmem:s24+$0xFFFFFFC0];
	v5 =	vshra.s32 v5, $0x10  }
0x40: {  	v5 =	vand.u32 $0xFFFFFFF0, v5  }
0x41: {  	v5 =	vor.u32 v1, v5;
	v4 =	vsub.s32 v4, v3  }
0x42: {  	v4 =	vshra.s32 v4, $0x10  }
0x43: {  	v4 =	vand.u32 $0xFFFFFFF0, v4  }
0x44: {  	[tilespmem:v6+s16+$0x0] =	vst.idx.add.f32.msk $0xffff, v2;
	v7 =	vsub.s32 v7, v3;
	v4 =	vor.u32 v1, v4  }
0x45: {  	v6 =	vshra.s32 v7, $0x10;
	v7 =	vld [tilespmem:s21+$0x10]  }
0x46: {  	v6 =	vand.u32 $0xFFFFFFF0, v6;
	[tilespmem:v5+s16+$0x0] =	vst.idx.add.f32.msk $0xffff, v2  }
0x47: {  	v5 =	vor.u32 v1, v6;
	v6 =	vld [tilespmem:s21+$0xFFFFFFB0];
	_ =	sdelay $0x1  }
0x48: {  	[tilespmem:v4+s16+$0x0] =	vst.idx.add.f32.msk $0xffff, v2  }
0x49: {  	v7 =	vsub.s32 v7, v3;
	v4 =	vld [tilespmem:s24+$0x30]  }
0x4a: {  	v7 =	vshra.s32 v7, $0x10  }
0x4b: {  	[tilespmem:v5+s16+$0x0] =	vst.idx.add.f32.msk $0xffff, v2;
	v5 =	vsub.s32 v6, v3;
	v6 =	vand.u32 $0xFFFFFFF0, v7  }
0x4c: {  	v7 =	vld [tilespmem:s24+$0xFFFFFFD0];
	v5 =	vshra.s32 v5, $0x10;
	v6 =	vor.u32 v1, v6  }
0x4d: {  	s22 =	simm.s32 $0x1E0;
	v5 =	vand.u32 $0xFFFFFFF0, v5  }
0x4e: {  	v8 =	vld [tilespmem:s22+$0x0];
	v5 =	vor.u32 v1, v5;
	v4 =	vsub.s32 v4, v3  }
0x4f: {  	v4 =	vshra.s32 v4, $0x10  }
0x50: {  	v9 =	vld [tilespmem:s22+$0xFFFFFFA0];
	v4 =	vand.u32 $0xFFFFFFF0, v4  }
0x51: {  	v7 =	vsub.s32 v7, v3;
	[tilespmem:v6+s16+$0x0] =	vst.idx.add.f32.msk $0xffff, v2;
	v4 =	vor.u32 v1, v4  }
0x52: {  	v6 =	vshra.s32 v7, $0x10;
	v7 =	vld [tilespmem:s21+$0x20]  }
0x53: {  	v8 =	vsub.s32 v8, v3;
	v6 =	vand.u32 $0xFFFFFFF0, v6;
	[tilespmem:v5+s16+$0x0] =	vst.idx.add.f32.msk $0xffff, v2  }
0x54: {  	v5 =	vor.u32 v1, v6;
	v6 =	vshra.s32 v8, $0x10;
	v8 =	vld [tilespmem:s21+$0xFFFFFFC0]  }
0x55: {  	v9 =	vsub.s32 v9, v3;
	v6 =	vand.u32 $0xFFFFFFF0, v6  }
0x56: {  	v9 =	vshra.s32 v9, $0x10;
	[tilespmem:v4+s16+$0x0] =	vst.idx.add.f32.msk $0xffff, v2;
	v4 =	vor.u32 v1, v6  }
0x57: {  	v7 =	vsub.s32 v7, v3;
	v6 =	vand.u32 $0xFFFFFFF0, v9;
	v9 =	vld [tilespmem:s24+$0x40]  }
0x58: {  	v7 =	vshra.s32 v7, $0x10;
	v6 =	vor.u32 v1, v6  }
0x59: {  	[tilespmem:v5+s16+$0x0] =	vst.idx.add.f32.msk $0xffff, v2;
	v5 =	vsub.s32 v8, v3;
	v7 =	vand.u32 $0xFFFFFFF0, v7  }
0x5a: {  	v8 =	vld [tilespmem:s24+$0xFFFFFFE0];
	v5 =	vshra.s32 v5, $0x10;
	v7 =	vor.u32 v1, v7  }
0x5b: {  	[tilespmem:v4+s16+$0x0] =	vst.idx.add.f32.msk $0xffff, v2;
	v4 =	vand.u32 $0xFFFFFFF0, v5  }
0x5c: {  	v5 =	vsub.s32 v9, v3;
	v9 =	vld [tilespmem:s22+$0x10];
	v4 =	vor.u32 v1, v4  }
0x5d: {  	[tilespmem:v6+s16+$0x0] =	vst.idx.add.f32.msk $0xffff, v2;
	v5 =	vshra.s32 v5, $0x10  }
0x5e: {  	v6 =	vld [tilespmem:s22+$0xFFFFFFB0];
	v5 =	vand.u32 $0xFFFFFFF0, v5  }
0x5f: {  	v8 =	vsub.s32 v8, v3;
	[tilespmem:v7+s16+$0x0] =	vst.idx.add.f32.msk $0xffff, v2;
	v5 =	vor.u32 v1, v5  }
0x60: {  	v7 =	vshra.s32 v8, $0x10;
	v8 =	vld [tilespmem:s21+$0x30]  }
0x61: {  	v7 =	vand.u32 $0xFFFFFFF0, v7;
	v9 =	vsub.s32 v9, v3;
	[tilespmem:v4+s16+$0x0] =	vst.idx.add.f32.msk $0xffff, v2  }
0x62: {  	v4 =	vor.u32 v1, v7;
	v7 =	vshra.s32 v9, $0x10;
	v9 =	vld [tilespmem:s21+$0xFFFFFFD0]  }
0x63: {  	v6 =	vsub.s32 v6, v3;
	v7 =	vand.u32 $0xFFFFFFF0, v7  }
0x64: {  	[tilespmem:v5+s16+$0x0] =	vst.idx.add.f32.msk $0xffff, v2;
	v5 =	vshra.s32 v6, $0x10;
	v6 =	vor.u32 v1, v7  }
0x65: {  	s23 =	simm.s32 $0x2A0;
	v8 =	vsub.s32 v8, v3;
	v7 =	vld [tilespmem:s24+$0x50];
	v5 =	vand.u32 $0xFFFFFFF0, v5  }
0x66: {  	v10 =	vld [tilespmem:s23+$0x0];
	v8 =	vshra.s32 v8, $0x10;
	v5 =	vor.u32 v1, v5  }
0x67: {  	v8 =	vand.u32 $0xFFFFFFF0, v8;
	[tilespmem:v4+s16+$0x0] =	vst.idx.add.f32.msk $0xffff, v2;
	v4 =	vsub.s32 v9, v3  }
0x68: {  	v8 =	vor.u32 v1, v8;
	v9 =	vld [tilespmem:s23+$0xFFFFFFA0];
	v4 =	vshra.s32 v4, $0x10  }
0x69: {  	[tilespmem:v6+s16+$0x0] =	vst.idx.add.f32.msk $0xffff, v2;
	v4 =	vand.u32 $0xFFFFFFF0, v4  }
0x6a: {  	v6 =	vsub.s32 v7, v3;
	v7 =	vld [tilespmem:s22+$0x20];
	v4 =	vor.u32 v1, v4  }
0x6b: {  	v10 =	vsub.s32 v10, v3;
	v6 =	vshra.s32 v6, $0x10;
	[tilespmem:v5+s16+$0x0] =	vst.idx.add.f32.msk $0xffff, v2  }
0x6c: {  	v5 =	vand.u32 $0xFFFFFFF0, v6;
	v6 =	vshra.s32 v10, $0x10;
	v10 =	vld [tilespmem:s22+$0xFFFFFFC0]  }
0x6d: {  	[tilespmem:v8+s16+$0x0] =	vst.idx.add.f32.msk $0xffff, v2;
	v9 =	vsub.s32 v9, v3;
	v5 =	vor.u32 v1, v5;
	v6 =	vand.u32 $0xFFFFFFF0, v6  }
0x6e: {  	v8 =	vshra.s32 v9, $0x10;
	v9 =	vld [tilespmem:s21+$0x40];
	v6 =	vor.u32 v1, v6  }
0x6f: {  	v8 =	vand.u32 $0xFFFFFFF0, v8;
	v7 =	vsub.s32 v7, v3;
	[tilespmem:v4+s16+$0x0] =	vst.idx.add.f32.msk $0xffff, v2  }
0x70: {  	v4 =	vor.u32 v1, v8;
	v7 =	vshra.s32 v7, $0x10;
	v8 =	vld [tilespmem:s21+$0xFFFFFFE0]  }
0x71: {  	v11 =	vld [tilespmem:s24+$0xFFFFFFF0];
	v10 =	vsub.s32 v10, v3;
	v7 =	vand.u32 $0xFFFFFFF0, v7  }
0x72: {  	[tilespmem:v5+s16+$0x0] =	vst.idx.add.f32.msk $0xffff, v2;
	v5 =	vshra.s32 v10, $0x10;
	v7 =	vor.u32 v1, v7  }
0x73: {  	[tilespmem:v6+s16+$0x0] =	vst.idx.add.f32.msk $0xffff, v2;
	v5 =	vand.u32 $0xFFFFFFF0, v5;
	v6 =	vsub.s32 v9, v3  }
0x74: {  	v9 =	vld [tilespmem:s23+$0x10];
	v5 =	vor.u32 v1, v5;
	v6 =	vshra.s32 v6, $0x10  }
0x75: {  	[tilespmem:v4+s16+$0x0] =	vst.idx.add.f32.msk $0xffff, v2;
	v4 =	vsub.s32 v8, v3;
	v6 =	vand.u32 $0xFFFFFFF0, v6  }
0x76: {  	v8 =	vld [tilespmem:s23+$0xFFFFFFB0];
	v4 =	vshra.s32 v4, $0x10;
	v10 =	vor.u32 v1, v6  }
0x77: {  	[tilespmem:v7+s16+$0x0] =	vst.idx.add.f32.msk $0xffff, v2;
	v4 =	vand.u32 $0xFFFFFFF0, v4  }
0x78: {  	v12 =	vld [tilespmem:s22+$0x30];
	v13 =	vor.u32 v1, v4  }
0x79: {  	[tilespmem:v5+s16+$0x0] =	vst.idx.add.f32.msk $0xffff, v2;
	v5 =	vsub.s32 v9, v3  }
0x7a: {  	v4 =	vsub.s32 v11, v3;
	v6 =	vld [tilespmem:s22+$0xFFFFFFD0];
	v5 =	vshra.s32 v5, $0x10  }
0x7b: {  	v4 =	vshra.s32 v4, $0x10;
	v7 =	vsub.s32 v8, v3;
	[tilespmem:v10+s16+$0x0] =	vst.idx.add.f32.msk $0xffff, v2;
	v8 =	vand.u32 $0xFFFFFFF0, v5  }
0x7c: {  	v4 =	vand.u32 $0xFFFFFFF0, v4;
	v9 =	vshra.s32 v7, $0x10;
	v5 =	vld [tilespmem:s21+$0x50];
	v7 =	vor.u32 v1, v8  }
0x7d: {  	s25 =	simm.s32 $0x360;
	s24 =	simm.s32 $0x6;
	v4 =	vor.u32 v1, v4;
	v9 =	vand.u32 $0xFFFFFFF0, v9;
	v8 =	vsub.s32 v12, v3;
	[tilespmem:v13+s16+$0x0] =	vst.idx.add.f32.msk $0xffff, v2  }
.LBB2_5:
0x7e: {  	v10 =	vld [tilespmem:s25+$0x0];
	s24 =	sadd.s32 $0x2, s24;
	v9 =	vor.u32 v1, v9;
	v8 =	vshra.s32 v8, $0x10  }
0x7f: {  	v11 =	vld [tilespmem:s25+$0xFFFFFFA0];
	p0 =	slt.u32 s24, $0x11E;
	v6 =	vsub.s32 v6, v3;
	v8 =	vand.u32 $0xFFFFFFF0, v8  }
0x80: {  	v6 =	vshra.s32 v6, $0x10;
	v8 =	vor.u32 v1, v8;
	v12 =	vld [tilespmem:s21+$0xFFFFFFF0];
	s21 =	smov.u32 s22;
	s22 =	smov.u32 s23;
	s23 =	smov.u32 s25  }
0x81: {  	[tilespmem:v7+s16+$0x0] =	vst.idx.add.f32.msk $0xffff, v2;
	v6 =	vand.u32 $0xFFFFFFF0, v6;
	v5 =	vsub.s32 v5, v3  }
0x82: {  	v7 =	vld [tilespmem:s22+$0x20];
	v6 =	vor.u32 v1, v6;
	v5 =	vshra.s32 v5, $0x10  }
0x83: {  	v10 =	vsub.s32 v10, v3;
	[tilespmem:v9+s16+$0x0] =	vst.idx.add.f32.msk $0xffff, v2;
	v5 =	vand.u32 $0xFFFFFFF0, v5  }
0x84: {  	v9 =	vsub.s32 v11, v3;
	v10 =	vshra.s32 v10, $0x10;
	v11 =	vld [tilespmem:s22+$0xFFFFFFC0];
	v5 =	vor.u32 v1, v5  }
0x85: {  	v9 =	vshra.s32 v9, $0x10;
	v10 =	vand.u32 $0xFFFFFFF0, v10;
	[tilespmem:v8+s16+$0x0] =	vst.idx.add.f32.msk $0xffff, v2;
	v8 =	vsub.s32 v12, v3  }
0x86: {  	v9 =	vand.u32 $0xFFFFFFF0, v9;
	v10 =	vor.u32 v1, v10;
	v12 =	vld [tilespmem:s21+$0x40];
	v8 =	vshra.s32 v8, $0x10  }
0x87: {  	v9 =	vor.u32 v1, v9;
	v7 =	vsub.s32 v7, v3;
	[tilespmem:v6+s16+$0x0] =	vst.idx.add.f32.msk $0xffff, v2;
	v6 =	vand.u32 $0xFFFFFFF0, v8  }
0x88: {  	v7 =	vshra.s32 v7, $0x10;
	v8 =	vld [tilespmem:s21+$0xFFFFFFE0];
	v6 =	vor.u32 v1, v6  }
0x89: {  	v11 =	vsub.s32 v11, v3;
	v7 =	vand.u32 $0xFFFFFFF0, v7;
	[tilespmem:v5+s16+$0x0] =	vst.idx.add.f32.msk $0xffff, v2  }
0x8a: {  	v5 =	vshra.s32 v11, $0x10;
	v7 =	vor.u32 v1, v7;
	[tilespmem:v4+s16+$0x0] =	vst.idx.add.f32.msk $0xffff, v2;
	v4 =	vmov v6  }
0x8b: {  	[tilespmem:v10+s16+$0x0] =	vst.idx.add.f32.msk $0xffff, v2;
	v5 =	vand.u32 $0xFFFFFFF0, v5;
	v6 =	vsub.s32 v12, v3  }
0x8c: {  	v10 =	vld [tilespmem:s25+$0x10];
	v5 =	vor.u32 v1, v5;
	v6 =	vshra.s32 v6, $0x10  }
0x8d: {  	[tilespmem:v9+s16+$0x0] =	vst.idx.add.f32.msk $0xffff, v2;
	v8 =	vsub.s32 v8, v3;
	v6 =	vand.u32 $0xFFFFFFF0, v6  }
0x8e: {  	v9 =	vld [tilespmem:s25+$0xFFFFFFB0];
	v8 =	vshra.s32 v8, $0x10;
	v11 =	vor.u32 v1, v6  }
0x8f: {  	[tilespmem:v7+s16+$0x0] =	vst.idx.add.f32.msk $0xffff, v2;
	v6 =	vand.u32 $0xFFFFFFF0, v8  }
0x90: {  	v8 =	vld [tilespmem:s22+$0x30];
	v12 =	vor.u32 v1, v6  }
.Ltmp1:
0x91: {  	v6 =	vsub.s32 v10, v3;
	[tilespmem:v5+s16+$0x0] =	vst.idx.add.f32.msk $0xffff, v2;
	(pc) =	sbr.rel @p0 .LBB2_5-.Ltmp1, $4  }
0x92: {  	v5 =	vshra.s32 v6, $0x10;
	v6 =	vld [tilespmem:s22+$0xFFFFFFD0]  }
0x93: {  	v7 =	vsub.s32 v9, v3;
	v5 =	vand.u32 $0xFFFFFFF0, v5;
	[tilespmem:v11+s16+$0x0] =	vst.idx.add.f32.msk $0xffff, v2  }
0x94: {  	v9 =	vshra.s32 v7, $0x10;
	v7 =	vor.u32 v1, v5;
	v5 =	vld [tilespmem:s21+$0x50]  }
0x95: {  	s25 =	sadd.s32 $0xC0, s25;
	v9 =	vand.u32 $0xFFFFFFF0, v9;
	v8 =	vsub.s32 v8, v3;
	[tilespmem:v12+s16+$0x0] =	vst.idx.add.f32.msk $0xffff, v2  }
0x96: {  	_ = 	snop  }
0x97: {  	v9 =	vor.u32 v1, v9;
	_ =	sdelay $0x2  }
0x98: {  	[tilespmem:v7+s16+$0x0] =	vst.idx.add.f32.msk $0xffff, v2  }
0x99: {  	v7 =	vld [tilespmem:s23+$0x20]  }
0x9a: {  	[tilespmem:v9+s16+$0x0] =	vst.idx.add.f32.msk $0xffff, v2  }
0x9b: {  	v9 =	vld [tilespmem:s23+$0xFFFFFFC0];
	_ =	sdelay $0x2  }
0x9c: {  	v7 =	vsub.s32 v7, v3  }
0x9d: {  	v7 =	vshra.s32 v7, $0x10  }
0x9e: {  	v7 =	vand.u32 $0xFFFFFFF0, v7;
	v9 =	vsub.s32 v9, v3  }
0x9f: {  	v7 =	vor.u32 v1, v7;
	v9 =	vshra.s32 v9, $0x10  }
0xa0: {  	v9 =	vand.u32 $0xFFFFFFF0, v9  }
0xa1: {  	v9 =	vor.u32 v1, v9;
	_ =	sdelay $0x2  }
0xa2: {  	[tilespmem:v7+s16+$0x0] =	vst.idx.add.f32.msk $0xffff, v2  }
0xa3: {  	v7 =	vld [tilespmem:s23+$0x30]  }
0xa4: {  	v8 =	vshra.s32 v8, $0x10;
	v6 =	vsub.s32 v6, v3;
	[tilespmem:v9+s16+$0x0] =	vst.idx.add.f32.msk $0xffff, v2  }
0xa5: {  	v8 =	vand.u32 $0xFFFFFFF0, v8;
	v6 =	vshra.s32 v6, $0x10;
	v9 =	vld [tilespmem:s23+$0xFFFFFFD0]  }
0xa6: {  	v8 =	vor.u32 v1, v8;
	v6 =	vand.u32 $0xFFFFFFF0, v6  }
0xa7: {  	v6 =	vor.u32 v1, v6  }
0xa8: {  	v7 =	vsub.s32 v7, v3  }
0xa9: {  	v7 =	vshra.s32 v7, $0x10  }
0xaa: {  	v7 =	vand.u32 $0xFFFFFFF0, v7;
	v9 =	vsub.s32 v9, v3  }
0xab: {  	[tilespmem:v8+s16+$0x0] =	vst.idx.add.f32.msk $0xffff, v2;
	v7 =	vor.u32 v1, v7;
	v9 =	vshra.s32 v9, $0x10  }
0xac: {  	[tilespmem:v6+s16+$0x0] =	vst.idx.add.f32.msk $0xffff, v2;
	v8 =	vand.u32 $0xFFFFFFF0, v9  }
0xad: {  	v9 =	vld [tilespmem:s22+$0x40];
	v8 =	vor.u32 v1, v8  }
0xae: {  	v6 =	vld [tilespmem:s22+$0xFFFFFFE0];
	_ =	sdelay $0x1  }
0xaf: {  	[tilespmem:v7+s16+$0x0] =	vst.idx.add.f32.msk $0xffff, v2  }
0xb0: {  	v7 =	vld [tilespmem:s23+$0x40]  }
0xb1: {  	v9 =	vsub.s32 v9, v3;
	[tilespmem:v8+s16+$0x0] =	vst.idx.add.f32.msk $0xffff, v2  }
0xb2: {  	v6 =	vsub.s32 v6, v3;
	v8 =	vshra.s32 v9, $0x10;
	v9 =	vld [tilespmem:s23+$0xFFFFFFE0]  }
0xb3: {  	v6 =	vshra.s32 v6, $0x10;
	v8 =	vand.u32 $0xFFFFFFF0, v8  }
0xb4: {  	v6 =	vand.u32 $0xFFFFFFF0, v6;
	v8 =	vor.u32 v1, v8  }
0xb5: {  	v6 =	vor.u32 v1, v6;
	v7 =	vsub.s32 v7, v3  }
0xb6: {  	v7 =	vshra.s32 v7, $0x10  }
0xb7: {  	v7 =	vand.u32 $0xFFFFFFF0, v7;
	v9 =	vsub.s32 v9, v3  }
0xb8: {  	v10 =	vld [tilespmem:s21+$0xFFFFFFF0];
	v7 =	vor.u32 v1, v7;
	v9 =	vshra.s32 v9, $0x10  }
0xb9: {  	[tilespmem:v8+s16+$0x0] =	vst.idx.add.f32.msk $0xffff, v2;
	v8 =	vand.u32 $0xFFFFFFF0, v9  }
0xba: {  	[tilespmem:v6+s16+$0x0] =	vst.idx.add.f32.msk $0xffff, v2;
	v8 =	vor.u32 v1, v8  }
0xbb: {  	v5 =	vsub.s32 v5, v3;
	v6 =	vld [tilespmem:s22+$0xFFFFFFF0]  }
0xbc: {  	v5 =	vshra.s32 v5, $0x10;
	v9 =	vld [tilespmem:s22+$0x50]  }
0xbd: {  	v5 =	vand.u32 $0xFFFFFFF0, v5;
	[tilespmem:v7+s16+$0x0] =	vst.idx.add.f32.msk $0xffff, v2  }
0xbe: {  	v5 =	vor.u32 v1, v5;
	v7 =	vld [tilespmem:s23+$0x50]  }
0xbf: {  	[tilespmem:v8+s16+$0x0] =	vst.idx.add.f32.msk $0xffff, v2  }
0xc0: {  	v6 =	vsub.s32 v6, v3;
	v8 =	vsub.s32 v10, v3;
	v10 =	vld [tilespmem:s23+$0xFFFFFFF0]  }
0xc1: {  	v6 =	vshra.s32 v6, $0x10  }
0xc2: {  	v6 =	vand.u32 $0xFFFFFFF0, v6;
	v9 =	vsub.s32 v9, v3  }
0xc3: {  	[tilespmem:v5+s16+$0x0] =	vst.idx.add.f32.msk $0xffff, v2;
	v5 =	vor.u32 v1, v6;
	v9 =	vshra.s32 v9, $0x10;
	v8 =	vshra.s32 v8, $0x10  }
0xc4: {  	v9 =	vand.u32 $0xFFFFFFF0, v9;
	v7 =	vsub.s32 v7, v3;
	v8 =	vand.u32 $0xFFFFFFF0, v8  }
0xc5: {  	v9 =	vor.u32 v1, v9;
	v7 =	vshra.s32 v7, $0x10;
	v10 =	vsub.s32 v10, v3  }
0xc6: {  	v8 =	vor.u32 v1, v8;
	v7 =	vand.u32 $0xFFFFFFF0, v7;
	v10 =	vshra.s32 v10, $0x10  }
0xc7: {  	v7 =	vor.u32 v1, v7;
	v6 =	vand.u32 $0xFFFFFFF0, v10  }
0xc8: {  	[tilespmem:v4+s16+$0x0] =	vst.idx.add.f32.msk $0xffff, v2;
	v4 =	vor.u32 v1, v6  }
0xc9: {  	p0 =	seq.s32 s19, $0x7;
	[tilespmem:v5+s16+$0x0] =	vst.idx.add.f32.msk $0xffff, v2  }
0xca: {  	s20 =	sadd.s32 @!p0 s20, s7;
	[tilespmem:v9+s16+$0x0] =	vst.idx.add.f32.msk $0xffff, v2  }
0xcb: {  	s20 =	sshll.u32 @!p0 s20, $0x4;
	[tilespmem:v8+s16+$0x0] =	vst.idx.add.f32.msk $0xffff, v2  }
0xcc: {  	s21 =	simm.s32 @!p0 $0x60;
	s20 =	sand.u32 @!p0 $0x1FFFFC00, s20;
	[tilespmem:v7+s16+$0x0] =	vst.idx.add.f32.msk $0xffff, v2  }
0xcd: {  	s20 =	sadd.s32 @!p0 s2, s20;
	s22 =	simm.s32 @!p0 $0x80;
	s23 =	simm.s32 @!p0 $0x0;
	[tilespmem:v4+s16+$0x0] =	vst.idx.add.f32.msk $0xffff, v2  }
0xce: {  	[tilespmem:s23], [sflag:$0x1] =	stream.strided.gather @!p0 [hbm4b:s20+s21], $0x6C00, s22, s21, $0x38;
	[tilespmem:$0x15810] =	vst v63  }
0xcf: {  	_ =	swait.ge [sflag:s17], $0x6C00  }
0xd0: {  	[sflag:s17] =	ssyncset.done $0x0  }
0xd1: {  	s31 =	simm.s32 $0x6C60;
	[sflag:s17] =	ssyncadd.s32 $0xFFFF9400  }
0xd2: {  	v4 =	vld [tilespmem:s31+$0x0];
	_ =	sdelay $0x2  }
0xd3: {  	v5 =	vld [tilespmem:s31+$0xFFFFFFA0];
	_ =	sdelay $0x1  }
0xd4: {  	v4 =	vsub.s32 v4, v3  }
0xd5: {  	v4 =	vshra.s32 v4, $0x10  }
0xd6: {  	v4 =	vand.u32 $0xFFFFFFF0, v4  }
0xd7: {  	v5 =	vsub.s32 v5, v3;
	v4 =	vor.u32 v1, v4  }
0xd8: {  	v5 =	vshra.s32 v5, $0x10  }
0xd9: {  	v5 =	vand.u32 $0xFFFFFFF0, v5  }
0xda: {  	v5 =	vor.u32 v1, v5;
	_ =	sdelay $0x1  }
0xdb: {  	[tilespmem:v4+s16+$0x0] =	vst.idx.add.f32.msk $0xffff, v2  }
0xdc: {  	v4 =	vld [tilespmem:s31+$0x10];
	_ =	sdelay $0x1  }
0xdd: {  	[tilespmem:v5+s16+$0x0] =	vst.idx.add.f32.msk $0xffff, v2  }
0xde: {  	v5 =	vld [tilespmem:s31+$0xFFFFFFB0];
	_ =	sdelay $0x1  }
0xdf: {  	v4 =	vsub.s32 v4, v3  }
0xe0: {  	v4 =	vshra.s32 v4, $0x10  }
0xe1: {  	v4 =	vand.u32 $0xFFFFFFF0, v4  }
0xe2: {  	s20 =	simm.s32 $0x6D20;
	v5 =	vsub.s32 v5, v3;
	v4 =	vor.u32 v1, v4  }
0xe3: {  	v6 =	vld [tilespmem:s20+$0x0];
	v5 =	vshra.s32 v5, $0x10  }
0xe4: {  	v5 =	vand.u32 $0xFFFFFFF0, v5  }
0xe5: {  	v7 =	vld [tilespmem:s20+$0xFFFFFFA0];
	v5 =	vor.u32 v1, v5;
	_ =	sdelay $0x1  }
0xe6: {  	[tilespmem:v4+s16+$0x0] =	vst.idx.add.f32.msk $0xffff, v2  }
0xe7: {  	v6 =	vsub.s32 v6, v3;
	v4 =	vld [tilespmem:s31+$0x20]  }
0xe8: {  	v6 =	vshra.s32 v6, $0x10  }
0xe9: {  	v6 =	vand.u32 $0xFFFFFFF0, v6;
	[tilespmem:v5+s16+$0x0] =	vst.idx.add.f32.msk $0xffff, v2;
	v5 =	vsub.s32 v7, v3  }
0xea: {  	v6 =	vor.u32 v1, v6;
	v7 =	vld [tilespmem:s31+$0xFFFFFFC0];
	v5 =	vshra.s32 v5, $0x10  }
0xeb: {  	v5 =	vand.u32 $0xFFFFFFF0, v5  }
0xec: {  	v5 =	vor.u32 v1, v5;
	v4 =	vsub.s32 v4, v3  }
0xed: {  	v4 =	vshra.s32 v4, $0x10  }
0xee: {  	v4 =	vand.u32 $0xFFFFFFF0, v4  }
0xef: {  	[tilespmem:v6+s16+$0x0] =	vst.idx.add.f32.msk $0xffff, v2;
	v7 =	vsub.s32 v7, v3;
	v4 =	vor.u32 v1, v4  }
0xf0: {  	v6 =	vshra.s32 v7, $0x10;
	v7 =	vld [tilespmem:s20+$0x10]  }
0xf1: {  	v6 =	vand.u32 $0xFFFFFFF0, v6;
	[tilespmem:v5+s16+$0x0] =	vst.idx.add.f32.msk $0xffff, v2  }
0xf2: {  	v5 =	vor.u32 v1, v6;
	v6 =	vld [tilespmem:s20+$0xFFFFFFB0];
	_ =	sdelay $0x1  }
0xf3: {  	[tilespmem:v4+s16+$0x0] =	vst.idx.add.f32.msk $0xffff, v2  }
0xf4: {  	v7 =	vsub.s32 v7, v3;
	v4 =	vld [tilespmem:s31+$0x30]  }
0xf5: {  	v7 =	vshra.s32 v7, $0x10  }
0xf6: {  	[tilespmem:v5+s16+$0x0] =	vst.idx.add.f32.msk $0xffff, v2;
	v5 =	vsub.s32 v6, v3;
	v6 =	vand.u32 $0xFFFFFFF0, v7  }
0xf7: {  	v7 =	vld [tilespmem:s31+$0xFFFFFFD0];
	v5 =	vshra.s32 v5, $0x10;
	v6 =	vor.u32 v1, v6  }
0xf8: {  	s21 =	simm.s32 $0x6DE0;
	v5 =	vand.u32 $0xFFFFFFF0, v5  }
0xf9: {  	v8 =	vld [tilespmem:s21+$0x0];
	v5 =	vor.u32 v1, v5;
	v4 =	vsub.s32 v4, v3  }
0xfa: {  	v4 =	vshra.s32 v4, $0x10  }
0xfb: {  	v9 =	vld [tilespmem:s21+$0xFFFFFFA0];
	v4 =	vand.u32 $0xFFFFFFF0, v4  }
0xfc: {  	v7 =	vsub.s32 v7, v3;
	[tilespmem:v6+s16+$0x0] =	vst.idx.add.f32.msk $0xffff, v2;
	v4 =	vor.u32 v1, v4  }
0xfd: {  	v6 =	vshra.s32 v7, $0x10;
	v7 =	vld [tilespmem:s20+$0x20]  }
0xfe: {  	v8 =	vsub.s32 v8, v3;
	v6 =	vand.u32 $0xFFFFFFF0, v6;
	[tilespmem:v5+s16+$0x0] =	vst.idx.add.f32.msk $0xffff, v2  }
0xff: {  	v5 =	vor.u32 v1, v6;
	v6 =	vshra.s32 v8, $0x10;
	v8 =	vld [tilespmem:s20+$0xFFFFFFC0]  }
0x100: {  	v9 =	vsub.s32 v9, v3;
	v6 =	vand.u32 $0xFFFFFFF0, v6  }
0x101: {  	v9 =	vshra.s32 v9, $0x10;
	[tilespmem:v4+s16+$0x0] =	vst.idx.add.f32.msk $0xffff, v2;
	v4 =	vor.u32 v1, v6  }
0x102: {  	v7 =	vsub.s32 v7, v3;
	v6 =	vand.u32 $0xFFFFFFF0, v9;
	v9 =	vld [tilespmem:s31+$0x40]  }
0x103: {  	v7 =	vshra.s32 v7, $0x10;
	v6 =	vor.u32 v1, v6  }
0x104: {  	[tilespmem:v5+s16+$0x0] =	vst.idx.add.f32.msk $0xffff, v2;
	v5 =	vsub.s32 v8, v3;
	v7 =	vand.u32 $0xFFFFFFF0, v7  }
0x105: {  	v8 =	vld [tilespmem:s31+$0xFFFFFFE0];
	v5 =	vshra.s32 v5, $0x10;
	v7 =	vor.u32 v1, v7  }
0x106: {  	[tilespmem:v4+s16+$0x0] =	vst.idx.add.f32.msk $0xffff, v2;
	v4 =	vand.u32 $0xFFFFFFF0, v5  }
0x107: {  	v5 =	vsub.s32 v9, v3;
	v9 =	vld [tilespmem:s21+$0x10];
	v4 =	vor.u32 v1, v4  }
0x108: {  	[tilespmem:v6+s16+$0x0] =	vst.idx.add.f32.msk $0xffff, v2;
	v5 =	vshra.s32 v5, $0x10  }
0x109: {  	v6 =	vld [tilespmem:s21+$0xFFFFFFB0];
	v5 =	vand.u32 $0xFFFFFFF0, v5  }
0x10a: {  	v8 =	vsub.s32 v8, v3;
	[tilespmem:v7+s16+$0x0] =	vst.idx.add.f32.msk $0xffff, v2;
	v5 =	vor.u32 v1, v5  }
0x10b: {  	v7 =	vshra.s32 v8, $0x10;
	v8 =	vld [tilespmem:s20+$0x30]  }
0x10c: {  	v7 =	vand.u32 $0xFFFFFFF0, v7;
	v9 =	vsub.s32 v9, v3;
	[tilespmem:v4+s16+$0x0] =	vst.idx.add.f32.msk $0xffff, v2  }
0x10d: {  	v4 =	vor.u32 v1, v7;
	v7 =	vshra.s32 v9, $0x10;
	v9 =	vld [tilespmem:s20+$0xFFFFFFD0]  }
0x10e: {  	v6 =	vsub.s32 v6, v3;
	v7 =	vand.u32 $0xFFFFFFF0, v7  }
0x10f: {  	[tilespmem:v5+s16+$0x0] =	vst.idx.add.f32.msk $0xffff, v2;
	v5 =	vshra.s32 v6, $0x10;
	v6 =	vor.u32 v1, v7  }
0x110: {  	s22 =	simm.s32 $0x6EA0;
	v8 =	vsub.s32 v8, v3;
	v7 =	vld [tilespmem:s31+$0x50];
	v5 =	vand.u32 $0xFFFFFFF0, v5  }
0x111: {  	v10 =	vld [tilespmem:s22+$0x0];
	v8 =	vshra.s32 v8, $0x10;
	v5 =	vor.u32 v1, v5  }
0x112: {  	v8 =	vand.u32 $0xFFFFFFF0, v8;
	[tilespmem:v4+s16+$0x0] =	vst.idx.add.f32.msk $0xffff, v2;
	v4 =	vsub.s32 v9, v3  }
0x113: {  	v8 =	vor.u32 v1, v8;
	v9 =	vld [tilespmem:s22+$0xFFFFFFA0];
	v4 =	vshra.s32 v4, $0x10  }
0x114: {  	[tilespmem:v6+s16+$0x0] =	vst.idx.add.f32.msk $0xffff, v2;
	v4 =	vand.u32 $0xFFFFFFF0, v4  }
0x115: {  	v6 =	vsub.s32 v7, v3;
	v7 =	vld [tilespmem:s21+$0x20];
	v4 =	vor.u32 v1, v4  }
0x116: {  	v10 =	vsub.s32 v10, v3;
	v6 =	vshra.s32 v6, $0x10;
	[tilespmem:v5+s16+$0x0] =	vst.idx.add.f32.msk $0xffff, v2  }
0x117: {  	v5 =	vand.u32 $0xFFFFFFF0, v6;
	v6 =	vshra.s32 v10, $0x10;
	v10 =	vld [tilespmem:s21+$0xFFFFFFC0]  }
0x118: {  	[tilespmem:v8+s16+$0x0] =	vst.idx.add.f32.msk $0xffff, v2;
	v9 =	vsub.s32 v9, v3;
	v5 =	vor.u32 v1, v5;
	v6 =	vand.u32 $0xFFFFFFF0, v6  }
0x119: {  	v8 =	vshra.s32 v9, $0x10;
	v9 =	vld [tilespmem:s20+$0x40];
	v6 =	vor.u32 v1, v6  }
0x11a: {  	v8 =	vand.u32 $0xFFFFFFF0, v8;
	v7 =	vsub.s32 v7, v3;
	[tilespmem:v4+s16+$0x0] =	vst.idx.add.f32.msk $0xffff, v2  }
0x11b: {  	v4 =	vor.u32 v1, v8;
	v7 =	vshra.s32 v7, $0x10;
	v8 =	vld [tilespmem:s20+$0xFFFFFFE0]  }
0x11c: {  	v11 =	vld [tilespmem:s31+$0xFFFFFFF0];
	v10 =	vsub.s32 v10, v3;
	v7 =	vand.u32 $0xFFFFFFF0, v7  }
0x11d: {  	[tilespmem:v5+s16+$0x0] =	vst.idx.add.f32.msk $0xffff, v2;
	v5 =	vshra.s32 v10, $0x10;
	v7 =	vor.u32 v1, v7  }
0x11e: {  	[tilespmem:v6+s16+$0x0] =	vst.idx.add.f32.msk $0xffff, v2;
	v5 =	vand.u32 $0xFFFFFFF0, v5;
	v6 =	vsub.s32 v9, v3  }
0x11f: {  	v9 =	vld [tilespmem:s22+$0x10];
	v5 =	vor.u32 v1, v5;
	v6 =	vshra.s32 v6, $0x10  }
0x120: {  	[tilespmem:v4+s16+$0x0] =	vst.idx.add.f32.msk $0xffff, v2;
	v4 =	vsub.s32 v8, v3;
	v6 =	vand.u32 $0xFFFFFFF0, v6  }
0x121: {  	v8 =	vld [tilespmem:s22+$0xFFFFFFB0];
	v4 =	vshra.s32 v4, $0x10;
	v10 =	vor.u32 v1, v6  }
0x122: {  	[tilespmem:v7+s16+$0x0] =	vst.idx.add.f32.msk $0xffff, v2;
	v4 =	vand.u32 $0xFFFFFFF0, v4  }
0x123: {  	v12 =	vld [tilespmem:s21+$0x30];
	v13 =	vor.u32 v1, v4  }
0x124: {  	[tilespmem:v5+s16+$0x0] =	vst.idx.add.f32.msk $0xffff, v2;
	v5 =	vsub.s32 v9, v3  }
0x125: {  	v4 =	vsub.s32 v11, v3;
	v6 =	vld [tilespmem:s21+$0xFFFFFFD0];
	v5 =	vshra.s32 v5, $0x10  }
0x126: {  	v4 =	vshra.s32 v4, $0x10;
	v7 =	vsub.s32 v8, v3;
	[tilespmem:v10+s16+$0x0] =	vst.idx.add.f32.msk $0xffff, v2;
	v8 =	vand.u32 $0xFFFFFFF0, v5  }
0x127: {  	v4 =	vand.u32 $0xFFFFFFF0, v4;
	v9 =	vshra.s32 v7, $0x10;
	v5 =	vld [tilespmem:s20+$0x50];
	v7 =	vor.u32 v1, v8  }
0x128: {  	s24 =	simm.s32 $0x6F60;
	s23 =	simm.s32 $0x6;
	v4 =	vor.u32 v1, v4;
	v9 =	vand.u32 $0xFFFFFFF0, v9;
	v8 =	vsub.s32 v12, v3;
	[tilespmem:v13+s16+$0x0] =	vst.idx.add.f32.msk $0xffff, v2  }
.LBB2_7:
0x129: {  	v10 =	vld [tilespmem:s24+$0x0];
	s23 =	sadd.s32 $0x2, s23;
	v9 =	vor.u32 v1, v9;
	v8 =	vshra.s32 v8, $0x10  }
0x12a: {  	v11 =	vld [tilespmem:s24+$0xFFFFFFA0];
	p0 =	slt.u32 s23, $0x11E;
	v6 =	vsub.s32 v6, v3;
	v8 =	vand.u32 $0xFFFFFFF0, v8  }
0x12b: {  	v6 =	vshra.s32 v6, $0x10;
	v8 =	vor.u32 v1, v8;
	v12 =	vld [tilespmem:s20+$0xFFFFFFF0];
	s20 =	smov.u32 s21;
	s21 =	smov.u32 s22;
	s22 =	smov.u32 s24  }
0x12c: {  	[tilespmem:v7+s16+$0x0] =	vst.idx.add.f32.msk $0xffff, v2;
	v6 =	vand.u32 $0xFFFFFFF0, v6;
	v5 =	vsub.s32 v5, v3  }
0x12d: {  	v7 =	vld [tilespmem:s21+$0x20];
	v6 =	vor.u32 v1, v6;
	v5 =	vshra.s32 v5, $0x10  }
0x12e: {  	v10 =	vsub.s32 v10, v3;
	[tilespmem:v9+s16+$0x0] =	vst.idx.add.f32.msk $0xffff, v2;
	v5 =	vand.u32 $0xFFFFFFF0, v5  }
0x12f: {  	v9 =	vsub.s32 v11, v3;
	v10 =	vshra.s32 v10, $0x10;
	v11 =	vld [tilespmem:s21+$0xFFFFFFC0];
	v5 =	vor.u32 v1, v5  }
0x130: {  	v9 =	vshra.s32 v9, $0x10;
	v10 =	vand.u32 $0xFFFFFFF0, v10;
	[tilespmem:v8+s16+$0x0] =	vst.idx.add.f32.msk $0xffff, v2;
	v8 =	vsub.s32 v12, v3  }
0x131: {  	v9 =	vand.u32 $0xFFFFFFF0, v9;
	v10 =	vor.u32 v1, v10;
	v12 =	vld [tilespmem:s20+$0x40];
	v8 =	vshra.s32 v8, $0x10  }
0x132: {  	v9 =	vor.u32 v1, v9;
	v7 =	vsub.s32 v7, v3;
	[tilespmem:v6+s16+$0x0] =	vst.idx.add.f32.msk $0xffff, v2;
	v6 =	vand.u32 $0xFFFFFFF0, v8  }
0x133: {  	v7 =	vshra.s32 v7, $0x10;
	v8 =	vld [tilespmem:s20+$0xFFFFFFE0];
	v6 =	vor.u32 v1, v6  }
0x134: {  	v11 =	vsub.s32 v11, v3;
	v7 =	vand.u32 $0xFFFFFFF0, v7;
	[tilespmem:v5+s16+$0x0] =	vst.idx.add.f32.msk $0xffff, v2  }
0x135: {  	v5 =	vshra.s32 v11, $0x10;
	v7 =	vor.u32 v1, v7;
	[tilespmem:v4+s16+$0x0] =	vst.idx.add.f32.msk $0xffff, v2;
	v4 =	vmov v6  }
0x136: {  	[tilespmem:v10+s16+$0x0] =	vst.idx.add.f32.msk $0xffff, v2;
	v5 =	vand.u32 $0xFFFFFFF0, v5;
	v6 =	vsub.s32 v12, v3  }
0x137: {  	v10 =	vld [tilespmem:s24+$0x10];
	v5 =	vor.u32 v1, v5;
	v6 =	vshra.s32 v6, $0x10  }
0x138: {  	[tilespmem:v9+s16+$0x0] =	vst.idx.add.f32.msk $0xffff, v2;
	v8 =	vsub.s32 v8, v3;
	v6 =	vand.u32 $0xFFFFFFF0, v6  }
0x139: {  	v9 =	vld [tilespmem:s24+$0xFFFFFFB0];
	v8 =	vshra.s32 v8, $0x10;
	v11 =	vor.u32 v1, v6  }
0x13a: {  	[tilespmem:v7+s16+$0x0] =	vst.idx.add.f32.msk $0xffff, v2;
	v6 =	vand.u32 $0xFFFFFFF0, v8  }
0x13b: {  	v8 =	vld [tilespmem:s21+$0x30];
	v12 =	vor.u32 v1, v6  }
.Ltmp2:
0x13c: {  	v6 =	vsub.s32 v10, v3;
	[tilespmem:v5+s16+$0x0] =	vst.idx.add.f32.msk $0xffff, v2;
	(pc) =	sbr.rel @p0 .LBB2_7-.Ltmp2, $4  }
0x13d: {  	v5 =	vshra.s32 v6, $0x10;
	v6 =	vld [tilespmem:s21+$0xFFFFFFD0]  }
0x13e: {  	v7 =	vsub.s32 v9, v3;
	v5 =	vand.u32 $0xFFFFFFF0, v5;
	[tilespmem:v11+s16+$0x0] =	vst.idx.add.f32.msk $0xffff, v2  }
0x13f: {  	v9 =	vshra.s32 v7, $0x10;
	v7 =	vor.u32 v1, v5;
	v5 =	vld [tilespmem:s20+$0x50]  }
0x140: {  	s24 =	sadd.s32 $0xC0, s24;
	v9 =	vand.u32 $0xFFFFFFF0, v9;
	v8 =	vsub.s32 v8, v3;
	[tilespmem:v12+s16+$0x0] =	vst.idx.add.f32.msk $0xffff, v2  }
0x141: {  	_ = 	snop  }
0x142: {  	v9 =	vor.u32 v1, v9;
	_ =	sdelay $0x2  }
0x143: {  	[tilespmem:v7+s16+$0x0] =	vst.idx.add.f32.msk $0xffff, v2  }
0x144: {  	v7 =	vld [tilespmem:s22+$0x20]  }
0x145: {  	[tilespmem:v9+s16+$0x0] =	vst.idx.add.f32.msk $0xffff, v2  }
0x146: {  	v9 =	vld [tilespmem:s22+$0xFFFFFFC0];
	_ =	sdelay $0x2  }
0x147: {  	v7 =	vsub.s32 v7, v3  }
0x148: {  	v7 =	vshra.s32 v7, $0x10  }
0x149: {  	v7 =	vand.u32 $0xFFFFFFF0, v7;
	v9 =	vsub.s32 v9, v3  }
0x14a: {  	v7 =	vor.u32 v1, v7;
	v9 =	vshra.s32 v9, $0x10  }
0x14b: {  	v9 =	vand.u32 $0xFFFFFFF0, v9  }
0x14c: {  	v9 =	vor.u32 v1, v9;
	_ =	sdelay $0x2  }
0x14d: {  	[tilespmem:v7+s16+$0x0] =	vst.idx.add.f32.msk $0xffff, v2  }
0x14e: {  	v7 =	vld [tilespmem:s22+$0x30]  }
0x14f: {  	v8 =	vshra.s32 v8, $0x10;
	v6 =	vsub.s32 v6, v3;
	[tilespmem:v9+s16+$0x0] =	vst.idx.add.f32.msk $0xffff, v2  }
0x150: {  	v8 =	vand.u32 $0xFFFFFFF0, v8;
	v6 =	vshra.s32 v6, $0x10;
	v9 =	vld [tilespmem:s22+$0xFFFFFFD0]  }
0x151: {  	v8 =	vor.u32 v1, v8;
	v6 =	vand.u32 $0xFFFFFFF0, v6  }
0x152: {  	v6 =	vor.u32 v1, v6  }
0x153: {  	v7 =	vsub.s32 v7, v3  }
0x154: {  	v7 =	vshra.s32 v7, $0x10  }
0x155: {  	v7 =	vand.u32 $0xFFFFFFF0, v7;
	v9 =	vsub.s32 v9, v3  }
0x156: {  	[tilespmem:v8+s16+$0x0] =	vst.idx.add.f32.msk $0xffff, v2;
	v7 =	vor.u32 v1, v7;
	v9 =	vshra.s32 v9, $0x10  }
0x157: {  	[tilespmem:v6+s16+$0x0] =	vst.idx.add.f32.msk $0xffff, v2;
	v55 =	vand.u32 $0xFFFFFFF0, v9  }
0x158: {  	v6 =	vld [tilespmem:s21+$0xFFFFFFE0];
	v8 =	vor.u32 v1, v55  }
0x159: {  	v56 =	vld [tilespmem:s21+$0x40];
	_ =	sdelay $0x1  }
0x15a: {  	[tilespmem:v7+s16+$0x0] =	vst.idx.add.f32.msk $0xffff, v2  }
0x15b: {  	v7 =	vld [tilespmem:s22+$0x40]  }
0x15c: {  	v6 =	vsub.s32 v6, v3;
	[tilespmem:v8+s16+$0x0] =	vst.idx.add.f32.msk $0xffff, v2  }
0x15d: {  	v6 =	vshra.s32 v6, $0x10;
	v9 =	vsub.s32 v56, v3;
	v58 =	vld [tilespmem:s22+$0xFFFFFFE0]  }
0x15e: {  	v6 =	vand.u32 $0xFFFFFFF0, v6;
	v57 =	vshra.s32 v9, $0x10  }
0x15f: {  	v6 =	vor.u32 v1, v6;
	v8 =	vand.u32 $0xFFFFFFF0, v57  }
0x160: {  	v8 =	vor.u32 v1, v8;
	v7 =	vsub.s32 v7, v3  }
0x161: {  	v7 =	vshra.s32 v7, $0x10  }
0x162: {  	v7 =	vand.u32 $0xFFFFFFF0, v7;
	v9 =	vsub.s32 v58, v3  }
0x163: {  	v10 =	vld [tilespmem:s20+$0xFFFFFFF0];
	v7 =	vor.u32 v1, v7;
	v9 =	vshra.s32 v9, $0x10  }
0x164: {  	[tilespmem:v6+s16+$0x0] =	vst.idx.add.f32.msk $0xffff, v2;
	v59 =	vand.u32 $0xFFFFFFF0, v9  }
0x165: {  	[tilespmem:v8+s16+$0x0] =	vst.idx.add.f32.msk $0xffff, v2;
	v8 =	vor.u32 v1, v59  }
0x166: {  	v5 =	vsub.s32 v5, v3;
	v6 =	vld [tilespmem:s21+$0xFFFFFFF0]  }
0x167: {  	v5 =	vshra.s32 v5, $0x10;
	v60 =	vld [tilespmem:s21+$0x50]  }
0x168: {  	v5 =	vand.u32 $0xFFFFFFF0, v5;
	[tilespmem:v7+s16+$0x0] =	vst.idx.add.f32.msk $0xffff, v2  }
0x169: {  	v5 =	vor.u32 v1, v5;
	v7 =	vld [tilespmem:s22+$0x50]  }
0x16a: {  	[tilespmem:v8+s16+$0x0] =	vst.idx.add.f32.msk $0xffff, v2  }
0x16b: {  	v6 =	vsub.s32 v6, v3;
	v62 =	vld [tilespmem:s22+$0xFFFFFFF0]  }
0x16c: {  	v6 =	vshra.s32 v6, $0x10  }
0x16d: {  	v61 =	vsub.s32 v10, v3;
	v6 =	vand.u32 $0xFFFFFFF0, v6;
	v9 =	vsub.s32 v60, v3  }
0x16e: {  	[tilespmem:v5+s16+$0x0] =	vst.idx.add.f32.msk $0xffff, v2;
	v5 =	vor.u32 v1, v6;
	v9 =	vshra.s32 v9, $0x10;
	v8 =	vshra.s32 v61, $0x10  }
0x16f: {  	v9 =	vand.u32 $0xFFFFFFF0, v9;
	v8 =	vand.u32 $0xFFFFFFF0, v8;
	v7 =	vsub.s32 v7, v3  }
0x170: {  	v9 =	vor.u32 v1, v9;
	v7 =	vshra.s32 v7, $0x10;
	v10 =	vsub.s32 v62, v3  }
0x171: {  	v8 =	vor.u32 v1, v8;
	v7 =	vand.u32 $0xFFFFFFF0, v7;
	v10 =	vshra.s32 v10, $0x10  }
0x172: {  	s19 =	sadd.s32 $0x1, s19;
	v7 =	vor.u32 v1, v7;
	v63 =	vand.u32 $0xFFFFFFF0, v10  }
0x173: {  	[tilespmem:v4+s16+$0x0] =	vst.idx.add.f32.msk $0xffff, v2;
	p0 =	sne.s32 s19, $0x8;
	v4 =	vor.u32 v1, v63  }
.Ltmp3:
0x174: {  	[tilespmem:v5+s16+$0x0] =	vst.idx.add.f32.msk $0xffff, v2;
	(pc) =	sbr.rel @p0 .LBB2_4-.Ltmp3, $4  }
0x175: {  	[tilespmem:v9+s16+$0x0] =	vst.idx.add.f32.msk $0xffff, v2  }
0x176: {  	[tilespmem:v8+s16+$0x0] =	vst.idx.add.f32.msk $0xffff, v2  }
0x177: {  	[tilespmem:v7+s16+$0x0] =	vst.idx.add.f32.msk $0xffff, v2  }
0x178: {  	[tilespmem:v4+s16+$0x0] =	vst.idx.add.f32.msk $0xffff, v2  }
0x179: {  	s18 =	sadd.s32 $0x1, s18  }
0x17a: {  	p0 =	sne.s32 s18, s9  }
.Ltmp4:
0x17b: {  	_ = 	snop;
	(pc) =	sbr.rel @p0 .LBB2_1-.Ltmp4, $4  }
0x17c: {  	[hbm4b:s8+s3] =	stream.linear.scatter [tilespmem:s16], [sflag:$0x3], $0x8000, $0x38;
	[tilespmem:$0x15810] =	vst v63  }
0x17d: {  	_ =	swait.ge [sflag:s11], $0x8000  }
0x17e: {  	[sflag:s11] =	ssyncset.done $0x0  }
0x17f: {  	[sflag:s11] =	ssyncadd.s32 $0xFFFF8000  }
0x180: {  	_ =	sfence.sel $0x180000  }
0x181: {  	[bflag:$0x0] =	sbarrier.arrive $0xFFFF  }
0x182: {  	p0 =	sne.s32 s1, $0x0;
	_ =	strace $0x90000047  }
0x183: {  	s0 =	sadd.s32 @!p0 $0x100000, s0;
	[bflag:$0x2] =	sbarrier.arrive $0xFFFF  }
0x184: {  	[sflag:s0] =	ssyncadd.tile.s32 @!p0 $0x1;
	_ =	shalt  }
.Lfunc_end2:
_tile_overlayer_lowered:
.L_overlay_start_2:
0x185: {  	(tag) =	ssettag $0x2  }
0x186: {  	s0 =	rddreg [dreg:$0x0];
	s2 =	stileid.u32  }
0x187: {  	s1 =	rddreg [dreg:$0x1];
	p0 =	sne.s32 s2, $0x0  }
0x188: {  	s3 =	rddreg [dreg:$0x2];
	[bflag:$0x3] =	sbarrier.arrive $0xFFFF;
	s2 =	simm.s32 @!p0 $0x1C03  }
0x189: {  	[timem:s3], [sflag:s2] =	dma.local @!p0 [hbm:s0], s1  }
0x18a: {  	s0 =	simm.s32 @!p0 $0x3  }
0x18b: {  	_ =	swait.ge @!p0 [sflag:s0], s1  }
0x18c: {  	s1 =	ssub.s32 @!p0 $0x0, s1;
	[sflag:s0] =	ssyncset.done @!p0 $0x0  }
0x18d: {  	[sflag:s0] =	ssyncadd.s32 @!p0 s1  }
0x18e: {  	[bflag:$0x3] =	sbarrier.arrive $0xFFFF  }
0x18f: {  	_ =	shalt  }

// kernel: kernel.8.cloned.1.call-start
scs
__scs_entry_jumppad:
0x0: {  	(pc) =	sbr.rel $0x88, $3  }
0x1: {  	(tag) =	ssettag $0x0;
	lr =	simm.s32 $0x1  }
0x2: {  	[smem:$0x3F9E] =	sst lr;
	_ =	strace $0xD0000000  }
0x3: {  	_ = 	snop  }
0x4: {  	_ = 	snop  }
0x5: {  	_ = 	snop  }
0x6: {  	_ = 	snop  }
0x7: {  	_ = 	snop  }
__scs_overlays_trampoline_lowered:
0x8: {  	[smem:$0x3FAD] =	sst s0  }
0x9: {  	[smem:$0x3FAE] =	sst s1  }
0xa: {  	[smem:$0x3FAF] =	sst s2  }
0xb: {  	[smem:$0x3FB0] =	sst s3  }
0xc: {  	[smem:$0x3FB1] =	sst s4  }
0xd: {  	[smem:$0x3FB2] =	sst s5  }
0xe: {  	[smem:$0x3FB3] =	sst s6  }
0xf: {  	[smem:$0x3FB4] =	sst s7  }
0x10: {  	[smem:$0x3FB5] =	sst s8  }
0x11: {  	[smem:$0x3FB6] =	sst s9;
	s0 =	simm.s32 @!p0 $0x0  }
0x12: {  	s1 =	sld [smem:$0x3F9C];
	s0 =	simm.s32 @p0 $0x1  }
0x13: {  	[smem:$0x3FB7] =	sst s0;
	s0 =	simm.s32 @!p1 $0x0  }
0x14: {  	s2 =	sld [smem:$0x3F9B];
	s0 =	simm.s32 @p1 $0x1  }
0x15: {  	[smem:$0x3FB8] =	sst s0;
	s0 =	simm.s32 @!p2 $0x0  }
0x16: {  	s3 =	sld [smem:$0x3FDB];
	s0 =	simm.s32 @p2 $0x1  }
0x17: {  	s4 =	simm.s32 $0x1BF5;
	[smem:$0x3FBA] =	sst s0  }
0x18: {  	s0 =	sld [smem:$0x3F9D];
	_ =	swait.ge [sflag:s4], $0x0  }
0x19: {  	s7 =	sld [smem:$0x3F9E]  }
0x1a: {  	s8 =	sadd.s32 $0xFFFFE003, lr  }
0x1b: {  	s9 =	sadd.s32 $0xFFFFFEF7, lr;
	s5 =	simm.s32 $0xFFFFFFFF;
	p2 =	slt.u32 s8, $0xFFFFF086  }
0x1c: {  	p1 =	slt.u32 s9, $0xF7A;
	s5 =	simm.s32 @!p2 $0x0  }
0x1d: {  	s5 =	simm.s32 @p1 $0x1;
	p0 =	seq.s32 s7, s2  }
0x1e: {  	s7 =	smul.u32 @!p0 $0xF7A, s2;
	p2 =	seq.s32 @!p0 s5, $0x0  }
0x1f: {  	s9 =	smul.u32 $0xF7A, s1;
	s8 =	simm.s32 @!p0 $0x1BF5;
	p2 =	por !p2, p0  }
0x20: {  	[sflag:s8] =	ssyncset.s32 @!p0 $0xFFFFF086;
	s6 =	sadd.s32 @!p0 s3, s7;
	s7 =	simm.s32 @!p0 $0x108  }
0x21: {  	s3 =	sadd.s32 s3, s9;
	s6 =	sadd.s32 @!p0 $0x88, s6;
	s7 =	simm.s32 @p2 $0x1082  }
0x22: {  	[simem:s7], [sflag:s8] =	dma.local @!p0 [hbm:s6], $0xF7A  }
0x23: {  	s9 =	sor.u32 $0xD0000000, s2;
	s6 =	simm.s32 $0x108;
	_ =	swait.ge @!p0 [sflag:s8], $0x0  }
0x24: {  	s3 =	sadd.s32 $0x88, s3;
	s6 =	simm.s32 @!p1 $0x1082;
	[sflag:s4] =	ssyncset.s32 $0xFFFFF086  }
0x25: {  	[simem:s6], [sflag:s4] =	dma.local [hbm:s3], $0xF7A  }
0x26: {  	[smem:$0x3F9E] =	sst s1;
	(tag) =	ssettag s2;
	_ =	strace s9  }
0x27: {  	s1 =	sld [smem:$0x3FAE]  }
0x28: {  	s2 =	sld [smem:$0x3FAF]  }
0x29: {  	s4 =	sld [smem:$0x3FB1]  }
0x2a: {  	p0 =	seq.s32 s5, $0x0;
	s5 =	sld [smem:$0x3FB2]  }
0x2b: {  	s6 =	sld [smem:$0x3FB3]  }
0x2c: {  	s7 =	sld [smem:$0x3FB4]  }
0x2d: {  	s3 =	simm.s32 $0x108;
	s8 =	sld [smem:$0x3FB5]  }
0x2e: {  	s3 =	simm.s32 @!p0 $0x1082;
	s9 =	sld [smem:$0x3FB6]  }
0x2f: {  	lr =	sadd.s32 s0, s3;
	s0 =	sld [smem:$0x3FAD]  }
0x30: {  	s3 =	sld [smem:$0x3FB0]  }
0x31: {  	[smem:$0x3FB9] =	sst s10  }
0x32: {  	s10 =	sld [smem:$0x3FB7];
	_ =	sdelay $0x3  }
0x33: {  	p0 =	seq.s32 s10, $0x1;
	s10 =	sld [smem:$0x3FB9];
	_ =	sdelay $0x3  }
0x34: {  	[smem:$0x3FB9] =	sst s10  }
0x35: {  	s10 =	sld [smem:$0x3FB8];
	_ =	sdelay $0x3  }
0x36: {  	p1 =	seq.s32 s10, $0x1;
	s10 =	sld [smem:$0x3FB9];
	_ =	sdelay $0x3  }
0x37: {  	[smem:$0x3FB9] =	sst s10  }
0x38: {  	s10 =	sld [smem:$0x3FBA]  }
0x39: {  	_ = 	snop;
	(pc) =	sbr.ind lr, $3  }
0x3a: {  	_ = 	snop  }
0x3b: {  	_ = 	snop  }
0x3c: {  	p2 =	seq.s32 s10, $0x1;
	s10 =	sld [smem:$0x3FB9]  }
0x3d: {  	_ =	shalt  }
0x3e: {  	_ =	shalt  }
0x3f: {  	_ =	shalt  }
0x40: {  	_ =	shalt  }
0x41: {  	_ =	shalt  }
0x42: {  	_ =	shalt  }
0x43: {  	_ =	shalt  }
0x44: {  	_ =	shalt  }
0x45: {  	_ =	shalt  }
0x46: {  	_ =	shalt  }
0x47: {  	_ =	shalt  }
0x48: {  	_ =	shalt  }
0x49: {  	_ =	shalt  }
0x4a: {  	_ =	shalt  }
0x4b: {  	_ =	shalt  }
0x4c: {  	_ =	shalt  }
0x4d: {  	_ =	shalt  }
0x4e: {  	_ =	shalt  }
0x4f: {  	_ =	shalt  }
0x50: {  	_ =	shalt  }
0x51: {  	_ =	shalt  }
0x52: {  	_ =	shalt  }
0x53: {  	_ =	shalt  }
0x54: {  	_ =	shalt  }
0x55: {  	_ =	shalt  }
0x56: {  	_ =	shalt  }
0x57: {  	_ =	shalt  }
0x58: {  	_ =	shalt  }
0x59: {  	_ =	shalt  }
0x5a: {  	_ =	shalt  }
0x5b: {  	_ =	shalt  }
0x5c: {  	_ =	shalt  }
0x5d: {  	_ =	shalt  }
0x5e: {  	_ =	shalt  }
0x5f: {  	_ =	shalt  }
0x60: {  	_ =	shalt  }
0x61: {  	_ =	shalt  }
0x62: {  	_ =	shalt  }
0x63: {  	_ =	shalt  }
0x64: {  	_ =	shalt  }
0x65: {  	_ =	shalt  }
0x66: {  	_ =	shalt  }
0x67: {  	_ =	shalt  }
0x68: {  	_ =	shalt  }
0x69: {  	_ =	shalt  }
0x6a: {  	_ =	shalt  }
0x6b: {  	_ =	shalt  }
0x6c: {  	_ =	shalt  }
0x6d: {  	_ =	shalt  }
0x6e: {  	_ =	shalt  }
0x6f: {  	_ =	shalt  }
0x70: {  	_ =	shalt  }
0x71: {  	_ =	shalt  }
0x72: {  	_ =	shalt  }
0x73: {  	_ =	shalt  }
0x74: {  	_ =	shalt  }
0x75: {  	_ =	shalt  }
0x76: {  	_ =	shalt  }
0x77: {  	_ =	shalt  }
0x78: {  	_ =	shalt  }
0x79: {  	_ =	shalt  }
0x7a: {  	_ =	shalt  }
0x7b: {  	_ =	shalt  }
0x7c: {  	_ =	shalt  }
0x7d: {  	_ =	shalt  }
0x7e: {  	_ =	shalt  }
0x7f: {  	_ =	shalt  }
0x80: {  	_ =	shalt  }
0x81: {  	_ =	shalt  }
0x82: {  	_ =	shalt  }
0x83: {  	_ =	shalt  }
0x84: {  	_ =	shalt  }
0x85: {  	_ =	shalt  }
0x86: {  	_ =	shalt  }
0x87: {  	_ =	shalt  }
.Lfunc_end0:
.L_simem_size_0:
called_computation.1_lowered:
.L_overlay_start_0:
0x88: {  	s2 =	sld [smem:$0x3FD9]  }
0x89: {  	s3 =	sld [smem:$0x3FFE];
	_ =	sdelay $0x1  }
0x8a: {  	s1 =	srdreg.scid  }
0x8b: {  	s0 =	sand.u32 $0x1, s1  }
0x8c: {  	s16 =	sshll.u32 s0, $0xA;
	s2 =	sadd.s32 s3, s2  }
0x8d: {  	s2 =	sadd.s32 s2, s16  }
0x8e: {  	[smem:$0x3FC5] =	sst s2  }
0x8f: {  	_ = 	snop  }
0x90: {  	(tm) =	ssettm $0x1  }
0x91: {  	s17 =	sld [smem:$0x3FFB];
	_ =	sdelay $0x3  }
0x92: {  	_ =	strace s17  }
0x93: {  	s2 =	sld [smem:$0x3FFC];
	_ =	sdelay $0x3  }
0x94: {  	_ =	strace s2  }
0x95: {  	s2 =	sld [smem:$0x3FFD];
	_ =	sdelay $0x3  }
0x96: {  	_ =	strace s2  }
0x97: {  	_ =	strace $0x8FFFFFFF  }
0x98: {  	s18 =	sld [smem:$0x3FDB];
	_ =	sdelay $0x1  }
0x99: {  	s19 =	simm.s32 $_scs_section_size  }
0x9a: {  	s4 =	simm.s32 $_size__tile_overlayer_lowered;
	s5 =	simm.s32 $_tile_overlayer_lowered  }
0x9b: {  	s22 =	simm.s32 $0x1BFF;
	s21 =	sshll.u32 s5, $0x1;
	s2 =	sadd.s32 s19, s18  }
0x9c: {  	s6 =	simm.s32 $0x0;
	s20 =	sshll.u32 s4, $0x1;
	s4 =	sadd.s32 s21, s2  }
0x9d: {  	[timem:s6], [sflag:s22] =	dma.local [hbm:s4], s20  }
0x9e: {  	_ =	swait.ge [sflag:s22], s20  }
0x9f: {  	s3 =	ssub.s32 $0x0, s20;
	[sflag:s22] =	ssyncset.done $0x0  }
0xa0: {  	[sflag:s22] =	ssyncadd.s32 s3;
	_ =	sdelay $0x1  }
0xa1: {  	s23 =	simm.s32 $0x1B8B  }
0xa2: {  	_ =	swait.ge [sflag:s23], $0x1  }
0xa3: {  	[sflag:s23] =	ssyncset.done $0x0  }
0xa4: {  	s25 =	simm.s32 $0x1B8E;
	s24 =	sld [smem:$0x3FFE];
	[sflag:s23] =	ssyncadd.s32 $0xFFFFFFFF  }
0xa5: {  	s26 =	simm.s32 $execute0_lowered;
	[smem:$0x3FD2] =	sst s25  }
0xa6: {  	s4 =	sshll.u32 s26, $0x1;
	_ =	strace $0x80000049;
	[dreg:$0x1] =	wrdreg $0xFFFFFFFF  }
0xa7: {  	s28 =	simm.s32 $_size_execute0_lowered;
	s2 =	sadd.s32 s2, s4;
	[dreg:$0x0] =	wrdreg $0x0  }
0xa8: {  	s4 =	sshll.u32 s28, $0x1;
	[dreg:$0x2] =	wrdreg s2  }
0xa9: {  	[dreg:$0x3] =	wrdreg s4  }
0xaa: {  	[dreg:$0x4] =	wrdreg $0xC0  }
0xab: {  	_ =	task [dreg:s6], $0x5FFFF  }
0xac: {  	[dreg:$0x1] =	wrdreg $0xFFFFFFFF  }
0xad: {  	[dreg:$0x0] =	wrdreg $0x60  }
0xae: {  	[dreg:$0x2] =	wrdreg s24  }
0xaf: {  	[dreg:$0x3] =	wrdreg $0x9  }
0xb0: {  	_ =	task.clear_ibuf [dreg:s6], $0x4FFFF;
	_ =	strace $0x90000049  }
0xb1: {  	s29 =	simm.s32 $0x9;
	_ =	strace $0x8000004B  }
0xb2: {  	_ =	swait.ge [sflag:s29], $0x1  }
0xb3: {  	[sflag:s29] =	ssyncadd.s32 $0xFFFFFFFF  }
0xb4: {  	_ =	strace $0x9000004B  }
0xb5: {  	_ =	sfence  }
0xb6: {  	s30 =	sld [smem:$0x0];
	_ =	sdelay $0x2  }
0xb7: {  	s31 =	sshll.u32 s1, $0xD;
	s1 =	sshrl.u32 s1, $0x2  }
0xb8: {  	s3 =	sand.u32 $0x4000, s31;
	s1 =	sadd.s32 s1, s30  }
0xb9: {  	s0 =	sor.u32 s3, s0;
	s1 =	sshll.u32 s1, $0x11  }
0xba: {  	s0 =	sor.u32 s1, s0  }
0xbb: {  	s0 =	sadd.s32 $0x8F2B, s0  }
0xbc: {  	[sflag:s0] =	ssyncadd.remote.s32 $0x1  }
0xbd: {  	_ =	sfence.sel $0xFFFF  }
0xbe: {  	[dreg:$0x0] =	wrdreg $0xFFFFFFFF;
	(pc) =	sbr.abs _section_cstart, $3  }
0xbf: {  	[dreg:$0x1] =	wrdreg $0xFFFFFFFF  }
0xc0: {  	_ =	task.clear_ibuf [dreg:s6], $0x2FFFF;
	_ =	strace $0x9FFFFFFF  }
0xc1: {  	(tm) =	ssettm $0x7FFFFFFF  }
tec
execute0_lowered:
.L_overlay_start_1:
0x0: {  	(tag) =	ssettag $0x1  }
0x1: {  	s2 =	rddreg [dreg:$0x0]  }
0x2: {  	s0 =	rddreg [dreg:$0x1];
	s4 =	srdreg.scid  }
0x3: {  	s1 =	stileid.u32;
	s3 =	simm.s32 $0x0;
	s12 =	simm.s32 $0x3  }
0x4: {  	s13 =	simm.s32 $0x60;
	s14 =	simm.s32 $0x80;
	s15 =	simm.s32 $0x6C00  }
0x5: {  	s16 =	simm.s32 $0x1;
	s17 =	simm.s32 $0xD800;
	s18 =	simm.s32 $0x11820  }
0x6: {  	s19 =	simm.s32 $0x2;
	s4 =	sand.u32 $0x1, s4;
	s5 =	sshll.u32 s1, $0x1  }
0x7: {  	s20 =	simm.s32 $0x0;
	[smem:$0x7FF] =	sst s3;
	s5 =	sor.u32 s4, s5  }
0x8: {  	_ =	strace $0x8000004A;
	s4 =	ssub.s32 $0x2, s4;
	s7 =	smul.u32 $0x804, s5  }
0x9: {  	s6 =	sshll.u32 s5, $0x1;
	s31 =	sshrl.u32 s4, $0x1;
	s10 =	smul.u32 $0x1200, s5  }
0xa: {  	s8 =	smul.u32 $0x12000, s5;
	s6 =	sadd.s32 s6, s2;
	s11 =	ssub.s32 s4, s31  }
0xb: {  	s9 =	sadd.s32 s7, s2;
	s4 =	sadd.s32 $0x240000, s6;
	s6 =	sor.u32 $0x120, s10  }
0xc: {  	v1 =	vlaneseq.u32;
	s7 =	sadd.s32 $0x240, s10;
	s10 =	smax.u32 s11, $0x1;
	s11 =	simm.s32 $0x15840  }
0xd: {  	v0 =	vimm.f32 $0.0e+00;
	v2 =	vimm.f32 $1.000000000e+00;
	v1 =	vor.u32 $0x10, v1;
	s5 =	sadd.s32 s2, s8;
	s8 =	sadd.s32 $0x240200, s9;
	s9 =	sadd.s32 $0x250400, s9  }
.LBB2_1:
0xe: {  	s21 =	simm.s32 $0xD820  }
0xf: {  	[tilespmem:s21+$0xFFFFFFF0] =	vst v0  }
0x10: {  	[tilespmem:s21+$0xFFFFFFE0] =	vst v0  }
0x11: {  	[tilespmem:s21+$0x0] =	vst v0  }
0x12: {  	s22 =	simm.s32 $0x11840;
	[tilespmem:s21+$0x10] =	vst v0  }
0x13: {  	[tilespmem:s22+$0xFFFFFFE0] =	vst v0  }
0x14: {  	[tilespmem:s22+$0x10] =	vst v0  }
0x15: {  	s23 =	simm.s32 $0x0;
	[tilespmem:s22+$0x0] =	vst v0  }
.LBB2_2:
0x16: {  	s23 =	sadd.s32 $0x4, s23;
	[tilespmem:s22+$0xFFFFFFF0] =	vst v0;
	s21 =	sadd.s32 $0x40, s21;
	s22 =	sadd.s32 $0x40, s22  }
0x17: {  	[tilespmem:s21+$0xFFFFFFF0] =	vst v0;
	p0 =	slt.u32 s23, $0x3FC  }
0x18: {  	[tilespmem:s21+$0xFFFFFFE0] =	vst v0  }
.Ltmp0:
0x19: {  	[tilespmem:s22+$0xFFFFFFE0] =	vst v0;
	(pc) =	sbr.rel @p0 .LBB2_2-.Ltmp0, $4  }
0x1a: {  	[tilespmem:s21+$0x0] =	vst v0  }
0x1b: {  	[tilespmem:s21+$0x10] =	vst v0  }
0x1c: {  	[tilespmem:s22+$0x10] =	vst v0  }
0x1d: {  	s24 =	simm.s32 $0x0;
	[tilespmem:s22+$0x0] =	vst v0  }
0x1e: {  	[tilespmem:s22+$0xFFFFFFF0] =	vst v0  }
.LBB2_4:
0x1f: {  	p0 =	sne.s32 s24, $0x40  }
.Ltmp1:
0x20: {  	_ = 	snop;
	(pc) =	sbr.rel @p0 .LBB2_4-.Ltmp1, $4  }
0x21: {  	_ = 	snop  }
0x22: {  	s21 =	sshra.s32 s24, $0x2  }
0x23: {  	[tilespmem:s21+$0x11800] =	vst v0  }
0x24: {  	s24 =	sadd.s32 $0x40, s24;
	[tilespmem:s21+$0x15820] =	vst v0  }
0x25: {  	s21 =	simm.s32 $0x0  }
0x26: {  	[tilespmem:s11], [sflag:$0x3] =	stream.linear.gather [hbm4b:s4+s21], $0x10, $0x38;
	[tilespmem:$0x15850] =	vst v63  }
0x27: {  	_ =	swait.ge [sflag:s12], $0x10  }
0x28: {  	[sflag:s12] =	ssyncset.done $0x0  }
0x29: {  	[sflag:s12] =	ssyncadd.s32 $0xFFFFFFF0  }
0x2a: {  	v3 =	vld [tilespmem:$0x15840];
	_ =	sdelay $0x3  }
0x2b: {  	[tilespmem:s21], [sflag:$0x1] =	stream.strided.gather [hbm4b:s5+s13], $0x6C00, s14, s13, $0x38;
	[tilespmem:$0x15850] =	vst v63  }
.LBB2_6:
0x2c: {  	s22 =	smul.u32 $0x240, s21;
	_ =	sdelay $0x1  }
0x2d: {  	s23 =	sadd.s32 s22, s6  }
0x2e: {  	s23 =	sshll.u32 s23, $0x4  }
0x2f: {  	s23 =	sand.u32 $0x1FFFFE00, s23  }
0x30: {  	s25 =	simm.s32 $0x60;
	s23 =	sadd.s32 s2, s23  }
0x31: {  	[tilespmem:s15], [sflag:$0x2] =	stream.strided.gather [hbm4b:s23+s25], $0x6C00, s14, s25, $0x38;
	[tilespmem:$0x15850] =	vst v63  }
0x32: {  	_ =	swait.ge [sflag:s16], $0x6C00  }
0x33: {  	[sflag:s16] =	ssyncset.done $0x0  }
0x34: {  	[sflag:s16] =	ssyncadd.s32 $0xFFFF9400  }
0x35: {  	v4 =	vld [tilespmem:s25+$0x0];
	_ =	sdelay $0x4  }
0x36: {  	v5 =	vsub.s32 v4, v3  }
0x37: {  	v6 =	vshra.s32 v5, $0xA;
	v5 =	vshra.s32 v5, $0x1F  }
0x38: {  	v5 =	vor.u32 v5, v6  }
0x39: {  	vm0 =	vlt.s32 v5, $0x400  }
0x3a: {  	v5 =	vnsel vm0, $0x400, v5  }
0x3b: {  	v5 =	vshll.u32 v5, $0x4  }
0x3c: {  	v5 =	vadd.s32 v1, v5;
	_ =	sdelay $0x4  }
0x3d: {  	[tilespmem:v5+s17+$0x0] =	vst.idx.add.f32.msk $0xffff, v2  }
0x3e: {  	[tilespmem:v5+s18+$0x0] =	vst.idx.add.f32.msk $0xffff, v4  }
0x3f: {  	v4 =	vld [tilespmem:s25+$0x10];
	_ =	sdelay $0x4  }
0x40: {  	v6 =	vld [tilespmem:s25+$0xFFFFFFA0];
	v5 =	vsub.s32 v4, v3  }
0x41: {  	v7 =	vshra.s32 v5, $0xA;
	v5 =	vshra.s32 v5, $0x1F  }
0x42: {  	v5 =	vor.u32 v5, v7  }
0x43: {  	vm4 =	vlt.s32 v5, $0x400  }
0x44: {  	v5 =	vnsel vm4, $0x400, v5  }
0x45: {  	v7 =	vsub.s32 v6, v3;
	v5 =	vshll.u32 v5, $0x4  }
0x46: {  	s23 =	simm.s32 $0x120;
	v8 =	vshra.s32 v7, $0xA;
	v7 =	vshra.s32 v7, $0x1F;
	v5 =	vadd.s32 v1, v5  }
0x47: {  	v7 =	vor.u32 v7, v8;
	v8 =	vld [tilespmem:s23+$0x0]  }
0x48: {  	vm5 =	vlt.s32 v7, $0x400  }
0x49: {  	v7 =	vnsel vm5, $0x400, v7  }
0x4a: {  	v7 =	vshll.u32 v7, $0x4  }
0x4b: {  	v7 =	vadd.s32 v1, v7;
	[tilespmem:v5+s17+$0x0] =	vst.idx.add.f32.msk $0xffff, v2  }
0x4c: {  	[tilespmem:v5+s18+$0x0] =	vst.idx.add.f32.msk $0xffff, v4;
	v4 =	vsub.s32 v8, v3  }
0x4d: {  	v5 =	vld [tilespmem:s25+$0x20];
	v9 =	vshra.s32 v4, $0xA;
	v4 =	vshra.s32 v4, $0x1F  }
0x4e: {  	v4 =	vor.u32 v4, v9  }
0x4f: {  	vm6 =	vlt.s32 v4, $0x400  }
0x50: {  	[tilespmem:v7+s17+$0x0] =	vst.idx.add.f32.msk $0xffff, v2;
	v4 =	vnsel vm6, $0x400, v4  }
0x51: {  	[tilespmem:v7+s18+$0x0] =	vst.idx.add.f32.msk $0xffff, v6;
	v4 =	vshll.u32 v4, $0x4  }
0x52: {  	v7 =	vld [tilespmem:s25+$0xFFFFFFB0];
	v6 =	vsub.s32 v5, v3;
	v4 =	vadd.s32 v1, v4  }
0x53: {  	v9 =	vshra.s32 v6, $0xA;
	v6 =	vshra.s32 v6, $0x1F  }
0x54: {  	v6 =	vor.u32 v6, v9  }
0x55: {  	vm7 =	vlt.s32 v6, $0x400  }
0x56: {  	v9 =	vld [tilespmem:s23+$0xFFFFFFA0];
	v6 =	vnsel vm7, $0x400, v6  }
0x57: {  	v10 =	vsub.s32 v7, v3;
	v6 =	vshll.u32 v6, $0x4;
	[tilespmem:v4+s17+$0x0] =	vst.idx.add.f32.msk $0xffff, v2  }
0x58: {  	v11 =	vshra.s32 v10, $0xA;
	v10 =	vshra.s32 v10, $0x1F;
	v6 =	vadd.s32 v1, v6;
	[tilespmem:v4+s18+$0x0] =	vst.idx.add.f32.msk $0xffff, v8  }
0x59: {  	v4 =	vor.u32 v10, v11;
	v8 =	vld [tilespmem:s23+$0x10]  }
0x5a: {  	s24 =	simm.s32 $0x1E0;
	vm8 =	vlt.s32 v4, $0x400  }
0x5b: {  	v12 =	vld [tilespmem:s24+$0x0];
	v4 =	vnsel vm8, $0x400, v4  }
0x5c: {  	v10 =	vsub.s32 v9, v3;
	v4 =	vshll.u32 v4, $0x4  }
0x5d: {  	v11 =	vshra.s32 v10, $0xA;
	v10 =	vshra.s32 v10, $0x1F;
	v4 =	vadd.s32 v1, v4;
	[tilespmem:v6+s17+$0x0] =	vst.idx.add.f32.msk $0xffff, v2  }
0x5e: {  	v10 =	vor.u32 v10, v11;
	v11 =	vsub.s32 v8, v3;
	[tilespmem:v6+s18+$0x0] =	vst.idx.add.f32.msk $0xffff, v5  }
0x5f: {  	vm9 =	vlt.s32 v10, $0x400;
	v5 =	vshra.s32 v11, $0xA;
	v6 =	vshra.s32 v11, $0x1F;
	v11 =	vld [tilespmem:s24+$0xFFFFFFA0]  }
0x60: {  	v13 =	vsub.s32 v12, v3;
	v10 =	vnsel vm9, $0x400, v10;
	v5 =	vor.u32 v6, v5  }
0x61: {  	v14 =	vshra.s32 v13, $0xA;
	v10 =	vshll.u32 v10, $0x4;
	v6 =	vld [tilespmem:s25+$0x30];
	vm10 =	vlt.s32 v5, $0x400  }
0x62: {  	v13 =	vshra.s32 v13, $0x1F;
	v10 =	vadd.s32 v1, v10;
	[tilespmem:v4+s17+$0x0] =	vst.idx.add.f32.msk $0xffff, v2;
	v5 =	vnsel vm10, $0x400, v5  }
0x63: {  	[tilespmem:v4+s18+$0x0] =	vst.idx.add.f32.msk $0xffff, v7;
	v7 =	vor.u32 v13, v14;
	v5 =	vshll.u32 v5, $0x4  }
0x64: {  	v13 =	vld [tilespmem:s25+$0xFFFFFFC0];
	vm11 =	vlt.s32 v7, $0x400;
	v4 =	vadd.s32 v1, v5;
	v5 =	vsub.s32 v11, v3  }
0x65: {  	v7 =	vnsel vm11, $0x400, v7;
	v14 =	vshra.s32 v5, $0xA  }
0x66: {  	v15 =	vsub.s32 v6, v3;
	v5 =	vshra.s32 v5, $0x1F;
	v7 =	vshll.u32 v7, $0x4  }
0x67: {  	[tilespmem:v10+s17+$0x0] =	vst.idx.add.f32.msk $0xffff, v2;
	v16 =	vshra.s32 v15, $0xA;
	v15 =	vshra.s32 v15, $0x1F;
	v5 =	vor.u32 v5, v14  }
0x68: {  	[tilespmem:v10+s18+$0x0] =	vst.idx.add.f32.msk $0xffff, v9;
	v7 =	vadd.s32 v1, v7;
	v15 =	vor.u32 v15, v16;
	vm1 =	vlt.s32 v5, $0x400  }
0x69: {  	vm12 =	vlt.s32 v15, $0x400;
	v9 =	vsub.s32 v13, v3;
	v5 =	vnsel vm1, $0x400, v5;
	[tilespmem:v4+s17+$0x0] =	vst.idx.add.f32.msk $0xffff, v2  }
0x6a: {  	v10 =	vnsel vm12, $0x400, v15;
	v5 =	vshll.u32 v5, $0x4;
	[tilespmem:v4+s18+$0x0] =	vst.idx.add.f32.msk $0xffff, v8;
	v4 =	vshra.s32 v9, $0xA  }
0x6b: {  	v8 =	vshra.s32 v9, $0x1F;
	v9 =	vshll.u32 v10, $0x4;
	v5 =	vadd.s32 v1, v5;
	v10 =	vld [tilespmem:s23+$0x20]  }
0x6c: {  	v4 =	vor.u32 v8, v4;
	v8 =	vadd.s32 v1, v9;
	v9 =	vld [tilespmem:s23+$0xFFFFFFB0]  }
0x6d: {  	[tilespmem:v7+s17+$0x0] =	vst.idx.add.f32.msk $0xffff, v2  }
0x6e: {  	vm13 =	vlt.s32 v4, $0x400;
	[tilespmem:v7+s18+$0x0] =	vst.idx.add.f32.msk $0xffff, v12  }
0x6f: {  	v4 =	vnsel vm13, $0x400, v4;
	v7 =	vld [tilespmem:s24+$0x10]  }
0x70: {  	v4 =	vshll.u32 v4, $0x4;
	[tilespmem:v5+s17+$0x0] =	vst.idx.add.f32.msk $0xffff, v2;
	v12 =	vsub.s32 v10, v3  }
0x71: {  	v4 =	vadd.s32 v1, v4;
	[tilespmem:v8+s17+$0x0] =	vst.idx.add.f32.msk $0xffff, v2;
	v14 =	vshra.s32 v12, $0xA;
	v12 =	vshra.s32 v12, $0x1F  }
0x72: {  	[tilespmem:v8+s18+$0x0] =	vst.idx.add.f32.msk $0xffff, v6;
	v6 =	vor.u32 v12, v14  }
0x73: {  	v8 =	vsub.s32 v9, v3;
	v12 =	vld [tilespmem:s25+$0x40];
	vm14 =	vlt.s32 v6, $0x400  }
0x74: {  	[tilespmem:v5+s18+$0x0] =	vst.idx.add.f32.msk $0xffff, v11;
	v14 =	vshra.s32 v8, $0xA;
	v15 =	vsub.s32 v7, v3;
	v6 =	vnsel vm14, $0x400, v6  }
0x75: {  	v5 =	vld [tilespmem:s24+$0xFFFFFFB0];
	v16 =	vshra.s32 v15, $0xA;
	v15 =	vshra.s32 v15, $0x1F;
	v6 =	vshll.u32 v6, $0x4  }
0x76: {  	v8 =	vshra.s32 v8, $0x1F;
	[tilespmem:v4+s17+$0x0] =	vst.idx.add.f32.msk $0xffff, v2;
	v11 =	vor.u32 v15, v16;
	v6 =	vadd.s32 v1, v6  }
0x77: {  	v8 =	vor.u32 v8, v14;
	vm15 =	vlt.s32 v11, $0x400;
	[tilespmem:v4+s18+$0x0] =	vst.idx.add.f32.msk $0xffff, v13  }
0x78: {  	vm4 =	vlt.s32 v8, $0x400;
	v4 =	vnsel vm15, $0x400, v11;
	v13 =	vld [tilespmem:s25+$0xFFFFFFD0];
	v11 =	vsub.s32 v12, v3  }
0x79: {  	s26 =	simm.s32 $0x2A0;
	v4 =	vshll.u32 v4, $0x4;
	v14 =	vshra.s32 v11, $0xA;
	v11 =	vshra.s32 v11, $0x1F  }
0x7a: {  	v8 =	vnsel vm4, $0x400, v8;
	v4 =	vadd.s32 v1, v4;
	v11 =	vor.u32 v11, v14;
	v14 =	vld [tilespmem:s26+$0x0]  }
0x7b: {  	v8 =	vshll.u32 v8, $0x4;
	vm5 =	vlt.s32 v11, $0x400;
	[tilespmem:v6+s17+$0x0] =	vst.idx.add.f32.msk $0xffff, v2  }
0x7c: {  	[tilespmem:v6+s18+$0x0] =	vst.idx.add.f32.msk $0xffff, v10;
	v6 =	vadd.s32 v1, v8;
	v8 =	vnsel vm5, $0x400, v11  }
0x7d: {  	v15 =	vsub.s32 v13, v3;
	v11 =	vld [tilespmem:s26+$0xFFFFFFA0];
	v10 =	vsub.s32 v5, v3;
	v8 =	vshll.u32 v8, $0x4  }
0x7e: {  	v17 =	vld [tilespmem:s23+$0x30];
	v16 =	vadd.s32 v1, v8;
	v8 =	vshra.s32 v15, $0xA;
	v15 =	vshra.s32 v15, $0x1F  }
0x7f: {  	[tilespmem:v4+s17+$0x0] =	vst.idx.add.f32.msk $0xffff, v2;
	v18 =	vsub.s32 v14, v3;
	v8 =	vor.u32 v15, v8  }
0x80: {  	[tilespmem:v4+s18+$0x0] =	vst.idx.add.f32.msk $0xffff, v7;
	v15 =	vshra.s32 v18, $0xA;
	v4 =	vshra.s32 v18, $0x1F;
	vm6 =	vlt.s32 v8, $0x400  }
0x81: {  	v7 =	vshra.s32 v10, $0xA;
	v4 =	vor.u32 v4, v15;
	v8 =	vnsel vm6, $0x400, v8;
	[tilespmem:v6+s17+$0x0] =	vst.idx.add.f32.msk $0xffff, v2  }
0x82: {  	v10 =	vshra.s32 v10, $0x1F;
	vm7 =	vlt.s32 v4, $0x400;
	v8 =	vshll.u32 v8, $0x4;
	[tilespmem:v6+s18+$0x0] =	vst.idx.add.f32.msk $0xffff, v9  }
0x83: {  	v6 =	vor.u32 v10, v7;
	v4 =	vnsel vm7, $0x400, v4;
	v7 =	vadd.s32 v1, v8;
	v62 =	vld [tilespmem:s23+$0xFFFFFFC0]  }
0x84: {  	v10 =	vsub.s32 v17, v3;
	v8 =	vld [tilespmem:s24+$0x20];
	v4 =	vshll.u32 v4, $0x4  }
0x85: {  	[tilespmem:v16+s17+$0x0] =	vst.idx.add.f32.msk $0xffff, v2;
	v15 =	vadd.s32 v1, v4;
	v4 =	vshra.s32 v10, $0xA;
	v10 =	vshra.s32 v10, $0x1F  }
0x86: {  	v9 =	vsub.s32 v11, v3;
	[tilespmem:v16+s18+$0x0] =	vst.idx.add.f32.msk $0xffff, v12;
	v10 =	vor.u32 v10, v4  }
0x87: {  	v19 =	vshra.s32 v9, $0xA;
	v9 =	vshra.s32 v9, $0x1F;
	v4 =	vld [tilespmem:s25+$0x50];
	vm9 =	vlt.s32 v10, $0x400  }
0x88: {  	v9 =	vor.u32 v9, v19;
	v10 =	vnsel vm9, $0x400, v10;
	[tilespmem:v7+s17+$0x0] =	vst.idx.add.f32.msk $0xffff, v2  }
0x89: {  	vm8 =	vlt.s32 v6, $0x400;
	vm10 =	vlt.s32 v9, $0x400;
	v10 =	vshll.u32 v10, $0x4;
	[tilespmem:v7+s18+$0x0] =	vst.idx.add.f32.msk $0xffff, v13  }
0x8a: {  	v9 =	vnsel vm10, $0x400, v9;
	v12 =	vsub.s32 v62, v3;
	[tilespmem:v15+s17+$0x0] =	vst.idx.add.f32.msk $0xffff, v2;
	v13 =	vadd.s32 v1, v10  }
0x8b: {  	v9 =	vshll.u32 v9, $0x4;
	v7 =	vshra.s32 v12, $0xA;
	v12 =	vshra.s32 v12, $0x1F;
	[tilespmem:v15+s18+$0x0] =	vst.idx.add.f32.msk $0xffff, v14  }
0x8c: {  	v7 =	vor.u32 v12, v7;
	v14 =	vadd.s32 v1, v9;
	v12 =	vsub.s32 v8, v3;
	v9 =	vld [tilespmem:s25+$0xFFFFFFE0]  }
0x8d: {  	vm11 =	vlt.s32 v7, $0x400;
	v15 =	vshra.s32 v12, $0xA;
	v10 =	vld [tilespmem:s26+$0x10];
	v12 =	vshra.s32 v12, $0x1F  }
0x8e: {  	v6 =	vnsel vm8, $0x400, v6;
	v7 =	vnsel vm11, $0x400, v7;
	v15 =	vor.u32 v12, v15  }
0x8f: {  	v16 =	vsub.s32 v4, v3;
	v7 =	vshll.u32 v7, $0x4;
	vm12 =	vlt.s32 v15, $0x400;
	[tilespmem:v13+s17+$0x0] =	vst.idx.add.f32.msk $0xffff, v2  }
0x90: {  	v63 =	vadd.s32 v1, v7;
	v7 =	vshra.s32 v16, $0xA;
	v16 =	vshra.s32 v16, $0x1F;
	[tilespmem:v13+s18+$0x0] =	vst.idx.add.f32.msk $0xffff, v17  }
0x91: {  	v12 =	vshll.u32 v6, $0x4;
	v6 =	vnsel vm12, $0x400, v15;
	v7 =	vor.u32 v16, v7;
	[tilespmem:v14+s17+$0x0] =	vst.idx.add.f32.msk $0xffff, v2  }
0x92: {  	v13 =	vshll.u32 v6, $0x4;
	v15 =	vsub.s32 v9, v3;
	v16 =	vsub.s32 v10, v3;
	v6 =	vld [tilespmem:s23+$0x40]  }
0x93: {  	v17 =	vshra.s32 v15, $0xA;
	v15 =	vshra.s32 v15, $0x1F;
	[tilespmem:v14+s18+$0x0] =	vst.idx.add.f32.msk $0xffff, v11;
	v14 =	vadd.s32 v1, v13  }
0x94: {  	v20 =	vshra.s32 v16, $0xA;
	v16 =	vshra.s32 v16, $0x1F;
	v15 =	vor.u32 v15, v17  }
0x95: {  	vm13 =	vlt.s32 v7, $0x400;
	v13 =	vld [tilespmem:s26+$0xFFFFFFB0];
	v11 =	vor.u32 v16, v20;
	vm14 =	vlt.s32 v15, $0x400  }
0x96: {  	v7 =	vnsel vm13, $0x400, v7;
	[tilespmem:v63+s17+$0x0] =	vst.idx.add.f32.msk $0xffff, v2;
	vm15 =	vlt.s32 v11, $0x400;
	v16 =	vnsel vm14, $0x400, v15  }
0x97: {  	s28 =	simm.s32 $0x6;
	s29 =	simm.s32 $0x360;
	v7 =	vshll.u32 v7, $0x4;
	v15 =	vnsel vm15, $0x400, v11;
	[tilespmem:v63+s18+$0x0] =	vst.idx.add.f32.msk $0xffff, v62;
	v11 =	vshll.u32 v16, $0x4  }
.LBB2_7:
0x98: {  	s28 =	sadd.s32 $0x2, s28;
	[tilespmem:v14+s17+$0x0] =	vst.idx.add.f32.msk $0xffff, v2;
	v16 =	vsub.s32 v6, v3;
	v17 =	vadd.s32 v1, v11  }
0x99: {  	p0 =	slt.u32 s28, $0x11E;
	[tilespmem:v14+s18+$0x0] =	vst.idx.add.f32.msk $0xffff, v8;
	v8 =	vshra.s32 v16, $0xA;
	v14 =	vshra.s32 v16, $0x1F  }
0x9a: {  	v11 =	vld [tilespmem:s29+$0xFFFFFFA0];
	v8 =	vor.u32 v14, v8  }
0x9b: {  	v15 =	vshll.u32 v15, $0x4;
	v14 =	vsub.s32 v13, v3;
	v16 =	vld [tilespmem:s23+$0xFFFFFFD0];
	vm0 =	vlt.s32 v8, $0x400  }
0x9c: {  	v15 =	vadd.s32 v1, v15;
	v18 =	vld [tilespmem:s29+$0x0];
	v19 =	vshra.s32 v14, $0xA;
	v14 =	vshra.s32 v14, $0x1F  }
0x9d: {  	v12 =	vadd.s32 v1, v12;
	v8 =	vnsel vm0, $0x400, v8;
	v14 =	vor.u32 v14, v19;
	[tilespmem:v17+s17+$0x0] =	vst.idx.add.f32.msk $0xffff, v2  }
0x9e: {  	v7 =	vadd.s32 v1, v7;
	v8 =	vshll.u32 v8, $0x4;
	vm0 =	vlt.s32 v14, $0x400;
	[tilespmem:v17+s18+$0x0] =	vst.idx.add.f32.msk $0xffff, v9  }
0x9f: {  	v17 =	vadd.s32 v1, v8;
	v9 =	vsub.s32 v11, v3;
	v14 =	vnsel vm0, $0x400, v14;
	v19 =	vld [tilespmem:s25+$0xFFFFFFF0];
	s25 =	smov.u32 s23;
	s23 =	smov.u32 s24;
	s24 =	smov.u32 s26  }
0xa0: {  	s26 =	smov.u32 s29;
	v8 =	vshra.s32 v9, $0xA;
	v9 =	vshra.s32 v9, $0x1F;
	v20 =	vld [tilespmem:s23+$0x30];
	v21 =	vsub.s32 v16, v3  }
0xa1: {  	v8 =	vor.u32 v9, v8;
	v9 =	vsub.s32 v18, v3;
	[tilespmem:v15+s17+$0x0] =	vst.idx.add.f32.msk $0xffff, v2;
	v22 =	vshra.s32 v21, $0xA  }
0xa2: {  	vm0 =	vlt.s32 v8, $0x400;
	v23 =	vshra.s32 v9, $0xA;
	[tilespmem:v15+s18+$0x0] =	vst.idx.add.f32.msk $0xffff, v10;
	v10 =	vshra.s32 v21, $0x1F  }
0xa3: {  	v9 =	vshra.s32 v9, $0x1F;
	v15 =	vnsel vm0, $0x400, v8;
	v8 =	vld [tilespmem:s24+$0x20];
	v10 =	vor.u32 v10, v22  }
0xa4: {  	v9 =	vor.u32 v9, v23;
	v15 =	vshll.u32 v15, $0x4;
	vm0 =	vlt.s32 v10, $0x400;
	[tilespmem:v17+s17+$0x0] =	vst.idx.add.f32.msk $0xffff, v2  }
0xa5: {  	vm1 =	vlt.s32 v9, $0x400;
	v15 =	vadd.s32 v1, v15;
	v10 =	vnsel vm0, $0x400, v10;
	[tilespmem:v17+s18+$0x0] =	vst.idx.add.f32.msk $0xffff, v6  }
0xa6: {  	v6 =	vnsel vm1, $0x400, v9;
	[tilespmem:v12+s17+$0x0] =	vst.idx.add.f32.msk $0xffff, v2;
	v9 =	vshll.u32 v10, $0x4;
	v10 =	vsub.s32 v19, v3  }
0xa7: {  	v6 =	vshll.u32 v6, $0x4;
	[tilespmem:v12+s18+$0x0] =	vst.idx.add.f32.msk $0xffff, v5;
	v9 =	vadd.s32 v1, v9;
	v12 =	vshra.s32 v10, $0xA;
	v5 =	vmovc v13  }
0xa8: {  	v6 =	vadd.s32 v1, v6;
	v10 =	vshra.s32 v10, $0x1F;
	v13 =	vsub.s32 v8, v3;
	v17 =	vld [tilespmem:s23+$0xFFFFFFC0]  }
0xa9: {  	v22 =	vsub.s32 v20, v3;
	v10 =	vor.u32 v10, v12;
	v21 =	vshra.s32 v13, $0xA;
	v23 =	vld [tilespmem:s25+$0x50]  }
0xaa: {  	v24 =	vshra.s32 v22, $0xA;
	v22 =	vshra.s32 v22, $0x1F;
	vm0 =	vlt.s32 v10, $0x400;
	[tilespmem:v7+s17+$0x0] =	vst.idx.add.f32.msk $0xffff, v2  }
0xab: {  	v12 =	vshll.u32 v14, $0x4;
	v14 =	vor.u32 v22, v24;
	v10 =	vnsel vm0, $0x400, v10;
	[tilespmem:v7+s18+$0x0] =	vst.idx.add.f32.msk $0xffff, v4  }
0xac: {  	vm0 =	vlt.s32 v14, $0x400;
	v22 =	vshll.u32 v10, $0x4;
	[tilespmem:v9+s17+$0x0] =	vst.idx.add.f32.msk $0xffff, v2  }
0xad: {  	v10 =	vnsel vm0, $0x400, v14;
	v14 =	vadd.s32 v1, v22;
	v7 =	vsub.s32 v17, v3;
	[tilespmem:v9+s18+$0x0] =	vst.idx.add.f32.msk $0xffff, v16  }
0xae: {  	v10 =	vshll.u32 v10, $0x4;
	[tilespmem:v6+s17+$0x0] =	vst.idx.add.f32.msk $0xffff, v2;
	v9 =	vshra.s32 v7, $0xA;
	v7 =	vshra.s32 v7, $0x1F;
	v4 =	vmovc v23  }
0xaf: {  	[tilespmem:v6+s18+$0x0] =	vst.idx.add.f32.msk $0xffff, v18;
	v6 =	vor.u32 v7, v9;
	v7 =	vadd.s32 v1, v10  }
0xb0: {  	v16 =	vsub.s32 v4, v3;
	vm0 =	vlt.s32 v6, $0x400;
	v9 =	vld [tilespmem:s25+$0xFFFFFFE0]  }
0xb1: {  	v13 =	vshra.s32 v13, $0x1F;
	v18 =	vshra.s32 v16, $0xA;
	v10 =	vld [tilespmem:s29+$0x10];
	v6 =	vnsel vm0, $0x400, v6  }
0xb2: {  	v13 =	vor.u32 v13, v21;
	v16 =	vshra.s32 v16, $0x1F;
	v6 =	vshll.u32 v6, $0x4;
	[tilespmem:v14+s17+$0x0] =	vst.idx.add.f32.msk $0xffff, v2  }
0xb3: {  	vm0 =	vlt.s32 v13, $0x400;
	v21 =	vadd.s32 v1, v6;
	v6 =	vor.u32 v16, v18;
	[tilespmem:v14+s18+$0x0] =	vst.idx.add.f32.msk $0xffff, v19  }
0xb4: {  	v13 =	vnsel vm0, $0x400, v13;
	[tilespmem:v7+s17+$0x0] =	vst.idx.add.f32.msk $0xffff, v2;
	vm0 =	vlt.s32 v6, $0x400  }
0xb5: {  	v13 =	vshll.u32 v13, $0x4;
	[tilespmem:v7+s18+$0x0] =	vst.idx.add.f32.msk $0xffff, v20;
	v16 =	vsub.s32 v9, v3;
	v6 =	vnsel vm0, $0x400, v6  }
0xb6: {  	v14 =	vadd.s32 v1, v13;
	[tilespmem:v15+s17+$0x0] =	vst.idx.add.f32.msk $0xffff, v2;
	v18 =	vsub.s32 v10, v3;
	v7 =	vshll.u32 v6, $0x4  }
.Ltmp2:
0xb7: {  	v19 =	vshra.s32 v16, $0xA;
	v16 =	vshra.s32 v16, $0x1F;
	v13 =	vshra.s32 v18, $0xA;
	v6 =	vld [tilespmem:s23+$0x40];
	(pc) =	sbr.rel @p0 .LBB2_7-.Ltmp2, $4  }
0xb8: {  	v18 =	vshra.s32 v18, $0x1F;
	v16 =	vor.u32 v16, v19;
	[tilespmem:v21+s17+$0x0] =	vst.idx.add.f32.msk $0xffff, v2  }
0xb9: {  	vm0 =	vlt.s32 v16, $0x400;
	[tilespmem:v15+s18+$0x0] =	vst.idx.add.f32.msk $0xffff, v11;
	v11 =	vor.u32 v18, v13  }
0xba: {  	v16 =	vnsel vm0, $0x400, v16;
	v13 =	vld [tilespmem:s29+$0xFFFFFFB0];
	vm1 =	vlt.s32 v11, $0x400  }
0xbb: {  	s29 =	sadd.s32 $0xC0, s29;
	v15 =	vnsel vm1, $0x400, v11;
	[tilespmem:v21+s18+$0x0] =	vst.idx.add.f32.msk $0xffff, v17;
	v11 =	vshll.u32 v16, $0x4  }
0xbc: {  	_ =	sdelay $0x2  }
0xbd: {  	v12 =	vadd.s32 v1, v12;
	v16 =	vsub.s32 v13, v3  }
0xbe: {  	v17 =	vshra.s32 v16, $0xA;
	v16 =	vshra.s32 v16, $0x1F  }
0xbf: {  	v15 =	vshll.u32 v15, $0x4;
	v16 =	vor.u32 v16, v17  }
0xc0: {  	v15 =	vadd.s32 v1, v15;
	vm0 =	vlt.s32 v16, $0x400  }
0xc1: {  	v16 =	vnsel vm0, $0x400, v16  }
0xc2: {  	[tilespmem:v12+s17+$0x0] =	vst.idx.add.f32.msk $0xffff, v2;
	v16 =	vshll.u32 v16, $0x4  }
0xc3: {  	[tilespmem:v12+s18+$0x0] =	vst.idx.add.f32.msk $0xffff, v5;
	v5 =	vadd.s32 v1, v16  }
0xc4: {  	v12 =	vld [tilespmem:s24+$0xFFFFFFC0]  }
0xc5: {  	[tilespmem:v15+s17+$0x0] =	vst.idx.add.f32.msk $0xffff, v2  }
0xc6: {  	[tilespmem:v15+s18+$0x0] =	vst.idx.add.f32.msk $0xffff, v10  }
0xc7: {  	v10 =	vld [tilespmem:s26+$0x20]  }
0xc8: {  	[tilespmem:v5+s17+$0x0] =	vst.idx.add.f32.msk $0xffff, v2  }
0xc9: {  	v15 =	vsub.s32 v12, v3;
	[tilespmem:v5+s18+$0x0] =	vst.idx.add.f32.msk $0xffff, v13  }
0xca: {  	v5 =	vshra.s32 v15, $0xA;
	v13 =	vshra.s32 v15, $0x1F;
	v15 =	vld [tilespmem:s26+$0xFFFFFFC0]  }
0xcb: {  	v5 =	vor.u32 v13, v5  }
0xcc: {  	v13 =	vsub.s32 v10, v3;
	vm6 =	vlt.s32 v5, $0x400  }
0xcd: {  	v16 =	vshra.s32 v13, $0xA;
	v13 =	vshra.s32 v13, $0x1F;
	v5 =	vnsel vm6, $0x400, v5  }
0xce: {  	v13 =	vor.u32 v13, v16;
	v5 =	vshll.u32 v5, $0x4  }
0xcf: {  	vm7 =	vlt.s32 v13, $0x400;
	v5 =	vadd.s32 v1, v5;
	v16 =	vsub.s32 v15, v3  }
0xd0: {  	v17 =	vld [tilespmem:s23+$0xFFFFFFD0];
	v13 =	vnsel vm7, $0x400, v13;
	v18 =	vshra.s32 v16, $0xA;
	v16 =	vshra.s32 v16, $0x1F  }
0xd1: {  	[tilespmem:v14+s17+$0x0] =	vst.idx.add.f32.msk $0xffff, v2;
	v13 =	vshll.u32 v13, $0x4;
	v16 =	vor.u32 v16, v18  }
0xd2: {  	[tilespmem:v14+s18+$0x0] =	vst.idx.add.f32.msk $0xffff, v8;
	v8 =	vadd.s32 v1, v13;
	vm8 =	vlt.s32 v16, $0x400  }
0xd3: {  	v13 =	vld [tilespmem:s24+$0x30];
	v14 =	vnsel vm8, $0x400, v16  }
0xd4: {  	[tilespmem:v5+s17+$0x0] =	vst.idx.add.f32.msk $0xffff, v2;
	v14 =	vshll.u32 v14, $0x4  }
0xd5: {  	v16 =	vsub.s32 v17, v3;
	[tilespmem:v5+s18+$0x0] =	vst.idx.add.f32.msk $0xffff, v12;
	v5 =	vadd.s32 v1, v14  }
0xd6: {  	v12 =	vshra.s32 v16, $0xA;
	v14 =	vshra.s32 v16, $0x1F;
	v16 =	vld [tilespmem:s24+$0xFFFFFFD0]  }
0xd7: {  	[tilespmem:v8+s17+$0x0] =	vst.idx.add.f32.msk $0xffff, v2;
	v12 =	vor.u32 v14, v12  }
0xd8: {  	v11 =	vadd.s32 v1, v11;
	v14 =	vsub.s32 v13, v3;
	[tilespmem:v8+s18+$0x0] =	vst.idx.add.f32.msk $0xffff, v10;
	vm9 =	vlt.s32 v12, $0x400  }
0xd9: {  	v10 =	vshra.s32 v14, $0xA;
	v8 =	vnsel vm9, $0x400, v12;
	v12 =	vshra.s32 v14, $0x1F;
	v14 =	vld [tilespmem:s26+$0x30]  }
0xda: {  	v8 =	vshll.u32 v8, $0x4;
	v10 =	vor.u32 v12, v10;
	[tilespmem:v5+s17+$0x0] =	vst.idx.add.f32.msk $0xffff, v2  }
0xdb: {  	v8 =	vadd.s32 v1, v8;
	vm10 =	vlt.s32 v10, $0x400;
	v12 =	vsub.s32 v16, v3;
	[tilespmem:v5+s18+$0x0] =	vst.idx.add.f32.msk $0xffff, v15  }
0xdc: {  	v5 =	vnsel vm10, $0x400, v10;
	v10 =	vshra.s32 v12, $0xA;
	v12 =	vshra.s32 v12, $0x1F;
	v15 =	vld [tilespmem:s26+$0xFFFFFFD0]  }
0xdd: {  	[tilespmem:v11+s17+$0x0] =	vst.idx.add.f32.msk $0xffff, v2;
	v5 =	vshll.u32 v5, $0x4;
	v10 =	vor.u32 v12, v10  }
0xde: {  	[tilespmem:v11+s18+$0x0] =	vst.idx.add.f32.msk $0xffff, v9;
	v9 =	vadd.s32 v1, v5;
	vm11 =	vlt.s32 v10, $0x400;
	v11 =	vsub.s32 v14, v3  }
0xdf: {  	v5 =	vld [tilespmem:s25+$0xFFFFFFF0];
	v10 =	vnsel vm11, $0x400, v10;
	v12 =	vshra.s32 v11, $0xA;
	v11 =	vshra.s32 v11, $0x1F  }
0xe0: {  	[tilespmem:v8+s17+$0x0] =	vst.idx.add.f32.msk $0xffff, v2;
	v10 =	vshll.u32 v10, $0x4;
	v11 =	vor.u32 v11, v12  }
0xe1: {  	[tilespmem:v8+s18+$0x0] =	vst.idx.add.f32.msk $0xffff, v17;
	v8 =	vadd.s32 v1, v10;
	vm12 =	vlt.s32 v11, $0x400;
	v10 =	vsub.s32 v15, v3  }
0xe2: {  	v12 =	vld [tilespmem:s23+$0xFFFFFFE0];
	v11 =	vnsel vm12, $0x400, v11;
	v17 =	vshra.s32 v10, $0xA;
	v10 =	vshra.s32 v10, $0x1F  }
0xe3: {  	[tilespmem:v9+s17+$0x0] =	vst.idx.add.f32.msk $0xffff, v2;
	v11 =	vshll.u32 v11, $0x4;
	v10 =	vor.u32 v10, v17  }
0xe4: {  	v17 =	vsub.s32 v6, v3;
	[tilespmem:v9+s18+$0x0] =	vst.idx.add.f32.msk $0xffff, v13;
	v9 =	vadd.s32 v1, v11;
	vm13 =	vlt.s32 v10, $0x400  }
0xe5: {  	v11 =	vshra.s32 v17, $0xA;
	v13 =	vshra.s32 v17, $0x1F;
	v17 =	vld [tilespmem:s24+$0x40];
	v10 =	vnsel vm13, $0x400, v10  }
0xe6: {  	v11 =	vor.u32 v13, v11;
	[tilespmem:v8+s17+$0x0] =	vst.idx.add.f32.msk $0xffff, v2;
	v10 =	vshll.u32 v10, $0x4  }
0xe7: {  	vm14 =	vlt.s32 v11, $0x400;
	v13 =	vsub.s32 v12, v3;
	[tilespmem:v8+s18+$0x0] =	vst.idx.add.f32.msk $0xffff, v16;
	v8 =	vadd.s32 v1, v10  }
0xe8: {  	v10 =	vnsel vm14, $0x400, v11;
	v11 =	vshra.s32 v13, $0xA;
	v13 =	vshra.s32 v13, $0x1F;
	v16 =	vld [tilespmem:s24+$0xFFFFFFE0]  }
0xe9: {  	v10 =	vshll.u32 v10, $0x4;
	v11 =	vor.u32 v13, v11;
	[tilespmem:v9+s17+$0x0] =	vst.idx.add.f32.msk $0xffff, v2  }
0xea: {  	v10 =	vadd.s32 v1, v10;
	vm15 =	vlt.s32 v11, $0x400;
	v13 =	vsub.s32 v17, v3;
	[tilespmem:v9+s18+$0x0] =	vst.idx.add.f32.msk $0xffff, v14  }
0xeb: {  	v9 =	vnsel vm15, $0x400, v11;
	v11 =	vshra.s32 v13, $0xA;
	v13 =	vshra.s32 v13, $0x1F;
	v14 =	vld [tilespmem:s26+$0x40]  }
0xec: {  	v9 =	vshll.u32 v9, $0x4;
	v11 =	vor.u32 v13, v11;
	[tilespmem:v8+s17+$0x0] =	vst.idx.add.f32.msk $0xffff, v2  }
0xed: {  	v9 =	vadd.s32 v1, v9;
	vm4 =	vlt.s32 v11, $0x400;
	v13 =	vsub.s32 v16, v3;
	[tilespmem:v8+s18+$0x0] =	vst.idx.add.f32.msk $0xffff, v15  }
0xee: {  	v8 =	vnsel vm4, $0x400, v11;
	v11 =	vshra.s32 v13, $0xA;
	v13 =	vshra.s32 v13, $0x1F;
	v15 =	vld [tilespmem:s26+$0xFFFFFFE0]  }
0xef: {  	[tilespmem:v10+s17+$0x0] =	vst.idx.add.f32.msk $0xffff, v2;
	v8 =	vshll.u32 v8, $0x4;
	v11 =	vor.u32 v13, v11  }
0xf0: {  	[tilespmem:v10+s18+$0x0] =	vst.idx.add.f32.msk $0xffff, v6;
	v6 =	vadd.s32 v1, v8;
	vm5 =	vlt.s32 v11, $0x400;
	v8 =	vsub.s32 v14, v3  }
0xf1: {  	v10 =	vld [tilespmem:s23+$0x50];
	v11 =	vnsel vm5, $0x400, v11;
	v13 =	vshra.s32 v8, $0xA;
	v8 =	vshra.s32 v8, $0x1F  }
0xf2: {  	v55 =	vsub.s32 v5, v3;
	[tilespmem:v9+s17+$0x0] =	vst.idx.add.f32.msk $0xffff, v2;
	v11 =	vshll.u32 v11, $0x4;
	v8 =	vor.u32 v8, v13  }
0xf3: {  	[tilespmem:v9+s18+$0x0] =	vst.idx.add.f32.msk $0xffff, v12;
	v9 =	vadd.s32 v1, v11;
	vm6 =	vlt.s32 v8, $0x400;
	v11 =	vsub.s32 v15, v3  }
0xf4: {  	v12 =	vld [tilespmem:s23+$0xFFFFFFF0];
	v8 =	vnsel vm6, $0x400, v8;
	v13 =	vshra.s32 v11, $0xA;
	v11 =	vshra.s32 v11, $0x1F  }
0xf5: {  	v19 =	vshra.s32 v55, $0xA;
	[tilespmem:v6+s17+$0x0] =	vst.idx.add.f32.msk $0xffff, v2;
	v8 =	vshll.u32 v8, $0x4;
	v11 =	vor.u32 v11, v13  }
0xf6: {  	v18 =	vshra.s32 v55, $0x1F;
	[tilespmem:v6+s18+$0x0] =	vst.idx.add.f32.msk $0xffff, v17;
	v6 =	vadd.s32 v1, v8;
	vm7 =	vlt.s32 v11, $0x400  }
0xf7: {  	v13 =	vor.u32 v18, v19;
	v17 =	vsub.s32 v10, v3;
	v8 =	vld [tilespmem:s24+$0x50];
	v11 =	vnsel vm7, $0x400, v11  }
0xf8: {  	vm1 =	vlt.s32 v13, $0x400;
	v56 =	vshra.s32 v17, $0xA;
	[tilespmem:v9+s17+$0x0] =	vst.idx.add.f32.msk $0xffff, v2;
	v11 =	vshll.u32 v11, $0x4  }
0xf9: {  	v17 =	vshra.s32 v17, $0x1F;
	v13 =	vnsel vm1, $0x400, v13;
	[tilespmem:v9+s18+$0x0] =	vst.idx.add.f32.msk $0xffff, v16;
	v9 =	vadd.s32 v1, v11  }
0xfa: {  	v7 =	vadd.s32 v1, v7;
	v11 =	vshll.u32 v13, $0x4;
	v13 =	vor.u32 v17, v56;
	v16 =	vld [tilespmem:s24+$0xFFFFFFF0]  }
0xfb: {  	v17 =	vsub.s32 v12, v3;
	v11 =	vadd.s32 v1, v11;
	vm8 =	vlt.s32 v13, $0x400;
	[tilespmem:v6+s17+$0x0] =	vst.idx.add.f32.msk $0xffff, v2  }
0xfc: {  	v57 =	vshra.s32 v17, $0xA;
	v17 =	vshra.s32 v17, $0x1F;
	v13 =	vnsel vm8, $0x400, v13;
	[tilespmem:v6+s18+$0x0] =	vst.idx.add.f32.msk $0xffff, v14  }
0xfd: {  	v14 =	vsub.s32 v8, v3;
	v6 =	vshll.u32 v13, $0x4;
	v13 =	vor.u32 v17, v57;
	v17 =	vld [tilespmem:s26+$0x50]  }
0xfe: {  	v58 =	vshra.s32 v14, $0xA;
	v14 =	vshra.s32 v14, $0x1F;
	vm9 =	vlt.s32 v13, $0x400;
	[tilespmem:v9+s17+$0x0] =	vst.idx.add.f32.msk $0xffff, v2  }
0xff: {  	v6 =	vadd.s32 v1, v6;
	v14 =	vor.u32 v14, v58;
	v13 =	vnsel vm9, $0x400, v13;
	[tilespmem:v9+s18+$0x0] =	vst.idx.add.f32.msk $0xffff, v15  }
0x100: {  	vm10 =	vlt.s32 v14, $0x400;
	v9 =	vshll.u32 v13, $0x4;
	v13 =	vsub.s32 v16, v3;
	v15 =	vld [tilespmem:s26+$0xFFFFFFF0]  }
0x101: {  	v14 =	vnsel vm10, $0x400, v14;
	v59 =	vshra.s32 v13, $0xA;
	v13 =	vshra.s32 v13, $0x1F  }
0x102: {  	[tilespmem:v7+s17+$0x0] =	vst.idx.add.f32.msk $0xffff, v2;
	v9 =	vadd.s32 v1, v9;
	v14 =	vshll.u32 v14, $0x4;
	v13 =	vor.u32 v13, v59  }
0x103: {  	[tilespmem:v7+s18+$0x0] =	vst.idx.add.f32.msk $0xffff, v4;
	v4 =	vadd.s32 v1, v14;
	v7 =	vsub.s32 v17, v3;
	vm11 =	vlt.s32 v13, $0x400  }
0x104: {  	[tilespmem:v11+s17+$0x0] =	vst.idx.add.f32.msk $0xffff, v2;
	v14 =	vshra.s32 v7, $0xA;
	v7 =	vshra.s32 v7, $0x1F;
	v13 =	vnsel vm11, $0x400, v13  }
0x105: {  	[tilespmem:v11+s18+$0x0] =	vst.idx.add.f32.msk $0xffff, v5;
	v7 =	vor.u32 v7, v14;
	v5 =	vshll.u32 v13, $0x4;
	v11 =	vsub.s32 v15, v3  }
0x106: {  	[tilespmem:v6+s17+$0x0] =	vst.idx.add.f32.msk $0xffff, v2;
	vm12 =	vlt.s32 v7, $0x400;
	v13 =	vshra.s32 v11, $0xA;
	v11 =	vshra.s32 v11, $0x1F  }
0x107: {  	[tilespmem:v6+s18+$0x0] =	vst.idx.add.f32.msk $0xffff, v10;
	v5 =	vadd.s32 v1, v5;
	v6 =	vnsel vm12, $0x400, v7;
	v7 =	vor.u32 v11, v13  }
0x108: {  	[tilespmem:v9+s17+$0x0] =	vst.idx.add.f32.msk $0xffff, v2;
	v6 =	vshll.u32 v6, $0x4;
	vm13 =	vlt.s32 v7, $0x400  }
0x109: {  	[tilespmem:v9+s18+$0x0] =	vst.idx.add.f32.msk $0xffff, v12;
	v6 =	vadd.s32 v1, v6;
	v7 =	vnsel vm13, $0x400, v7  }
0x10a: {  	[tilespmem:v4+s17+$0x0] =	vst.idx.add.f32.msk $0xffff, v2;
	v7 =	vshll.u32 v7, $0x4  }
0x10b: {  	[tilespmem:v4+s18+$0x0] =	vst.idx.add.f32.msk $0xffff, v8;
	v4 =	vadd.s32 v1, v7  }
0x10c: {  	p0 =	seq.s32 s21, $0x7;
	[tilespmem:v5+s17+$0x0] =	vst.idx.add.f32.msk $0xffff, v2  }
0x10d: {  	s22 =	sadd.s32 @!p0 s22, s7;
	[tilespmem:v5+s18+$0x0] =	vst.idx.add.f32.msk $0xffff, v16  }
0x10e: {  	s22 =	sshll.u32 @!p0 s22, $0x4;
	[tilespmem:v6+s17+$0x0] =	vst.idx.add.f32.msk $0xffff, v2  }
0x10f: {  	s22 =	sand.u32 @!p0 $0x1FFFFC00, s22;
	[tilespmem:v6+s18+$0x0] =	vst.idx.add.f32.msk $0xffff, v17  }
0x110: {  	s22 =	sadd.s32 @!p0 s2, s22;
	[tilespmem:v4+s17+$0x0] =	vst.idx.add.f32.msk $0xffff, v2  }
0x111: {  	s25 =	simm.s32 @!p0 $0x0;
	s23 =	simm.s32 @!p0 $0x60;
	s24 =	simm.s32 @!p0 $0x80;
	[tilespmem:v4+s18+$0x0] =	vst.idx.add.f32.msk $0xffff, v15  }
0x112: {  	[tilespmem:s25], [sflag:$0x1] =	stream.strided.gather @!p0 [hbm4b:s22+s23], $0x6C00, s24, s23, $0x38;
	[tilespmem:$0x15850] =	vst v63  }
0x113: {  	_ =	swait.ge [sflag:s19], $0x6C00  }
0x114: {  	[sflag:s19] =	ssyncset.done $0x0  }
0x115: {  	s24 =	simm.s32 $0x6C60;
	[sflag:s19] =	ssyncadd.s32 $0xFFFF9400  }
0x116: {  	v4 =	vld [tilespmem:s24+$0x0];
	_ =	sdelay $0x4  }
0x117: {  	v5 =	vsub.s32 v4, v3  }
0x118: {  	v6 =	vshra.s32 v5, $0xA;
	v5 =	vshra.s32 v5, $0x1F  }
0x119: {  	v5 =	vor.u32 v5, v6  }
0x11a: {  	vm14 =	vlt.s32 v5, $0x400  }
0x11b: {  	v5 =	vnsel vm14, $0x400, v5  }
0x11c: {  	v5 =	vshll.u32 v5, $0x4  }
0x11d: {  	v5 =	vadd.s32 v1, v5;
	_ =	sdelay $0x4  }
0x11e: {  	[tilespmem:v5+s17+$0x0] =	vst.idx.add.f32.msk $0xffff, v2  }
0x11f: {  	[tilespmem:v5+s18+$0x0] =	vst.idx.add.f32.msk $0xffff, v4  }
0x120: {  	v4 =	vld [tilespmem:s24+$0x10];
	_ =	sdelay $0x4  }
0x121: {  	v6 =	vld [tilespmem:s24+$0xFFFFFFA0];
	v5 =	vsub.s32 v4, v3  }
0x122: {  	v7 =	vshra.s32 v5, $0xA;
	v5 =	vshra.s32 v5, $0x1F  }
0x123: {  	v5 =	vor.u32 v5, v7  }
0x124: {  	vm15 =	vlt.s32 v5, $0x400  }
0x125: {  	v5 =	vnsel vm15, $0x400, v5  }
0x126: {  	v7 =	vsub.s32 v6, v3;
	v5 =	vshll.u32 v5, $0x4  }
0x127: {  	s22 =	simm.s32 $0x6D20;
	v8 =	vshra.s32 v7, $0xA;
	v7 =	vshra.s32 v7, $0x1F;
	v5 =	vadd.s32 v1, v5  }
0x128: {  	v7 =	vor.u32 v7, v8;
	v8 =	vld [tilespmem:s22+$0x0]  }
0x129: {  	vm4 =	vlt.s32 v7, $0x400  }
0x12a: {  	v7 =	vnsel vm4, $0x400, v7  }
0x12b: {  	v7 =	vshll.u32 v7, $0x4  }
0x12c: {  	v7 =	vadd.s32 v1, v7;
	[tilespmem:v5+s17+$0x0] =	vst.idx.add.f32.msk $0xffff, v2  }
0x12d: {  	[tilespmem:v5+s18+$0x0] =	vst.idx.add.f32.msk $0xffff, v4;
	v4 =	vsub.s32 v8, v3  }
0x12e: {  	v5 =	vld [tilespmem:s24+$0x20];
	v9 =	vshra.s32 v4, $0xA;
	v4 =	vshra.s32 v4, $0x1F  }
0x12f: {  	v4 =	vor.u32 v4, v9  }
0x130: {  	vm5 =	vlt.s32 v4, $0x400  }
0x131: {  	[tilespmem:v7+s17+$0x0] =	vst.idx.add.f32.msk $0xffff, v2;
	v4 =	vnsel vm5, $0x400, v4  }
0x132: {  	[tilespmem:v7+s18+$0x0] =	vst.idx.add.f32.msk $0xffff, v6;
	v4 =	vshll.u32 v4, $0x4  }
0x133: {  	v7 =	vld [tilespmem:s24+$0xFFFFFFB0];
	v6 =	vsub.s32 v5, v3;
	v4 =	vadd.s32 v1, v4  }
0x134: {  	v9 =	vshra.s32 v6, $0xA;
	v6 =	vshra.s32 v6, $0x1F  }
0x135: {  	v6 =	vor.u32 v6, v9  }
0x136: {  	vm6 =	vlt.s32 v6, $0x400  }
0x137: {  	v9 =	vld [tilespmem:s22+$0xFFFFFFA0];
	v6 =	vnsel vm6, $0x400, v6  }
0x138: {  	v10 =	vsub.s32 v7, v3;
	v6 =	vshll.u32 v6, $0x4;
	[tilespmem:v4+s17+$0x0] =	vst.idx.add.f32.msk $0xffff, v2  }
0x139: {  	v11 =	vshra.s32 v10, $0xA;
	v10 =	vshra.s32 v10, $0x1F;
	v6 =	vadd.s32 v1, v6;
	[tilespmem:v4+s18+$0x0] =	vst.idx.add.f32.msk $0xffff, v8  }
0x13a: {  	v4 =	vor.u32 v10, v11;
	v8 =	vld [tilespmem:s22+$0x10]  }
0x13b: {  	s23 =	simm.s32 $0x6DE0;
	vm7 =	vlt.s32 v4, $0x400  }
0x13c: {  	v12 =	vld [tilespmem:s23+$0x0];
	v4 =	vnsel vm7, $0x400, v4  }
0x13d: {  	v10 =	vsub.s32 v9, v3;
	v4 =	vshll.u32 v4, $0x4  }
0x13e: {  	v11 =	vshra.s32 v10, $0xA;
	v10 =	vshra.s32 v10, $0x1F;
	v4 =	vadd.s32 v1, v4;
	[tilespmem:v6+s17+$0x0] =	vst.idx.add.f32.msk $0xffff, v2  }
0x13f: {  	v10 =	vor.u32 v10, v11;
	v11 =	vsub.s32 v8, v3;
	[tilespmem:v6+s18+$0x0] =	vst.idx.add.f32.msk $0xffff, v5  }
0x140: {  	vm8 =	vlt.s32 v10, $0x400;
	v5 =	vshra.s32 v11, $0xA;
	v6 =	vshra.s32 v11, $0x1F;
	v11 =	vld [tilespmem:s23+$0xFFFFFFA0]  }
0x141: {  	v13 =	vsub.s32 v12, v3;
	v10 =	vnsel vm8, $0x400, v10;
	v5 =	vor.u32 v6, v5  }
0x142: {  	v14 =	vshra.s32 v13, $0xA;
	v10 =	vshll.u32 v10, $0x4;
	v6 =	vld [tilespmem:s24+$0x30];
	vm9 =	vlt.s32 v5, $0x400  }
0x143: {  	v13 =	vshra.s32 v13, $0x1F;
	v10 =	vadd.s32 v1, v10;
	[tilespmem:v4+s17+$0x0] =	vst.idx.add.f32.msk $0xffff, v2;
	v5 =	vnsel vm9, $0x400, v5  }
0x144: {  	[tilespmem:v4+s18+$0x0] =	vst.idx.add.f32.msk $0xffff, v7;
	v7 =	vor.u32 v13, v14;
	v5 =	vshll.u32 v5, $0x4  }
0x145: {  	v13 =	vld [tilespmem:s24+$0xFFFFFFC0];
	vm10 =	vlt.s32 v7, $0x400;
	v4 =	vadd.s32 v1, v5;
	v5 =	vsub.s32 v11, v3  }
0x146: {  	v7 =	vnsel vm10, $0x400, v7;
	v14 =	vshra.s32 v5, $0xA  }
0x147: {  	v15 =	vsub.s32 v6, v3;
	v5 =	vshra.s32 v5, $0x1F;
	v7 =	vshll.u32 v7, $0x4  }
0x148: {  	[tilespmem:v10+s17+$0x0] =	vst.idx.add.f32.msk $0xffff, v2;
	v16 =	vshra.s32 v15, $0xA;
	v15 =	vshra.s32 v15, $0x1F;
	v5 =	vor.u32 v5, v14  }
0x149: {  	[tilespmem:v10+s18+$0x0] =	vst.idx.add.f32.msk $0xffff, v9;
	v7 =	vadd.s32 v1, v7;
	v15 =	vor.u32 v15, v16;
	vm12 =	vlt.s32 v5, $0x400  }
0x14a: {  	vm11 =	vlt.s32 v15, $0x400;
	v9 =	vsub.s32 v13, v3;
	v5 =	vnsel vm12, $0x400, v5;
	[tilespmem:v4+s17+$0x0] =	vst.idx.add.f32.msk $0xffff, v2  }
0x14b: {  	v10 =	vnsel vm11, $0x400, v15;
	v5 =	vshll.u32 v5, $0x4;
	[tilespmem:v4+s18+$0x0] =	vst.idx.add.f32.msk $0xffff, v8;
	v4 =	vshra.s32 v9, $0xA  }
0x14c: {  	v8 =	vshra.s32 v9, $0x1F;
	v9 =	vshll.u32 v10, $0x4;
	v5 =	vadd.s32 v1, v5;
	v10 =	vld [tilespmem:s22+$0x20]  }
0x14d: {  	v4 =	vor.u32 v8, v4;
	v8 =	vadd.s32 v1, v9;
	v9 =	vld [tilespmem:s22+$0xFFFFFFB0]  }
0x14e: {  	[tilespmem:v7+s17+$0x0] =	vst.idx.add.f32.msk $0xffff, v2  }
0x14f: {  	vm13 =	vlt.s32 v4, $0x400;
	[tilespmem:v7+s18+$0x0] =	vst.idx.add.f32.msk $0xffff, v12  }
0x150: {  	v4 =	vnsel vm13, $0x400, v4;
	v7 =	vld [tilespmem:s23+$0x10]  }
0x151: {  	v4 =	vshll.u32 v4, $0x4;
	[tilespmem:v5+s17+$0x0] =	vst.idx.add.f32.msk $0xffff, v2;
	v12 =	vsub.s32 v10, v3  }
0x152: {  	v4 =	vadd.s32 v1, v4;
	[tilespmem:v8+s17+$0x0] =	vst.idx.add.f32.msk $0xffff, v2;
	v14 =	vshra.s32 v12, $0xA;
	v12 =	vshra.s32 v12, $0x1F  }
0x153: {  	[tilespmem:v8+s18+$0x0] =	vst.idx.add.f32.msk $0xffff, v6;
	v6 =	vor.u32 v12, v14  }
0x154: {  	v8 =	vsub.s32 v9, v3;
	v12 =	vld [tilespmem:s24+$0x40];
	vm14 =	vlt.s32 v6, $0x400  }
0x155: {  	[tilespmem:v5+s18+$0x0] =	vst.idx.add.f32.msk $0xffff, v11;
	v14 =	vshra.s32 v8, $0xA;
	v15 =	vsub.s32 v7, v3;
	v6 =	vnsel vm14, $0x400, v6  }
0x156: {  	v5 =	vld [tilespmem:s23+$0xFFFFFFB0];
	v16 =	vshra.s32 v15, $0xA;
	v15 =	vshra.s32 v15, $0x1F;
	v6 =	vshll.u32 v6, $0x4  }
0x157: {  	v8 =	vshra.s32 v8, $0x1F;
	[tilespmem:v4+s17+$0x0] =	vst.idx.add.f32.msk $0xffff, v2;
	v11 =	vor.u32 v15, v16;
	v6 =	vadd.s32 v1, v6  }
0x158: {  	v8 =	vor.u32 v8, v14;
	vm15 =	vlt.s32 v11, $0x400;
	[tilespmem:v4+s18+$0x0] =	vst.idx.add.f32.msk $0xffff, v13  }
0x159: {  	vm4 =	vlt.s32 v8, $0x400;
	v4 =	vnsel vm15, $0x400, v11;
	v13 =	vld [tilespmem:s24+$0xFFFFFFD0];
	v11 =	vsub.s32 v12, v3  }
0x15a: {  	s25 =	simm.s32 $0x6EA0;
	v4 =	vshll.u32 v4, $0x4;
	v14 =	vshra.s32 v11, $0xA;
	v11 =	vshra.s32 v11, $0x1F  }
0x15b: {  	v8 =	vnsel vm4, $0x400, v8;
	v4 =	vadd.s32 v1, v4;
	v11 =	vor.u32 v11, v14;
	v14 =	vld [tilespmem:s25+$0x0]  }
0x15c: {  	v8 =	vshll.u32 v8, $0x4;
	vm5 =	vlt.s32 v11, $0x400;
	[tilespmem:v6+s17+$0x0] =	vst.idx.add.f32.msk $0xffff, v2  }
0x15d: {  	[tilespmem:v6+s18+$0x0] =	vst.idx.add.f32.msk $0xffff, v10;
	v6 =	vadd.s32 v1, v8;
	v8 =	vnsel vm5, $0x400, v11  }
0x15e: {  	v15 =	vsub.s32 v13, v3;
	v11 =	vld [tilespmem:s25+$0xFFFFFFA0];
	v10 =	vsub.s32 v5, v3;
	v8 =	vshll.u32 v8, $0x4  }
0x15f: {  	v17 =	vld [tilespmem:s22+$0x30];
	v16 =	vadd.s32 v1, v8;
	v8 =	vshra.s32 v15, $0xA;
	v15 =	vshra.s32 v15, $0x1F  }
0x160: {  	[tilespmem:v4+s17+$0x0] =	vst.idx.add.f32.msk $0xffff, v2;
	v60 =	vsub.s32 v14, v3;
	v8 =	vor.u32 v15, v8  }
0x161: {  	[tilespmem:v4+s18+$0x0] =	vst.idx.add.f32.msk $0xffff, v7;
	v15 =	vshra.s32 v60, $0xA;
	v4 =	vshra.s32 v60, $0x1F;
	vm6 =	vlt.s32 v8, $0x400  }
0x162: {  	v7 =	vshra.s32 v10, $0xA;
	v4 =	vor.u32 v4, v15;
	v8 =	vnsel vm6, $0x400, v8;
	[tilespmem:v6+s17+$0x0] =	vst.idx.add.f32.msk $0xffff, v2  }
0x163: {  	v10 =	vshra.s32 v10, $0x1F;
	vm7 =	vlt.s32 v4, $0x400;
	v8 =	vshll.u32 v8, $0x4;
	[tilespmem:v6+s18+$0x0] =	vst.idx.add.f32.msk $0xffff, v9  }
0x164: {  	v6 =	vor.u32 v10, v7;
	v4 =	vnsel vm7, $0x400, v4;
	v7 =	vadd.s32 v1, v8;
	v61 =	vld [tilespmem:s22+$0xFFFFFFC0]  }
0x165: {  	v10 =	vsub.s32 v17, v3;
	v8 =	vld [tilespmem:s23+$0x20];
	v4 =	vshll.u32 v4, $0x4  }
0x166: {  	[tilespmem:v16+s17+$0x0] =	vst.idx.add.f32.msk $0xffff, v2;
	v15 =	vadd.s32 v1, v4;
	v4 =	vshra.s32 v10, $0xA;
	v10 =	vshra.s32 v10, $0x1F  }
0x167: {  	v9 =	vsub.s32 v11, v3;
	[tilespmem:v16+s18+$0x0] =	vst.idx.add.f32.msk $0xffff, v12;
	v10 =	vor.u32 v10, v4  }
0x168: {  	v62 =	vshra.s32 v9, $0xA;
	v9 =	vshra.s32 v9, $0x1F;
	v4 =	vld [tilespmem:s24+$0x50];
	vm9 =	vlt.s32 v10, $0x400  }
0x169: {  	v9 =	vor.u32 v9, v62;
	v10 =	vnsel vm9, $0x400, v10;
	[tilespmem:v7+s17+$0x0] =	vst.idx.add.f32.msk $0xffff, v2  }
0x16a: {  	vm8 =	vlt.s32 v6, $0x400;
	vm10 =	vlt.s32 v9, $0x400;
	v10 =	vshll.u32 v10, $0x4;
	[tilespmem:v7+s18+$0x0] =	vst.idx.add.f32.msk $0xffff, v13  }
0x16b: {  	v9 =	vnsel vm10, $0x400, v9;
	v12 =	vsub.s32 v61, v3;
	[tilespmem:v15+s17+$0x0] =	vst.idx.add.f32.msk $0xffff, v2;
	v13 =	vadd.s32 v1, v10  }
0x16c: {  	v9 =	vshll.u32 v9, $0x4;
	v7 =	vshra.s32 v12, $0xA;
	v12 =	vshra.s32 v12, $0x1F;
	[tilespmem:v15+s18+$0x0] =	vst.idx.add.f32.msk $0xffff, v14  }
0x16d: {  	v7 =	vor.u32 v12, v7;
	v14 =	vadd.s32 v1, v9;
	v12 =	vsub.s32 v8, v3;
	v9 =	vld [tilespmem:s24+$0xFFFFFFE0]  }
0x16e: {  	vm11 =	vlt.s32 v7, $0x400;
	v15 =	vshra.s32 v12, $0xA;
	v10 =	vld [tilespmem:s25+$0x10];
	v12 =	vshra.s32 v12, $0x1F  }
0x16f: {  	v6 =	vnsel vm8, $0x400, v6;
	v7 =	vnsel vm11, $0x400, v7;
	v15 =	vor.u32 v12, v15  }
0x170: {  	v16 =	vsub.s32 v4, v3;
	v7 =	vshll.u32 v7, $0x4;
	vm12 =	vlt.s32 v15, $0x400;
	[tilespmem:v13+s17+$0x0] =	vst.idx.add.f32.msk $0xffff, v2  }
0x171: {  	v63 =	vadd.s32 v1, v7;
	v7 =	vshra.s32 v16, $0xA;
	v16 =	vshra.s32 v16, $0x1F;
	[tilespmem:v13+s18+$0x0] =	vst.idx.add.f32.msk $0xffff, v17  }
0x172: {  	v12 =	vshll.u32 v6, $0x4;
	v6 =	vnsel vm12, $0x400, v15;
	v7 =	vor.u32 v16, v7;
	[tilespmem:v14+s17+$0x0] =	vst.idx.add.f32.msk $0xffff, v2  }
0x173: {  	v13 =	vshll.u32 v6, $0x4;
	v15 =	vsub.s32 v9, v3;
	v16 =	vsub.s32 v10, v3;
	v6 =	vld [tilespmem:s22+$0x40]  }
0x174: {  	v17 =	vshra.s32 v15, $0xA;
	v15 =	vshra.s32 v15, $0x1F;
	[tilespmem:v14+s18+$0x0] =	vst.idx.add.f32.msk $0xffff, v11;
	v14 =	vadd.s32 v1, v13  }
0x175: {  	v20 =	vshra.s32 v16, $0xA;
	v16 =	vshra.s32 v16, $0x1F;
	v15 =	vor.u32 v15, v17  }
0x176: {  	vm13 =	vlt.s32 v7, $0x400;
	v13 =	vld [tilespmem:s25+$0xFFFFFFB0];
	v11 =	vor.u32 v16, v20;
	vm14 =	vlt.s32 v15, $0x400  }
0x177: {  	v7 =	vnsel vm13, $0x400, v7;
	[tilespmem:v63+s17+$0x0] =	vst.idx.add.f32.msk $0xffff, v2;
	vm15 =	vlt.s32 v11, $0x400;
	v16 =	vnsel vm14, $0x400, v15  }
0x178: {  	s28 =	simm.s32 $0x6F60;
	s26 =	simm.s32 $0x6;
	v7 =	vshll.u32 v7, $0x4;
	v15 =	vnsel vm15, $0x400, v11;
	[tilespmem:v63+s18+$0x0] =	vst.idx.add.f32.msk $0xffff, v61;
	v11 =	vshll.u32 v16, $0x4  }
.LBB2_9:
0x179: {  	s26 =	sadd.s32 $0x2, s26;
	[tilespmem:v14+s17+$0x0] =	vst.idx.add.f32.msk $0xffff, v2;
	v16 =	vsub.s32 v6, v3;
	v17 =	vadd.s32 v1, v11  }
0x17a: {  	p0 =	slt.u32 s26, $0x11E;
	[tilespmem:v14+s18+$0x0] =	vst.idx.add.f32.msk $0xffff, v8;
	v8 =	vshra.s32 v16, $0xA;
	v14 =	vshra.s32 v16, $0x1F  }
0x17b: {  	v11 =	vld [tilespmem:s28+$0xFFFFFFA0];
	v8 =	vor.u32 v14, v8  }
0x17c: {  	v15 =	vshll.u32 v15, $0x4;
	v14 =	vsub.s32 v13, v3;
	v16 =	vld [tilespmem:s22+$0xFFFFFFD0];
	vm0 =	vlt.s32 v8, $0x400  }
0x17d: {  	v15 =	vadd.s32 v1, v15;
	v18 =	vld [tilespmem:s28+$0x0];
	v19 =	vshra.s32 v14, $0xA;
	v14 =	vshra.s32 v14, $0x1F  }
0x17e: {  	v12 =	vadd.s32 v1, v12;
	v8 =	vnsel vm0, $0x400, v8;
	v14 =	vor.u32 v14, v19;
	[tilespmem:v17+s17+$0x0] =	vst.idx.add.f32.msk $0xffff, v2  }
0x17f: {  	v7 =	vadd.s32 v1, v7;
	v8 =	vshll.u32 v8, $0x4;
	vm0 =	vlt.s32 v14, $0x400;
	[tilespmem:v17+s18+$0x0] =	vst.idx.add.f32.msk $0xffff, v9  }
0x180: {  	v17 =	vadd.s32 v1, v8;
	v9 =	vsub.s32 v11, v3;
	v14 =	vnsel vm0, $0x400, v14;
	v19 =	vld [tilespmem:s24+$0xFFFFFFF0];
	s24 =	smov.u32 s22;
	s22 =	smov.u32 s23;
	s23 =	smov.u32 s25  }
0x181: {  	s25 =	smov.u32 s28;
	v8 =	vshra.s32 v9, $0xA;
	v9 =	vshra.s32 v9, $0x1F;
	v20 =	vld [tilespmem:s22+$0x30];
	v21 =	vsub.s32 v16, v3  }
0x182: {  	v8 =	vor.u32 v9, v8;
	v9 =	vsub.s32 v18, v3;
	[tilespmem:v15+s17+$0x0] =	vst.idx.add.f32.msk $0xffff, v2;
	v22 =	vshra.s32 v21, $0xA  }
0x183: {  	vm0 =	vlt.s32 v8, $0x400;
	v23 =	vshra.s32 v9, $0xA;
	[tilespmem:v15+s18+$0x0] =	vst.idx.add.f32.msk $0xffff, v10;
	v10 =	vshra.s32 v21, $0x1F  }
0x184: {  	v9 =	vshra.s32 v9, $0x1F;
	v15 =	vnsel vm0, $0x400, v8;
	v8 =	vld [tilespmem:s23+$0x20];
	v10 =	vor.u32 v10, v22  }
0x185: {  	v9 =	vor.u32 v9, v23;
	v15 =	vshll.u32 v15, $0x4;
	vm0 =	vlt.s32 v10, $0x400;
	[tilespmem:v17+s17+$0x0] =	vst.idx.add.f32.msk $0xffff, v2  }
0x186: {  	vm1 =	vlt.s32 v9, $0x400;
	v15 =	vadd.s32 v1, v15;
	v10 =	vnsel vm0, $0x400, v10;
	[tilespmem:v17+s18+$0x0] =	vst.idx.add.f32.msk $0xffff, v6  }
0x187: {  	v6 =	vnsel vm1, $0x400, v9;
	[tilespmem:v12+s17+$0x0] =	vst.idx.add.f32.msk $0xffff, v2;
	v9 =	vshll.u32 v10, $0x4;
	v10 =	vsub.s32 v19, v3  }
0x188: {  	v6 =	vshll.u32 v6, $0x4;
	[tilespmem:v12+s18+$0x0] =	vst.idx.add.f32.msk $0xffff, v5;
	v9 =	vadd.s32 v1, v9;
	v12 =	vshra.s32 v10, $0xA;
	v5 =	vmovc v13  }
0x189: {  	v6 =	vadd.s32 v1, v6;
	v10 =	vshra.s32 v10, $0x1F;
	v13 =	vsub.s32 v8, v3;
	v17 =	vld [tilespmem:s22+$0xFFFFFFC0]  }
0x18a: {  	v22 =	vsub.s32 v20, v3;
	v10 =	vor.u32 v10, v12;
	v21 =	vshra.s32 v13, $0xA;
	v23 =	vld [tilespmem:s24+$0x50]  }
0x18b: {  	v24 =	vshra.s32 v22, $0xA;
	v22 =	vshra.s32 v22, $0x1F;
	vm0 =	vlt.s32 v10, $0x400;
	[tilespmem:v7+s17+$0x0] =	vst.idx.add.f32.msk $0xffff, v2  }
0x18c: {  	v12 =	vshll.u32 v14, $0x4;
	v14 =	vor.u32 v22, v24;
	v10 =	vnsel vm0, $0x400, v10;
	[tilespmem:v7+s18+$0x0] =	vst.idx.add.f32.msk $0xffff, v4  }
0x18d: {  	vm0 =	vlt.s32 v14, $0x400;
	v22 =	vshll.u32 v10, $0x4;
	[tilespmem:v9+s17+$0x0] =	vst.idx.add.f32.msk $0xffff, v2  }
0x18e: {  	v10 =	vnsel vm0, $0x400, v14;
	v14 =	vadd.s32 v1, v22;
	v7 =	vsub.s32 v17, v3;
	[tilespmem:v9+s18+$0x0] =	vst.idx.add.f32.msk $0xffff, v16  }
0x18f: {  	v10 =	vshll.u32 v10, $0x4;
	[tilespmem:v6+s17+$0x0] =	vst.idx.add.f32.msk $0xffff, v2;
	v9 =	vshra.s32 v7, $0xA;
	v7 =	vshra.s32 v7, $0x1F;
	v4 =	vmovc v23  }
0x190: {  	[tilespmem:v6+s18+$0x0] =	vst.idx.add.f32.msk $0xffff, v18;
	v6 =	vor.u32 v7, v9;
	v7 =	vadd.s32 v1, v10  }
0x191: {  	v16 =	vsub.s32 v4, v3;
	vm0 =	vlt.s32 v6, $0x400;
	v9 =	vld [tilespmem:s24+$0xFFFFFFE0]  }
0x192: {  	v13 =	vshra.s32 v13, $0x1F;
	v18 =	vshra.s32 v16, $0xA;
	v10 =	vld [tilespmem:s28+$0x10];
	v6 =	vnsel vm0, $0x400, v6  }
0x193: {  	v13 =	vor.u32 v13, v21;
	v16 =	vshra.s32 v16, $0x1F;
	v6 =	vshll.u32 v6, $0x4;
	[tilespmem:v14+s17+$0x0] =	vst.idx.add.f32.msk $0xffff, v2  }
0x194: {  	vm0 =	vlt.s32 v13, $0x400;
	v21 =	vadd.s32 v1, v6;
	v6 =	vor.u32 v16, v18;
	[tilespmem:v14+s18+$0x0] =	vst.idx.add.f32.msk $0xffff, v19  }
0x195: {  	v13 =	vnsel vm0, $0x400, v13;
	[tilespmem:v7+s17+$0x0] =	vst.idx.add.f32.msk $0xffff, v2;
	vm0 =	vlt.s32 v6, $0x400  }
0x196: {  	v13 =	vshll.u32 v13, $0x4;
	[tilespmem:v7+s18+$0x0] =	vst.idx.add.f32.msk $0xffff, v20;
	v16 =	vsub.s32 v9, v3;
	v6 =	vnsel vm0, $0x400, v6  }
0x197: {  	v14 =	vadd.s32 v1, v13;
	[tilespmem:v15+s17+$0x0] =	vst.idx.add.f32.msk $0xffff, v2;
	v18 =	vsub.s32 v10, v3;
	v7 =	vshll.u32 v6, $0x4  }
.Ltmp3:
0x198: {  	v19 =	vshra.s32 v16, $0xA;
	v16 =	vshra.s32 v16, $0x1F;
	v13 =	vshra.s32 v18, $0xA;
	v6 =	vld [tilespmem:s22+$0x40];
	(pc) =	sbr.rel @p0 .LBB2_9-.Ltmp3, $4  }
0x199: {  	v18 =	vshra.s32 v18, $0x1F;
	v16 =	vor.u32 v16, v19;
	[tilespmem:v21+s17+$0x0] =	vst.idx.add.f32.msk $0xffff, v2  }
0x19a: {  	vm0 =	vlt.s32 v16, $0x400;
	[tilespmem:v15+s18+$0x0] =	vst.idx.add.f32.msk $0xffff, v11;
	v11 =	vor.u32 v18, v13  }
0x19b: {  	v16 =	vnsel vm0, $0x400, v16;
	v13 =	vld [tilespmem:s28+$0xFFFFFFB0];
	vm1 =	vlt.s32 v11, $0x400  }
0x19c: {  	s28 =	sadd.s32 $0xC0, s28;
	v15 =	vnsel vm1, $0x400, v11;
	[tilespmem:v21+s18+$0x0] =	vst.idx.add.f32.msk $0xffff, v17;
	v11 =	vshll.u32 v16, $0x4  }
0x19d: {  	_ =	sdelay $0x2  }
0x19e: {  	v12 =	vadd.s32 v1, v12;
	v16 =	vsub.s32 v13, v3  }
0x19f: {  	v17 =	vshra.s32 v16, $0xA;
	v16 =	vshra.s32 v16, $0x1F  }
0x1a0: {  	v15 =	vshll.u32 v15, $0x4;
	v16 =	vor.u32 v16, v17  }
0x1a1: {  	v15 =	vadd.s32 v1, v15;
	vm0 =	vlt.s32 v16, $0x400  }
0x1a2: {  	v16 =	vnsel vm0, $0x400, v16  }
0x1a3: {  	[tilespmem:v12+s17+$0x0] =	vst.idx.add.f32.msk $0xffff, v2;
	v16 =	vshll.u32 v16, $0x4  }
0x1a4: {  	[tilespmem:v12+s18+$0x0] =	vst.idx.add.f32.msk $0xffff, v5;
	v5 =	vadd.s32 v1, v16  }
0x1a5: {  	v12 =	vld [tilespmem:s23+$0xFFFFFFC0]  }
0x1a6: {  	[tilespmem:v15+s17+$0x0] =	vst.idx.add.f32.msk $0xffff, v2  }
0x1a7: {  	[tilespmem:v15+s18+$0x0] =	vst.idx.add.f32.msk $0xffff, v10  }
0x1a8: {  	v10 =	vld [tilespmem:s25+$0x20]  }
0x1a9: {  	[tilespmem:v5+s17+$0x0] =	vst.idx.add.f32.msk $0xffff, v2  }
0x1aa: {  	v34 =	vsub.s32 v12, v3;
	[tilespmem:v5+s18+$0x0] =	vst.idx.add.f32.msk $0xffff, v13  }
0x1ab: {  	v35 =	vshra.s32 v34, $0x1F;
	v5 =	vshra.s32 v34, $0xA;
	v36 =	vld [tilespmem:s25+$0xFFFFFFC0]  }
0x1ac: {  	v5 =	vor.u32 v35, v5  }
0x1ad: {  	v37 =	vsub.s32 v10, v3;
	vm7 =	vlt.s32 v5, $0x400  }
0x1ae: {  	v38 =	vshra.s32 v37, $0xA;
	v13 =	vshra.s32 v37, $0x1F;
	v5 =	vnsel vm7, $0x400, v5  }
0x1af: {  	v13 =	vor.u32 v13, v38;
	v5 =	vshll.u32 v5, $0x4  }
0x1b0: {  	vm8 =	vlt.s32 v13, $0x400;
	v5 =	vadd.s32 v1, v5;
	v39 =	vsub.s32 v36, v3  }
0x1b1: {  	v40 =	vld [tilespmem:s22+$0xFFFFFFD0];
	v13 =	vnsel vm8, $0x400, v13;
	v18 =	vshra.s32 v39, $0xA;
	v16 =	vshra.s32 v39, $0x1F  }
0x1b2: {  	[tilespmem:v14+s17+$0x0] =	vst.idx.add.f32.msk $0xffff, v2;
	v13 =	vshll.u32 v13, $0x4;
	v16 =	vor.u32 v16, v18  }
0x1b3: {  	[tilespmem:v14+s18+$0x0] =	vst.idx.add.f32.msk $0xffff, v8;
	v41 =	vadd.s32 v1, v13;
	vm9 =	vlt.s32 v16, $0x400  }
0x1b4: {  	v42 =	vld [tilespmem:s23+$0x30];
	v43 =	vnsel vm9, $0x400, v16  }
0x1b5: {  	[tilespmem:v5+s17+$0x0] =	vst.idx.add.f32.msk $0xffff, v2;
	v14 =	vshll.u32 v43, $0x4  }
0x1b6: {  	v44 =	vsub.s32 v40, v3;
	[tilespmem:v5+s18+$0x0] =	vst.idx.add.f32.msk $0xffff, v12;
	v5 =	vadd.s32 v1, v14  }
0x1b7: {  	v45 =	vshra.s32 v44, $0xA;
	v46 =	vshra.s32 v44, $0x1F;
	v47 =	vld [tilespmem:s23+$0xFFFFFFD0]  }
0x1b8: {  	[tilespmem:v41+s17+$0x0] =	vst.idx.add.f32.msk $0xffff, v2;
	v12 =	vor.u32 v46, v45  }
0x1b9: {  	v11 =	vadd.s32 v1, v11;
	v48 =	vsub.s32 v42, v3;
	[tilespmem:v41+s18+$0x0] =	vst.idx.add.f32.msk $0xffff, v10;
	vm10 =	vlt.s32 v12, $0x400  }
0x1ba: {  	v50 =	vshra.s32 v48, $0xA;
	v51 =	vshra.s32 v48, $0x1F;
	v52 =	vld [tilespmem:s25+$0x30];
	v49 =	vnsel vm10, $0x400, v12  }
0x1bb: {  	v10 =	vor.u32 v51, v50;
	v8 =	vshll.u32 v49, $0x4;
	[tilespmem:v5+s17+$0x0] =	vst.idx.add.f32.msk $0xffff, v2  }
0x1bc: {  	vm11 =	vlt.s32 v10, $0x400;
	v8 =	vadd.s32 v1, v8;
	v53 =	vsub.s32 v47, v3;
	[tilespmem:v5+s18+$0x0] =	vst.idx.add.f32.msk $0xffff, v36  }
0x1bd: {  	v5 =	vnsel vm11, $0x400, v10;
	v54 =	vshra.s32 v53, $0xA;
	v12 =	vshra.s32 v53, $0x1F;
	v15 =	vld [tilespmem:s25+$0xFFFFFFD0]  }
0x1be: {  	[tilespmem:v11+s17+$0x0] =	vst.idx.add.f32.msk $0xffff, v2;
	v5 =	vshll.u32 v5, $0x4;
	v10 =	vor.u32 v12, v54  }
0x1bf: {  	[tilespmem:v11+s18+$0x0] =	vst.idx.add.f32.msk $0xffff, v9;
	v56 =	vsub.s32 v52, v3;
	v55 =	vadd.s32 v1, v5;
	vm12 =	vlt.s32 v10, $0x400  }
0x1c0: {  	v57 =	vshra.s32 v56, $0xA;
	v11 =	vshra.s32 v56, $0x1F;
	v5 =	vld [tilespmem:s24+$0xFFFFFFF0];
	v10 =	vnsel vm12, $0x400, v10  }
0x1c1: {  	v11 =	vor.u32 v11, v57;
	[tilespmem:v8+s17+$0x0] =	vst.idx.add.f32.msk $0xffff, v2;
	v10 =	vshll.u32 v10, $0x4  }
0x1c2: {  	vm13 =	vlt.s32 v11, $0x400;
	[tilespmem:v8+s18+$0x0] =	vst.idx.add.f32.msk $0xffff, v40;
	v58 =	vadd.s32 v1, v10;
	v59 =	vsub.s32 v15, v3  }
0x1c3: {  	v11 =	vnsel vm13, $0x400, v11;
	v60 =	vld [tilespmem:s22+$0xFFFFFFE0];
	v61 =	vshra.s32 v59, $0xA;
	v10 =	vshra.s32 v59, $0x1F  }
0x1c4: {  	v11 =	vshll.u32 v11, $0x4;
	[tilespmem:v55+s17+$0x0] =	vst.idx.add.f32.msk $0xffff, v2;
	v10 =	vor.u32 v10, v61  }
0x1c5: {  	v62 =	vsub.s32 v6, v3;
	v63 =	vadd.s32 v1, v11;
	[tilespmem:v55+s18+$0x0] =	vst.idx.add.f32.msk $0xffff, v42;
	vm14 =	vlt.s32 v10, $0x400  }
0x1c6: {  	v20 =	vshra.s32 v62, $0xA;
	v21 =	vshra.s32 v62, $0x1F;
	v22 =	vld [tilespmem:s23+$0x40];
	v10 =	vnsel vm14, $0x400, v10  }
0x1c7: {  	v11 =	vor.u32 v21, v20;
	[tilespmem:v58+s17+$0x0] =	vst.idx.add.f32.msk $0xffff, v2;
	v10 =	vshll.u32 v10, $0x4  }
0x1c8: {  	vm15 =	vlt.s32 v11, $0x400;
	v23 =	vsub.s32 v60, v3;
	[tilespmem:v58+s18+$0x0] =	vst.idx.add.f32.msk $0xffff, v47;
	v24 =	vadd.s32 v1, v10  }
0x1c9: {  	v25 =	vnsel vm15, $0x400, v11;
	v26 =	vshra.s32 v23, $0xA;
	v13 =	vshra.s32 v23, $0x1F;
	v16 =	vld [tilespmem:s23+$0xFFFFFFE0]  }
0x1ca: {  	[tilespmem:v63+s17+$0x0] =	vst.idx.add.f32.msk $0xffff, v2;
	v11 =	vor.u32 v13, v26;
	v10 =	vshll.u32 v25, $0x4  }
0x1cb: {  	[tilespmem:v63+s18+$0x0] =	vst.idx.add.f32.msk $0xffff, v52;
	vm4 =	vlt.s32 v11, $0x400;
	v10 =	vadd.s32 v1, v10;
	v27 =	vsub.s32 v22, v3  }
0x1cc: {  	v14 =	vld [tilespmem:s25+$0x40];
	v28 =	vnsel vm4, $0x400, v11;
	v29 =	vshra.s32 v27, $0xA;
	v13 =	vshra.s32 v27, $0x1F  }
0x1cd: {  	v9 =	vshll.u32 v28, $0x4;
	v11 =	vor.u32 v13, v29;
	[tilespmem:v24+s17+$0x0] =	vst.idx.add.f32.msk $0xffff, v2  }
0x1ce: {  	v9 =	vadd.s32 v1, v9;
	vm5 =	vlt.s32 v11, $0x400;
	v30 =	vsub.s32 v16, v3;
	[tilespmem:v24+s18+$0x0] =	vst.idx.add.f32.msk $0xffff, v15  }
0x1cf: {  	v31 =	vnsel vm5, $0x400, v11;
	v32 =	vshra.s32 v30, $0xA;
	v13 =	vshra.s32 v30, $0x1F;
	v15 =	vld [tilespmem:s25+$0xFFFFFFE0]  }
0x1d0: {  	v33 =	vsub.s32 v5, v3;
	[tilespmem:v10+s17+$0x0] =	vst.idx.add.f32.msk $0xffff, v2;
	v8 =	vshll.u32 v31, $0x4;
	v11 =	vor.u32 v13, v32  }
0x1d1: {  	v35 =	vsub.s32 v14, v3;
	[tilespmem:v10+s18+$0x0] =	vst.idx.add.f32.msk $0xffff, v6;
	v34 =	vadd.s32 v1, v8;
	vm6 =	vlt.s32 v11, $0x400  }
0x1d2: {  	v36 =	vshra.s32 v35, $0xA;
	v10 =	vld [tilespmem:s22+$0x50];
	v8 =	vshra.s32 v35, $0x1F;
	v11 =	vnsel vm6, $0x400, v11  }
0x1d3: {  	v19 =	vshra.s32 v33, $0xA;
	[tilespmem:v9+s17+$0x0] =	vst.idx.add.f32.msk $0xffff, v2;
	v8 =	vor.u32 v8, v36;
	v11 =	vshll.u32 v11, $0x4  }
0x1d4: {  	[tilespmem:v9+s18+$0x0] =	vst.idx.add.f32.msk $0xffff, v60;
	vm7 =	vlt.s32 v8, $0x400;
	v37 =	vadd.s32 v1, v11;
	v38 =	vsub.s32 v15, v3  }
0x1d5: {  	v12 =	vld [tilespmem:s22+$0xFFFFFFF0];
	v8 =	vnsel vm7, $0x400, v8;
	v39 =	vshra.s32 v38, $0xA;
	v11 =	vshra.s32 v38, $0x1F  }
0x1d6: {  	v18 =	vshra.s32 v33, $0x1F;
	v8 =	vshll.u32 v8, $0x4;
	[tilespmem:v34+s17+$0x0] =	vst.idx.add.f32.msk $0xffff, v2;
	v11 =	vor.u32 v11, v39  }
0x1d7: {  	v40 =	vor.u32 v18, v19;
	v41 =	vadd.s32 v1, v8;
	[tilespmem:v34+s18+$0x0] =	vst.idx.add.f32.msk $0xffff, v22;
	vm8 =	vlt.s32 v11, $0x400  }
0x1d8: {  	vm9 =	vlt.s32 v40, $0x400;
	v43 =	vld [tilespmem:s23+$0x50];
	v42 =	vnsel vm8, $0x400, v11  }
0x1d9: {  	v13 =	vnsel vm9, $0x400, v40;
	v44 =	vsub.s32 v10, v3;
	[tilespmem:v37+s17+$0x0] =	vst.idx.add.f32.msk $0xffff, v2;
	v8 =	vshll.u32 v42, $0x4  }
0x1da: {  	v45 =	vshra.s32 v44, $0xA;
	v17 =	vshra.s32 v44, $0x1F;
	[tilespmem:v37+s18+$0x0] =	vst.idx.add.f32.msk $0xffff, v16;
	v8 =	vadd.s32 v1, v8  }
0x1db: {  	v7 =	vadd.s32 v1, v7;
	v46 =	vshll.u32 v13, $0x4;
	v47 =	vor.u32 v17, v45;
	v16 =	vld [tilespmem:s23+$0xFFFFFFF0]  }
0x1dc: {  	v9 =	vadd.s32 v1, v46;
	v48 =	vsub.s32 v12, v3;
	vm10 =	vlt.s32 v47, $0x400;
	[tilespmem:v41+s17+$0x0] =	vst.idx.add.f32.msk $0xffff, v2  }
0x1dd: {  	v49 =	vshra.s32 v48, $0xA;
	v17 =	vshra.s32 v48, $0x1F;
	v13 =	vnsel vm10, $0x400, v47;
	[tilespmem:v41+s18+$0x0] =	vst.idx.add.f32.msk $0xffff, v14  }
0x1de: {  	v51 =	vor.u32 v17, v49;
	v50 =	vshll.u32 v13, $0x4;
	v52 =	vsub.s32 v43, v3;
	v53 =	vld [tilespmem:s25+$0x50]  }
0x1df: {  	vm11 =	vlt.s32 v51, $0x400;
	v54 =	vshra.s32 v52, $0xA;
	v14 =	vshra.s32 v52, $0x1F;
	[tilespmem:v8+s17+$0x0] =	vst.idx.add.f32.msk $0xffff, v2  }
0x1e0: {  	v6 =	vadd.s32 v1, v50;
	v13 =	vnsel vm11, $0x400, v51;
	v14 =	vor.u32 v14, v54;
	[tilespmem:v8+s18+$0x0] =	vst.idx.add.f32.msk $0xffff, v15  }
0x1e1: {  	v55 =	vshll.u32 v13, $0x4;
	vm12 =	vlt.s32 v14, $0x400;
	v56 =	vsub.s32 v16, v3;
	v15 =	vld [tilespmem:s25+$0xFFFFFFF0]  }
0x1e2: {  	v14 =	vnsel vm12, $0x400, v14;
	v57 =	vshra.s32 v56, $0xA;
	v13 =	vshra.s32 v56, $0x1F  }
0x1e3: {  	[tilespmem:v7+s17+$0x0] =	vst.idx.add.f32.msk $0xffff, v2;
	v8 =	vadd.s32 v1, v55;
	v14 =	vshll.u32 v14, $0x4;
	v13 =	vor.u32 v13, v57  }
0x1e4: {  	[tilespmem:v7+s18+$0x0] =	vst.idx.add.f32.msk $0xffff, v4;
	v58 =	vsub.s32 v53, v3;
	v4 =	vadd.s32 v1, v14;
	vm13 =	vlt.s32 v13, $0x400  }
0x1e5: {  	[tilespmem:v9+s17+$0x0] =	vst.idx.add.f32.msk $0xffff, v2;
	v59 =	vshra.s32 v58, $0xA;
	v7 =	vshra.s32 v58, $0x1F;
	v13 =	vnsel vm13, $0x400, v13  }
0x1e6: {  	[tilespmem:v9+s18+$0x0] =	vst.idx.add.f32.msk $0xffff, v5;
	v7 =	vor.u32 v7, v59;
	v5 =	vshll.u32 v13, $0x4;
	v60 =	vsub.s32 v15, v3  }
0x1e7: {  	[tilespmem:v6+s17+$0x0] =	vst.idx.add.f32.msk $0xffff, v2;
	vm14 =	vlt.s32 v7, $0x400;
	v61 =	vshra.s32 v60, $0xA;
	v9 =	vshra.s32 v60, $0x1F  }
0x1e8: {  	[tilespmem:v6+s18+$0x0] =	vst.idx.add.f32.msk $0xffff, v10;
	v5 =	vadd.s32 v1, v5;
	v62 =	vnsel vm14, $0x400, v7;
	v63 =	vor.u32 v9, v61  }
0x1e9: {  	[tilespmem:v8+s17+$0x0] =	vst.idx.add.f32.msk $0xffff, v2;
	v6 =	vshll.u32 v62, $0x4;
	vm15 =	vlt.s32 v63, $0x400  }
0x1ea: {  	[tilespmem:v8+s18+$0x0] =	vst.idx.add.f32.msk $0xffff, v12;
	v6 =	vadd.s32 v1, v6;
	v7 =	vnsel vm15, $0x400, v63  }
0x1eb: {  	[tilespmem:v4+s17+$0x0] =	vst.idx.add.f32.msk $0xffff, v2;
	v7 =	vshll.u32 v7, $0x4  }
0x1ec: {  	s21 =	sadd.s32 $0x1, s21;
	[tilespmem:v4+s18+$0x0] =	vst.idx.add.f32.msk $0xffff, v43;
	v4 =	vadd.s32 v1, v7  }
0x1ed: {  	p0 =	sne.s32 s21, $0x8;
	[tilespmem:v5+s17+$0x0] =	vst.idx.add.f32.msk $0xffff, v2  }
.Ltmp4:
0x1ee: {  	[tilespmem:v5+s18+$0x0] =	vst.idx.add.f32.msk $0xffff, v16;
	(pc) =	sbr.rel @p0 .LBB2_6-.Ltmp4, $4  }
0x1ef: {  	[tilespmem:v6+s17+$0x0] =	vst.idx.add.f32.msk $0xffff, v2  }
0x1f0: {  	[tilespmem:v6+s18+$0x0] =	vst.idx.add.f32.msk $0xffff, v53  }
0x1f1: {  	[tilespmem:v4+s17+$0x0] =	vst.idx.add.f32.msk $0xffff, v2  }
0x1f2: {  	[tilespmem:v4+s18+$0x0] =	vst.idx.add.f32.msk $0xffff, v15  }
0x1f3: {  	[hbm4b:s8+s3] =	stream.linear.scatter [tilespmem:s17], [sflag:$0x3], $0x4020, $0x38;
	[tilespmem:$0x15850] =	vst v63  }
0x1f4: {  	s20 =	sadd.s32 $0x1, s20;
	_ =	swait.ge [sflag:s12], $0x4020  }
0x1f5: {  	p0 =	sne.s32 s20, s10;
	[sflag:s12] =	ssyncset.done $0x0  }
.Ltmp5:
0x1f6: {  	[sflag:s12] =	ssyncadd.s32 $0xFFFFBFE0;
	(pc) =	sbr.rel @p0 .LBB2_1-.Ltmp5, $4  }
0x1f7: {  	[hbm4b:s9+s3] =	stream.linear.scatter [tilespmem:s18], [sflag:$0x3], $0x4020, $0x38;
	[tilespmem:$0x15850] =	vst v63  }
0x1f8: {  	_ =	swait.ge [sflag:s12], $0x4020  }
0x1f9: {  	[sflag:s12] =	ssyncset.done $0x0  }
0x1fa: {  	[sflag:s12] =	ssyncadd.s32 $0xFFFFBFE0  }
0x1fb: {  	_ =	sfence.sel $0x180000  }
0x1fc: {  	[bflag:$0x0] =	sbarrier.arrive $0xFFFF  }
0x1fd: {  	p0 =	sne.s32 s1, $0x0;
	_ =	strace $0x9000004A  }
0x1fe: {  	s0 =	sadd.s32 @!p0 $0x100000, s0;
	[bflag:$0x2] =	sbarrier.arrive $0xFFFF  }
0x1ff: {  	[sflag:s0] =	ssyncadd.tile.s32 @!p0 $0x1;
	_ =	shalt  }
.Lfunc_end2:
_tile_overlayer_lowered:
.L_overlay_start_2:
0x200: {  	(tag) =	ssettag $0x2  }
0x201: {  	s0 =	rddreg [dreg:$0x0];
	s2 =	stileid.u32  }
0x202: {  	s1 =	rddreg [dreg:$0x1];
	p0 =	sne.s32 s2, $0x0  }
0x203: {  	s3 =	rddreg [dreg:$0x2];
	[bflag:$0x3] =	sbarrier.arrive $0xFFFF;
	s2 =	simm.s32 @!p0 $0x1C03  }
0x204: {  	[timem:s3], [sflag:s2] =	dma.local @!p0 [hbm:s0], s1  }
0x205: {  	s0 =	simm.s32 @!p0 $0x3  }
0x206: {  	_ =	swait.ge @!p0 [sflag:s0], s1  }
0x207: {  	s1 =	ssub.s32 @!p0 $0x0, s1;
	[sflag:s0] =	ssyncset.done @!p0 $0x0  }
0x208: {  	[sflag:s0] =	ssyncadd.s32 @!p0 s1  }
0x209: {  	[bflag:$0x3] =	sbarrier.arrive $0xFFFF  }
0x20a: {  	_ =	shalt  }

</sc_bundles>
